<compile_context>
chip_gen: v7x
topology: tpu7x:2x2x1
jax: 0.10.2.dev20260603
libtpu: 0.0.44.dev20260713+nightly
codegen_flags: <defaults>
</compile_context>

<pallas_src>
import functools

import jax
import jax.numpy as jnp
from jax import lax
from jax.experimental import pallas as pl
from jax.experimental.pallas import tpu as pltpu
from jax.experimental.pallas import tpu_sc as plsc

L = 16
NC, NS = 2, 16
NW = NC * NS

D = 512
DW = D // 2
CHUNK = 40


def _project_kernel(sym_ref, op_ref, ws_ref, wo_ref, b_ref, symp_ref, opp_ref):
    dn = (((1,), (1,)), ((), ()))
    symp_ref[...] = lax.dot_general(sym_ref[...], ws_ref[...], dn,
                                    preferred_element_type=jnp.float32)
    opp_ref[...] = lax.dot_general(op_ref[...], wo_ref[...], dn,
                                   preferred_element_type=jnp.float32) + b_ref[...]


def _project_tables(sym_table, op_table, Ws, Wo, b2d):
    return pl.pallas_call(
        _project_kernel,
        out_shape=(
            jax.ShapeDtypeStruct((1000, D), jnp.float32),
            jax.ShapeDtypeStruct((100, D), jnp.float32),
        ),
    )(sym_table, op_table, Ws, Wo, b2d)


def _pack_rows(t):
    r = t.shape[0]
    inter = t.reshape(r, D // 32, 2, L).transpose(0, 1, 3, 2).reshape(r, D)
    return lax.bitcast_convert_type(
        inter.astype(jnp.bfloat16).reshape(r, DW, 2), jnp.int32)


def _gather_add(sym_idx, op_idx, symp_w, opp_w, n_tokens):
    tok_per_w = n_tokens // NW
    n_chunks = tok_per_w // CHUNK
    n_pairs = n_chunks // 2
    mesh = plsc.VectorSubcoreMesh(core_axis_name="c", subcore_axis_name="s")

    @functools.partial(
        pl.kernel,
        mesh=mesh,
        out_type=jax.ShapeDtypeStruct((n_tokens, D), jnp.float32),
        scratch_types=[
            pltpu.VMEM((3, CHUNK), jnp.int32),
            pltpu.VMEM((3, CHUNK), jnp.int32),
            pltpu.VMEM((CHUNK, DW), jnp.int32),
            pltpu.VMEM((CHUNK, DW), jnp.int32),
            pltpu.VMEM((CHUNK, DW), jnp.int32),
            pltpu.VMEM((CHUNK, DW), jnp.int32),
            pltpu.VMEM((CHUNK, D), jnp.float32),
            pltpu.VMEM((CHUNK, D), jnp.float32),
            pltpu.SemaphoreType.DMA,
            pltpu.SemaphoreType.DMA,
            pltpu.SemaphoreType.DMA,
            pltpu.SemaphoreType.DMA,
            pltpu.SemaphoreType.DMA,
        ],
    )
    def k(sym_idx_hbm, op_idx_hbm, symp_hbm, opp_hbm, out_hbm,
          idx_s3, idx_o3, buf_s0, buf_s1, buf_o0, buf_o1, out_v0, out_v1,
          sem_i, sem_g0, sem_g1, sem_w0, sem_w1):
        wid = lax.axis_index("s") * NC + lax.axis_index("c")
        w_base = wid * tok_per_w
        bufs_s = (buf_s0, buf_s1)
        bufs_o = (buf_o0, buf_o1)
        outs_v = (out_v0, out_v1)
        sems_g = (sem_g0, sem_g1)
        sems_w = (sem_w0, sem_w1)

        def fire_idx(c):
            j = lax.rem(c, 3)
            base = w_base + c * CHUNK
            pltpu.async_copy(sym_idx_hbm.at[pl.ds(base, CHUNK)], idx_s3.at[j], sem_i)
            pltpu.async_copy(op_idx_hbm.at[pl.ds(base, CHUNK)], idx_o3.at[j], sem_i)

        def drain_idx():
            pltpu.make_async_copy(
                sym_idx_hbm.at[pl.ds(0, CHUNK)], idx_s3.at[0], sem_i).wait()
            pltpu.make_async_copy(
                op_idx_hbm.at[pl.ds(0, CHUNK)], idx_o3.at[0], sem_i).wait()

        def fire_gathers(c, b):
            j = lax.rem(c, 3)
            pltpu.async_copy(symp_hbm.at[idx_s3.at[j]], bufs_s[b], sems_g[b])
            pltpu.async_copy(opp_hbm.at[idx_o3.at[j]], bufs_o[b], sems_g[b])

        def drain_gathers(b):
            dummy = symp_hbm.at[pl.ds(0, CHUNK)]
            pltpu.make_async_copy(dummy, bufs_s[b], sems_g[b]).wait()
            pltpu.make_async_copy(dummy, bufs_o[b], sems_g[b]).wait()

        def drain_writeout(b):
            pltpu.make_async_copy(
                outs_v[b], out_hbm.at[pl.ds(0, CHUNK)], sems_w[b]).wait()

        fire_idx(0)
        fire_idx(1)
        drain_idx()
        fire_gathers(0, 0)

        hi_mask = jnp.full((L,), -65536, dtype=jnp.int32)

        def pair_body(p, carry):
            for b in range(2):
                c = 2 * p + b
                b1 = 1 - b

                @pl.when(c + 1 < n_chunks)
                def _():
                    drain_idx()
                    fire_gathers(c + 1, b1)

                @pl.when(c + 2 < n_chunks)
                def _():
                    fire_idx(c + 2)

                drain_gathers(b)

                @pl.when(c >= 2)
                def _():
                    drain_writeout(b)

                @plsc.parallel_loop(0, CHUNK, unroll=4)
                def add_row(t):
                    for g in range(D // 32):
                        sl = pl.ds(g * L, L)
                        ws = bufs_s[b][t, sl]
                        wo = bufs_o[b][t, sl]
                        lo = (lax.bitcast_convert_type(ws << 16, jnp.float32)
                              + lax.bitcast_convert_type(wo << 16, jnp.float32))
                        hi = (lax.bitcast_convert_type(ws, jnp.float32)
                              + lax.bitcast_convert_type(wo, jnp.float32))
                        outs_v[b][t, pl.ds(g * 32, L)] = lo
                        outs_v[b][t, pl.ds(g * 32 + L, L)] = hi

                base = w_base + c * CHUNK
                pltpu.async_copy(outs_v[b], out_hbm.at[pl.ds(base, CHUNK)],
                                 sems_w[b])
            return carry

        lax.fori_loop(0, n_pairs, pair_body, 0)
        drain_writeout(0)
        drain_writeout(1)

    return k(sym_idx, op_idx, symp_w, opp_w)


def kernel(symbols, operations, sym_table, op_table, W, b):
    B, Lseq = symbols.shape
    n_tokens = B * Lseq
    sym_proj, op_proj = _project_tables(
        sym_table, op_table, W[:, :D], W[:, D:], b.reshape(1, D))
    flat_out = _gather_add(
        symbols.reshape(n_tokens).astype(jnp.int32),
        operations.reshape(n_tokens).astype(jnp.int32),
        _pack_rows(sym_proj), _pack_rows(op_proj), n_tokens)
    return flat_out.reshape(B, Lseq, D)

# --- scband reference (transcript-rebuilt; emitter-appended) ---
"""Pipeline reference for scband-symbolic-math-26018911879392 (READ-ONLY COPY).

The authoritative reference and input builder live on the scoring server;
editing this copy changes nothing except your own understanding.
"""

import jax, jax.numpy as jnp
import numpy as np


def setup_inputs(seed: int = 0) -> dict:
    key = jax.random.key(seed)
    k1, k2, k3, k4, k5, k6 = jax.random.split(key, 6)
    symbols = jax.random.randint(k1, (4096, 200), 0, 1000, dtype=jnp.int64 if jax.config.jax_enable_x64 else jnp.int32)
    operations = jax.random.randint(k2, (4096, 200), 0, 100, dtype=jnp.int64 if jax.config.jax_enable_x64 else jnp.int32)
    sym_table = jax.random.normal(k3, (1000, 512), dtype=jnp.float32)
    op_table = jax.random.normal(k4, (100, 512), dtype=jnp.float32)
    # nn.Linear(1024, 512): weight [512, 1024], bias [512]
    W = jax.random.normal(k5, (512, 1024), dtype=jnp.float32) * (1.0 / np.sqrt(1024.0))
    b = jax.random.normal(k6, (512,), dtype=jnp.float32) * 0.01
    return {"symbols": symbols, "operations": operations, "sym_table": sym_table, "op_table": op_table, "W": W, "b": b}


def reference(symbols, operations, sym_table, op_table, W, b):
    symbol_embeds = jnp.take(sym_table, symbols, axis=0)          # [B, L, 512]
    operation_embeds = jnp.take(op_table, operations, axis=0)     # [B, L, 512]
    combined = jnp.concatenate([symbol_embeds, operation_embeds], axis=-1)  # [B, L, 1024]
    return combined @ W.T + b                                      # [B, L, 512]

if __name__ == "__main__":
    import jax
    _d = setup_inputs()
    print(jax.jit(kernel)(*tuple(_d.values())))

</pallas_src>

<mosaic_0001>
#map = affine_map<(d0, d1) -> (0)>
#map1 = affine_map<(d0, d1) -> (0, 0)>
module attributes {stable_mosaic.version = 14 : i64} {
  func.func @k(%arg0: i32, %arg1: i32, %arg2: memref<819200xi32, #tpu.memory_space<hbm>>, %arg3: memref<819200xi32, #tpu.memory_space<hbm>>, %arg4: memref<1000x256xi32, #tpu.memory_space<hbm>>, %arg5: memref<100x256xi32, #tpu.memory_space<hbm>>, %arg6: memref<819200x512xf32, #tpu.memory_space<hbm>>, %arg7: memref<3x40xi32, #tpu.memory_space<vmem>>, %arg8: memref<3x40xi32, #tpu.memory_space<vmem>>, %arg9: memref<40x256xi32, #tpu.memory_space<vmem>>, %arg10: memref<40x256xi32, #tpu.memory_space<vmem>>, %arg11: memref<40x256xi32, #tpu.memory_space<vmem>>, %arg12: memref<40x256xi32, #tpu.memory_space<vmem>>, %arg13: memref<40x512xf32, #tpu.memory_space<vmem>>, %arg14: memref<40x512xf32, #tpu.memory_space<vmem>>, %arg15: memref<!tpu.dma_semaphore, #tpu.memory_space<semaphore_mem>>, %arg16: memref<!tpu.dma_semaphore, #tpu.memory_space<semaphore_mem>>, %arg17: memref<!tpu.dma_semaphore, #tpu.memory_space<semaphore_mem>>, %arg18: memref<!tpu.dma_semaphore, #tpu.memory_space<semaphore_mem>>, %arg19: memref<!tpu.dma_semaphore, #tpu.memory_space<semaphore_mem>>) attributes {dimension_semantics = [#tpu.dimension_semantics<core_parallel>, #tpu.dimension_semantics<subcore_parallel>], iteration_bounds = array<i64: 2, 16>, scalar_prefetch = 0 : i64, scratch_operands = 13 : i64, tpu.core_type = #tpu.core_type<sc_vector_subcore>, window_params = [{transform_indices = #map}, {transform_indices = #map}, {transform_indices = #map1}, {transform_indices = #map1}, {transform_indices = #map1}]} {
    %mul3A = arith.constant 2 : i32
    %mul3A_0 = arith.muli %arg1, %mul3A : i32
    %add3A = arith.addi %mul3A_0, %arg0 : i32
    %mul3A_1 = arith.constant 25600 : i32
    %mul3A_2 = arith.muli %add3A, %mul3A_1 : i32
    %rem3A = arith.constant 0 : i32
    %rem3A_3 = arith.constant 3 : i32
    %rem3A_4 = arith.remsi %rem3A, %rem3A_3 : i32
    %add3A_5 = arith.constant 0 : i32
    %add3A_6 = arith.addi %mul3A_2, %add3A_5 : i32
    %dma_start3A = arith.constant 0 : i32
    %dma_start3A_7 = tpu.memref_slice %arg7[%rem3A_4, %dma_start3A] : memref<3x40xi32, #tpu.memory_space<vmem>> -> memref<1x40xi32, #tpu.memory_space<vmem>>
    %dma_start3A_8 = tpu.memref_squeeze %dma_start3A_7 : memref<1x40xi32, #tpu.memory_space<vmem>> -> memref<40xi32, #tpu.memory_space<vmem>>
    %dma_start3A_9 = tpu.memref_slice %arg2[%add3A_6] : memref<819200xi32, #tpu.memory_space<hbm>> -> memref<40xi32, #tpu.memory_space<hbm>>
    %dma_start3A_10 = arith.constant 0 : i32
    %dma_start3A_11 = tpu.memref_slice %arg7[%rem3A_4, %dma_start3A_10] : memref<3x40xi32, #tpu.memory_space<vmem>> -> memref<1x40xi32, #tpu.memory_space<vmem>>
    %dma_start3A_12 = tpu.memref_squeeze %dma_start3A_11 : memref<1x40xi32, #tpu.memory_space<vmem>> -> memref<40xi32, #tpu.memory_space<vmem>>
    %dma_start3A_13 = tpu.memref_slice %arg2[%add3A_6] : memref<819200xi32, #tpu.memory_space<hbm>> -> memref<40xi32, #tpu.memory_space<hbm>>
    tpu.enqueue_dma source(%dma_start3A_13 : memref<40xi32, #tpu.memory_space<hbm>>) target(%dma_start3A_12 : memref<40xi32, #tpu.memory_space<vmem>>) target_semaphore(%arg15 : memref<!tpu.dma_semaphore, #tpu.memory_space<semaphore_mem>>)
    %dma_start3A_14 = arith.constant 0 : i32
    %dma_start3A_15 = tpu.memref_slice %arg8[%rem3A_4, %dma_start3A_14] : memref<3x40xi32, #tpu.memory_space<vmem>> -> memref<1x40xi32, #tpu.memory_space<vmem>>
    %dma_start3A_16 = tpu.memref_squeeze %dma_start3A_15 : memref<1x40xi32, #tpu.memory_space<vmem>> -> memref<40xi32, #tpu.memory_space<vmem>>
    %dma_start3A_17 = tpu.memref_slice %arg3[%add3A_6] : memref<819200xi32, #tpu.memory_space<hbm>> -> memref<40xi32, #tpu.memory_space<hbm>>
    %dma_start3A_18 = arith.constant 0 : i32
    %dma_start3A_19 = tpu.memref_slice %arg8[%rem3A_4, %dma_start3A_18] : memref<3x40xi32, #tpu.memory_space<vmem>> -> memref<1x40xi32, #tpu.memory_space<vmem>>
    %dma_start3A_20 = tpu.memref_squeeze %dma_start3A_19 : memref<1x40xi32, #tpu.memory_space<vmem>> -> memref<40xi32, #tpu.memory_space<vmem>>
    %dma_start3A_21 = tpu.memref_slice %arg3[%add3A_6] : memref<819200xi32, #tpu.memory_space<hbm>> -> memref<40xi32, #tpu.memory_space<hbm>>
    tpu.enqueue_dma source(%dma_start3A_21 : memref<40xi32, #tpu.memory_space<hbm>>) target(%dma_start3A_20 : memref<40xi32, #tpu.memory_space<vmem>>) target_semaphore(%arg15 : memref<!tpu.dma_semaphore, #tpu.memory_space<semaphore_mem>>)
    %rem3A_22 = arith.constant 1 : i32
    %rem3A_23 = arith.constant 3 : i32
    %rem3A_24 = arith.remsi %rem3A_22, %rem3A_23 : i32
    %add3A_25 = arith.constant 40 : i32
    %add3A_26 = arith.addi %mul3A_2, %add3A_25 : i32
    %dma_start3A_27 = arith.constant 0 : i32
    %dma_start3A_28 = tpu.memref_slice %arg7[%rem3A_24, %dma_start3A_27] : memref<3x40xi32, #tpu.memory_space<vmem>> -> memref<1x40xi32, #tpu.memory_space<vmem>>
    %dma_start3A_29 = tpu.memref_squeeze %dma_start3A_28 : memref<1x40xi32, #tpu.memory_space<vmem>> -> memref<40xi32, #tpu.memory_space<vmem>>
    %dma_start3A_30 = tpu.memref_slice %arg2[%add3A_26] : memref<819200xi32, #tpu.memory_space<hbm>> -> memref<40xi32, #tpu.memory_space<hbm>>
    %dma_start3A_31 = arith.constant 0 : i32
    %dma_start3A_32 = tpu.memref_slice %arg7[%rem3A_24, %dma_start3A_31] : memref<3x40xi32, #tpu.memory_space<vmem>> -> memref<1x40xi32, #tpu.memory_space<vmem>>
    %dma_start3A_33 = tpu.memref_squeeze %dma_start3A_32 : memref<1x40xi32, #tpu.memory_space<vmem>> -> memref<40xi32, #tpu.memory_space<vmem>>
    %dma_start3A_34 = tpu.memref_slice %arg2[%add3A_26] : memref<819200xi32, #tpu.memory_space<hbm>> -> memref<40xi32, #tpu.memory_space<hbm>>
    tpu.enqueue_dma source(%dma_start3A_34 : memref<40xi32, #tpu.memory_space<hbm>>) target(%dma_start3A_33 : memref<40xi32, #tpu.memory_space<vmem>>) target_semaphore(%arg15 : memref<!tpu.dma_semaphore, #tpu.memory_space<semaphore_mem>>)
    %dma_start3A_35 = arith.constant 0 : i32
    %dma_start3A_36 = tpu.memref_slice %arg8[%rem3A_24, %dma_start3A_35] : memref<3x40xi32, #tpu.memory_space<vmem>> -> memref<1x40xi32, #tpu.memory_space<vmem>>
    %dma_start3A_37 = tpu.memref_squeeze %dma_start3A_36 : memref<1x40xi32, #tpu.memory_space<vmem>> -> memref<40xi32, #tpu.memory_space<vmem>>
    %dma_start3A_38 = tpu.memref_slice %arg3[%add3A_26] : memref<819200xi32, #tpu.memory_space<hbm>> -> memref<40xi32, #tpu.memory_space<hbm>>
    %dma_start3A_39 = arith.constant 0 : i32
    %dma_start3A_40 = tpu.memref_slice %arg8[%rem3A_24, %dma_start3A_39] : memref<3x40xi32, #tpu.memory_space<vmem>> -> memref<1x40xi32, #tpu.memory_space<vmem>>
    %dma_start3A_41 = tpu.memref_squeeze %dma_start3A_40 : memref<1x40xi32, #tpu.memory_space<vmem>> -> memref<40xi32, #tpu.memory_space<vmem>>
    %dma_start3A_42 = tpu.memref_slice %arg3[%add3A_26] : memref<819200xi32, #tpu.memory_space<hbm>> -> memref<40xi32, #tpu.memory_space<hbm>>
    tpu.enqueue_dma source(%dma_start3A_42 : memref<40xi32, #tpu.memory_space<hbm>>) target(%dma_start3A_41 : memref<40xi32, #tpu.memory_space<vmem>>) target_semaphore(%arg15 : memref<!tpu.dma_semaphore, #tpu.memory_space<semaphore_mem>>)
    %dma_wait3A = arith.constant 0 : i32
    %dma_wait3A_43 = arith.constant 0 : i32
    %dma_wait3A_44 = tpu.memref_slice %arg7[%dma_wait3A, %dma_wait3A_43] : memref<3x40xi32, #tpu.memory_space<vmem>> -> memref<1x40xi32, #tpu.memory_space<vmem>>
    %dma_wait3A_45 = tpu.memref_squeeze %dma_wait3A_44 : memref<1x40xi32, #tpu.memory_space<vmem>> -> memref<40xi32, #tpu.memory_space<vmem>>
    %dma_wait3A_46 = arith.constant 0 : i32
    %dma_wait3A_47 = tpu.memref_slice %arg2[%dma_wait3A_46] : memref<819200xi32, #tpu.memory_space<hbm>> -> memref<40xi32, #tpu.memory_space<hbm>>
    %dma_wait3A_48 = arith.constant 0 : i32
    %dma_wait3A_49 = tpu.memref_slice %arg7[%dma_wait3A, %dma_wait3A_48] : memref<3x40xi32, #tpu.memory_space<vmem>> -> memref<1x40xi32, #tpu.memory_space<vmem>>
    %dma_wait3A_50 = tpu.memref_squeeze %dma_wait3A_49 : memref<1x40xi32, #tpu.memory_space<vmem>> -> memref<40xi32, #tpu.memory_space<vmem>>
    %dma_wait3A_51 = arith.constant 0 : i32
    %dma_wait3A_52 = tpu.memref_slice %arg2[%dma_wait3A_51] : memref<819200xi32, #tpu.memory_space<hbm>> -> memref<40xi32, #tpu.memory_space<hbm>>
    tpu.wait_dma2 semaphore(%arg15 : memref<!tpu.dma_semaphore, #tpu.memory_space<semaphore_mem>>) src(%dma_wait3A_52 : memref<40xi32, #tpu.memory_space<hbm>>) dst(%dma_wait3A_50 : memref<40xi32, #tpu.memory_space<vmem>>)
    %dma_wait3A_53 = arith.constant 0 : i32
    %dma_wait3A_54 = arith.constant 0 : i32
    %dma_wait3A_55 = tpu.memref_slice %arg8[%dma_wait3A_53, %dma_wait3A_54] : memref<3x40xi32, #tpu.memory_space<vmem>> -> memref<1x40xi32, #tpu.memory_space<vmem>>
    %dma_wait3A_56 = tpu.memref_squeeze %dma_wait3A_55 : memref<1x40xi32, #tpu.memory_space<vmem>> -> memref<40xi32, #tpu.memory_space<vmem>>
    %dma_wait3A_57 = arith.constant 0 : i32
    %dma_wait3A_58 = tpu.memref_slice %arg3[%dma_wait3A_57] : memref<819200xi32, #tpu.memory_space<hbm>> -> memref<40xi32, #tpu.memory_space<hbm>>
    %dma_wait3A_59 = arith.constant 0 : i32
    %dma_wait3A_60 = tpu.memref_slice %arg8[%dma_wait3A_53, %dma_wait3A_59] : memref<3x40xi32, #tpu.memory_space<vmem>> -> memref<1x40xi32, #tpu.memory_space<vmem>>
    %dma_wait3A_61 = tpu.memref_squeeze %dma_wait3A_60 : memref<1x40xi32, #tpu.memory_space<vmem>> -> memref<40xi32, #tpu.memory_space<vmem>>
    %dma_wait3A_62 = arith.constant 0 : i32
    %dma_wait3A_63 = tpu.memref_slice %arg3[%dma_wait3A_62] : memref<819200xi32, #tpu.memory_space<hbm>> -> memref<40xi32, #tpu.memory_space<hbm>>
    tpu.wait_dma2 semaphore(%arg15 : memref<!tpu.dma_semaphore, #tpu.memory_space<semaphore_mem>>) src(%dma_wait3A_63 : memref<40xi32, #tpu.memory_space<hbm>>) dst(%dma_wait3A_61 : memref<40xi32, #tpu.memory_space<vmem>>)
    %rem3A_64 = arith.constant 0 : i32
    %rem3A_65 = arith.constant 3 : i32
    %rem3A_66 = arith.remsi %rem3A_64, %rem3A_65 : i32
    %dma_start3A_67 = arith.constant 0 : i32
    %dma_start3A_68 = tpu.memref_slice %arg7[%rem3A_66, %dma_start3A_67] : memref<3x40xi32, #tpu.memory_space<vmem>> -> memref<1x40xi32, #tpu.memory_space<vmem>>
    %dma_start3A_69 = tpu.memref_squeeze %dma_start3A_68 : memref<1x40xi32, #tpu.memory_space<vmem>> -> memref<40xi32, #tpu.memory_space<vmem>>
    %dma_start3A_70 = arith.constant 0 : i32
    %dma_start3A_71 = arith.constant 0 : i32
    %dma_start3A_72 = tpu.memref_slice %arg4[%dma_start3A_70, %dma_start3A_71] : memref<1000x256xi32, #tpu.memory_space<hbm>> -> memref<1000x256xi32, #tpu.memory_space<hbm>>
    tpu.enqueue_indirect_dma source(%dma_start3A_72 : memref<1000x256xi32, #tpu.memory_space<hbm>>) target(%arg9 : memref<40x256xi32, #tpu.memory_space<vmem>>) offsets(%dma_start3A_69 : memref<40xi32, #tpu.memory_space<vmem>>) semaphore(%arg16 : memref<!tpu.dma_semaphore, #tpu.memory_space<semaphore_mem>>)
    %dma_start3A_73 = arith.constant 0 : i32
    %dma_start3A_74 = tpu.memref_slice %arg8[%rem3A_66, %dma_start3A_73] : memref<3x40xi32, #tpu.memory_space<vmem>> -> memref<1x40xi32, #tpu.memory_space<vmem>>
    %dma_start3A_75 = tpu.memref_squeeze %dma_start3A_74 : memref<1x40xi32, #tpu.memory_space<vmem>> -> memref<40xi32, #tpu.memory_space<vmem>>
    %dma_start3A_76 = arith.constant 0 : i32
    %dma_start3A_77 = arith.constant 0 : i32
    %dma_start3A_78 = tpu.memref_slice %arg5[%dma_start3A_76, %dma_start3A_77] : memref<100x256xi32, #tpu.memory_space<hbm>> -> memref<100x256xi32, #tpu.memory_space<hbm>>
    tpu.enqueue_indirect_dma source(%dma_start3A_78 : memref<100x256xi32, #tpu.memory_space<hbm>>) target(%arg11 : memref<40x256xi32, #tpu.memory_space<vmem>>) offsets(%dma_start3A_75 : memref<40xi32, #tpu.memory_space<vmem>>) semaphore(%arg16 : memref<!tpu.dma_semaphore, #tpu.memory_space<semaphore_mem>>)
    %broadcast_in_dim3A = arith.constant -65536 : i32
    %broadcast_in_dim3A_79 = vector.broadcast %broadcast_in_dim3A : i32 to vector<16xi32>
    %scan3A = arith.constant 0 : i32
    %scan3A_80 = arith.constant 0 : i32
    %scan3A_81 = arith.constant 320 : i32
    %scan3A_82 = arith.addi %scan3A_80, %scan3A_81 : i32
    %scan3A_83 = arith.constant 1 : i32
    scf.for %scan3A_97 = %scan3A_80 to %scan3A_82 step %scan3A_83  : i32 {
      %mul3A_98 = arith.constant 2 : i32
      %mul3A_99 = arith.muli %mul3A_98, %scan3A_97 : i32
      %add3A_100 = arith.constant 0 : i32
      %add3A_101 = arith.addi %mul3A_99, %add3A_100 : i32
      %add3A_102 = arith.constant 1 : i32
      %add3A_103 = arith.addi %add3A_101, %add3A_102 : i32
      %lt3A = arith.constant 640 : i32
      %lt3A_104 = arith.cmpi slt, %add3A_103, %lt3A : i32
      %convert_element_type3A = arith.extui %lt3A_104 : i1 to i32
      %cond3A = arith.constant 0 : i32
      %cond3A_105 = arith.cmpi ne, %convert_element_type3A, %cond3A : i32
      scf.if %cond3A_105 {
        %dma_wait3A_183 = arith.constant 0 : i32
        %dma_wait3A_184 = arith.constant 0 : i32
        %dma_wait3A_185 = tpu.memref_slice %arg7[%dma_wait3A_183, %dma_wait3A_184] : memref<3x40xi32, #tpu.memory_space<vmem>> -> memref<1x40xi32, #tpu.memory_space<vmem>>
        %dma_wait3A_186 = tpu.memref_squeeze %dma_wait3A_185 : memref<1x40xi32, #tpu.memory_space<vmem>> -> memref<40xi32, #tpu.memory_space<vmem>>
        %dma_wait3A_187 = arith.constant 0 : i32
        %dma_wait3A_188 = tpu.memref_slice %arg2[%dma_wait3A_187] : memref<819200xi32, #tpu.memory_space<hbm>> -> memref<40xi32, #tpu.memory_space<hbm>>
        %dma_wait3A_189 = arith.constant 0 : i32
        %dma_wait3A_190 = tpu.memref_slice %arg7[%dma_wait3A_183, %dma_wait3A_189] : memref<3x40xi32, #tpu.memory_space<vmem>> -> memref<1x40xi32, #tpu.memory_space<vmem>>
        %dma_wait3A_191 = tpu.memref_squeeze %dma_wait3A_190 : memref<1x40xi32, #tpu.memory_space<vmem>> -> memref<40xi32, #tpu.memory_space<vmem>>
        %dma_wait3A_192 = arith.constant 0 : i32
        %dma_wait3A_193 = tpu.memref_slice %arg2[%dma_wait3A_192] : memref<819200xi32, #tpu.memory_space<hbm>> -> memref<40xi32, #tpu.memory_space<hbm>>
        tpu.wait_dma2 semaphore(%arg15 : memref<!tpu.dma_semaphore, #tpu.memory_space<semaphore_mem>>) src(%dma_wait3A_193 : memref<40xi32, #tpu.memory_space<hbm>>) dst(%dma_wait3A_191 : memref<40xi32, #tpu.memory_space<vmem>>)
        %dma_wait3A_194 = arith.constant 0 : i32
        %dma_wait3A_195 = arith.constant 0 : i32
        %dma_wait3A_196 = tpu.memref_slice %arg8[%dma_wait3A_194, %dma_wait3A_195] : memref<3x40xi32, #tpu.memory_space<vmem>> -> memref<1x40xi32, #tpu.memory_space<vmem>>
        %dma_wait3A_197 = tpu.memref_squeeze %dma_wait3A_196 : memref<1x40xi32, #tpu.memory_space<vmem>> -> memref<40xi32, #tpu.memory_space<vmem>>
        %dma_wait3A_198 = arith.constant 0 : i32
        %dma_wait3A_199 = tpu.memref_slice %arg3[%dma_wait3A_198] : memref<819200xi32, #tpu.memory_space<hbm>> -> memref<40xi32, #tpu.memory_space<hbm>>
        %dma_wait3A_200 = arith.constant 0 : i32
        %dma_wait3A_201 = tpu.memref_slice %arg8[%dma_wait3A_194, %dma_wait3A_200] : memref<3x40xi32, #tpu.memory_space<vmem>> -> memref<1x40xi32, #tpu.memory_space<vmem>>
        %dma_wait3A_202 = tpu.memref_squeeze %dma_wait3A_201 : memref<1x40xi32, #tpu.memory_space<vmem>> -> memref<40xi32, #tpu.memory_space<vmem>>
        %dma_wait3A_203 = arith.constant 0 : i32
        %dma_wait3A_204 = tpu.memref_slice %arg3[%dma_wait3A_203] : memref<819200xi32, #tpu.memory_space<hbm>> -> memref<40xi32, #tpu.memory_space<hbm>>
        tpu.wait_dma2 semaphore(%arg15 : memref<!tpu.dma_semaphore, #tpu.memory_space<semaphore_mem>>) src(%dma_wait3A_204 : memref<40xi32, #tpu.memory_space<hbm>>) dst(%dma_wait3A_202 : memref<40xi32, #tpu.memory_space<vmem>>)
        %add3A_205 = arith.constant 1 : i32
        %add3A_206 = arith.addi %add3A_101, %add3A_205 : i32
        %rem3A_207 = arith.constant 3 : i32
        %rem3A_208 = arith.remsi %add3A_206, %rem3A_207 : i32
        %dma_start3A_209 = arith.constant 0 : i32
        %dma_start3A_210 = tpu.memref_slice %arg7[%rem3A_208, %dma_start3A_209] : memref<3x40xi32, #tpu.memory_space<vmem>> -> memref<1x40xi32, #tpu.memory_space<vmem>>
        %dma_start3A_211 = tpu.memref_squeeze %dma_start3A_210 : memref<1x40xi32, #tpu.memory_space<vmem>> -> memref<40xi32, #tpu.memory_space<vmem>>
        %dma_start3A_212 = arith.constant 0 : i32
        %dma_start3A_213 = arith.constant 0 : i32
        %dma_start3A_214 = tpu.memref_slice %arg4[%dma_start3A_212, %dma_start3A_213] : memref<1000x256xi32, #tpu.memory_space<hbm>> -> memref<1000x256xi32, #tpu.memory_space<hbm>>
        tpu.enqueue_indirect_dma source(%dma_start3A_214 : memref<1000x256xi32, #tpu.memory_space<hbm>>) target(%arg10 : memref<40x256xi32, #tpu.memory_space<vmem>>) offsets(%dma_start3A_211 : memref<40xi32, #tpu.memory_space<vmem>>) semaphore(%arg17 : memref<!tpu.dma_semaphore, #tpu.memory_space<semaphore_mem>>)
        %dma_start3A_215 = arith.constant 0 : i32
        %dma_start3A_216 = tpu.memref_slice %arg8[%rem3A_208, %dma_start3A_215] : memref<3x40xi32, #tpu.memory_space<vmem>> -> memref<1x40xi32, #tpu.memory_space<vmem>>
        %dma_start3A_217 = tpu.memref_squeeze %dma_start3A_216 : memref<1x40xi32, #tpu.memory_space<vmem>> -> memref<40xi32, #tpu.memory_space<vmem>>
        %dma_start3A_218 = arith.constant 0 : i32
        %dma_start3A_219 = arith.constant 0 : i32
        %dma_start3A_220 = tpu.memref_slice %arg5[%dma_start3A_218, %dma_start3A_219] : memref<100x256xi32, #tpu.memory_space<hbm>> -> memref<100x256xi32, #tpu.memory_space<hbm>>
        tpu.enqueue_indirect_dma source(%dma_start3A_220 : memref<100x256xi32, #tpu.memory_space<hbm>>) target(%arg12 : memref<40x256xi32, #tpu.memory_space<vmem>>) offsets(%dma_start3A_217 : memref<40xi32, #tpu.memory_space<vmem>>) semaphore(%arg17 : memref<!tpu.dma_semaphore, #tpu.memory_space<semaphore_mem>>)
      } else {
      }
      %add3A_106 = arith.constant 2 : i32
      %add3A_107 = arith.addi %add3A_101, %add3A_106 : i32
      %lt3A_108 = arith.constant 640 : i32
      %lt3A_109 = arith.cmpi slt, %add3A_107, %lt3A_108 : i32
      %convert_element_type3A_110 = arith.extui %lt3A_109 : i1 to i32
      %cond3A_111 = arith.constant 0 : i32
      %cond3A_112 = arith.cmpi ne, %convert_element_type3A_110, %cond3A_111 : i32
      scf.if %cond3A_112 {
        %add3A_183 = arith.constant 2 : i32
        %add3A_184 = arith.addi %add3A_101, %add3A_183 : i32
        %rem3A_185 = arith.constant 3 : i32
        %rem3A_186 = arith.remsi %add3A_184, %rem3A_185 : i32
        %mul3A_187 = arith.constant 40 : i32
        %mul3A_188 = arith.muli %add3A_184, %mul3A_187 : i32
        %add3A_189 = arith.addi %mul3A_2, %mul3A_188 : i32
        %dma_start3A_190 = arith.constant 0 : i32
        %dma_start3A_191 = tpu.memref_slice %arg7[%rem3A_186, %dma_start3A_190] : memref<3x40xi32, #tpu.memory_space<vmem>> -> memref<1x40xi32, #tpu.memory_space<vmem>>
        %dma_start3A_192 = tpu.memref_squeeze %dma_start3A_191 : memref<1x40xi32, #tpu.memory_space<vmem>> -> memref<40xi32, #tpu.memory_space<vmem>>
        %dma_start3A_193 = tpu.memref_slice %arg2[%add3A_189] : memref<819200xi32, #tpu.memory_space<hbm>> -> memref<40xi32, #tpu.memory_space<hbm>>
        %dma_start3A_194 = arith.constant 0 : i32
        %dma_start3A_195 = tpu.memref_slice %arg7[%rem3A_186, %dma_start3A_194] : memref<3x40xi32, #tpu.memory_space<vmem>> -> memref<1x40xi32, #tpu.memory_space<vmem>>
        %dma_start3A_196 = tpu.memref_squeeze %dma_start3A_195 : memref<1x40xi32, #tpu.memory_space<vmem>> -> memref<40xi32, #tpu.memory_space<vmem>>
        %dma_start3A_197 = tpu.memref_slice %arg2[%add3A_189] : memref<819200xi32, #tpu.memory_space<hbm>> -> memref<40xi32, #tpu.memory_space<hbm>>
        tpu.enqueue_dma source(%dma_start3A_197 : memref<40xi32, #tpu.memory_space<hbm>>) target(%dma_start3A_196 : memref<40xi32, #tpu.memory_space<vmem>>) target_semaphore(%arg15 : memref<!tpu.dma_semaphore, #tpu.memory_space<semaphore_mem>>)
        %dma_start3A_198 = arith.constant 0 : i32
        %dma_start3A_199 = tpu.memref_slice %arg8[%rem3A_186, %dma_start3A_198] : memref<3x40xi32, #tpu.memory_space<vmem>> -> memref<1x40xi32, #tpu.memory_space<vmem>>
        %dma_start3A_200 = tpu.memref_squeeze %dma_start3A_199 : memref<1x40xi32, #tpu.memory_space<vmem>> -> memref<40xi32, #tpu.memory_space<vmem>>
        %dma_start3A_201 = tpu.memref_slice %arg3[%add3A_189] : memref<819200xi32, #tpu.memory_space<hbm>> -> memref<40xi32, #tpu.memory_space<hbm>>
        %dma_start3A_202 = arith.constant 0 : i32
        %dma_start3A_203 = tpu.memref_slice %arg8[%rem3A_186, %dma_start3A_202] : memref<3x40xi32, #tpu.memory_space<vmem>> -> memref<1x40xi32, #tpu.memory_space<vmem>>
        %dma_start3A_204 = tpu.memref_squeeze %dma_start3A_203 : memref<1x40xi32, #tpu.memory_space<vmem>> -> memref<40xi32, #tpu.memory_space<vmem>>
        %dma_start3A_205 = tpu.memref_slice %arg3[%add3A_189] : memref<819200xi32, #tpu.memory_space<hbm>> -> memref<40xi32, #tpu.memory_space<hbm>>
        tpu.enqueue_dma source(%dma_start3A_205 : memref<40xi32, #tpu.memory_space<hbm>>) target(%dma_start3A_204 : memref<40xi32, #tpu.memory_space<vmem>>) target_semaphore(%arg15 : memref<!tpu.dma_semaphore, #tpu.memory_space<semaphore_mem>>)
      } else {
      }
      %dma_wait3A_113 = arith.constant 0 : i32
      %dma_wait3A_114 = arith.constant 0 : i32
      %dma_wait3A_115 = tpu.memref_slice %arg4[%dma_wait3A_113, %dma_wait3A_114] : memref<1000x256xi32, #tpu.memory_space<hbm>> -> memref<40x256xi32, #tpu.memory_space<hbm>>
      %dma_wait3A_116 = arith.constant 0 : i32
      %dma_wait3A_117 = arith.constant 0 : i32
      %dma_wait3A_118 = tpu.memref_slice %arg4[%dma_wait3A_116, %dma_wait3A_117] : memref<1000x256xi32, #tpu.memory_space<hbm>> -> memref<40x256xi32, #tpu.memory_space<hbm>>
      tpu.wait_dma2 semaphore(%arg16 : memref<!tpu.dma_semaphore, #tpu.memory_space<semaphore_mem>>) src(%dma_wait3A_118 : memref<40x256xi32, #tpu.memory_space<hbm>>) dst(%arg9 : memref<40x256xi32, #tpu.memory_space<vmem>>)
      %dma_wait3A_119 = arith.constant 0 : i32
      %dma_wait3A_120 = arith.constant 0 : i32
      %dma_wait3A_121 = tpu.memref_slice %arg4[%dma_wait3A_119, %dma_wait3A_120] : memref<1000x256xi32, #tpu.memory_space<hbm>> -> memref<40x256xi32, #tpu.memory_space<hbm>>
      %dma_wait3A_122 = arith.constant 0 : i32
      %dma_wait3A_123 = arith.constant 0 : i32
      %dma_wait3A_124 = tpu.memref_slice %arg4[%dma_wait3A_122, %dma_wait3A_123] : memref<1000x256xi32, #tpu.memory_space<hbm>> -> memref<40x256xi32, #tpu.memory_space<hbm>>
      tpu.wait_dma2 semaphore(%arg16 : memref<!tpu.dma_semaphore, #tpu.memory_space<semaphore_mem>>) src(%dma_wait3A_124 : memref<40x256xi32, #tpu.memory_space<hbm>>) dst(%arg11 : memref<40x256xi32, #tpu.memory_space<vmem>>)
      %ge3A = arith.constant 2 : i32
      %ge3A_125 = arith.cmpi sge, %add3A_101, %ge3A : i32
      %convert_element_type3A_126 = arith.extui %ge3A_125 : i1 to i32
      %cond3A_127 = arith.constant 0 : i32
      %cond3A_128 = arith.cmpi ne, %convert_element_type3A_126, %cond3A_127 : i32
      scf.if %cond3A_128 {
        %dma_wait3A_183 = arith.constant 0 : i32
        %dma_wait3A_184 = arith.constant 0 : i32
        %dma_wait3A_185 = tpu.memref_slice %arg6[%dma_wait3A_183, %dma_wait3A_184] : memref<819200x512xf32, #tpu.memory_space<hbm>> -> memref<40x512xf32, #tpu.memory_space<hbm>>
        %dma_wait3A_186 = arith.constant 0 : i32
        %dma_wait3A_187 = arith.constant 0 : i32
        %dma_wait3A_188 = tpu.memref_slice %arg6[%dma_wait3A_186, %dma_wait3A_187] : memref<819200x512xf32, #tpu.memory_space<hbm>> -> memref<40x512xf32, #tpu.memory_space<hbm>>
        tpu.wait_dma2 semaphore(%arg18 : memref<!tpu.dma_semaphore, #tpu.memory_space<semaphore_mem>>) src(%arg13 : memref<40x512xf32, #tpu.memory_space<vmem>>) dst(%dma_wait3A_188 : memref<40x512xf32, #tpu.memory_space<hbm>>)
      } else {
      }
      %parallel_loop3A = arith.constant 0 : i32
      %parallel_loop3A_129 = arith.constant 40 : i32
      %parallel_loop3A_130 = arith.constant 1 : i32
      scf.for %parallel_loop3A_183 = %parallel_loop3A to %parallel_loop3A_129 step %parallel_loop3A_130  : i32 {
        %parallel_loop3A_184 = arith.index_cast %parallel_loop3A_183 : i32 to index
        %parallel_loop3A_185 = arith.constant 0 : index
        %parallel_loop3A_186 = tpu.vector_load %arg9[%parallel_loop3A_184, %parallel_loop3A_185] {strides = array<i32>} : memref<40x256xi32, #tpu.memory_space<vmem>>, vector<1x16xi32>,
        %parallel_loop3A_187 = vector.shape_cast %parallel_loop3A_186 : vector<1x16xi32> to vector<16xi32>
        %parallel_loop3A_188 = arith.index_cast %parallel_loop3A_183 : i32 to index
        %parallel_loop3A_189 = arith.constant 0 : index
        %parallel_loop3A_190 = tpu.vector_load %arg11[%parallel_loop3A_188, %parallel_loop3A_189] {strides = array<i32>} : memref<40x256xi32, #tpu.memory_space<vmem>>, vector<1x16xi32>,
        %parallel_loop3A_191 = vector.shape_cast %parallel_loop3A_190 : vector<1x16xi32> to vector<16xi32>
        %parallel_loop3A_192 = arith.constant 16 : i32
        %parallel_loop3A_193 = vector.broadcast %parallel_loop3A_192 : i32 to vector<16xi32>
        %parallel_loop3A_194 = arith.shli %parallel_loop3A_187, %parallel_loop3A_193 : vector<16xi32>
        %parallel_loop3A_195 = tpu.bitcast %parallel_loop3A_194 : vector<16xi32> -> vector<16xf32>
        %parallel_loop3A_196 = arith.constant 16 : i32
        %parallel_loop3A_197 = vector.broadcast %parallel_loop3A_196 : i32 to vector<16xi32>
        %parallel_loop3A_198 = arith.shli %parallel_loop3A_191, %parallel_loop3A_197 : vector<16xi32>
        %parallel_loop3A_199 = tpu.bitcast %parallel_loop3A_198 : vector<16xi32> -> vector<16xf32>
        %parallel_loop3A_200 = arith.addf %parallel_loop3A_195, %parallel_loop3A_199 : vector<16xf32>
        %parallel_loop3A_201 = tpu.bitcast %parallel_loop3A_187 : vector<16xi32> -> vector<16xf32>
        %parallel_loop3A_202 = tpu.bitcast %parallel_loop3A_191 : vector<16xi32> -> vector<16xf32>
        %parallel_loop3A_203 = arith.addf %parallel_loop3A_201, %parallel_loop3A_202 : vector<16xf32>
        %parallel_loop3A_204 = arith.index_cast %parallel_loop3A_183 : i32 to index
        %parallel_loop3A_205 = arith.constant 0 : index
        %parallel_loop3A_206 = tpu.vector_load %arg13[%parallel_loop3A_204, %parallel_loop3A_205] {strides = array<i32>} : memref<40x512xf32, #tpu.memory_space<vmem>>, vector<1x16xf32>,
        %parallel_loop3A_207 = vector.shape_cast %parallel_loop3A_206 : vector<1x16xf32> to vector<16xf32>
        %parallel_loop3A_208 = vector.shape_cast %parallel_loop3A_200 : vector<16xf32> to vector<1x16xf32>
        tpu.vector_store %arg13[%parallel_loop3A_204, %parallel_loop3A_205], %parallel_loop3A_208 {strides = array<i32>} : memref<40x512xf32, #tpu.memory_space<vmem>>, vector<1x16xf32>,
        %parallel_loop3A_209 = arith.index_cast %parallel_loop3A_183 : i32 to index
        %parallel_loop3A_210 = arith.constant 16 : index
        %parallel_loop3A_211 = tpu.vector_load %arg13[%parallel_loop3A_209, %parallel_loop3A_210] {strides = array<i32>} : memref<40x512xf32, #tpu.memory_space<vmem>>, vector<1x16xf32>,
        %parallel_loop3A_212 = vector.shape_cast %parallel_loop3A_211 : vector<1x16xf32> to vector<16xf32>
        %parallel_loop3A_213 = vector.shape_cast %parallel_loop3A_203 : vector<16xf32> to vector<1x16xf32>
        tpu.vector_store %arg13[%parallel_loop3A_209, %parallel_loop3A_210], %parallel_loop3A_213 {strides = array<i32>} : memref<40x512xf32, #tpu.memory_space<vmem>>, vector<1x16xf32>,
        %parallel_loop3A_214 = arith.index_cast %parallel_loop3A_183 : i32 to index
        %parallel_loop3A_215 = arith.constant 16 : index
        %parallel_loop3A_216 = tpu.vector_load %arg9[%parallel_loop3A_214, %parallel_loop3A_215] {strides = array<i32>} : memref<40x256xi32, #tpu.memory_space<vmem>>, vector<1x16xi32>,
        %parallel_loop3A_217 = vector.shape_cast %parallel_loop3A_216 : vector<1x16xi32> to vector<16xi32>
        %parallel_loop3A_218 = arith.index_cast %parallel_loop3A_183 : i32 to index
        %parallel_loop3A_219 = arith.constant 16 : index
        %parallel_loop3A_220 = tpu.vector_load %arg11[%parallel_loop3A_218, %parallel_loop3A_219] {strides = array<i32>} : memref<40x256xi32, #tpu.memory_space<vmem>>, vector<1x16xi32>,
        %parallel_loop3A_221 = vector.shape_cast %parallel_loop3A_220 : vector<1x16xi32> to vector<16xi32>
        %parallel_loop3A_222 = arith.constant 16 : i32
        %parallel_loop3A_223 = vector.broadcast %parallel_loop3A_222 : i32 to vector<16xi32>
        %parallel_loop3A_224 = arith.shli %parallel_loop3A_217, %parallel_loop3A_223 : vector<16xi32>
        %parallel_loop3A_225 = tpu.bitcast %parallel_loop3A_224 : vector<16xi32> -> vector<16xf32>
        %parallel_loop3A_226 = arith.constant 16 : i32
        %parallel_loop3A_227 = vector.broadcast %parallel_loop3A_226 : i32 to vector<16xi32>
        %parallel_loop3A_228 = arith.shli %parallel_loop3A_221, %parallel_loop3A_227 : vector<16xi32>
        %parallel_loop3A_229 = tpu.bitcast %parallel_loop3A_228 : vector<16xi32> -> vector<16xf32>
        %parallel_loop3A_230 = arith.addf %parallel_loop3A_225, %parallel_loop3A_229 : vector<16xf32>
        %parallel_loop3A_231 = tpu.bitcast %parallel_loop3A_217 : vector<16xi32> -> vector<16xf32>
        %parallel_loop3A_232 = tpu.bitcast %parallel_loop3A_221 : vector<16xi32> -> vector<16xf32>
        %parallel_loop3A_233 = arith.addf %parallel_loop3A_231, %parallel_loop3A_232 : vector<16xf32>
        %parallel_loop3A_234 = arith.index_cast %parallel_loop3A_183 : i32 to index
        %parallel_loop3A_235 = arith.constant 32 : index
        %parallel_loop3A_236 = tpu.vector_load %arg13[%parallel_loop3A_234, %parallel_loop3A_235] {strides = array<i32>} : memref<40x512xf32, #tpu.memory_space<vmem>>, vector<1x16xf32>,
        %parallel_loop3A_237 = vector.shape_cast %parallel_loop3A_236 : vector<1x16xf32> to vector<16xf32>
        %parallel_loop3A_238 = vector.shape_cast %parallel_loop3A_230 : vector<16xf32> to vector<1x16xf32>
        tpu.vector_store %arg13[%parallel_loop3A_234, %parallel_loop3A_235], %parallel_loop3A_238 {strides = array<i32>} : memref<40x512xf32, #tpu.memory_space<vmem>>, vector<1x16xf32>,
        %parallel_loop3A_239 = arith.index_cast %parallel_loop3A_183 : i32 to index
        %parallel_loop3A_240 = arith.constant 48 : index
        %parallel_loop3A_241 = tpu.vector_load %arg13[%parallel_loop3A_239, %parallel_loop3A_240] {strides = array<i32>} : memref<40x512xf32, #tpu.memory_space<vmem>>, vector<1x16xf32>,
        %parallel_loop3A_242 = vector.shape_cast %parallel_loop3A_241 : vector<1x16xf32> to vector<16xf32>
        %parallel_loop3A_243 = vector.shape_cast %parallel_loop3A_233 : vector<16xf32> to vector<1x16xf32>
        tpu.vector_store %arg13[%parallel_loop3A_239, %parallel_loop3A_240], %parallel_loop3A_243 {strides = array<i32>} : memref<40x512xf32, #tpu.memory_space<vmem>>, vector<1x16xf32>,
        %parallel_loop3A_244 = arith.index_cast %parallel_loop3A_183 : i32 to index
        %parallel_loop3A_245 = arith.constant 32 : index
        %parallel_loop3A_246 = tpu.vector_load %arg9[%parallel_loop3A_244, %parallel_loop3A_245] {strides = array<i32>} : memref<40x256xi32, #tpu.memory_space<vmem>>, vector<1x16xi32>,
        %parallel_loop3A_247 = vector.shape_cast %parallel_loop3A_246 : vector<1x16xi32> to vector<16xi32>
        %parallel_loop3A_248 = arith.index_cast %parallel_loop3A_183 : i32 to index
        %parallel_loop3A_249 = arith.constant 32 : index
        %parallel_loop3A_250 = tpu.vector_load %arg11[%parallel_loop3A_248, %parallel_loop3A_249] {strides = array<i32>} : memref<40x256xi32, #tpu.memory_space<vmem>>, vector<1x16xi32>,
        %parallel_loop3A_251 = vector.shape_cast %parallel_loop3A_250 : vector<1x16xi32> to vector<16xi32>
        %parallel_loop3A_252 = arith.constant 16 : i32
        %parallel_loop3A_253 = vector.broadcast %parallel_loop3A_252 : i32 to vector<16xi32>
        %parallel_loop3A_254 = arith.shli %parallel_loop3A_247, %parallel_loop3A_253 : vector<16xi32>
        %parallel_loop3A_255 = tpu.bitcast %parallel_loop3A_254 : vector<16xi32> -> vector<16xf32>
        %parallel_loop3A_256 = arith.constant 16 : i32
        %parallel_loop3A_257 = vector.broadcast %parallel_loop3A_256 : i32 to vector<16xi32>
        %parallel_loop3A_258 = arith.shli %parallel_loop3A_251, %parallel_loop3A_257 : vector<16xi32>
        %parallel_loop3A_259 = tpu.bitcast %parallel_loop3A_258 : vector<16xi32> -> vector<16xf32>
        %parallel_loop3A_260 = arith.addf %parallel_loop3A_255, %parallel_loop3A_259 : vector<16xf32>
        %parallel_loop3A_261 = tpu.bitcast %parallel_loop3A_247 : vector<16xi32> -> vector<16xf32>
        %parallel_loop3A_262 = tpu.bitcast %parallel_loop3A_251 : vector<16xi32> -> vector<16xf32>
        %parallel_loop3A_263 = arith.addf %parallel_loop3A_261, %parallel_loop3A_262 : vector<16xf32>
        %parallel_loop3A_264 = arith.index_cast %parallel_loop3A_183 : i32 to index
        %parallel_loop3A_265 = arith.constant 64 : index
        %parallel_loop3A_266 = tpu.vector_load %arg13[%parallel_loop3A_264, %parallel_loop3A_265] {strides = array<i32>} : memref<40x512xf32, #tpu.memory_space<vmem>>, vector<1x16xf32>,
        %parallel_loop3A_267 = vector.shape_cast %parallel_loop3A_266 : vector<1x16xf32> to vector<16xf32>
        %parallel_loop3A_268 = vector.shape_cast %parallel_loop3A_260 : vector<16xf32> to vector<1x16xf32>
        tpu.vector_store %arg13[%parallel_loop3A_264, %parallel_loop3A_265], %parallel_loop3A_268 {strides = array<i32>} : memref<40x512xf32, #tpu.memory_space<vmem>>, vector<1x16xf32>,
        %parallel_loop3A_269 = arith.index_cast %parallel_loop3A_183 : i32 to index
        %parallel_loop3A_270 = arith.constant 80 : index
        %parallel_loop3A_271 = tpu.vector_load %arg13[%parallel_loop3A_269, %parallel_loop3A_270] {strides = array<i32>} : memref<40x512xf32, #tpu.memory_space<vmem>>, vector<1x16xf32>,
        %parallel_loop3A_272 = vector.shape_cast %parallel_loop3A_271 : vector<1x16xf32> to vector<16xf32>
        %parallel_loop3A_273 = vector.shape_cast %parallel_loop3A_263 : vector<16xf32> to vector<1x16xf32>
        tpu.vector_store %arg13[%parallel_loop3A_269, %parallel_loop3A_270], %parallel_loop3A_273 {strides = array<i32>} : memref<40x512xf32, #tpu.memory_space<vmem>>, vector<1x16xf32>,
        %parallel_loop3A_274 = arith.index_cast %parallel_loop3A_183 : i32 to index
        %parallel_loop3A_275 = arith.constant 48 : index
        %parallel_loop3A_276 = tpu.vector_load %arg9[%parallel_loop3A_274, %parallel_loop3A_275] {strides = array<i32>} : memref<40x256xi32, #tpu.memory_space<vmem>>, vector<1x16xi32>,
        %parallel_loop3A_277 = vector.shape_cast %parallel_loop3A_276 : vector<1x16xi32> to vector<16xi32>
        %parallel_loop3A_278 = arith.index_cast %parallel_loop3A_183 : i32 to index
        %parallel_loop3A_279 = arith.constant 48 : index
        %parallel_loop3A_280 = tpu.vector_load %arg11[%parallel_loop3A_278, %parallel_loop3A_279] {strides = array<i32>} : memref<40x256xi32, #tpu.memory_space<vmem>>, vector<1x16xi32>,
        %parallel_loop3A_281 = vector.shape_cast %parallel_loop3A_280 : vector<1x16xi32> to vector<16xi32>
        %parallel_loop3A_282 = arith.constant 16 : i32
        %parallel_loop3A_283 = vector.broadcast %parallel_loop3A_282 : i32 to vector<16xi32>
        %parallel_loop3A_284 = arith.shli %parallel_loop3A_277, %parallel_loop3A_283 : vector<16xi32>
        %parallel_loop3A_285 = tpu.bitcast %parallel_loop3A_284 : vector<16xi32> -> vector<16xf32>
        %parallel_loop3A_286 = arith.constant 16 : i32
        %parallel_loop3A_287 = vector.broadcast %parallel_loop3A_286 : i32 to vector<16xi32>
        %parallel_loop3A_288 = arith.shli %parallel_loop3A_281, %parallel_loop3A_287 : vector<16xi32>
        %parallel_loop3A_289 = tpu.bitcast %parallel_loop3A_288 : vector<16xi32> -> vector<16xf32>
        %parallel_loop3A_290 = arith.addf %parallel_loop3A_285, %parallel_loop3A_289 : vector<16xf32>
        %parallel_loop3A_291 = tpu.bitcast %parallel_loop3A_277 : vector<16xi32> -> vector<16xf32>
        %parallel_loop3A_292 = tpu.bitcast %parallel_loop3A_281 : vector<16xi32> -> vector<16xf32>
        %parallel_loop3A_293 = arith.addf %parallel_loop3A_291, %parallel_loop3A_292 : vector<16xf32>
        %parallel_loop3A_294 = arith.index_cast %parallel_loop3A_183 : i32 to index
        %parallel_loop3A_295 = arith.constant 96 : index
        %parallel_loop3A_296 = tpu.vector_load %arg13[%parallel_loop3A_294, %parallel_loop3A_295] {strides = array<i32>} : memref<40x512xf32, #tpu.memory_space<vmem>>, vector<1x16xf32>,
        %parallel_loop3A_297 = vector.shape_cast %parallel_loop3A_296 : vector<1x16xf32> to vector<16xf32>
        %parallel_loop3A_298 = vector.shape_cast %parallel_loop3A_290 : vector<16xf32> to vector<1x16xf32>
        tpu.vector_store %arg13[%parallel_loop3A_294, %parallel_loop3A_295], %parallel_loop3A_298 {strides = array<i32>} : memref<40x512xf32, #tpu.memory_space<vmem>>, vector<1x16xf32>,
        %parallel_loop3A_299 = arith.index_cast %parallel_loop3A_183 : i32 to index
        %parallel_loop3A_300 = arith.constant 112 : index
        %parallel_loop3A_301 = tpu.vector_load %arg13[%parallel_loop3A_299, %parallel_loop3A_300] {strides = array<i32>} : memref<40x512xf32, #tpu.memory_space<vmem>>, vector<1x16xf32>,
        %parallel_loop3A_302 = vector.shape_cast %parallel_loop3A_301 : vector<1x16xf32> to vector<16xf32>
        %parallel_loop3A_303 = vector.shape_cast %parallel_loop3A_293 : vector<16xf32> to vector<1x16xf32>
        tpu.vector_store %arg13[%parallel_loop3A_299, %parallel_loop3A_300], %parallel_loop3A_303 {strides = array<i32>} : memref<40x512xf32, #tpu.memory_space<vmem>>, vector<1x16xf32>,
        %parallel_loop3A_304 = arith.index_cast %parallel_loop3A_183 : i32 to index
        %parallel_loop3A_305 = arith.constant 64 : index
        %parallel_loop3A_306 = tpu.vector_load %arg9[%parallel_loop3A_304, %parallel_loop3A_305] {strides = array<i32>} : memref<40x256xi32, #tpu.memory_space<vmem>>, vector<1x16xi32>,
        %parallel_loop3A_307 = vector.shape_cast %parallel_loop3A_306 : vector<1x16xi32> to vector<16xi32>
        %parallel_loop3A_308 = arith.index_cast %parallel_loop3A_183 : i32 to index
        %parallel_loop3A_309 = arith.constant 64 : index
        %parallel_loop3A_310 = tpu.vector_load %arg11[%parallel_loop3A_308, %parallel_loop3A_309] {strides = array<i32>} : memref<40x256xi32, #tpu.memory_space<vmem>>, vector<1x16xi32>,
        %parallel_loop3A_311 = vector.shape_cast %parallel_loop3A_310 : vector<1x16xi32> to vector<16xi32>
        %parallel_loop3A_312 = arith.constant 16 : i32
        %parallel_loop3A_313 = vector.broadcast %parallel_loop3A_312 : i32 to vector<16xi32>
        %parallel_loop3A_314 = arith.shli %parallel_loop3A_307, %parallel_loop3A_313 : vector<16xi32>
        %parallel_loop3A_315 = tpu.bitcast %parallel_loop3A_314 : vector<16xi32> -> vector<16xf32>
        %parallel_loop3A_316 = arith.constant 16 : i32
        %parallel_loop3A_317 = vector.broadcast %parallel_loop3A_316 : i32 to vector<16xi32>
        %parallel_loop3A_318 = arith.shli %parallel_loop3A_311, %parallel_loop3A_317 : vector<16xi32>
        %parallel_loop3A_319 = tpu.bitcast %parallel_loop3A_318 : vector<16xi32> -> vector<16xf32>
        %parallel_loop3A_320 = arith.addf %parallel_loop3A_315, %parallel_loop3A_319 : vector<16xf32>
        %parallel_loop3A_321 = tpu.bitcast %parallel_loop3A_307 : vector<16xi32> -> vector<16xf32>
        %parallel_loop3A_322 = tpu.bitcast %parallel_loop3A_311 : vector<16xi32> -> vector<16xf32>
        %parallel_loop3A_323 = arith.addf %parallel_loop3A_321, %parallel_loop3A_322 : vector<16xf32>
        %parallel_loop3A_324 = arith.index_cast %parallel_loop3A_183 : i32 to index
        %parallel_loop3A_325 = arith.constant 128 : index
        %parallel_loop3A_326 = tpu.vector_load %arg13[%parallel_loop3A_324, %parallel_loop3A_325] {strides = array<i32>} : memref<40x512xf32, #tpu.memory_space<vmem>>, vector<1x16xf32>,
        %parallel_loop3A_327 = vector.shape_cast %parallel_loop3A_326 : vector<1x16xf32> to vector<16xf32>
        %parallel_loop3A_328 = vector.shape_cast %parallel_loop3A_320 : vector<16xf32> to vector<1x16xf32>
        tpu.vector_store %arg13[%parallel_loop3A_324, %parallel_loop3A_325], %parallel_loop3A_328 {strides = array<i32>} : memref<40x512xf32, #tpu.memory_space<vmem>>, vector<1x16xf32>,
        %parallel_loop3A_329 = arith.index_cast %parallel_loop3A_183 : i32 to index
        %parallel_loop3A_330 = arith.constant 144 : index
        %parallel_loop3A_331 = tpu.vector_load %arg13[%parallel_loop3A_329, %parallel_loop3A_330] {strides = array<i32>} : memref<40x512xf32, #tpu.memory_space<vmem>>, vector<1x16xf32>,
        %parallel_loop3A_332 = vector.shape_cast %parallel_loop3A_331 : vector<1x16xf32> to vector<16xf32>
        %parallel_loop3A_333 = vector.shape_cast %parallel_loop3A_323 : vector<16xf32> to vector<1x16xf32>
        tpu.vector_store %arg13[%parallel_loop3A_329, %parallel_loop3A_330], %parallel_loop3A_333 {strides = array<i32>} : memref<40x512xf32, #tpu.memory_space<vmem>>, vector<1x16xf32>,
        %parallel_loop3A_334 = arith.index_cast %parallel_loop3A_183 : i32 to index
        %parallel_loop3A_335 = arith.constant 80 : index
        %parallel_loop3A_336 = tpu.vector_load %arg9[%parallel_loop3A_334, %parallel_loop3A_335] {strides = array<i32>} : memref<40x256xi32, #tpu.memory_space<vmem>>, vector<1x16xi32>,
        %parallel_loop3A_337 = vector.shape_cast %parallel_loop3A_336 : vector<1x16xi32> to vector<16xi32>
        %parallel_loop3A_338 = arith.index_cast %parallel_loop3A_183 : i32 to index
        %parallel_loop3A_339 = arith.constant 80 : index
        %parallel_loop3A_340 = tpu.vector_load %arg11[%parallel_loop3A_338, %parallel_loop3A_339] {strides = array<i32>} : memref<40x256xi32, #tpu.memory_space<vmem>>, vector<1x16xi32>,
        %parallel_loop3A_341 = vector.shape_cast %parallel_loop3A_340 : vector<1x16xi32> to vector<16xi32>
        %parallel_loop3A_342 = arith.constant 16 : i32
        %parallel_loop3A_343 = vector.broadcast %parallel_loop3A_342 : i32 to vector<16xi32>
        %parallel_loop3A_344 = arith.shli %parallel_loop3A_337, %parallel_loop3A_343 : vector<16xi32>
        %parallel_loop3A_345 = tpu.bitcast %parallel_loop3A_344 : vector<16xi32> -> vector<16xf32>
        %parallel_loop3A_346 = arith.constant 16 : i32
        %parallel_loop3A_347 = vector.broadcast %parallel_loop3A_346 : i32 to vector<16xi32>
        %parallel_loop3A_348 = arith.shli %parallel_loop3A_341, %parallel_loop3A_347 : vector<16xi32>
        %parallel_loop3A_349 = tpu.bitcast %parallel_loop3A_348 : vector<16xi32> -> vector<16xf32>
        %parallel_loop3A_350 = arith.addf %parallel_loop3A_345, %parallel_loop3A_349 : vector<16xf32>
        %parallel_loop3A_351 = tpu.bitcast %parallel_loop3A_337 : vector<16xi32> -> vector<16xf32>
        %parallel_loop3A_352 = tpu.bitcast %parallel_loop3A_341 : vector<16xi32> -> vector<16xf32>
        %parallel_loop3A_353 = arith.addf %parallel_loop3A_351, %parallel_loop3A_352 : vector<16xf32>
        %parallel_loop3A_354 = arith.index_cast %parallel_loop3A_183 : i32 to index
        %parallel_loop3A_355 = arith.constant 160 : index
        %parallel_loop3A_356 = tpu.vector_load %arg13[%parallel_loop3A_354, %parallel_loop3A_355] {strides = array<i32>} : memref<40x512xf32, #tpu.memory_space<vmem>>, vector<1x16xf32>,
        %parallel_loop3A_357 = vector.shape_cast %parallel_loop3A_356 : vector<1x16xf32> to vector<16xf32>
        %parallel_loop3A_358 = vector.shape_cast %parallel_loop3A_350 : vector<16xf32> to vector<1x16xf32>
        tpu.vector_store %arg13[%parallel_loop3A_354, %parallel_loop3A_355], %parallel_loop3A_358 {strides = array<i32>} : memref<40x512xf32, #tpu.memory_space<vmem>>, vector<1x16xf32>,
        %parallel_loop3A_359 = arith.index_cast %parallel_loop3A_183 : i32 to index
        %parallel_loop3A_360 = arith.constant 176 : index
        %parallel_loop3A_361 = tpu.vector_load %arg13[%parallel_loop3A_359, %parallel_loop3A_360] {strides = array<i32>} : memref<40x512xf32, #tpu.memory_space<vmem>>, vector<1x16xf32>,
        %parallel_loop3A_362 = vector.shape_cast %parallel_loop3A_361 : vector<1x16xf32> to vector<16xf32>
        %parallel_loop3A_363 = vector.shape_cast %parallel_loop3A_353 : vector<16xf32> to vector<1x16xf32>
        tpu.vector_store %arg13[%parallel_loop3A_359, %parallel_loop3A_360], %parallel_loop3A_363 {strides = array<i32>} : memref<40x512xf32, #tpu.memory_space<vmem>>, vector<1x16xf32>,
        %parallel_loop3A_364 = arith.index_cast %parallel_loop3A_183 : i32 to index
        %parallel_loop3A_365 = arith.constant 96 : index
        %parallel_loop3A_366 = tpu.vector_load %arg9[%parallel_loop3A_364, %parallel_loop3A_365] {strides = array<i32>} : memref<40x256xi32, #tpu.memory_space<vmem>>, vector<1x16xi32>,
        %parallel_loop3A_367 = vector.shape_cast %parallel_loop3A_366 : vector<1x16xi32> to vector<16xi32>
        %parallel_loop3A_368 = arith.index_cast %parallel_loop3A_183 : i32 to index
        %parallel_loop3A_369 = arith.constant 96 : index
        %parallel_loop3A_370 = tpu.vector_load %arg11[%parallel_loop3A_368, %parallel_loop3A_369] {strides = array<i32>} : memref<40x256xi32, #tpu.memory_space<vmem>>, vector<1x16xi32>,
        %parallel_loop3A_371 = vector.shape_cast %parallel_loop3A_370 : vector<1x16xi32> to vector<16xi32>
        %parallel_loop3A_372 = arith.constant 16 : i32
        %parallel_loop3A_373 = vector.broadcast %parallel_loop3A_372 : i32 to vector<16xi32>
        %parallel_loop3A_374 = arith.shli %parallel_loop3A_367, %parallel_loop3A_373 : vector<16xi32>
        %parallel_loop3A_375 = tpu.bitcast %parallel_loop3A_374 : vector<16xi32> -> vector<16xf32>
        %parallel_loop3A_376 = arith.constant 16 : i32
        %parallel_loop3A_377 = vector.broadcast %parallel_loop3A_376 : i32 to vector<16xi32>
        %parallel_loop3A_378 = arith.shli %parallel_loop3A_371, %parallel_loop3A_377 : vector<16xi32>
        %parallel_loop3A_379 = tpu.bitcast %parallel_loop3A_378 : vector<16xi32> -> vector<16xf32>
        %parallel_loop3A_380 = arith.addf %parallel_loop3A_375, %parallel_loop3A_379 : vector<16xf32>
        %parallel_loop3A_381 = tpu.bitcast %parallel_loop3A_367 : vector<16xi32> -> vector<16xf32>
        %parallel_loop3A_382 = tpu.bitcast %parallel_loop3A_371 : vector<16xi32> -> vector<16xf32>
        %parallel_loop3A_383 = arith.addf %parallel_loop3A_381, %parallel_loop3A_382 : vector<16xf32>
        %parallel_loop3A_384 = arith.index_cast %parallel_loop3A_183 : i32 to index
        %parallel_loop3A_385 = arith.constant 192 : index
        %parallel_loop3A_386 = tpu.vector_load %arg13[%parallel_loop3A_384, %parallel_loop3A_385] {strides = array<i32>} : memref<40x512xf32, #tpu.memory_space<vmem>>, vector<1x16xf32>,
        %parallel_loop3A_387 = vector.shape_cast %parallel_loop3A_386 : vector<1x16xf32> to vector<16xf32>
        %parallel_loop3A_388 = vector.shape_cast %parallel_loop3A_380 : vector<16xf32> to vector<1x16xf32>
        tpu.vector_store %arg13[%parallel_loop3A_384, %parallel_loop3A_385], %parallel_loop3A_388 {strides = array<i32>} : memref<40x512xf32, #tpu.memory_space<vmem>>, vector<1x16xf32>,
        %parallel_loop3A_389 = arith.index_cast %parallel_loop3A_183 : i32 to index
        %parallel_loop3A_390 = arith.constant 208 : index
        %parallel_loop3A_391 = tpu.vector_load %arg13[%parallel_loop3A_389, %parallel_loop3A_390] {strides = array<i32>} : memref<40x512xf32, #tpu.memory_space<vmem>>, vector<1x16xf32>,
        %parallel_loop3A_392 = vector.shape_cast %parallel_loop3A_391 : vector<1x16xf32> to vector<16xf32>
        %parallel_loop3A_393 = vector.shape_cast %parallel_loop3A_383 : vector<16xf32> to vector<1x16xf32>
        tpu.vector_store %arg13[%parallel_loop3A_389, %parallel_loop3A_390], %parallel_loop3A_393 {strides = array<i32>} : memref<40x512xf32, #tpu.memory_space<vmem>>, vector<1x16xf32>,
        %parallel_loop3A_394 = arith.index_cast %parallel_loop3A_183 : i32 to index
        %parallel_loop3A_395 = arith.constant 112 : index
        %parallel_loop3A_396 = tpu.vector_load %arg9[%parallel_loop3A_394, %parallel_loop3A_395] {strides = array<i32>} : memref<40x256xi32, #tpu.memory_space<vmem>>, vector<1x16xi32>,
        %parallel_loop3A_397 = vector.shape_cast %parallel_loop3A_396 : vector<1x16xi32> to vector<16xi32>
        %parallel_loop3A_398 = arith.index_cast %parallel_loop3A_183 : i32 to index
        %parallel_loop3A_399 = arith.constant 112 : index
        %parallel_loop3A_400 = tpu.vector_load %arg11[%parallel_loop3A_398, %parallel_loop3A_399] {strides = array<i32>} : memref<40x256xi32, #tpu.memory_space<vmem>>, vector<1x16xi32>,
        %parallel_loop3A_401 = vector.shape_cast %parallel_loop3A_400 : vector<1x16xi32> to vector<16xi32>
        %parallel_loop3A_402 = arith.constant 16 : i32
        %parallel_loop3A_403 = vector.broadcast %parallel_loop3A_402 : i32 to vector<16xi32>
        %parallel_loop3A_404 = arith.shli %parallel_loop3A_397, %parallel_loop3A_403 : vector<16xi32>
        %parallel_loop3A_405 = tpu.bitcast %parallel_loop3A_404 : vector<16xi32> -> vector<16xf32>
        %parallel_loop3A_406 = arith.constant 16 : i32
        %parallel_loop3A_407 = vector.broadcast %parallel_loop3A_406 : i32 to vector<16xi32>
        %parallel_loop3A_408 = arith.shli %parallel_loop3A_401, %parallel_loop3A_407 : vector<16xi32>
        %parallel_loop3A_409 = tpu.bitcast %parallel_loop3A_408 : vector<16xi32> -> vector<16xf32>
        %parallel_loop3A_410 = arith.addf %parallel_loop3A_405, %parallel_loop3A_409 : vector<16xf32>
        %parallel_loop3A_411 = tpu.bitcast %parallel_loop3A_397 : vector<16xi32> -> vector<16xf32>
        %parallel_loop3A_412 = tpu.bitcast %parallel_loop3A_401 : vector<16xi32> -> vector<16xf32>
        %parallel_loop3A_413 = arith.addf %parallel_loop3A_411, %parallel_loop3A_412 : vector<16xf32>
        %parallel_loop3A_414 = arith.index_cast %parallel_loop3A_183 : i32 to index
        %parallel_loop3A_415 = arith.constant 224 : index
        %parallel_loop3A_416 = tpu.vector_load %arg13[%parallel_loop3A_414, %parallel_loop3A_415] {strides = array<i32>} : memref<40x512xf32, #tpu.memory_space<vmem>>, vector<1x16xf32>,
        %parallel_loop3A_417 = vector.shape_cast %parallel_loop3A_416 : vector<1x16xf32> to vector<16xf32>
        %parallel_loop3A_418 = vector.shape_cast %parallel_loop3A_410 : vector<16xf32> to vector<1x16xf32>
        tpu.vector_store %arg13[%parallel_loop3A_414, %parallel_loop3A_415], %parallel_loop3A_418 {strides = array<i32>} : memref<40x512xf32, #tpu.memory_space<vmem>>, vector<1x16xf32>,
        %parallel_loop3A_419 = arith.index_cast %parallel_loop3A_183 : i32 to index
        %parallel_loop3A_420 = arith.constant 240 : index
        %parallel_loop3A_421 = tpu.vector_load %arg13[%parallel_loop3A_419, %parallel_loop3A_420] {strides = array<i32>} : memref<40x512xf32, #tpu.memory_space<vmem>>, vector<1x16xf32>,
        %parallel_loop3A_422 = vector.shape_cast %parallel_loop3A_421 : vector<1x16xf32> to vector<16xf32>
        %parallel_loop3A_423 = vector.shape_cast %parallel_loop3A_413 : vector<16xf32> to vector<1x16xf32>
        tpu.vector_store %arg13[%parallel_loop3A_419, %parallel_loop3A_420], %parallel_loop3A_423 {strides = array<i32>} : memref<40x512xf32, #tpu.memory_space<vmem>>, vector<1x16xf32>,
        %parallel_loop3A_424 = arith.index_cast %parallel_loop3A_183 : i32 to index
        %parallel_loop3A_425 = arith.constant 128 : index
        %parallel_loop3A_426 = tpu.vector_load %arg9[%parallel_loop3A_424, %parallel_loop3A_425] {strides = array<i32>} : memref<40x256xi32, #tpu.memory_space<vmem>>, vector<1x16xi32>,
        %parallel_loop3A_427 = vector.shape_cast %parallel_loop3A_426 : vector<1x16xi32> to vector<16xi32>
        %parallel_loop3A_428 = arith.index_cast %parallel_loop3A_183 : i32 to index
        %parallel_loop3A_429 = arith.constant 128 : index
        %parallel_loop3A_430 = tpu.vector_load %arg11[%parallel_loop3A_428, %parallel_loop3A_429] {strides = array<i32>} : memref<40x256xi32, #tpu.memory_space<vmem>>, vector<1x16xi32>,
        %parallel_loop3A_431 = vector.shape_cast %parallel_loop3A_430 : vector<1x16xi32> to vector<16xi32>
        %parallel_loop3A_432 = arith.constant 16 : i32
        %parallel_loop3A_433 = vector.broadcast %parallel_loop3A_432 : i32 to vector<16xi32>
        %parallel_loop3A_434 = arith.shli %parallel_loop3A_427, %parallel_loop3A_433 : vector<16xi32>
        %parallel_loop3A_435 = tpu.bitcast %parallel_loop3A_434 : vector<16xi32> -> vector<16xf32>
        %parallel_loop3A_436 = arith.constant 16 : i32
        %parallel_loop3A_437 = vector.broadcast %parallel_loop3A_436 : i32 to vector<16xi32>
        %parallel_loop3A_438 = arith.shli %parallel_loop3A_431, %parallel_loop3A_437 : vector<16xi32>
        %parallel_loop3A_439 = tpu.bitcast %parallel_loop3A_438 : vector<16xi32> -> vector<16xf32>
        %parallel_loop3A_440 = arith.addf %parallel_loop3A_435, %parallel_loop3A_439 : vector<16xf32>
        %parallel_loop3A_441 = tpu.bitcast %parallel_loop3A_427 : vector<16xi32> -> vector<16xf32>
        %parallel_loop3A_442 = tpu.bitcast %parallel_loop3A_431 : vector<16xi32> -> vector<16xf32>
        %parallel_loop3A_443 = arith.addf %parallel_loop3A_441, %parallel_loop3A_442 : vector<16xf32>
        %parallel_loop3A_444 = arith.index_cast %parallel_loop3A_183 : i32 to index
        %parallel_loop3A_445 = arith.constant 256 : index
        %parallel_loop3A_446 = tpu.vector_load %arg13[%parallel_loop3A_444, %parallel_loop3A_445] {strides = array<i32>} : memref<40x512xf32, #tpu.memory_space<vmem>>, vector<1x16xf32>,
        %parallel_loop3A_447 = vector.shape_cast %parallel_loop3A_446 : vector<1x16xf32> to vector<16xf32>
        %parallel_loop3A_448 = vector.shape_cast %parallel_loop3A_440 : vector<16xf32> to vector<1x16xf32>
        tpu.vector_store %arg13[%parallel_loop3A_444, %parallel_loop3A_445], %parallel_loop3A_448 {strides = array<i32>} : memref<40x512xf32, #tpu.memory_space<vmem>>, vector<1x16xf32>,
        %parallel_loop3A_449 = arith.index_cast %parallel_loop3A_183 : i32 to index
        %parallel_loop3A_450 = arith.constant 272 : index
        %parallel_loop3A_451 = tpu.vector_load %arg13[%parallel_loop3A_449, %parallel_loop3A_450] {strides = array<i32>} : memref<40x512xf32, #tpu.memory_space<vmem>>, vector<1x16xf32>,
        %parallel_loop3A_452 = vector.shape_cast %parallel_loop3A_451 : vector<1x16xf32> to vector<16xf32>
        %parallel_loop3A_453 = vector.shape_cast %parallel_loop3A_443 : vector<16xf32> to vector<1x16xf32>
        tpu.vector_store %arg13[%parallel_loop3A_449, %parallel_loop3A_450], %parallel_loop3A_453 {strides = array<i32>} : memref<40x512xf32, #tpu.memory_space<vmem>>, vector<1x16xf32>,
        %parallel_loop3A_454 = arith.index_cast %parallel_loop3A_183 : i32 to index
        %parallel_loop3A_455 = arith.constant 144 : index
        %parallel_loop3A_456 = tpu.vector_load %arg9[%parallel_loop3A_454, %parallel_loop3A_455] {strides = array<i32>} : memref<40x256xi32, #tpu.memory_space<vmem>>, vector<1x16xi32>,
        %parallel_loop3A_457 = vector.shape_cast %parallel_loop3A_456 : vector<1x16xi32> to vector<16xi32>
        %parallel_loop3A_458 = arith.index_cast %parallel_loop3A_183 : i32 to index
        %parallel_loop3A_459 = arith.constant 144 : index
        %parallel_loop3A_460 = tpu.vector_load %arg11[%parallel_loop3A_458, %parallel_loop3A_459] {strides = array<i32>} : memref<40x256xi32, #tpu.memory_space<vmem>>, vector<1x16xi32>,
        %parallel_loop3A_461 = vector.shape_cast %parallel_loop3A_460 : vector<1x16xi32> to vector<16xi32>
        %parallel_loop3A_462 = arith.constant 16 : i32
        %parallel_loop3A_463 = vector.broadcast %parallel_loop3A_462 : i32 to vector<16xi32>
        %parallel_loop3A_464 = arith.shli %parallel_loop3A_457, %parallel_loop3A_463 : vector<16xi32>
        %parallel_loop3A_465 = tpu.bitcast %parallel_loop3A_464 : vector<16xi32> -> vector<16xf32>
        %parallel_loop3A_466 = arith.constant 16 : i32
        %parallel_loop3A_467 = vector.broadcast %parallel_loop3A_466 : i32 to vector<16xi32>
        %parallel_loop3A_468 = arith.shli %parallel_loop3A_461, %parallel_loop3A_467 : vector<16xi32>
        %parallel_loop3A_469 = tpu.bitcast %parallel_loop3A_468 : vector<16xi32> -> vector<16xf32>
        %parallel_loop3A_470 = arith.addf %parallel_loop3A_465, %parallel_loop3A_469 : vector<16xf32>
        %parallel_loop3A_471 = tpu.bitcast %parallel_loop3A_457 : vector<16xi32> -> vector<16xf32>
        %parallel_loop3A_472 = tpu.bitcast %parallel_loop3A_461 : vector<16xi32> -> vector<16xf32>
        %parallel_loop3A_473 = arith.addf %parallel_loop3A_471, %parallel_loop3A_472 : vector<16xf32>
        %parallel_loop3A_474 = arith.index_cast %parallel_loop3A_183 : i32 to index
        %parallel_loop3A_475 = arith.constant 288 : index
        %parallel_loop3A_476 = tpu.vector_load %arg13[%parallel_loop3A_474, %parallel_loop3A_475] {strides = array<i32>} : memref<40x512xf32, #tpu.memory_space<vmem>>, vector<1x16xf32>,
        %parallel_loop3A_477 = vector.shape_cast %parallel_loop3A_476 : vector<1x16xf32> to vector<16xf32>
        %parallel_loop3A_478 = vector.shape_cast %parallel_loop3A_470 : vector<16xf32> to vector<1x16xf32>
        tpu.vector_store %arg13[%parallel_loop3A_474, %parallel_loop3A_475], %parallel_loop3A_478 {strides = array<i32>} : memref<40x512xf32, #tpu.memory_space<vmem>>, vector<1x16xf32>,
        %parallel_loop3A_479 = arith.index_cast %parallel_loop3A_183 : i32 to index
        %parallel_loop3A_480 = arith.constant 304 : index
        %parallel_loop3A_481 = tpu.vector_load %arg13[%parallel_loop3A_479, %parallel_loop3A_480] {strides = array<i32>} : memref<40x512xf32, #tpu.memory_space<vmem>>, vector<1x16xf32>,
        %parallel_loop3A_482 = vector.shape_cast %parallel_loop3A_481 : vector<1x16xf32> to vector<16xf32>
        %parallel_loop3A_483 = vector.shape_cast %parallel_loop3A_473 : vector<16xf32> to vector<1x16xf32>
        tpu.vector_store %arg13[%parallel_loop3A_479, %parallel_loop3A_480], %parallel_loop3A_483 {strides = array<i32>} : memref<40x512xf32, #tpu.memory_space<vmem>>, vector<1x16xf32>,
        %parallel_loop3A_484 = arith.index_cast %parallel_loop3A_183 : i32 to index
        %parallel_loop3A_485 = arith.constant 160 : index
        %parallel_loop3A_486 = tpu.vector_load %arg9[%parallel_loop3A_484, %parallel_loop3A_485] {strides = array<i32>} : memref<40x256xi32, #tpu.memory_space<vmem>>, vector<1x16xi32>,
        %parallel_loop3A_487 = vector.shape_cast %parallel_loop3A_486 : vector<1x16xi32> to vector<16xi32>
        %parallel_loop3A_488 = arith.index_cast %parallel_loop3A_183 : i32 to index
        %parallel_loop3A_489 = arith.constant 160 : index
        %parallel_loop3A_490 = tpu.vector_load %arg11[%parallel_loop3A_488, %parallel_loop3A_489] {strides = array<i32>} : memref<40x256xi32, #tpu.memory_space<vmem>>, vector<1x16xi32>,
        %parallel_loop3A_491 = vector.shape_cast %parallel_loop3A_490 : vector<1x16xi32> to vector<16xi32>
        %parallel_loop3A_492 = arith.constant 16 : i32
        %parallel_loop3A_493 = vector.broadcast %parallel_loop3A_492 : i32 to vector<16xi32>
        %parallel_loop3A_494 = arith.shli %parallel_loop3A_487, %parallel_loop3A_493 : vector<16xi32>
        %parallel_loop3A_495 = tpu.bitcast %parallel_loop3A_494 : vector<16xi32> -> vector<16xf32>
        %parallel_loop3A_496 = arith.constant 16 : i32
        %parallel_loop3A_497 = vector.broadcast %parallel_loop3A_496 : i32 to vector<16xi32>
        %parallel_loop3A_498 = arith.shli %parallel_loop3A_491, %parallel_loop3A_497 : vector<16xi32>
        %parallel_loop3A_499 = tpu.bitcast %parallel_loop3A_498 : vector<16xi32> -> vector<16xf32>
        %parallel_loop3A_500 = arith.addf %parallel_loop3A_495, %parallel_loop3A_499 : vector<16xf32>
        %parallel_loop3A_501 = tpu.bitcast %parallel_loop3A_487 : vector<16xi32> -> vector<16xf32>
        %parallel_loop3A_502 = tpu.bitcast %parallel_loop3A_491 : vector<16xi32> -> vector<16xf32>
        %parallel_loop3A_503 = arith.addf %parallel_loop3A_501, %parallel_loop3A_502 : vector<16xf32>
        %parallel_loop3A_504 = arith.index_cast %parallel_loop3A_183 : i32 to index
        %parallel_loop3A_505 = arith.constant 320 : index
        %parallel_loop3A_506 = tpu.vector_load %arg13[%parallel_loop3A_504, %parallel_loop3A_505] {strides = array<i32>} : memref<40x512xf32, #tpu.memory_space<vmem>>, vector<1x16xf32>,
        %parallel_loop3A_507 = vector.shape_cast %parallel_loop3A_506 : vector<1x16xf32> to vector<16xf32>
        %parallel_loop3A_508 = vector.shape_cast %parallel_loop3A_500 : vector<16xf32> to vector<1x16xf32>
        tpu.vector_store %arg13[%parallel_loop3A_504, %parallel_loop3A_505], %parallel_loop3A_508 {strides = array<i32>} : memref<40x512xf32, #tpu.memory_space<vmem>>, vector<1x16xf32>,
        %parallel_loop3A_509 = arith.index_cast %parallel_loop3A_183 : i32 to index
        %parallel_loop3A_510 = arith.constant 336 : index
        %parallel_loop3A_511 = tpu.vector_load %arg13[%parallel_loop3A_509, %parallel_loop3A_510] {strides = array<i32>} : memref<40x512xf32, #tpu.memory_space<vmem>>, vector<1x16xf32>,
        %parallel_loop3A_512 = vector.shape_cast %parallel_loop3A_511 : vector<1x16xf32> to vector<16xf32>
        %parallel_loop3A_513 = vector.shape_cast %parallel_loop3A_503 : vector<16xf32> to vector<1x16xf32>
        tpu.vector_store %arg13[%parallel_loop3A_509, %parallel_loop3A_510], %parallel_loop3A_513 {strides = array<i32>} : memref<40x512xf32, #tpu.memory_space<vmem>>, vector<1x16xf32>,
        %parallel_loop3A_514 = arith.index_cast %parallel_loop3A_183 : i32 to index
        %parallel_loop3A_515 = arith.constant 176 : index
        %parallel_loop3A_516 = tpu.vector_load %arg9[%parallel_loop3A_514, %parallel_loop3A_515] {strides = array<i32>} : memref<40x256xi32, #tpu.memory_space<vmem>>, vector<1x16xi32>,
        %parallel_loop3A_517 = vector.shape_cast %parallel_loop3A_516 : vector<1x16xi32> to vector<16xi32>
        %parallel_loop3A_518 = arith.index_cast %parallel_loop3A_183 : i32 to index
        %parallel_loop3A_519 = arith.constant 176 : index
        %parallel_loop3A_520 = tpu.vector_load %arg11[%parallel_loop3A_518, %parallel_loop3A_519] {strides = array<i32>} : memref<40x256xi32, #tpu.memory_space<vmem>>, vector<1x16xi32>,
        %parallel_loop3A_521 = vector.shape_cast %parallel_loop3A_520 : vector<1x16xi32> to vector<16xi32>
        %parallel_loop3A_522 = arith.constant 16 : i32
        %parallel_loop3A_523 = vector.broadcast %parallel_loop3A_522 : i32 to vector<16xi32>
        %parallel_loop3A_524 = arith.shli %parallel_loop3A_517, %parallel_loop3A_523 : vector<16xi32>
        %parallel_loop3A_525 = tpu.bitcast %parallel_loop3A_524 : vector<16xi32> -> vector<16xf32>
        %parallel_loop3A_526 = arith.constant 16 : i32
        %parallel_loop3A_527 = vector.broadcast %parallel_loop3A_526 : i32 to vector<16xi32>
        %parallel_loop3A_528 = arith.shli %parallel_loop3A_521, %parallel_loop3A_527 : vector<16xi32>
        %parallel_loop3A_529 = tpu.bitcast %parallel_loop3A_528 : vector<16xi32> -> vector<16xf32>
        %parallel_loop3A_530 = arith.addf %parallel_loop3A_525, %parallel_loop3A_529 : vector<16xf32>
        %parallel_loop3A_531 = tpu.bitcast %parallel_loop3A_517 : vector<16xi32> -> vector<16xf32>
        %parallel_loop3A_532 = tpu.bitcast %parallel_loop3A_521 : vector<16xi32> -> vector<16xf32>
        %parallel_loop3A_533 = arith.addf %parallel_loop3A_531, %parallel_loop3A_532 : vector<16xf32>
        %parallel_loop3A_534 = arith.index_cast %parallel_loop3A_183 : i32 to index
        %parallel_loop3A_535 = arith.constant 352 : index
        %parallel_loop3A_536 = tpu.vector_load %arg13[%parallel_loop3A_534, %parallel_loop3A_535] {strides = array<i32>} : memref<40x512xf32, #tpu.memory_space<vmem>>, vector<1x16xf32>,
        %parallel_loop3A_537 = vector.shape_cast %parallel_loop3A_536 : vector<1x16xf32> to vector<16xf32>
        %parallel_loop3A_538 = vector.shape_cast %parallel_loop3A_530 : vector<16xf32> to vector<1x16xf32>
        tpu.vector_store %arg13[%parallel_loop3A_534, %parallel_loop3A_535], %parallel_loop3A_538 {strides = array<i32>} : memref<40x512xf32, #tpu.memory_space<vmem>>, vector<1x16xf32>,
        %parallel_loop3A_539 = arith.index_cast %parallel_loop3A_183 : i32 to index
        %parallel_loop3A_540 = arith.constant 368 : index
        %parallel_loop3A_541 = tpu.vector_load %arg13[%parallel_loop3A_539, %parallel_loop3A_540] {strides = array<i32>} : memref<40x512xf32, #tpu.memory_space<vmem>>, vector<1x16xf32>,
        %parallel_loop3A_542 = vector.shape_cast %parallel_loop3A_541 : vector<1x16xf32> to vector<16xf32>
        %parallel_loop3A_543 = vector.shape_cast %parallel_loop3A_533 : vector<16xf32> to vector<1x16xf32>
        tpu.vector_store %arg13[%parallel_loop3A_539, %parallel_loop3A_540], %parallel_loop3A_543 {strides = array<i32>} : memref<40x512xf32, #tpu.memory_space<vmem>>, vector<1x16xf32>,
        %parallel_loop3A_544 = arith.index_cast %parallel_loop3A_183 : i32 to index
        %parallel_loop3A_545 = arith.constant 192 : index
        %parallel_loop3A_546 = tpu.vector_load %arg9[%parallel_loop3A_544, %parallel_loop3A_545] {strides = array<i32>} : memref<40x256xi32, #tpu.memory_space<vmem>>, vector<1x16xi32>,
        %parallel_loop3A_547 = vector.shape_cast %parallel_loop3A_546 : vector<1x16xi32> to vector<16xi32>
        %parallel_loop3A_548 = arith.index_cast %parallel_loop3A_183 : i32 to index
        %parallel_loop3A_549 = arith.constant 192 : index
        %parallel_loop3A_550 = tpu.vector_load %arg11[%parallel_loop3A_548, %parallel_loop3A_549] {strides = array<i32>} : memref<40x256xi32, #tpu.memory_space<vmem>>, vector<1x16xi32>,
        %parallel_loop3A_551 = vector.shape_cast %parallel_loop3A_550 : vector<1x16xi32> to vector<16xi32>
        %parallel_loop3A_552 = arith.constant 16 : i32
        %parallel_loop3A_553 = vector.broadcast %parallel_loop3A_552 : i32 to vector<16xi32>
        %parallel_loop3A_554 = arith.shli %parallel_loop3A_547, %parallel_loop3A_553 : vector<16xi32>
        %parallel_loop3A_555 = tpu.bitcast %parallel_loop3A_554 : vector<16xi32> -> vector<16xf32>
        %parallel_loop3A_556 = arith.constant 16 : i32
        %parallel_loop3A_557 = vector.broadcast %parallel_loop3A_556 : i32 to vector<16xi32>
        %parallel_loop3A_558 = arith.shli %parallel_loop3A_551, %parallel_loop3A_557 : vector<16xi32>
        %parallel_loop3A_559 = tpu.bitcast %parallel_loop3A_558 : vector<16xi32> -> vector<16xf32>
        %parallel_loop3A_560 = arith.addf %parallel_loop3A_555, %parallel_loop3A_559 : vector<16xf32>
        %parallel_loop3A_561 = tpu.bitcast %parallel_loop3A_547 : vector<16xi32> -> vector<16xf32>
        %parallel_loop3A_562 = tpu.bitcast %parallel_loop3A_551 : vector<16xi32> -> vector<16xf32>
        %parallel_loop3A_563 = arith.addf %parallel_loop3A_561, %parallel_loop3A_562 : vector<16xf32>
        %parallel_loop3A_564 = arith.index_cast %parallel_loop3A_183 : i32 to index
        %parallel_loop3A_565 = arith.constant 384 : index
        %parallel_loop3A_566 = tpu.vector_load %arg13[%parallel_loop3A_564, %parallel_loop3A_565] {strides = array<i32>} : memref<40x512xf32, #tpu.memory_space<vmem>>, vector<1x16xf32>,
        %parallel_loop3A_567 = vector.shape_cast %parallel_loop3A_566 : vector<1x16xf32> to vector<16xf32>
        %parallel_loop3A_568 = vector.shape_cast %parallel_loop3A_560 : vector<16xf32> to vector<1x16xf32>
        tpu.vector_store %arg13[%parallel_loop3A_564, %parallel_loop3A_565], %parallel_loop3A_568 {strides = array<i32>} : memref<40x512xf32, #tpu.memory_space<vmem>>, vector<1x16xf32>,
        %parallel_loop3A_569 = arith.index_cast %parallel_loop3A_183 : i32 to index
        %parallel_loop3A_570 = arith.constant 400 : index
        %parallel_loop3A_571 = tpu.vector_load %arg13[%parallel_loop3A_569, %parallel_loop3A_570] {strides = array<i32>} : memref<40x512xf32, #tpu.memory_space<vmem>>, vector<1x16xf32>,
        %parallel_loop3A_572 = vector.shape_cast %parallel_loop3A_571 : vector<1x16xf32> to vector<16xf32>
        %parallel_loop3A_573 = vector.shape_cast %parallel_loop3A_563 : vector<16xf32> to vector<1x16xf32>
        tpu.vector_store %arg13[%parallel_loop3A_569, %parallel_loop3A_570], %parallel_loop3A_573 {strides = array<i32>} : memref<40x512xf32, #tpu.memory_space<vmem>>, vector<1x16xf32>,
        %parallel_loop3A_574 = arith.index_cast %parallel_loop3A_183 : i32 to index
        %parallel_loop3A_575 = arith.constant 208 : index
        %parallel_loop3A_576 = tpu.vector_load %arg9[%parallel_loop3A_574, %parallel_loop3A_575] {strides = array<i32>} : memref<40x256xi32, #tpu.memory_space<vmem>>, vector<1x16xi32>,
        %parallel_loop3A_577 = vector.shape_cast %parallel_loop3A_576 : vector<1x16xi32> to vector<16xi32>
        %parallel_loop3A_578 = arith.index_cast %parallel_loop3A_183 : i32 to index
        %parallel_loop3A_579 = arith.constant 208 : index
        %parallel_loop3A_580 = tpu.vector_load %arg11[%parallel_loop3A_578, %parallel_loop3A_579] {strides = array<i32>} : memref<40x256xi32, #tpu.memory_space<vmem>>, vector<1x16xi32>,
        %parallel_loop3A_581 = vector.shape_cast %parallel_loop3A_580 : vector<1x16xi32> to vector<16xi32>
        %parallel_loop3A_582 = arith.constant 16 : i32
        %parallel_loop3A_583 = vector.broadcast %parallel_loop3A_582 : i32 to vector<16xi32>
        %parallel_loop3A_584 = arith.shli %parallel_loop3A_577, %parallel_loop3A_583 : vector<16xi32>
        %parallel_loop3A_585 = tpu.bitcast %parallel_loop3A_584 : vector<16xi32> -> vector<16xf32>
        %parallel_loop3A_586 = arith.constant 16 : i32
        %parallel_loop3A_587 = vector.broadcast %parallel_loop3A_586 : i32 to vector<16xi32>
        %parallel_loop3A_588 = arith.shli %parallel_loop3A_581, %parallel_loop3A_587 : vector<16xi32>
        %parallel_loop3A_589 = tpu.bitcast %parallel_loop3A_588 : vector<16xi32> -> vector<16xf32>
        %parallel_loop3A_590 = arith.addf %parallel_loop3A_585, %parallel_loop3A_589 : vector<16xf32>
        %parallel_loop3A_591 = tpu.bitcast %parallel_loop3A_577 : vector<16xi32> -> vector<16xf32>
        %parallel_loop3A_592 = tpu.bitcast %parallel_loop3A_581 : vector<16xi32> -> vector<16xf32>
        %parallel_loop3A_593 = arith.addf %parallel_loop3A_591, %parallel_loop3A_592 : vector<16xf32>
        %parallel_loop3A_594 = arith.index_cast %parallel_loop3A_183 : i32 to index
        %parallel_loop3A_595 = arith.constant 416 : index
        %parallel_loop3A_596 = tpu.vector_load %arg13[%parallel_loop3A_594, %parallel_loop3A_595] {strides = array<i32>} : memref<40x512xf32, #tpu.memory_space<vmem>>, vector<1x16xf32>,
        %parallel_loop3A_597 = vector.shape_cast %parallel_loop3A_596 : vector<1x16xf32> to vector<16xf32>
        %parallel_loop3A_598 = vector.shape_cast %parallel_loop3A_590 : vector<16xf32> to vector<1x16xf32>
        tpu.vector_store %arg13[%parallel_loop3A_594, %parallel_loop3A_595], %parallel_loop3A_598 {strides = array<i32>} : memref<40x512xf32, #tpu.memory_space<vmem>>, vector<1x16xf32>,
        %parallel_loop3A_599 = arith.index_cast %parallel_loop3A_183 : i32 to index
        %parallel_loop3A_600 = arith.constant 432 : index
        %parallel_loop3A_601 = tpu.vector_load %arg13[%parallel_loop3A_599, %parallel_loop3A_600] {strides = array<i32>} : memref<40x512xf32, #tpu.memory_space<vmem>>, vector<1x16xf32>,
        %parallel_loop3A_602 = vector.shape_cast %parallel_loop3A_601 : vector<1x16xf32> to vector<16xf32>
        %parallel_loop3A_603 = vector.shape_cast %parallel_loop3A_593 : vector<16xf32> to vector<1x16xf32>
        tpu.vector_store %arg13[%parallel_loop3A_599, %parallel_loop3A_600], %parallel_loop3A_603 {strides = array<i32>} : memref<40x512xf32, #tpu.memory_space<vmem>>, vector<1x16xf32>,
        %parallel_loop3A_604 = arith.index_cast %parallel_loop3A_183 : i32 to index
        %parallel_loop3A_605 = arith.constant 224 : index
        %parallel_loop3A_606 = tpu.vector_load %arg9[%parallel_loop3A_604, %parallel_loop3A_605] {strides = array<i32>} : memref<40x256xi32, #tpu.memory_space<vmem>>, vector<1x16xi32>,
        %parallel_loop3A_607 = vector.shape_cast %parallel_loop3A_606 : vector<1x16xi32> to vector<16xi32>
        %parallel_loop3A_608 = arith.index_cast %parallel_loop3A_183 : i32 to index
        %parallel_loop3A_609 = arith.constant 224 : index
        %parallel_loop3A_610 = tpu.vector_load %arg11[%parallel_loop3A_608, %parallel_loop3A_609] {strides = array<i32>} : memref<40x256xi32, #tpu.memory_space<vmem>>, vector<1x16xi32>,
        %parallel_loop3A_611 = vector.shape_cast %parallel_loop3A_610 : vector<1x16xi32> to vector<16xi32>
        %parallel_loop3A_612 = arith.constant 16 : i32
        %parallel_loop3A_613 = vector.broadcast %parallel_loop3A_612 : i32 to vector<16xi32>
        %parallel_loop3A_614 = arith.shli %parallel_loop3A_607, %parallel_loop3A_613 : vector<16xi32>
        %parallel_loop3A_615 = tpu.bitcast %parallel_loop3A_614 : vector<16xi32> -> vector<16xf32>
        %parallel_loop3A_616 = arith.constant 16 : i32
        %parallel_loop3A_617 = vector.broadcast %parallel_loop3A_616 : i32 to vector<16xi32>
        %parallel_loop3A_618 = arith.shli %parallel_loop3A_611, %parallel_loop3A_617 : vector<16xi32>
        %parallel_loop3A_619 = tpu.bitcast %parallel_loop3A_618 : vector<16xi32> -> vector<16xf32>
        %parallel_loop3A_620 = arith.addf %parallel_loop3A_615, %parallel_loop3A_619 : vector<16xf32>
        %parallel_loop3A_621 = tpu.bitcast %parallel_loop3A_607 : vector<16xi32> -> vector<16xf32>
        %parallel_loop3A_622 = tpu.bitcast %parallel_loop3A_611 : vector<16xi32> -> vector<16xf32>
        %parallel_loop3A_623 = arith.addf %parallel_loop3A_621, %parallel_loop3A_622 : vector<16xf32>
        %parallel_loop3A_624 = arith.index_cast %parallel_loop3A_183 : i32 to index
        %parallel_loop3A_625 = arith.constant 448 : index
        %parallel_loop3A_626 = tpu.vector_load %arg13[%parallel_loop3A_624, %parallel_loop3A_625] {strides = array<i32>} : memref<40x512xf32, #tpu.memory_space<vmem>>, vector<1x16xf32>,
        %parallel_loop3A_627 = vector.shape_cast %parallel_loop3A_626 : vector<1x16xf32> to vector<16xf32>
        %parallel_loop3A_628 = vector.shape_cast %parallel_loop3A_620 : vector<16xf32> to vector<1x16xf32>
        tpu.vector_store %arg13[%parallel_loop3A_624, %parallel_loop3A_625], %parallel_loop3A_628 {strides = array<i32>} : memref<40x512xf32, #tpu.memory_space<vmem>>, vector<1x16xf32>,
        %parallel_loop3A_629 = arith.index_cast %parallel_loop3A_183 : i32 to index
        %parallel_loop3A_630 = arith.constant 464 : index
        %parallel_loop3A_631 = tpu.vector_load %arg13[%parallel_loop3A_629, %parallel_loop3A_630] {strides = array<i32>} : memref<40x512xf32, #tpu.memory_space<vmem>>, vector<1x16xf32>,
        %parallel_loop3A_632 = vector.shape_cast %parallel_loop3A_631 : vector<1x16xf32> to vector<16xf32>
        %parallel_loop3A_633 = vector.shape_cast %parallel_loop3A_623 : vector<16xf32> to vector<1x16xf32>
        tpu.vector_store %arg13[%parallel_loop3A_629, %parallel_loop3A_630], %parallel_loop3A_633 {strides = array<i32>} : memref<40x512xf32, #tpu.memory_space<vmem>>, vector<1x16xf32>,
        %parallel_loop3A_634 = arith.index_cast %parallel_loop3A_183 : i32 to index
        %parallel_loop3A_635 = arith.constant 240 : index
        %parallel_loop3A_636 = tpu.vector_load %arg9[%parallel_loop3A_634, %parallel_loop3A_635] {strides = array<i32>} : memref<40x256xi32, #tpu.memory_space<vmem>>, vector<1x16xi32>,
        %parallel_loop3A_637 = vector.shape_cast %parallel_loop3A_636 : vector<1x16xi32> to vector<16xi32>
        %parallel_loop3A_638 = arith.index_cast %parallel_loop3A_183 : i32 to index
        %parallel_loop3A_639 = arith.constant 240 : index
        %parallel_loop3A_640 = tpu.vector_load %arg11[%parallel_loop3A_638, %parallel_loop3A_639] {strides = array<i32>} : memref<40x256xi32, #tpu.memory_space<vmem>>, vector<1x16xi32>,
        %parallel_loop3A_641 = vector.shape_cast %parallel_loop3A_640 : vector<1x16xi32> to vector<16xi32>
        %parallel_loop3A_642 = arith.constant 16 : i32
        %parallel_loop3A_643 = vector.broadcast %parallel_loop3A_642 : i32 to vector<16xi32>
        %parallel_loop3A_644 = arith.shli %parallel_loop3A_637, %parallel_loop3A_643 : vector<16xi32>
        %parallel_loop3A_645 = tpu.bitcast %parallel_loop3A_644 : vector<16xi32> -> vector<16xf32>
        %parallel_loop3A_646 = arith.constant 16 : i32
        %parallel_loop3A_647 = vector.broadcast %parallel_loop3A_646 : i32 to vector<16xi32>
        %parallel_loop3A_648 = arith.shli %parallel_loop3A_641, %parallel_loop3A_647 : vector<16xi32>
        %parallel_loop3A_649 = tpu.bitcast %parallel_loop3A_648 : vector<16xi32> -> vector<16xf32>
        %parallel_loop3A_650 = arith.addf %parallel_loop3A_645, %parallel_loop3A_649 : vector<16xf32>
        %parallel_loop3A_651 = tpu.bitcast %parallel_loop3A_637 : vector<16xi32> -> vector<16xf32>
        %parallel_loop3A_652 = tpu.bitcast %parallel_loop3A_641 : vector<16xi32> -> vector<16xf32>
        %parallel_loop3A_653 = arith.addf %parallel_loop3A_651, %parallel_loop3A_652 : vector<16xf32>
        %parallel_loop3A_654 = arith.index_cast %parallel_loop3A_183 : i32 to index
        %parallel_loop3A_655 = arith.constant 480 : index
        %parallel_loop3A_656 = tpu.vector_load %arg13[%parallel_loop3A_654, %parallel_loop3A_655] {strides = array<i32>} : memref<40x512xf32, #tpu.memory_space<vmem>>, vector<1x16xf32>,
        %parallel_loop3A_657 = vector.shape_cast %parallel_loop3A_656 : vector<1x16xf32> to vector<16xf32>
        %parallel_loop3A_658 = vector.shape_cast %parallel_loop3A_650 : vector<16xf32> to vector<1x16xf32>
        tpu.vector_store %arg13[%parallel_loop3A_654, %parallel_loop3A_655], %parallel_loop3A_658 {strides = array<i32>} : memref<40x512xf32, #tpu.memory_space<vmem>>, vector<1x16xf32>,
        %parallel_loop3A_659 = arith.index_cast %parallel_loop3A_183 : i32 to index
        %parallel_loop3A_660 = arith.constant 496 : index
        %parallel_loop3A_661 = tpu.vector_load %arg13[%parallel_loop3A_659, %parallel_loop3A_660] {strides = array<i32>} : memref<40x512xf32, #tpu.memory_space<vmem>>, vector<1x16xf32>,
        %parallel_loop3A_662 = vector.shape_cast %parallel_loop3A_661 : vector<1x16xf32> to vector<16xf32>
        %parallel_loop3A_663 = vector.shape_cast %parallel_loop3A_653 : vector<16xf32> to vector<1x16xf32>
        tpu.vector_store %arg13[%parallel_loop3A_659, %parallel_loop3A_660], %parallel_loop3A_663 {strides = array<i32>} : memref<40x512xf32, #tpu.memory_space<vmem>>, vector<1x16xf32>,
      } {sc.loop_unroll_factor = 4 : i64, sc.parallel_access}
      %mul3A_131 = arith.constant 40 : i32
      %mul3A_132 = arith.muli %add3A_101, %mul3A_131 : i32
      %add3A_133 = arith.addi %mul3A_2, %mul3A_132 : i32
      %dma_start3A_134 = arith.constant 0 : i32
      %dma_start3A_135 = tpu.memref_slice %arg6[%add3A_133, %dma_start3A_134] : memref<819200x512xf32, #tpu.memory_space<hbm>> -> memref<40x512xf32, #tpu.memory_space<hbm>>
      %dma_start3A_136 = arith.constant 0 : i32
      %dma_start3A_137 = tpu.memref_slice %arg6[%add3A_133, %dma_start3A_136] : memref<819200x512xf32, #tpu.memory_space<hbm>> -> memref<40x512xf32, #tpu.memory_space<hbm>>
      tpu.enqueue_dma source(%arg13 : memref<40x512xf32, #tpu.memory_space<vmem>>) target(%dma_start3A_137 : memref<40x512xf32, #tpu.memory_space<hbm>>) target_semaphore(%arg18 : memref<!tpu.dma_semaphore, #tpu.memory_space<semaphore_mem>>)
      %mul3A_138 = arith.constant 2 : i32
      %mul3A_139 = arith.muli %mul3A_138, %scan3A_97 : i32
      %add3A_140 = arith.constant 1 : i32
      %add3A_141 = arith.addi %mul3A_139, %add3A_140 : i32
      %add3A_142 = arith.constant 1 : i32
      %add3A_143 = arith.addi %add3A_141, %add3A_142 : i32
      %lt3A_144 = arith.constant 640 : i32
      %lt3A_145 = arith.cmpi slt, %add3A_143, %lt3A_144 : i32
      %convert_element_type3A_146 = arith.extui %lt3A_145 : i1 to i32
      %cond3A_147 = arith.constant 0 : i32
      %cond3A_148 = arith.cmpi ne, %convert_element_type3A_146, %cond3A_147 : i32
      scf.if %cond3A_148 {
        %dma_wait3A_183 = arith.constant 0 : i32
        %dma_wait3A_184 = arith.constant 0 : i32
        %dma_wait3A_185 = tpu.memref_slice %arg7[%dma_wait3A_183, %dma_wait3A_184] : memref<3x40xi32, #tpu.memory_space<vmem>> -> memref<1x40xi32, #tpu.memory_space<vmem>>
        %dma_wait3A_186 = tpu.memref_squeeze %dma_wait3A_185 : memref<1x40xi32, #tpu.memory_space<vmem>> -> memref<40xi32, #tpu.memory_space<vmem>>
        %dma_wait3A_187 = arith.constant 0 : i32
        %dma_wait3A_188 = tpu.memref_slice %arg2[%dma_wait3A_187] : memref<819200xi32, #tpu.memory_space<hbm>> -> memref<40xi32, #tpu.memory_space<hbm>>
        %dma_wait3A_189 = arith.constant 0 : i32
        %dma_wait3A_190 = tpu.memref_slice %arg7[%dma_wait3A_183, %dma_wait3A_189] : memref<3x40xi32, #tpu.memory_space<vmem>> -> memref<1x40xi32, #tpu.memory_space<vmem>>
        %dma_wait3A_191 = tpu.memref_squeeze %dma_wait3A_190 : memref<1x40xi32, #tpu.memory_space<vmem>> -> memref<40xi32, #tpu.memory_space<vmem>>
        %dma_wait3A_192 = arith.constant 0 : i32
        %dma_wait3A_193 = tpu.memref_slice %arg2[%dma_wait3A_192] : memref<819200xi32, #tpu.memory_space<hbm>> -> memref<40xi32, #tpu.memory_space<hbm>>
        tpu.wait_dma2 semaphore(%arg15 : memref<!tpu.dma_semaphore, #tpu.memory_space<semaphore_mem>>) src(%dma_wait3A_193 : memref<40xi32, #tpu.memory_space<hbm>>) dst(%dma_wait3A_191 : memref<40xi32, #tpu.memory_space<vmem>>)
        %dma_wait3A_194 = arith.constant 0 : i32
        %dma_wait3A_195 = arith.constant 0 : i32
        %dma_wait3A_196 = tpu.memref_slice %arg8[%dma_wait3A_194, %dma_wait3A_195] : memref<3x40xi32, #tpu.memory_space<vmem>> -> memref<1x40xi32, #tpu.memory_space<vmem>>
        %dma_wait3A_197 = tpu.memref_squeeze %dma_wait3A_196 : memref<1x40xi32, #tpu.memory_space<vmem>> -> memref<40xi32, #tpu.memory_space<vmem>>
        %dma_wait3A_198 = arith.constant 0 : i32
        %dma_wait3A_199 = tpu.memref_slice %arg3[%dma_wait3A_198] : memref<819200xi32, #tpu.memory_space<hbm>> -> memref<40xi32, #tpu.memory_space<hbm>>
        %dma_wait3A_200 = arith.constant 0 : i32
        %dma_wait3A_201 = tpu.memref_slice %arg8[%dma_wait3A_194, %dma_wait3A_200] : memref<3x40xi32, #tpu.memory_space<vmem>> -> memref<1x40xi32, #tpu.memory_space<vmem>>
        %dma_wait3A_202 = tpu.memref_squeeze %dma_wait3A_201 : memref<1x40xi32, #tpu.memory_space<vmem>> -> memref<40xi32, #tpu.memory_space<vmem>>
        %dma_wait3A_203 = arith.constant 0 : i32
        %dma_wait3A_204 = tpu.memref_slice %arg3[%dma_wait3A_203] : memref<819200xi32, #tpu.memory_space<hbm>> -> memref<40xi32, #tpu.memory_space<hbm>>
        tpu.wait_dma2 semaphore(%arg15 : memref<!tpu.dma_semaphore, #tpu.memory_space<semaphore_mem>>) src(%dma_wait3A_204 : memref<40xi32, #tpu.memory_space<hbm>>) dst(%dma_wait3A_202 : memref<40xi32, #tpu.memory_space<vmem>>)
        %add3A_205 = arith.constant 1 : i32
        %add3A_206 = arith.addi %add3A_141, %add3A_205 : i32
        %rem3A_207 = arith.constant 3 : i32
        %rem3A_208 = arith.remsi %add3A_206, %rem3A_207 : i32
        %dma_start3A_209 = arith.constant 0 : i32
        %dma_start3A_210 = tpu.memref_slice %arg7[%rem3A_208, %dma_start3A_209] : memref<3x40xi32, #tpu.memory_space<vmem>> -> memref<1x40xi32, #tpu.memory_space<vmem>>
        %dma_start3A_211 = tpu.memref_squeeze %dma_start3A_210 : memref<1x40xi32, #tpu.memory_space<vmem>> -> memref<40xi32, #tpu.memory_space<vmem>>
        %dma_start3A_212 = arith.constant 0 : i32
        %dma_start3A_213 = arith.constant 0 : i32
        %dma_start3A_214 = tpu.memref_slice %arg4[%dma_start3A_212, %dma_start3A_213] : memref<1000x256xi32, #tpu.memory_space<hbm>> -> memref<1000x256xi32, #tpu.memory_space<hbm>>
        tpu.enqueue_indirect_dma source(%dma_start3A_214 : memref<1000x256xi32, #tpu.memory_space<hbm>>) target(%arg9 : memref<40x256xi32, #tpu.memory_space<vmem>>) offsets(%dma_start3A_211 : memref<40xi32, #tpu.memory_space<vmem>>) semaphore(%arg16 : memref<!tpu.dma_semaphore, #tpu.memory_space<semaphore_mem>>)
        %dma_start3A_215 = arith.constant 0 : i32
        %dma_start3A_216 = tpu.memref_slice %arg8[%rem3A_208, %dma_start3A_215] : memref<3x40xi32, #tpu.memory_space<vmem>> -> memref<1x40xi32, #tpu.memory_space<vmem>>
        %dma_start3A_217 = tpu.memref_squeeze %dma_start3A_216 : memref<1x40xi32, #tpu.memory_space<vmem>> -> memref<40xi32, #tpu.memory_space<vmem>>
        %dma_start3A_218 = arith.constant 0 : i32
        %dma_start3A_219 = arith.constant 0 : i32
        %dma_start3A_220 = tpu.memref_slice %arg5[%dma_start3A_218, %dma_start3A_219] : memref<100x256xi32, #tpu.memory_space<hbm>> -> memref<100x256xi32, #tpu.memory_space<hbm>>
        tpu.enqueue_indirect_dma source(%dma_start3A_220 : memref<100x256xi32, #tpu.memory_space<hbm>>) target(%arg11 : memref<40x256xi32, #tpu.memory_space<vmem>>) offsets(%dma_start3A_217 : memref<40xi32, #tpu.memory_space<vmem>>) semaphore(%arg16 : memref<!tpu.dma_semaphore, #tpu.memory_space<semaphore_mem>>)
      } else {
      }
      %add3A_149 = arith.constant 2 : i32
      %add3A_150 = arith.addi %add3A_141, %add3A_149 : i32
      %lt3A_151 = arith.constant 640 : i32
      %lt3A_152 = arith.cmpi slt, %add3A_150, %lt3A_151 : i32
      %convert_element_type3A_153 = arith.extui %lt3A_152 : i1 to i32
      %cond3A_154 = arith.constant 0 : i32
      %cond3A_155 = arith.cmpi ne, %convert_element_type3A_153, %cond3A_154 : i32
      scf.if %cond3A_155 {
        %add3A_183 = arith.constant 2 : i32
        %add3A_184 = arith.addi %add3A_141, %add3A_183 : i32
        %rem3A_185 = arith.constant 3 : i32
        %rem3A_186 = arith.remsi %add3A_184, %rem3A_185 : i32
        %mul3A_187 = arith.constant 40 : i32
        %mul3A_188 = arith.muli %add3A_184, %mul3A_187 : i32
        %add3A_189 = arith.addi %mul3A_2, %mul3A_188 : i32
        %dma_start3A_190 = arith.constant 0 : i32
        %dma_start3A_191 = tpu.memref_slice %arg7[%rem3A_186, %dma_start3A_190] : memref<3x40xi32, #tpu.memory_space<vmem>> -> memref<1x40xi32, #tpu.memory_space<vmem>>
        %dma_start3A_192 = tpu.memref_squeeze %dma_start3A_191 : memref<1x40xi32, #tpu.memory_space<vmem>> -> memref<40xi32, #tpu.memory_space<vmem>>
        %dma_start3A_193 = tpu.memref_slice %arg2[%add3A_189] : memref<819200xi32, #tpu.memory_space<hbm>> -> memref<40xi32, #tpu.memory_space<hbm>>
        %dma_start3A_194 = arith.constant 0 : i32
        %dma_start3A_195 = tpu.memref_slice %arg7[%rem3A_186, %dma_start3A_194] : memref<3x40xi32, #tpu.memory_space<vmem>> -> memref<1x40xi32, #tpu.memory_space<vmem>>
        %dma_start3A_196 = tpu.memref_squeeze %dma_start3A_195 : memref<1x40xi32, #tpu.memory_space<vmem>> -> memref<40xi32, #tpu.memory_space<vmem>>
        %dma_start3A_197 = tpu.memref_slice %arg2[%add3A_189] : memref<819200xi32, #tpu.memory_space<hbm>> -> memref<40xi32, #tpu.memory_space<hbm>>
        tpu.enqueue_dma source(%dma_start3A_197 : memref<40xi32, #tpu.memory_space<hbm>>) target(%dma_start3A_196 : memref<40xi32, #tpu.memory_space<vmem>>) target_semaphore(%arg15 : memref<!tpu.dma_semaphore, #tpu.memory_space<semaphore_mem>>)
        %dma_start3A_198 = arith.constant 0 : i32
        %dma_start3A_199 = tpu.memref_slice %arg8[%rem3A_186, %dma_start3A_198] : memref<3x40xi32, #tpu.memory_space<vmem>> -> memref<1x40xi32, #tpu.memory_space<vmem>>
        %dma_start3A_200 = tpu.memref_squeeze %dma_start3A_199 : memref<1x40xi32, #tpu.memory_space<vmem>> -> memref<40xi32, #tpu.memory_space<vmem>>
        %dma_start3A_201 = tpu.memref_slice %arg3[%add3A_189] : memref<819200xi32, #tpu.memory_space<hbm>> -> memref<40xi32, #tpu.memory_space<hbm>>
        %dma_start3A_202 = arith.constant 0 : i32
        %dma_start3A_203 = tpu.memref_slice %arg8[%rem3A_186, %dma_start3A_202] : memref<3x40xi32, #tpu.memory_space<vmem>> -> memref<1x40xi32, #tpu.memory_space<vmem>>
        %dma_start3A_204 = tpu.memref_squeeze %dma_start3A_203 : memref<1x40xi32, #tpu.memory_space<vmem>> -> memref<40xi32, #tpu.memory_space<vmem>>
        %dma_start3A_205 = tpu.memref_slice %arg3[%add3A_189] : memref<819200xi32, #tpu.memory_space<hbm>> -> memref<40xi32, #tpu.memory_space<hbm>>
        tpu.enqueue_dma source(%dma_start3A_205 : memref<40xi32, #tpu.memory_space<hbm>>) target(%dma_start3A_204 : memref<40xi32, #tpu.memory_space<vmem>>) target_semaphore(%arg15 : memref<!tpu.dma_semaphore, #tpu.memory_space<semaphore_mem>>)
      } else {
      }
      %dma_wait3A_156 = arith.constant 0 : i32
      %dma_wait3A_157 = arith.constant 0 : i32
      %dma_wait3A_158 = tpu.memref_slice %arg4[%dma_wait3A_156, %dma_wait3A_157] : memref<1000x256xi32, #tpu.memory_space<hbm>> -> memref<40x256xi32, #tpu.memory_space<hbm>>
      %dma_wait3A_159 = arith.constant 0 : i32
      %dma_wait3A_160 = arith.constant 0 : i32
      %dma_wait3A_161 = tpu.memref_slice %arg4[%dma_wait3A_159, %dma_wait3A_160] : memref<1000x256xi32, #tpu.memory_space<hbm>> -> memref<40x256xi32, #tpu.memory_space<hbm>>
      tpu.wait_dma2 semaphore(%arg17 : memref<!tpu.dma_semaphore, #tpu.memory_space<semaphore_mem>>) src(%dma_wait3A_161 : memref<40x256xi32, #tpu.memory_space<hbm>>) dst(%arg10 : memref<40x256xi32, #tpu.memory_space<vmem>>)
      %dma_wait3A_162 = arith.constant 0 : i32
      %dma_wait3A_163 = arith.constant 0 : i32
      %dma_wait3A_164 = tpu.memref_slice %arg4[%dma_wait3A_162, %dma_wait3A_163] : memref<1000x256xi32, #tpu.memory_space<hbm>> -> memref<40x256xi32, #tpu.memory_space<hbm>>
      %dma_wait3A_165 = arith.constant 0 : i32
      %dma_wait3A_166 = arith.constant 0 : i32
      %dma_wait3A_167 = tpu.memref_slice %arg4[%dma_wait3A_165, %dma_wait3A_166] : memref<1000x256xi32, #tpu.memory_space<hbm>> -> memref<40x256xi32, #tpu.memory_space<hbm>>
      tpu.wait_dma2 semaphore(%arg17 : memref<!tpu.dma_semaphore, #tpu.memory_space<semaphore_mem>>) src(%dma_wait3A_167 : memref<40x256xi32, #tpu.memory_space<hbm>>) dst(%arg12 : memref<40x256xi32, #tpu.memory_space<vmem>>)
      %ge3A_168 = arith.constant 2 : i32
      %ge3A_169 = arith.cmpi sge, %add3A_141, %ge3A_168 : i32
      %convert_element_type3A_170 = arith.extui %ge3A_169 : i1 to i32
      %cond3A_171 = arith.constant 0 : i32
      %cond3A_172 = arith.cmpi ne, %convert_element_type3A_170, %cond3A_171 : i32
      scf.if %cond3A_172 {
        %dma_wait3A_183 = arith.constant 0 : i32
        %dma_wait3A_184 = arith.constant 0 : i32
        %dma_wait3A_185 = tpu.memref_slice %arg6[%dma_wait3A_183, %dma_wait3A_184] : memref<819200x512xf32, #tpu.memory_space<hbm>> -> memref<40x512xf32, #tpu.memory_space<hbm>>
        %dma_wait3A_186 = arith.constant 0 : i32
        %dma_wait3A_187 = arith.constant 0 : i32
        %dma_wait3A_188 = tpu.memref_slice %arg6[%dma_wait3A_186, %dma_wait3A_187] : memref<819200x512xf32, #tpu.memory_space<hbm>> -> memref<40x512xf32, #tpu.memory_space<hbm>>
        tpu.wait_dma2 semaphore(%arg19 : memref<!tpu.dma_semaphore, #tpu.memory_space<semaphore_mem>>) src(%arg14 : memref<40x512xf32, #tpu.memory_space<vmem>>) dst(%dma_wait3A_188 : memref<40x512xf32, #tpu.memory_space<hbm>>)
      } else {
      }
      %parallel_loop3A_173 = arith.constant 0 : i32
      %parallel_loop3A_174 = arith.constant 40 : i32
      %parallel_loop3A_175 = arith.constant 1 : i32
      scf.for %parallel_loop3A_183 = %parallel_loop3A_173 to %parallel_loop3A_174 step %parallel_loop3A_175  : i32 {
        %parallel_loop3A_184 = arith.index_cast %parallel_loop3A_183 : i32 to index
        %parallel_loop3A_185 = arith.constant 0 : index
        %parallel_loop3A_186 = tpu.vector_load %arg10[%parallel_loop3A_184, %parallel_loop3A_185] {strides = array<i32>} : memref<40x256xi32, #tpu.memory_space<vmem>>, vector<1x16xi32>,
        %parallel_loop3A_187 = vector.shape_cast %parallel_loop3A_186 : vector<1x16xi32> to vector<16xi32>
        %parallel_loop3A_188 = arith.index_cast %parallel_loop3A_183 : i32 to index
        %parallel_loop3A_189 = arith.constant 0 : index
        %parallel_loop3A_190 = tpu.vector_load %arg12[%parallel_loop3A_188, %parallel_loop3A_189] {strides = array<i32>} : memref<40x256xi32, #tpu.memory_space<vmem>>, vector<1x16xi32>,
        %parallel_loop3A_191 = vector.shape_cast %parallel_loop3A_190 : vector<1x16xi32> to vector<16xi32>
        %parallel_loop3A_192 = arith.constant 16 : i32
        %parallel_loop3A_193 = vector.broadcast %parallel_loop3A_192 : i32 to vector<16xi32>
        %parallel_loop3A_194 = arith.shli %parallel_loop3A_187, %parallel_loop3A_193 : vector<16xi32>
        %parallel_loop3A_195 = tpu.bitcast %parallel_loop3A_194 : vector<16xi32> -> vector<16xf32>
        %parallel_loop3A_196 = arith.constant 16 : i32
        %parallel_loop3A_197 = vector.broadcast %parallel_loop3A_196 : i32 to vector<16xi32>
        %parallel_loop3A_198 = arith.shli %parallel_loop3A_191, %parallel_loop3A_197 : vector<16xi32>
        %parallel_loop3A_199 = tpu.bitcast %parallel_loop3A_198 : vector<16xi32> -> vector<16xf32>
        %parallel_loop3A_200 = arith.addf %parallel_loop3A_195, %parallel_loop3A_199 : vector<16xf32>
        %parallel_loop3A_201 = tpu.bitcast %parallel_loop3A_187 : vector<16xi32> -> vector<16xf32>
        %parallel_loop3A_202 = tpu.bitcast %parallel_loop3A_191 : vector<16xi32> -> vector<16xf32>
        %parallel_loop3A_203 = arith.addf %parallel_loop3A_201, %parallel_loop3A_202 : vector<16xf32>
        %parallel_loop3A_204 = arith.index_cast %parallel_loop3A_183 : i32 to index
        %parallel_loop3A_205 = arith.constant 0 : index
        %parallel_loop3A_206 = tpu.vector_load %arg14[%parallel_loop3A_204, %parallel_loop3A_205] {strides = array<i32>} : memref<40x512xf32, #tpu.memory_space<vmem>>, vector<1x16xf32>,
        %parallel_loop3A_207 = vector.shape_cast %parallel_loop3A_206 : vector<1x16xf32> to vector<16xf32>
        %parallel_loop3A_208 = vector.shape_cast %parallel_loop3A_200 : vector<16xf32> to vector<1x16xf32>
        tpu.vector_store %arg14[%parallel_loop3A_204, %parallel_loop3A_205], %parallel_loop3A_208 {strides = array<i32>} : memref<40x512xf32, #tpu.memory_space<vmem>>, vector<1x16xf32>,
        %parallel_loop3A_209 = arith.index_cast %parallel_loop3A_183 : i32 to index
        %parallel_loop3A_210 = arith.constant 16 : index
        %parallel_loop3A_211 = tpu.vector_load %arg14[%parallel_loop3A_209, %parallel_loop3A_210] {strides = array<i32>} : memref<40x512xf32, #tpu.memory_space<vmem>>, vector<1x16xf32>,
        %parallel_loop3A_212 = vector.shape_cast %parallel_loop3A_211 : vector<1x16xf32> to vector<16xf32>
        %parallel_loop3A_213 = vector.shape_cast %parallel_loop3A_203 : vector<16xf32> to vector<1x16xf32>
        tpu.vector_store %arg14[%parallel_loop3A_209, %parallel_loop3A_210], %parallel_loop3A_213 {strides = array<i32>} : memref<40x512xf32, #tpu.memory_space<vmem>>, vector<1x16xf32>,
        %parallel_loop3A_214 = arith.index_cast %parallel_loop3A_183 : i32 to index
        %parallel_loop3A_215 = arith.constant 16 : index
        %parallel_loop3A_216 = tpu.vector_load %arg10[%parallel_loop3A_214, %parallel_loop3A_215] {strides = array<i32>} : memref<40x256xi32, #tpu.memory_space<vmem>>, vector<1x16xi32>,
        %parallel_loop3A_217 = vector.shape_cast %parallel_loop3A_216 : vector<1x16xi32> to vector<16xi32>
        %parallel_loop3A_218 = arith.index_cast %parallel_loop3A_183 : i32 to index
        %parallel_loop3A_219 = arith.constant 16 : index
        %parallel_loop3A_220 = tpu.vector_load %arg12[%parallel_loop3A_218, %parallel_loop3A_219] {strides = array<i32>} : memref<40x256xi32, #tpu.memory_space<vmem>>, vector<1x16xi32>,
        %parallel_loop3A_221 = vector.shape_cast %parallel_loop3A_220 : vector<1x16xi32> to vector<16xi32>
        %parallel_loop3A_222 = arith.constant 16 : i32
        %parallel_loop3A_223 = vector.broadcast %parallel_loop3A_222 : i32 to vector<16xi32>
        %parallel_loop3A_224 = arith.shli %parallel_loop3A_217, %parallel_loop3A_223 : vector<16xi32>
        %parallel_loop3A_225 = tpu.bitcast %parallel_loop3A_224 : vector<16xi32> -> vector<16xf32>
        %parallel_loop3A_226 = arith.constant 16 : i32
        %parallel_loop3A_227 = vector.broadcast %parallel_loop3A_226 : i32 to vector<16xi32>
        %parallel_loop3A_228 = arith.shli %parallel_loop3A_221, %parallel_loop3A_227 : vector<16xi32>
        %parallel_loop3A_229 = tpu.bitcast %parallel_loop3A_228 : vector<16xi32> -> vector<16xf32>
        %parallel_loop3A_230 = arith.addf %parallel_loop3A_225, %parallel_loop3A_229 : vector<16xf32>
        %parallel_loop3A_231 = tpu.bitcast %parallel_loop3A_217 : vector<16xi32> -> vector<16xf32>
        %parallel_loop3A_232 = tpu.bitcast %parallel_loop3A_221 : vector<16xi32> -> vector<16xf32>
        %parallel_loop3A_233 = arith.addf %parallel_loop3A_231, %parallel_loop3A_232 : vector<16xf32>
        %parallel_loop3A_234 = arith.index_cast %parallel_loop3A_183 : i32 to index
        %parallel_loop3A_235 = arith.constant 32 : index
        %parallel_loop3A_236 = tpu.vector_load %arg14[%parallel_loop3A_234, %parallel_loop3A_235] {strides = array<i32>} : memref<40x512xf32, #tpu.memory_space<vmem>>, vector<1x16xf32>,
        %parallel_loop3A_237 = vector.shape_cast %parallel_loop3A_236 : vector<1x16xf32> to vector<16xf32>
        %parallel_loop3A_238 = vector.shape_cast %parallel_loop3A_230 : vector<16xf32> to vector<1x16xf32>
        tpu.vector_store %arg14[%parallel_loop3A_234, %parallel_loop3A_235], %parallel_loop3A_238 {strides = array<i32>} : memref<40x512xf32, #tpu.memory_space<vmem>>, vector<1x16xf32>,
        %parallel_loop3A_239 = arith.index_cast %parallel_loop3A_183 : i32 to index
        %parallel_loop3A_240 = arith.constant 48 : index
        %parallel_loop3A_241 = tpu.vector_load %arg14[%parallel_loop3A_239, %parallel_loop3A_240] {strides = array<i32>} : memref<40x512xf32, #tpu.memory_space<vmem>>, vector<1x16xf32>,
        %parallel_loop3A_242 = vector.shape_cast %parallel_loop3A_241 : vector<1x16xf32> to vector<16xf32>
        %parallel_loop3A_243 = vector.shape_cast %parallel_loop3A_233 : vector<16xf32> to vector<1x16xf32>
        tpu.vector_store %arg14[%parallel_loop3A_239, %parallel_loop3A_240], %parallel_loop3A_243 {strides = array<i32>} : memref<40x512xf32, #tpu.memory_space<vmem>>, vector<1x16xf32>,
        %parallel_loop3A_244 = arith.index_cast %parallel_loop3A_183 : i32 to index
        %parallel_loop3A_245 = arith.constant 32 : index
        %parallel_loop3A_246 = tpu.vector_load %arg10[%parallel_loop3A_244, %parallel_loop3A_245] {strides = array<i32>} : memref<40x256xi32, #tpu.memory_space<vmem>>, vector<1x16xi32>,
        %parallel_loop3A_247 = vector.shape_cast %parallel_loop3A_246 : vector<1x16xi32> to vector<16xi32>
        %parallel_loop3A_248 = arith.index_cast %parallel_loop3A_183 : i32 to index
        %parallel_loop3A_249 = arith.constant 32 : index
        %parallel_loop3A_250 = tpu.vector_load %arg12[%parallel_loop3A_248, %parallel_loop3A_249] {strides = array<i32>} : memref<40x256xi32, #tpu.memory_space<vmem>>, vector<1x16xi32>,
        %parallel_loop3A_251 = vector.shape_cast %parallel_loop3A_250 : vector<1x16xi32> to vector<16xi32>
        %parallel_loop3A_252 = arith.constant 16 : i32
        %parallel_loop3A_253 = vector.broadcast %parallel_loop3A_252 : i32 to vector<16xi32>
        %parallel_loop3A_254 = arith.shli %parallel_loop3A_247, %parallel_loop3A_253 : vector<16xi32>
        %parallel_loop3A_255 = tpu.bitcast %parallel_loop3A_254 : vector<16xi32> -> vector<16xf32>
        %parallel_loop3A_256 = arith.constant 16 : i32
        %parallel_loop3A_257 = vector.broadcast %parallel_loop3A_256 : i32 to vector<16xi32>
        %parallel_loop3A_258 = arith.shli %parallel_loop3A_251, %parallel_loop3A_257 : vector<16xi32>
        %parallel_loop3A_259 = tpu.bitcast %parallel_loop3A_258 : vector<16xi32> -> vector<16xf32>
        %parallel_loop3A_260 = arith.addf %parallel_loop3A_255, %parallel_loop3A_259 : vector<16xf32>
        %parallel_loop3A_261 = tpu.bitcast %parallel_loop3A_247 : vector<16xi32> -> vector<16xf32>
        %parallel_loop3A_262 = tpu.bitcast %parallel_loop3A_251 : vector<16xi32> -> vector<16xf32>
        %parallel_loop3A_263 = arith.addf %parallel_loop3A_261, %parallel_loop3A_262 : vector<16xf32>
        %parallel_loop3A_264 = arith.index_cast %parallel_loop3A_183 : i32 to index
        %parallel_loop3A_265 = arith.constant 64 : index
        %parallel_loop3A_266 = tpu.vector_load %arg14[%parallel_loop3A_264, %parallel_loop3A_265] {strides = array<i32>} : memref<40x512xf32, #tpu.memory_space<vmem>>, vector<1x16xf32>,
        %parallel_loop3A_267 = vector.shape_cast %parallel_loop3A_266 : vector<1x16xf32> to vector<16xf32>
        %parallel_loop3A_268 = vector.shape_cast %parallel_loop3A_260 : vector<16xf32> to vector<1x16xf32>
        tpu.vector_store %arg14[%parallel_loop3A_264, %parallel_loop3A_265], %parallel_loop3A_268 {strides = array<i32>} : memref<40x512xf32, #tpu.memory_space<vmem>>, vector<1x16xf32>,
        %parallel_loop3A_269 = arith.index_cast %parallel_loop3A_183 : i32 to index
        %parallel_loop3A_270 = arith.constant 80 : index
        %parallel_loop3A_271 = tpu.vector_load %arg14[%parallel_loop3A_269, %parallel_loop3A_270] {strides = array<i32>} : memref<40x512xf32, #tpu.memory_space<vmem>>, vector<1x16xf32>,
        %parallel_loop3A_272 = vector.shape_cast %parallel_loop3A_271 : vector<1x16xf32> to vector<16xf32>
        %parallel_loop3A_273 = vector.shape_cast %parallel_loop3A_263 : vector<16xf32> to vector<1x16xf32>
        tpu.vector_store %arg14[%parallel_loop3A_269, %parallel_loop3A_270], %parallel_loop3A_273 {strides = array<i32>} : memref<40x512xf32, #tpu.memory_space<vmem>>, vector<1x16xf32>,
        %parallel_loop3A_274 = arith.index_cast %parallel_loop3A_183 : i32 to index
        %parallel_loop3A_275 = arith.constant 48 : index
        %parallel_loop3A_276 = tpu.vector_load %arg10[%parallel_loop3A_274, %parallel_loop3A_275] {strides = array<i32>} : memref<40x256xi32, #tpu.memory_space<vmem>>, vector<1x16xi32>,
        %parallel_loop3A_277 = vector.shape_cast %parallel_loop3A_276 : vector<1x16xi32> to vector<16xi32>
        %parallel_loop3A_278 = arith.index_cast %parallel_loop3A_183 : i32 to index
        %parallel_loop3A_279 = arith.constant 48 : index
        %parallel_loop3A_280 = tpu.vector_load %arg12[%parallel_loop3A_278, %parallel_loop3A_279] {strides = array<i32>} : memref<40x256xi32, #tpu.memory_space<vmem>>, vector<1x16xi32>,
        %parallel_loop3A_281 = vector.shape_cast %parallel_loop3A_280 : vector<1x16xi32> to vector<16xi32>
        %parallel_loop3A_282 = arith.constant 16 : i32
        %parallel_loop3A_283 = vector.broadcast %parallel_loop3A_282 : i32 to vector<16xi32>
        %parallel_loop3A_284 = arith.shli %parallel_loop3A_277, %parallel_loop3A_283 : vector<16xi32>
        %parallel_loop3A_285 = tpu.bitcast %parallel_loop3A_284 : vector<16xi32> -> vector<16xf32>
        %parallel_loop3A_286 = arith.constant 16 : i32
        %parallel_loop3A_287 = vector.broadcast %parallel_loop3A_286 : i32 to vector<16xi32>
        %parallel_loop3A_288 = arith.shli %parallel_loop3A_281, %parallel_loop3A_287 : vector<16xi32>
        %parallel_loop3A_289 = tpu.bitcast %parallel_loop3A_288 : vector<16xi32> -> vector<16xf32>
        %parallel_loop3A_290 = arith.addf %parallel_loop3A_285, %parallel_loop3A_289 : vector<16xf32>
        %parallel_loop3A_291 = tpu.bitcast %parallel_loop3A_277 : vector<16xi32> -> vector<16xf32>
        %parallel_loop3A_292 = tpu.bitcast %parallel_loop3A_281 : vector<16xi32> -> vector<16xf32>
        %parallel_loop3A_293 = arith.addf %parallel_loop3A_291, %parallel_loop3A_292 : vector<16xf32>
        %parallel_loop3A_294 = arith.index_cast %parallel_loop3A_183 : i32 to index
        %parallel_loop3A_295 = arith.constant 96 : index
        %parallel_loop3A_296 = tpu.vector_load %arg14[%parallel_loop3A_294, %parallel_loop3A_295] {strides = array<i32>} : memref<40x512xf32, #tpu.memory_space<vmem>>, vector<1x16xf32>,
        %parallel_loop3A_297 = vector.shape_cast %parallel_loop3A_296 : vector<1x16xf32> to vector<16xf32>
        %parallel_loop3A_298 = vector.shape_cast %parallel_loop3A_290 : vector<16xf32> to vector<1x16xf32>
        tpu.vector_store %arg14[%parallel_loop3A_294, %parallel_loop3A_295], %parallel_loop3A_298 {strides = array<i32>} : memref<40x512xf32, #tpu.memory_space<vmem>>, vector<1x16xf32>,
        %parallel_loop3A_299 = arith.index_cast %parallel_loop3A_183 : i32 to index
        %parallel_loop3A_300 = arith.constant 112 : index
        %parallel_loop3A_301 = tpu.vector_load %arg14[%parallel_loop3A_299, %parallel_loop3A_300] {strides = array<i32>} : memref<40x512xf32, #tpu.memory_space<vmem>>, vector<1x16xf32>,
        %parallel_loop3A_302 = vector.shape_cast %parallel_loop3A_301 : vector<1x16xf32> to vector<16xf32>
        %parallel_loop3A_303 = vector.shape_cast %parallel_loop3A_293 : vector<16xf32> to vector<1x16xf32>
        tpu.vector_store %arg14[%parallel_loop3A_299, %parallel_loop3A_300], %parallel_loop3A_303 {strides = array<i32>} : memref<40x512xf32, #tpu.memory_space<vmem>>, vector<1x16xf32>,
        %parallel_loop3A_304 = arith.index_cast %parallel_loop3A_183 : i32 to index
        %parallel_loop3A_305 = arith.constant 64 : index
        %parallel_loop3A_306 = tpu.vector_load %arg10[%parallel_loop3A_304, %parallel_loop3A_305] {strides = array<i32>} : memref<40x256xi32, #tpu.memory_space<vmem>>, vector<1x16xi32>,
        %parallel_loop3A_307 = vector.shape_cast %parallel_loop3A_306 : vector<1x16xi32> to vector<16xi32>
        %parallel_loop3A_308 = arith.index_cast %parallel_loop3A_183 : i32 to index
        %parallel_loop3A_309 = arith.constant 64 : index
        %parallel_loop3A_310 = tpu.vector_load %arg12[%parallel_loop3A_308, %parallel_loop3A_309] {strides = array<i32>} : memref<40x256xi32, #tpu.memory_space<vmem>>, vector<1x16xi32>,
        %parallel_loop3A_311 = vector.shape_cast %parallel_loop3A_310 : vector<1x16xi32> to vector<16xi32>
        %parallel_loop3A_312 = arith.constant 16 : i32
        %parallel_loop3A_313 = vector.broadcast %parallel_loop3A_312 : i32 to vector<16xi32>
        %parallel_loop3A_314 = arith.shli %parallel_loop3A_307, %parallel_loop3A_313 : vector<16xi32>
        %parallel_loop3A_315 = tpu.bitcast %parallel_loop3A_314 : vector<16xi32> -> vector<16xf32>
        %parallel_loop3A_316 = arith.constant 16 : i32
        %parallel_loop3A_317 = vector.broadcast %parallel_loop3A_316 : i32 to vector<16xi32>
        %parallel_loop3A_318 = arith.shli %parallel_loop3A_311, %parallel_loop3A_317 : vector<16xi32>
        %parallel_loop3A_319 = tpu.bitcast %parallel_loop3A_318 : vector<16xi32> -> vector<16xf32>
        %parallel_loop3A_320 = arith.addf %parallel_loop3A_315, %parallel_loop3A_319 : vector<16xf32>
        %parallel_loop3A_321 = tpu.bitcast %parallel_loop3A_307 : vector<16xi32> -> vector<16xf32>
        %parallel_loop3A_322 = tpu.bitcast %parallel_loop3A_311 : vector<16xi32> -> vector<16xf32>
        %parallel_loop3A_323 = arith.addf %parallel_loop3A_321, %parallel_loop3A_322 : vector<16xf32>
        %parallel_loop3A_324 = arith.index_cast %parallel_loop3A_183 : i32 to index
        %parallel_loop3A_325 = arith.constant 128 : index
        %parallel_loop3A_326 = tpu.vector_load %arg14[%parallel_loop3A_324, %parallel_loop3A_325] {strides = array<i32>} : memref<40x512xf32, #tpu.memory_space<vmem>>, vector<1x16xf32>,
        %parallel_loop3A_327 = vector.shape_cast %parallel_loop3A_326 : vector<1x16xf32> to vector<16xf32>
        %parallel_loop3A_328 = vector.shape_cast %parallel_loop3A_320 : vector<16xf32> to vector<1x16xf32>
        tpu.vector_store %arg14[%parallel_loop3A_324, %parallel_loop3A_325], %parallel_loop3A_328 {strides = array<i32>} : memref<40x512xf32, #tpu.memory_space<vmem>>, vector<1x16xf32>,
        %parallel_loop3A_329 = arith.index_cast %parallel_loop3A_183 : i32 to index
        %parallel_loop3A_330 = arith.constant 144 : index
        %parallel_loop3A_331 = tpu.vector_load %arg14[%parallel_loop3A_329, %parallel_loop3A_330] {strides = array<i32>} : memref<40x512xf32, #tpu.memory_space<vmem>>, vector<1x16xf32>,
        %parallel_loop3A_332 = vector.shape_cast %parallel_loop3A_331 : vector<1x16xf32> to vector<16xf32>
        %parallel_loop3A_333 = vector.shape_cast %parallel_loop3A_323 : vector<16xf32> to vector<1x16xf32>
        tpu.vector_store %arg14[%parallel_loop3A_329, %parallel_loop3A_330], %parallel_loop3A_333 {strides = array<i32>} : memref<40x512xf32, #tpu.memory_space<vmem>>, vector<1x16xf32>,
        %parallel_loop3A_334 = arith.index_cast %parallel_loop3A_183 : i32 to index
        %parallel_loop3A_335 = arith.constant 80 : index
        %parallel_loop3A_336 = tpu.vector_load %arg10[%parallel_loop3A_334, %parallel_loop3A_335] {strides = array<i32>} : memref<40x256xi32, #tpu.memory_space<vmem>>, vector<1x16xi32>,
        %parallel_loop3A_337 = vector.shape_cast %parallel_loop3A_336 : vector<1x16xi32> to vector<16xi32>
        %parallel_loop3A_338 = arith.index_cast %parallel_loop3A_183 : i32 to index
        %parallel_loop3A_339 = arith.constant 80 : index
        %parallel_loop3A_340 = tpu.vector_load %arg12[%parallel_loop3A_338, %parallel_loop3A_339] {strides = array<i32>} : memref<40x256xi32, #tpu.memory_space<vmem>>, vector<1x16xi32>,
        %parallel_loop3A_341 = vector.shape_cast %parallel_loop3A_340 : vector<1x16xi32> to vector<16xi32>
        %parallel_loop3A_342 = arith.constant 16 : i32
        %parallel_loop3A_343 = vector.broadcast %parallel_loop3A_342 : i32 to vector<16xi32>
        %parallel_loop3A_344 = arith.shli %parallel_loop3A_337, %parallel_loop3A_343 : vector<16xi32>
        %parallel_loop3A_345 = tpu.bitcast %parallel_loop3A_344 : vector<16xi32> -> vector<16xf32>
        %parallel_loop3A_346 = arith.constant 16 : i32
        %parallel_loop3A_347 = vector.broadcast %parallel_loop3A_346 : i32 to vector<16xi32>
        %parallel_loop3A_348 = arith.shli %parallel_loop3A_341, %parallel_loop3A_347 : vector<16xi32>
        %parallel_loop3A_349 = tpu.bitcast %parallel_loop3A_348 : vector<16xi32> -> vector<16xf32>
        %parallel_loop3A_350 = arith.addf %parallel_loop3A_345, %parallel_loop3A_349 : vector<16xf32>
        %parallel_loop3A_351 = tpu.bitcast %parallel_loop3A_337 : vector<16xi32> -> vector<16xf32>
        %parallel_loop3A_352 = tpu.bitcast %parallel_loop3A_341 : vector<16xi32> -> vector<16xf32>
        %parallel_loop3A_353 = arith.addf %parallel_loop3A_351, %parallel_loop3A_352 : vector<16xf32>
        %parallel_loop3A_354 = arith.index_cast %parallel_loop3A_183 : i32 to index
        %parallel_loop3A_355 = arith.constant 160 : index
        %parallel_loop3A_356 = tpu.vector_load %arg14[%parallel_loop3A_354, %parallel_loop3A_355] {strides = array<i32>} : memref<40x512xf32, #tpu.memory_space<vmem>>, vector<1x16xf32>,
        %parallel_loop3A_357 = vector.shape_cast %parallel_loop3A_356 : vector<1x16xf32> to vector<16xf32>
        %parallel_loop3A_358 = vector.shape_cast %parallel_loop3A_350 : vector<16xf32> to vector<1x16xf32>
        tpu.vector_store %arg14[%parallel_loop3A_354, %parallel_loop3A_355], %parallel_loop3A_358 {strides = array<i32>} : memref<40x512xf32, #tpu.memory_space<vmem>>, vector<1x16xf32>,
        %parallel_loop3A_359 = arith.index_cast %parallel_loop3A_183 : i32 to index
        %parallel_loop3A_360 = arith.constant 176 : index
        %parallel_loop3A_361 = tpu.vector_load %arg14[%parallel_loop3A_359, %parallel_loop3A_360] {strides = array<i32>} : memref<40x512xf32, #tpu.memory_space<vmem>>, vector<1x16xf32>,
        %parallel_loop3A_362 = vector.shape_cast %parallel_loop3A_361 : vector<1x16xf32> to vector<16xf32>
        %parallel_loop3A_363 = vector.shape_cast %parallel_loop3A_353 : vector<16xf32> to vector<1x16xf32>
        tpu.vector_store %arg14[%parallel_loop3A_359, %parallel_loop3A_360], %parallel_loop3A_363 {strides = array<i32>} : memref<40x512xf32, #tpu.memory_space<vmem>>, vector<1x16xf32>,
        %parallel_loop3A_364 = arith.index_cast %parallel_loop3A_183 : i32 to index
        %parallel_loop3A_365 = arith.constant 96 : index
        %parallel_loop3A_366 = tpu.vector_load %arg10[%parallel_loop3A_364, %parallel_loop3A_365] {strides = array<i32>} : memref<40x256xi32, #tpu.memory_space<vmem>>, vector<1x16xi32>,
        %parallel_loop3A_367 = vector.shape_cast %parallel_loop3A_366 : vector<1x16xi32> to vector<16xi32>
        %parallel_loop3A_368 = arith.index_cast %parallel_loop3A_183 : i32 to index
        %parallel_loop3A_369 = arith.constant 96 : index
        %parallel_loop3A_370 = tpu.vector_load %arg12[%parallel_loop3A_368, %parallel_loop3A_369] {strides = array<i32>} : memref<40x256xi32, #tpu.memory_space<vmem>>, vector<1x16xi32>,
        %parallel_loop3A_371 = vector.shape_cast %parallel_loop3A_370 : vector<1x16xi32> to vector<16xi32>
        %parallel_loop3A_372 = arith.constant 16 : i32
        %parallel_loop3A_373 = vector.broadcast %parallel_loop3A_372 : i32 to vector<16xi32>
        %parallel_loop3A_374 = arith.shli %parallel_loop3A_367, %parallel_loop3A_373 : vector<16xi32>
        %parallel_loop3A_375 = tpu.bitcast %parallel_loop3A_374 : vector<16xi32> -> vector<16xf32>
        %parallel_loop3A_376 = arith.constant 16 : i32
        %parallel_loop3A_377 = vector.broadcast %parallel_loop3A_376 : i32 to vector<16xi32>
        %parallel_loop3A_378 = arith.shli %parallel_loop3A_371, %parallel_loop3A_377 : vector<16xi32>
        %parallel_loop3A_379 = tpu.bitcast %parallel_loop3A_378 : vector<16xi32> -> vector<16xf32>
        %parallel_loop3A_380 = arith.addf %parallel_loop3A_375, %parallel_loop3A_379 : vector<16xf32>
        %parallel_loop3A_381 = tpu.bitcast %parallel_loop3A_367 : vector<16xi32> -> vector<16xf32>
        %parallel_loop3A_382 = tpu.bitcast %parallel_loop3A_371 : vector<16xi32> -> vector<16xf32>
        %parallel_loop3A_383 = arith.addf %parallel_loop3A_381, %parallel_loop3A_382 : vector<16xf32>
        %parallel_loop3A_384 = arith.index_cast %parallel_loop3A_183 : i32 to index
        %parallel_loop3A_385 = arith.constant 192 : index
        %parallel_loop3A_386 = tpu.vector_load %arg14[%parallel_loop3A_384, %parallel_loop3A_385] {strides = array<i32>} : memref<40x512xf32, #tpu.memory_space<vmem>>, vector<1x16xf32>,
        %parallel_loop3A_387 = vector.shape_cast %parallel_loop3A_386 : vector<1x16xf32> to vector<16xf32>
        %parallel_loop3A_388 = vector.shape_cast %parallel_loop3A_380 : vector<16xf32> to vector<1x16xf32>
        tpu.vector_store %arg14[%parallel_loop3A_384, %parallel_loop3A_385], %parallel_loop3A_388 {strides = array<i32>} : memref<40x512xf32, #tpu.memory_space<vmem>>, vector<1x16xf32>,
        %parallel_loop3A_389 = arith.index_cast %parallel_loop3A_183 : i32 to index
        %parallel_loop3A_390 = arith.constant 208 : index
        %parallel_loop3A_391 = tpu.vector_load %arg14[%parallel_loop3A_389, %parallel_loop3A_390] {strides = array<i32>} : memref<40x512xf32, #tpu.memory_space<vmem>>, vector<1x16xf32>,
        %parallel_loop3A_392 = vector.shape_cast %parallel_loop3A_391 : vector<1x16xf32> to vector<16xf32>
        %parallel_loop3A_393 = vector.shape_cast %parallel_loop3A_383 : vector<16xf32> to vector<1x16xf32>
        tpu.vector_store %arg14[%parallel_loop3A_389, %parallel_loop3A_390], %parallel_loop3A_393 {strides = array<i32>} : memref<40x512xf32, #tpu.memory_space<vmem>>, vector<1x16xf32>,
        %parallel_loop3A_394 = arith.index_cast %parallel_loop3A_183 : i32 to index
        %parallel_loop3A_395 = arith.constant 112 : index
        %parallel_loop3A_396 = tpu.vector_load %arg10[%parallel_loop3A_394, %parallel_loop3A_395] {strides = array<i32>} : memref<40x256xi32, #tpu.memory_space<vmem>>, vector<1x16xi32>,
        %parallel_loop3A_397 = vector.shape_cast %parallel_loop3A_396 : vector<1x16xi32> to vector<16xi32>
        %parallel_loop3A_398 = arith.index_cast %parallel_loop3A_183 : i32 to index
        %parallel_loop3A_399 = arith.constant 112 : index
        %parallel_loop3A_400 = tpu.vector_load %arg12[%parallel_loop3A_398, %parallel_loop3A_399] {strides = array<i32>} : memref<40x256xi32, #tpu.memory_space<vmem>>, vector<1x16xi32>,
        %parallel_loop3A_401 = vector.shape_cast %parallel_loop3A_400 : vector<1x16xi32> to vector<16xi32>
        %parallel_loop3A_402 = arith.constant 16 : i32
        %parallel_loop3A_403 = vector.broadcast %parallel_loop3A_402 : i32 to vector<16xi32>
        %parallel_loop3A_404 = arith.shli %parallel_loop3A_397, %parallel_loop3A_403 : vector<16xi32>
        %parallel_loop3A_405 = tpu.bitcast %parallel_loop3A_404 : vector<16xi32> -> vector<16xf32>
        %parallel_loop3A_406 = arith.constant 16 : i32
        %parallel_loop3A_407 = vector.broadcast %parallel_loop3A_406 : i32 to vector<16xi32>
        %parallel_loop3A_408 = arith.shli %parallel_loop3A_401, %parallel_loop3A_407 : vector<16xi32>
        %parallel_loop3A_409 = tpu.bitcast %parallel_loop3A_408 : vector<16xi32> -> vector<16xf32>
        %parallel_loop3A_410 = arith.addf %parallel_loop3A_405, %parallel_loop3A_409 : vector<16xf32>
        %parallel_loop3A_411 = tpu.bitcast %parallel_loop3A_397 : vector<16xi32> -> vector<16xf32>
        %parallel_loop3A_412 = tpu.bitcast %parallel_loop3A_401 : vector<16xi32> -> vector<16xf32>
        %parallel_loop3A_413 = arith.addf %parallel_loop3A_411, %parallel_loop3A_412 : vector<16xf32>
        %parallel_loop3A_414 = arith.index_cast %parallel_loop3A_183 : i32 to index
        %parallel_loop3A_415 = arith.constant 224 : index
        %parallel_loop3A_416 = tpu.vector_load %arg14[%parallel_loop3A_414, %parallel_loop3A_415] {strides = array<i32>} : memref<40x512xf32, #tpu.memory_space<vmem>>, vector<1x16xf32>,
        %parallel_loop3A_417 = vector.shape_cast %parallel_loop3A_416 : vector<1x16xf32> to vector<16xf32>
        %parallel_loop3A_418 = vector.shape_cast %parallel_loop3A_410 : vector<16xf32> to vector<1x16xf32>
        tpu.vector_store %arg14[%parallel_loop3A_414, %parallel_loop3A_415], %parallel_loop3A_418 {strides = array<i32>} : memref<40x512xf32, #tpu.memory_space<vmem>>, vector<1x16xf32>,
        %parallel_loop3A_419 = arith.index_cast %parallel_loop3A_183 : i32 to index
        %parallel_loop3A_420 = arith.constant 240 : index
        %parallel_loop3A_421 = tpu.vector_load %arg14[%parallel_loop3A_419, %parallel_loop3A_420] {strides = array<i32>} : memref<40x512xf32, #tpu.memory_space<vmem>>, vector<1x16xf32>,
        %parallel_loop3A_422 = vector.shape_cast %parallel_loop3A_421 : vector<1x16xf32> to vector<16xf32>
        %parallel_loop3A_423 = vector.shape_cast %parallel_loop3A_413 : vector<16xf32> to vector<1x16xf32>
        tpu.vector_store %arg14[%parallel_loop3A_419, %parallel_loop3A_420], %parallel_loop3A_423 {strides = array<i32>} : memref<40x512xf32, #tpu.memory_space<vmem>>, vector<1x16xf32>,
        %parallel_loop3A_424 = arith.index_cast %parallel_loop3A_183 : i32 to index
        %parallel_loop3A_425 = arith.constant 128 : index
        %parallel_loop3A_426 = tpu.vector_load %arg10[%parallel_loop3A_424, %parallel_loop3A_425] {strides = array<i32>} : memref<40x256xi32, #tpu.memory_space<vmem>>, vector<1x16xi32>,
        %parallel_loop3A_427 = vector.shape_cast %parallel_loop3A_426 : vector<1x16xi32> to vector<16xi32>
        %parallel_loop3A_428 = arith.index_cast %parallel_loop3A_183 : i32 to index
        %parallel_loop3A_429 = arith.constant 128 : index
        %parallel_loop3A_430 = tpu.vector_load %arg12[%parallel_loop3A_428, %parallel_loop3A_429] {strides = array<i32>} : memref<40x256xi32, #tpu.memory_space<vmem>>, vector<1x16xi32>,
        %parallel_loop3A_431 = vector.shape_cast %parallel_loop3A_430 : vector<1x16xi32> to vector<16xi32>
        %parallel_loop3A_432 = arith.constant 16 : i32
        %parallel_loop3A_433 = vector.broadcast %parallel_loop3A_432 : i32 to vector<16xi32>
        %parallel_loop3A_434 = arith.shli %parallel_loop3A_427, %parallel_loop3A_433 : vector<16xi32>
        %parallel_loop3A_435 = tpu.bitcast %parallel_loop3A_434 : vector<16xi32> -> vector<16xf32>
        %parallel_loop3A_436 = arith.constant 16 : i32
        %parallel_loop3A_437 = vector.broadcast %parallel_loop3A_436 : i32 to vector<16xi32>
        %parallel_loop3A_438 = arith.shli %parallel_loop3A_431, %parallel_loop3A_437 : vector<16xi32>
        %parallel_loop3A_439 = tpu.bitcast %parallel_loop3A_438 : vector<16xi32> -> vector<16xf32>
        %parallel_loop3A_440 = arith.addf %parallel_loop3A_435, %parallel_loop3A_439 : vector<16xf32>
        %parallel_loop3A_441 = tpu.bitcast %parallel_loop3A_427 : vector<16xi32> -> vector<16xf32>
        %parallel_loop3A_442 = tpu.bitcast %parallel_loop3A_431 : vector<16xi32> -> vector<16xf32>
        %parallel_loop3A_443 = arith.addf %parallel_loop3A_441, %parallel_loop3A_442 : vector<16xf32>
        %parallel_loop3A_444 = arith.index_cast %parallel_loop3A_183 : i32 to index
        %parallel_loop3A_445 = arith.constant 256 : index
        %parallel_loop3A_446 = tpu.vector_load %arg14[%parallel_loop3A_444, %parallel_loop3A_445] {strides = array<i32>} : memref<40x512xf32, #tpu.memory_space<vmem>>, vector<1x16xf32>,
        %parallel_loop3A_447 = vector.shape_cast %parallel_loop3A_446 : vector<1x16xf32> to vector<16xf32>
        %parallel_loop3A_448 = vector.shape_cast %parallel_loop3A_440 : vector<16xf32> to vector<1x16xf32>
        tpu.vector_store %arg14[%parallel_loop3A_444, %parallel_loop3A_445], %parallel_loop3A_448 {strides = array<i32>} : memref<40x512xf32, #tpu.memory_space<vmem>>, vector<1x16xf32>,
        %parallel_loop3A_449 = arith.index_cast %parallel_loop3A_183 : i32 to index
        %parallel_loop3A_450 = arith.constant 272 : index
        %parallel_loop3A_451 = tpu.vector_load %arg14[%parallel_loop3A_449, %parallel_loop3A_450] {strides = array<i32>} : memref<40x512xf32, #tpu.memory_space<vmem>>, vector<1x16xf32>,
        %parallel_loop3A_452 = vector.shape_cast %parallel_loop3A_451 : vector<1x16xf32> to vector<16xf32>
        %parallel_loop3A_453 = vector.shape_cast %parallel_loop3A_443 : vector<16xf32> to vector<1x16xf32>
        tpu.vector_store %arg14[%parallel_loop3A_449, %parallel_loop3A_450], %parallel_loop3A_453 {strides = array<i32>} : memref<40x512xf32, #tpu.memory_space<vmem>>, vector<1x16xf32>,
        %parallel_loop3A_454 = arith.index_cast %parallel_loop3A_183 : i32 to index
        %parallel_loop3A_455 = arith.constant 144 : index
        %parallel_loop3A_456 = tpu.vector_load %arg10[%parallel_loop3A_454, %parallel_loop3A_455] {strides = array<i32>} : memref<40x256xi32, #tpu.memory_space<vmem>>, vector<1x16xi32>,
        %parallel_loop3A_457 = vector.shape_cast %parallel_loop3A_456 : vector<1x16xi32> to vector<16xi32>
        %parallel_loop3A_458 = arith.index_cast %parallel_loop3A_183 : i32 to index
        %parallel_loop3A_459 = arith.constant 144 : index
        %parallel_loop3A_460 = tpu.vector_load %arg12[%parallel_loop3A_458, %parallel_loop3A_459] {strides = array<i32>} : memref<40x256xi32, #tpu.memory_space<vmem>>, vector<1x16xi32>,
        %parallel_loop3A_461 = vector.shape_cast %parallel_loop3A_460 : vector<1x16xi32> to vector<16xi32>
        %parallel_loop3A_462 = arith.constant 16 : i32
        %parallel_loop3A_463 = vector.broadcast %parallel_loop3A_462 : i32 to vector<16xi32>
        %parallel_loop3A_464 = arith.shli %parallel_loop3A_457, %parallel_loop3A_463 : vector<16xi32>
        %parallel_loop3A_465 = tpu.bitcast %parallel_loop3A_464 : vector<16xi32> -> vector<16xf32>
        %parallel_loop3A_466 = arith.constant 16 : i32
        %parallel_loop3A_467 = vector.broadcast %parallel_loop3A_466 : i32 to vector<16xi32>
        %parallel_loop3A_468 = arith.shli %parallel_loop3A_461, %parallel_loop3A_467 : vector<16xi32>
        %parallel_loop3A_469 = tpu.bitcast %parallel_loop3A_468 : vector<16xi32> -> vector<16xf32>
        %parallel_loop3A_470 = arith.addf %parallel_loop3A_465, %parallel_loop3A_469 : vector<16xf32>
        %parallel_loop3A_471 = tpu.bitcast %parallel_loop3A_457 : vector<16xi32> -> vector<16xf32>
        %parallel_loop3A_472 = tpu.bitcast %parallel_loop3A_461 : vector<16xi32> -> vector<16xf32>
        %parallel_loop3A_473 = arith.addf %parallel_loop3A_471, %parallel_loop3A_472 : vector<16xf32>
        %parallel_loop3A_474 = arith.index_cast %parallel_loop3A_183 : i32 to index
        %parallel_loop3A_475 = arith.constant 288 : index
        %parallel_loop3A_476 = tpu.vector_load %arg14[%parallel_loop3A_474, %parallel_loop3A_475] {strides = array<i32>} : memref<40x512xf32, #tpu.memory_space<vmem>>, vector<1x16xf32>,
        %parallel_loop3A_477 = vector.shape_cast %parallel_loop3A_476 : vector<1x16xf32> to vector<16xf32>
        %parallel_loop3A_478 = vector.shape_cast %parallel_loop3A_470 : vector<16xf32> to vector<1x16xf32>
        tpu.vector_store %arg14[%parallel_loop3A_474, %parallel_loop3A_475], %parallel_loop3A_478 {strides = array<i32>} : memref<40x512xf32, #tpu.memory_space<vmem>>, vector<1x16xf32>,
        %parallel_loop3A_479 = arith.index_cast %parallel_loop3A_183 : i32 to index
        %parallel_loop3A_480 = arith.constant 304 : index
        %parallel_loop3A_481 = tpu.vector_load %arg14[%parallel_loop3A_479, %parallel_loop3A_480] {strides = array<i32>} : memref<40x512xf32, #tpu.memory_space<vmem>>, vector<1x16xf32>,
        %parallel_loop3A_482 = vector.shape_cast %parallel_loop3A_481 : vector<1x16xf32> to vector<16xf32>
        %parallel_loop3A_483 = vector.shape_cast %parallel_loop3A_473 : vector<16xf32> to vector<1x16xf32>
        tpu.vector_store %arg14[%parallel_loop3A_479, %parallel_loop3A_480], %parallel_loop3A_483 {strides = array<i32>} : memref<40x512xf32, #tpu.memory_space<vmem>>, vector<1x16xf32>,
        %parallel_loop3A_484 = arith.index_cast %parallel_loop3A_183 : i32 to index
        %parallel_loop3A_485 = arith.constant 160 : index
        %parallel_loop3A_486 = tpu.vector_load %arg10[%parallel_loop3A_484, %parallel_loop3A_485] {strides = array<i32>} : memref<40x256xi32, #tpu.memory_space<vmem>>, vector<1x16xi32>,
        %parallel_loop3A_487 = vector.shape_cast %parallel_loop3A_486 : vector<1x16xi32> to vector<16xi32>
        %parallel_loop3A_488 = arith.index_cast %parallel_loop3A_183 : i32 to index
        %parallel_loop3A_489 = arith.constant 160 : index
        %parallel_loop3A_490 = tpu.vector_load %arg12[%parallel_loop3A_488, %parallel_loop3A_489] {strides = array<i32>} : memref<40x256xi32, #tpu.memory_space<vmem>>, vector<1x16xi32>,
        %parallel_loop3A_491 = vector.shape_cast %parallel_loop3A_490 : vector<1x16xi32> to vector<16xi32>
        %parallel_loop3A_492 = arith.constant 16 : i32
        %parallel_loop3A_493 = vector.broadcast %parallel_loop3A_492 : i32 to vector<16xi32>
        %parallel_loop3A_494 = arith.shli %parallel_loop3A_487, %parallel_loop3A_493 : vector<16xi32>
        %parallel_loop3A_495 = tpu.bitcast %parallel_loop3A_494 : vector<16xi32> -> vector<16xf32>
        %parallel_loop3A_496 = arith.constant 16 : i32
        %parallel_loop3A_497 = vector.broadcast %parallel_loop3A_496 : i32 to vector<16xi32>
        %parallel_loop3A_498 = arith.shli %parallel_loop3A_491, %parallel_loop3A_497 : vector<16xi32>
        %parallel_loop3A_499 = tpu.bitcast %parallel_loop3A_498 : vector<16xi32> -> vector<16xf32>
        %parallel_loop3A_500 = arith.addf %parallel_loop3A_495, %parallel_loop3A_499 : vector<16xf32>
        %parallel_loop3A_501 = tpu.bitcast %parallel_loop3A_487 : vector<16xi32> -> vector<16xf32>
        %parallel_loop3A_502 = tpu.bitcast %parallel_loop3A_491 : vector<16xi32> -> vector<16xf32>
        %parallel_loop3A_503 = arith.addf %parallel_loop3A_501, %parallel_loop3A_502 : vector<16xf32>
        %parallel_loop3A_504 = arith.index_cast %parallel_loop3A_183 : i32 to index
        %parallel_loop3A_505 = arith.constant 320 : index
        %parallel_loop3A_506 = tpu.vector_load %arg14[%parallel_loop3A_504, %parallel_loop3A_505] {strides = array<i32>} : memref<40x512xf32, #tpu.memory_space<vmem>>, vector<1x16xf32>,
        %parallel_loop3A_507 = vector.shape_cast %parallel_loop3A_506 : vector<1x16xf32> to vector<16xf32>
        %parallel_loop3A_508 = vector.shape_cast %parallel_loop3A_500 : vector<16xf32> to vector<1x16xf32>
        tpu.vector_store %arg14[%parallel_loop3A_504, %parallel_loop3A_505], %parallel_loop3A_508 {strides = array<i32>} : memref<40x512xf32, #tpu.memory_space<vmem>>, vector<1x16xf32>,
        %parallel_loop3A_509 = arith.index_cast %parallel_loop3A_183 : i32 to index
        %parallel_loop3A_510 = arith.constant 336 : index
        %parallel_loop3A_511 = tpu.vector_load %arg14[%parallel_loop3A_509, %parallel_loop3A_510] {strides = array<i32>} : memref<40x512xf32, #tpu.memory_space<vmem>>, vector<1x16xf32>,
        %parallel_loop3A_512 = vector.shape_cast %parallel_loop3A_511 : vector<1x16xf32> to vector<16xf32>
        %parallel_loop3A_513 = vector.shape_cast %parallel_loop3A_503 : vector<16xf32> to vector<1x16xf32>
        tpu.vector_store %arg14[%parallel_loop3A_509, %parallel_loop3A_510], %parallel_loop3A_513 {strides = array<i32>} : memref<40x512xf32, #tpu.memory_space<vmem>>, vector<1x16xf32>,
        %parallel_loop3A_514 = arith.index_cast %parallel_loop3A_183 : i32 to index
        %parallel_loop3A_515 = arith.constant 176 : index
        %parallel_loop3A_516 = tpu.vector_load %arg10[%parallel_loop3A_514, %parallel_loop3A_515] {strides = array<i32>} : memref<40x256xi32, #tpu.memory_space<vmem>>, vector<1x16xi32>,
        %parallel_loop3A_517 = vector.shape_cast %parallel_loop3A_516 : vector<1x16xi32> to vector<16xi32>
        %parallel_loop3A_518 = arith.index_cast %parallel_loop3A_183 : i32 to index
        %parallel_loop3A_519 = arith.constant 176 : index
        %parallel_loop3A_520 = tpu.vector_load %arg12[%parallel_loop3A_518, %parallel_loop3A_519] {strides = array<i32>} : memref<40x256xi32, #tpu.memory_space<vmem>>, vector<1x16xi32>,
        %parallel_loop3A_521 = vector.shape_cast %parallel_loop3A_520 : vector<1x16xi32> to vector<16xi32>
        %parallel_loop3A_522 = arith.constant 16 : i32
        %parallel_loop3A_523 = vector.broadcast %parallel_loop3A_522 : i32 to vector<16xi32>
        %parallel_loop3A_524 = arith.shli %parallel_loop3A_517, %parallel_loop3A_523 : vector<16xi32>
        %parallel_loop3A_525 = tpu.bitcast %parallel_loop3A_524 : vector<16xi32> -> vector<16xf32>
        %parallel_loop3A_526 = arith.constant 16 : i32
        %parallel_loop3A_527 = vector.broadcast %parallel_loop3A_526 : i32 to vector<16xi32>
        %parallel_loop3A_528 = arith.shli %parallel_loop3A_521, %parallel_loop3A_527 : vector<16xi32>
        %parallel_loop3A_529 = tpu.bitcast %parallel_loop3A_528 : vector<16xi32> -> vector<16xf32>
        %parallel_loop3A_530 = arith.addf %parallel_loop3A_525, %parallel_loop3A_529 : vector<16xf32>
        %parallel_loop3A_531 = tpu.bitcast %parallel_loop3A_517 : vector<16xi32> -> vector<16xf32>
        %parallel_loop3A_532 = tpu.bitcast %parallel_loop3A_521 : vector<16xi32> -> vector<16xf32>
        %parallel_loop3A_533 = arith.addf %parallel_loop3A_531, %parallel_loop3A_532 : vector<16xf32>
        %parallel_loop3A_534 = arith.index_cast %parallel_loop3A_183 : i32 to index
        %parallel_loop3A_535 = arith.constant 352 : index
        %parallel_loop3A_536 = tpu.vector_load %arg14[%parallel_loop3A_534, %parallel_loop3A_535] {strides = array<i32>} : memref<40x512xf32, #tpu.memory_space<vmem>>, vector<1x16xf32>,
        %parallel_loop3A_537 = vector.shape_cast %parallel_loop3A_536 : vector<1x16xf32> to vector<16xf32>
        %parallel_loop3A_538 = vector.shape_cast %parallel_loop3A_530 : vector<16xf32> to vector<1x16xf32>
        tpu.vector_store %arg14[%parallel_loop3A_534, %parallel_loop3A_535], %parallel_loop3A_538 {strides = array<i32>} : memref<40x512xf32, #tpu.memory_space<vmem>>, vector<1x16xf32>,
        %parallel_loop3A_539 = arith.index_cast %parallel_loop3A_183 : i32 to index
        %parallel_loop3A_540 = arith.constant 368 : index
        %parallel_loop3A_541 = tpu.vector_load %arg14[%parallel_loop3A_539, %parallel_loop3A_540] {strides = array<i32>} : memref<40x512xf32, #tpu.memory_space<vmem>>, vector<1x16xf32>,
        %parallel_loop3A_542 = vector.shape_cast %parallel_loop3A_541 : vector<1x16xf32> to vector<16xf32>
        %parallel_loop3A_543 = vector.shape_cast %parallel_loop3A_533 : vector<16xf32> to vector<1x16xf32>
        tpu.vector_store %arg14[%parallel_loop3A_539, %parallel_loop3A_540], %parallel_loop3A_543 {strides = array<i32>} : memref<40x512xf32, #tpu.memory_space<vmem>>, vector<1x16xf32>,
        %parallel_loop3A_544 = arith.index_cast %parallel_loop3A_183 : i32 to index
        %parallel_loop3A_545 = arith.constant 192 : index
        %parallel_loop3A_546 = tpu.vector_load %arg10[%parallel_loop3A_544, %parallel_loop3A_545] {strides = array<i32>} : memref<40x256xi32, #tpu.memory_space<vmem>>, vector<1x16xi32>,
        %parallel_loop3A_547 = vector.shape_cast %parallel_loop3A_546 : vector<1x16xi32> to vector<16xi32>
        %parallel_loop3A_548 = arith.index_cast %parallel_loop3A_183 : i32 to index
        %parallel_loop3A_549 = arith.constant 192 : index
        %parallel_loop3A_550 = tpu.vector_load %arg12[%parallel_loop3A_548, %parallel_loop3A_549] {strides = array<i32>} : memref<40x256xi32, #tpu.memory_space<vmem>>, vector<1x16xi32>,
        %parallel_loop3A_551 = vector.shape_cast %parallel_loop3A_550 : vector<1x16xi32> to vector<16xi32>
        %parallel_loop3A_552 = arith.constant 16 : i32
        %parallel_loop3A_553 = vector.broadcast %parallel_loop3A_552 : i32 to vector<16xi32>
        %parallel_loop3A_554 = arith.shli %parallel_loop3A_547, %parallel_loop3A_553 : vector<16xi32>
        %parallel_loop3A_555 = tpu.bitcast %parallel_loop3A_554 : vector<16xi32> -> vector<16xf32>
        %parallel_loop3A_556 = arith.constant 16 : i32
        %parallel_loop3A_557 = vector.broadcast %parallel_loop3A_556 : i32 to vector<16xi32>
        %parallel_loop3A_558 = arith.shli %parallel_loop3A_551, %parallel_loop3A_557 : vector<16xi32>
        %parallel_loop3A_559 = tpu.bitcast %parallel_loop3A_558 : vector<16xi32> -> vector<16xf32>
        %parallel_loop3A_560 = arith.addf %parallel_loop3A_555, %parallel_loop3A_559 : vector<16xf32>
        %parallel_loop3A_561 = tpu.bitcast %parallel_loop3A_547 : vector<16xi32> -> vector<16xf32>
        %parallel_loop3A_562 = tpu.bitcast %parallel_loop3A_551 : vector<16xi32> -> vector<16xf32>
        %parallel_loop3A_563 = arith.addf %parallel_loop3A_561, %parallel_loop3A_562 : vector<16xf32>
        %parallel_loop3A_564 = arith.index_cast %parallel_loop3A_183 : i32 to index
        %parallel_loop3A_565 = arith.constant 384 : index
        %parallel_loop3A_566 = tpu.vector_load %arg14[%parallel_loop3A_564, %parallel_loop3A_565] {strides = array<i32>} : memref<40x512xf32, #tpu.memory_space<vmem>>, vector<1x16xf32>,
        %parallel_loop3A_567 = vector.shape_cast %parallel_loop3A_566 : vector<1x16xf32> to vector<16xf32>
        %parallel_loop3A_568 = vector.shape_cast %parallel_loop3A_560 : vector<16xf32> to vector<1x16xf32>
        tpu.vector_store %arg14[%parallel_loop3A_564, %parallel_loop3A_565], %parallel_loop3A_568 {strides = array<i32>} : memref<40x512xf32, #tpu.memory_space<vmem>>, vector<1x16xf32>,
        %parallel_loop3A_569 = arith.index_cast %parallel_loop3A_183 : i32 to index
        %parallel_loop3A_570 = arith.constant 400 : index
        %parallel_loop3A_571 = tpu.vector_load %arg14[%parallel_loop3A_569, %parallel_loop3A_570] {strides = array<i32>} : memref<40x512xf32, #tpu.memory_space<vmem>>, vector<1x16xf32>,
        %parallel_loop3A_572 = vector.shape_cast %parallel_loop3A_571 : vector<1x16xf32> to vector<16xf32>
        %parallel_loop3A_573 = vector.shape_cast %parallel_loop3A_563 : vector<16xf32> to vector<1x16xf32>
        tpu.vector_store %arg14[%parallel_loop3A_569, %parallel_loop3A_570], %parallel_loop3A_573 {strides = array<i32>} : memref<40x512xf32, #tpu.memory_space<vmem>>, vector<1x16xf32>,
        %parallel_loop3A_574 = arith.index_cast %parallel_loop3A_183 : i32 to index
        %parallel_loop3A_575 = arith.constant 208 : index
        %parallel_loop3A_576 = tpu.vector_load %arg10[%parallel_loop3A_574, %parallel_loop3A_575] {strides = array<i32>} : memref<40x256xi32, #tpu.memory_space<vmem>>, vector<1x16xi32>,
        %parallel_loop3A_577 = vector.shape_cast %parallel_loop3A_576 : vector<1x16xi32> to vector<16xi32>
        %parallel_loop3A_578 = arith.index_cast %parallel_loop3A_183 : i32 to index
        %parallel_loop3A_579 = arith.constant 208 : index
        %parallel_loop3A_580 = tpu.vector_load %arg12[%parallel_loop3A_578, %parallel_loop3A_579] {strides = array<i32>} : memref<40x256xi32, #tpu.memory_space<vmem>>, vector<1x16xi32>,
        %parallel_loop3A_581 = vector.shape_cast %parallel_loop3A_580 : vector<1x16xi32> to vector<16xi32>
        %parallel_loop3A_582 = arith.constant 16 : i32
        %parallel_loop3A_583 = vector.broadcast %parallel_loop3A_582 : i32 to vector<16xi32>
        %parallel_loop3A_584 = arith.shli %parallel_loop3A_577, %parallel_loop3A_583 : vector<16xi32>
        %parallel_loop3A_585 = tpu.bitcast %parallel_loop3A_584 : vector<16xi32> -> vector<16xf32>
        %parallel_loop3A_586 = arith.constant 16 : i32
        %parallel_loop3A_587 = vector.broadcast %parallel_loop3A_586 : i32 to vector<16xi32>
        %parallel_loop3A_588 = arith.shli %parallel_loop3A_581, %parallel_loop3A_587 : vector<16xi32>
        %parallel_loop3A_589 = tpu.bitcast %parallel_loop3A_588 : vector<16xi32> -> vector<16xf32>
        %parallel_loop3A_590 = arith.addf %parallel_loop3A_585, %parallel_loop3A_589 : vector<16xf32>
        %parallel_loop3A_591 = tpu.bitcast %parallel_loop3A_577 : vector<16xi32> -> vector<16xf32>
        %parallel_loop3A_592 = tpu.bitcast %parallel_loop3A_581 : vector<16xi32> -> vector<16xf32>
        %parallel_loop3A_593 = arith.addf %parallel_loop3A_591, %parallel_loop3A_592 : vector<16xf32>
        %parallel_loop3A_594 = arith.index_cast %parallel_loop3A_183 : i32 to index
        %parallel_loop3A_595 = arith.constant 416 : index
        %parallel_loop3A_596 = tpu.vector_load %arg14[%parallel_loop3A_594, %parallel_loop3A_595] {strides = array<i32>} : memref<40x512xf32, #tpu.memory_space<vmem>>, vector<1x16xf32>,
        %parallel_loop3A_597 = vector.shape_cast %parallel_loop3A_596 : vector<1x16xf32> to vector<16xf32>
        %parallel_loop3A_598 = vector.shape_cast %parallel_loop3A_590 : vector<16xf32> to vector<1x16xf32>
        tpu.vector_store %arg14[%parallel_loop3A_594, %parallel_loop3A_595], %parallel_loop3A_598 {strides = array<i32>} : memref<40x512xf32, #tpu.memory_space<vmem>>, vector<1x16xf32>,
        %parallel_loop3A_599 = arith.index_cast %parallel_loop3A_183 : i32 to index
        %parallel_loop3A_600 = arith.constant 432 : index
        %parallel_loop3A_601 = tpu.vector_load %arg14[%parallel_loop3A_599, %parallel_loop3A_600] {strides = array<i32>} : memref<40x512xf32, #tpu.memory_space<vmem>>, vector<1x16xf32>,
        %parallel_loop3A_602 = vector.shape_cast %parallel_loop3A_601 : vector<1x16xf32> to vector<16xf32>
        %parallel_loop3A_603 = vector.shape_cast %parallel_loop3A_593 : vector<16xf32> to vector<1x16xf32>
        tpu.vector_store %arg14[%parallel_loop3A_599, %parallel_loop3A_600], %parallel_loop3A_603 {strides = array<i32>} : memref<40x512xf32, #tpu.memory_space<vmem>>, vector<1x16xf32>,
        %parallel_loop3A_604 = arith.index_cast %parallel_loop3A_183 : i32 to index
        %parallel_loop3A_605 = arith.constant 224 : index
        %parallel_loop3A_606 = tpu.vector_load %arg10[%parallel_loop3A_604, %parallel_loop3A_605] {strides = array<i32>} : memref<40x256xi32, #tpu.memory_space<vmem>>, vector<1x16xi32>,
        %parallel_loop3A_607 = vector.shape_cast %parallel_loop3A_606 : vector<1x16xi32> to vector<16xi32>
        %parallel_loop3A_608 = arith.index_cast %parallel_loop3A_183 : i32 to index
        %parallel_loop3A_609 = arith.constant 224 : index
        %parallel_loop3A_610 = tpu.vector_load %arg12[%parallel_loop3A_608, %parallel_loop3A_609] {strides = array<i32>} : memref<40x256xi32, #tpu.memory_space<vmem>>, vector<1x16xi32>,
        %parallel_loop3A_611 = vector.shape_cast %parallel_loop3A_610 : vector<1x16xi32> to vector<16xi32>
        %parallel_loop3A_612 = arith.constant 16 : i32
        %parallel_loop3A_613 = vector.broadcast %parallel_loop3A_612 : i32 to vector<16xi32>
        %parallel_loop3A_614 = arith.shli %parallel_loop3A_607, %parallel_loop3A_613 : vector<16xi32>
        %parallel_loop3A_615 = tpu.bitcast %parallel_loop3A_614 : vector<16xi32> -> vector<16xf32>
        %parallel_loop3A_616 = arith.constant 16 : i32
        %parallel_loop3A_617 = vector.broadcast %parallel_loop3A_616 : i32 to vector<16xi32>
        %parallel_loop3A_618 = arith.shli %parallel_loop3A_611, %parallel_loop3A_617 : vector<16xi32>
        %parallel_loop3A_619 = tpu.bitcast %parallel_loop3A_618 : vector<16xi32> -> vector<16xf32>
        %parallel_loop3A_620 = arith.addf %parallel_loop3A_615, %parallel_loop3A_619 : vector<16xf32>
        %parallel_loop3A_621 = tpu.bitcast %parallel_loop3A_607 : vector<16xi32> -> vector<16xf32>
        %parallel_loop3A_622 = tpu.bitcast %parallel_loop3A_611 : vector<16xi32> -> vector<16xf32>
        %parallel_loop3A_623 = arith.addf %parallel_loop3A_621, %parallel_loop3A_622 : vector<16xf32>
        %parallel_loop3A_624 = arith.index_cast %parallel_loop3A_183 : i32 to index
        %parallel_loop3A_625 = arith.constant 448 : index
        %parallel_loop3A_626 = tpu.vector_load %arg14[%parallel_loop3A_624, %parallel_loop3A_625] {strides = array<i32>} : memref<40x512xf32, #tpu.memory_space<vmem>>, vector<1x16xf32>,
        %parallel_loop3A_627 = vector.shape_cast %parallel_loop3A_626 : vector<1x16xf32> to vector<16xf32>
        %parallel_loop3A_628 = vector.shape_cast %parallel_loop3A_620 : vector<16xf32> to vector<1x16xf32>
        tpu.vector_store %arg14[%parallel_loop3A_624, %parallel_loop3A_625], %parallel_loop3A_628 {strides = array<i32>} : memref<40x512xf32, #tpu.memory_space<vmem>>, vector<1x16xf32>,
        %parallel_loop3A_629 = arith.index_cast %parallel_loop3A_183 : i32 to index
        %parallel_loop3A_630 = arith.constant 464 : index
        %parallel_loop3A_631 = tpu.vector_load %arg14[%parallel_loop3A_629, %parallel_loop3A_630] {strides = array<i32>} : memref<40x512xf32, #tpu.memory_space<vmem>>, vector<1x16xf32>,
        %parallel_loop3A_632 = vector.shape_cast %parallel_loop3A_631 : vector<1x16xf32> to vector<16xf32>
        %parallel_loop3A_633 = vector.shape_cast %parallel_loop3A_623 : vector<16xf32> to vector<1x16xf32>
        tpu.vector_store %arg14[%parallel_loop3A_629, %parallel_loop3A_630], %parallel_loop3A_633 {strides = array<i32>} : memref<40x512xf32, #tpu.memory_space<vmem>>, vector<1x16xf32>,
        %parallel_loop3A_634 = arith.index_cast %parallel_loop3A_183 : i32 to index
        %parallel_loop3A_635 = arith.constant 240 : index
        %parallel_loop3A_636 = tpu.vector_load %arg10[%parallel_loop3A_634, %parallel_loop3A_635] {strides = array<i32>} : memref<40x256xi32, #tpu.memory_space<vmem>>, vector<1x16xi32>,
        %parallel_loop3A_637 = vector.shape_cast %parallel_loop3A_636 : vector<1x16xi32> to vector<16xi32>
        %parallel_loop3A_638 = arith.index_cast %parallel_loop3A_183 : i32 to index
        %parallel_loop3A_639 = arith.constant 240 : index
        %parallel_loop3A_640 = tpu.vector_load %arg12[%parallel_loop3A_638, %parallel_loop3A_639] {strides = array<i32>} : memref<40x256xi32, #tpu.memory_space<vmem>>, vector<1x16xi32>,
        %parallel_loop3A_641 = vector.shape_cast %parallel_loop3A_640 : vector<1x16xi32> to vector<16xi32>
        %parallel_loop3A_642 = arith.constant 16 : i32
        %parallel_loop3A_643 = vector.broadcast %parallel_loop3A_642 : i32 to vector<16xi32>
        %parallel_loop3A_644 = arith.shli %parallel_loop3A_637, %parallel_loop3A_643 : vector<16xi32>
        %parallel_loop3A_645 = tpu.bitcast %parallel_loop3A_644 : vector<16xi32> -> vector<16xf32>
        %parallel_loop3A_646 = arith.constant 16 : i32
        %parallel_loop3A_647 = vector.broadcast %parallel_loop3A_646 : i32 to vector<16xi32>
        %parallel_loop3A_648 = arith.shli %parallel_loop3A_641, %parallel_loop3A_647 : vector<16xi32>
        %parallel_loop3A_649 = tpu.bitcast %parallel_loop3A_648 : vector<16xi32> -> vector<16xf32>
        %parallel_loop3A_650 = arith.addf %parallel_loop3A_645, %parallel_loop3A_649 : vector<16xf32>
        %parallel_loop3A_651 = tpu.bitcast %parallel_loop3A_637 : vector<16xi32> -> vector<16xf32>
        %parallel_loop3A_652 = tpu.bitcast %parallel_loop3A_641 : vector<16xi32> -> vector<16xf32>
        %parallel_loop3A_653 = arith.addf %parallel_loop3A_651, %parallel_loop3A_652 : vector<16xf32>
        %parallel_loop3A_654 = arith.index_cast %parallel_loop3A_183 : i32 to index
        %parallel_loop3A_655 = arith.constant 480 : index
        %parallel_loop3A_656 = tpu.vector_load %arg14[%parallel_loop3A_654, %parallel_loop3A_655] {strides = array<i32>} : memref<40x512xf32, #tpu.memory_space<vmem>>, vector<1x16xf32>,
        %parallel_loop3A_657 = vector.shape_cast %parallel_loop3A_656 : vector<1x16xf32> to vector<16xf32>
        %parallel_loop3A_658 = vector.shape_cast %parallel_loop3A_650 : vector<16xf32> to vector<1x16xf32>
        tpu.vector_store %arg14[%parallel_loop3A_654, %parallel_loop3A_655], %parallel_loop3A_658 {strides = array<i32>} : memref<40x512xf32, #tpu.memory_space<vmem>>, vector<1x16xf32>,
        %parallel_loop3A_659 = arith.index_cast %parallel_loop3A_183 : i32 to index
        %parallel_loop3A_660 = arith.constant 496 : index
        %parallel_loop3A_661 = tpu.vector_load %arg14[%parallel_loop3A_659, %parallel_loop3A_660] {strides = array<i32>} : memref<40x512xf32, #tpu.memory_space<vmem>>, vector<1x16xf32>,
        %parallel_loop3A_662 = vector.shape_cast %parallel_loop3A_661 : vector<1x16xf32> to vector<16xf32>
        %parallel_loop3A_663 = vector.shape_cast %parallel_loop3A_653 : vector<16xf32> to vector<1x16xf32>
        tpu.vector_store %arg14[%parallel_loop3A_659, %parallel_loop3A_660], %parallel_loop3A_663 {strides = array<i32>} : memref<40x512xf32, #tpu.memory_space<vmem>>, vector<1x16xf32>,
      } {sc.loop_unroll_factor = 4 : i64, sc.parallel_access}
      %mul3A_176 = arith.constant 40 : i32
      %mul3A_177 = arith.muli %add3A_141, %mul3A_176 : i32
      %add3A_178 = arith.addi %mul3A_2, %mul3A_177 : i32
      %dma_start3A_179 = arith.constant 0 : i32
      %dma_start3A_180 = tpu.memref_slice %arg6[%add3A_178, %dma_start3A_179] : memref<819200x512xf32, #tpu.memory_space<hbm>> -> memref<40x512xf32, #tpu.memory_space<hbm>>
      %dma_start3A_181 = arith.constant 0 : i32
      %dma_start3A_182 = tpu.memref_slice %arg6[%add3A_178, %dma_start3A_181] : memref<819200x512xf32, #tpu.memory_space<hbm>> -> memref<40x512xf32, #tpu.memory_space<hbm>>
      tpu.enqueue_dma source(%arg14 : memref<40x512xf32, #tpu.memory_space<vmem>>) target(%dma_start3A_182 : memref<40x512xf32, #tpu.memory_space<hbm>>) target_semaphore(%arg19 : memref<!tpu.dma_semaphore, #tpu.memory_space<semaphore_mem>>)
    }
    %scan3A_84 = arith.constant 320 : i32
    %dma_wait3A_85 = arith.constant 0 : i32
    %dma_wait3A_86 = arith.constant 0 : i32
    %dma_wait3A_87 = tpu.memref_slice %arg6[%dma_wait3A_85, %dma_wait3A_86] : memref<819200x512xf32, #tpu.memory_space<hbm>> -> memref<40x512xf32, #tpu.memory_space<hbm>>
    %dma_wait3A_88 = arith.constant 0 : i32
    %dma_wait3A_89 = arith.constant 0 : i32
    %dma_wait3A_90 = tpu.memref_slice %arg6[%dma_wait3A_88, %dma_wait3A_89] : memref<819200x512xf32, #tpu.memory_space<hbm>> -> memref<40x512xf32, #tpu.memory_space<hbm>>
    tpu.wait_dma2 semaphore(%arg18 : memref<!tpu.dma_semaphore, #tpu.memory_space<semaphore_mem>>) src(%arg13 : memref<40x512xf32, #tpu.memory_space<vmem>>) dst(%dma_wait3A_90 : memref<40x512xf32, #tpu.memory_space<hbm>>)
    %dma_wait3A_91 = arith.constant 0 : i32
    %dma_wait3A_92 = arith.constant 0 : i32
    %dma_wait3A_93 = tpu.memref_slice %arg6[%dma_wait3A_91, %dma_wait3A_92] : memref<819200x512xf32, #tpu.memory_space<hbm>> -> memref<40x512xf32, #tpu.memory_space<hbm>>
    %dma_wait3A_94 = arith.constant 0 : i32
    %dma_wait3A_95 = arith.constant 0 : i32
    %dma_wait3A_96 = tpu.memref_slice %arg6[%dma_wait3A_94, %dma_wait3A_95] : memref<819200x512xf32, #tpu.memory_space<hbm>> -> memref<40x512xf32, #tpu.memory_space<hbm>>
    tpu.wait_dma2 semaphore(%arg19 : memref<!tpu.dma_semaphore, #tpu.memory_space<semaphore_mem>>) src(%arg14 : memref<40x512xf32, #tpu.memory_space<vmem>>) dst(%dma_wait3A_96 : memref<40x512xf32, #tpu.memory_space<hbm>>)
    return
  }
}

module attributes {stable_mosaic.version = 14 : i64} {
  func.func @_project_kernel(%arg0: memref<1000x512xf32, #tpu.memory_space<vmem>>, %arg1: memref<100x512xf32, #tpu.memory_space<vmem>>, %arg2: memref<512x512xf32, #tpu.memory_space<vmem>>, %arg3: memref<512x512xf32, #tpu.memory_space<vmem>>, %arg4: memref<1x512xf32, #tpu.memory_space<vmem>>, %arg5: memref<1000x512xf32, #tpu.memory_space<vmem>>, %arg6: memref<100x512xf32, #tpu.memory_space<vmem>>) attributes {dimension_semantics = [], scalar_prefetch = 0 : i64, scratch_operands = 0 : i64, tpu.core_type = #tpu.core_type<tc>} {
    %get3A = arith.constant 0 : index
    %get3A_0 = arith.constant 0 : index
    %get3A_1 = vector.load %arg0[%get3A, %get3A_0] : memref<1000x512xf32, #tpu.memory_space<vmem>>, vector<1000x512xf32>
    %get3A_2 = arith.constant 0 : index
    %get3A_3 = arith.constant 0 : index
    %get3A_4 = vector.load %arg2[%get3A_2, %get3A_3] : memref<512x512xf32, #tpu.memory_space<vmem>>, vector<512x512xf32>
    %dot_general3A = arith.constant dense<0.000000e+00> : vector<1000x512xf32>
    %dot_general3A_5 = tpu.matmul %get3A_1, %get3A_4, %dot_general3A {dimension_numbers = #tpu.dot_dimension_numbers<[1], [1], [0], [0], [0, 0, 1, 0], [], []>, transpose_lhs_hint = false} : vector<1000x512xf32>, vector<512x512xf32>, vector<1000x512xf32> -> vector<1000x512xf32>
    %swap3A = arith.constant 0 : index
    %swap3A_6 = arith.constant 0 : index
    %swap3A_7 = vector.load %arg5[%swap3A, %swap3A_6] : memref<1000x512xf32, #tpu.memory_space<vmem>>, vector<1000x512xf32>
    tpu.vector_store %arg5[%swap3A, %swap3A_6], %dot_general3A_5 {strides = array<i32>} : memref<1000x512xf32, #tpu.memory_space<vmem>>, vector<1000x512xf32>,
    %get3A_8 = arith.constant 0 : index
    %get3A_9 = arith.constant 0 : index
    %get3A_10 = vector.load %arg1[%get3A_8, %get3A_9] : memref<100x512xf32, #tpu.memory_space<vmem>>, vector<100x512xf32>
    %get3A_11 = arith.constant 0 : index
    %get3A_12 = arith.constant 0 : index
    %get3A_13 = vector.load %arg3[%get3A_11, %get3A_12] : memref<512x512xf32, #tpu.memory_space<vmem>>, vector<512x512xf32>
    %dot_general3A_14 = arith.constant dense<0.000000e+00> : vector<100x512xf32>
    %dot_general3A_15 = tpu.matmul %get3A_10, %get3A_13, %dot_general3A_14 {dimension_numbers = #tpu.dot_dimension_numbers<[1], [1], [0], [0], [0, 0, 1, 0], [], []>, transpose_lhs_hint = false} : vector<100x512xf32>, vector<512x512xf32>, vector<100x512xf32> -> vector<100x512xf32>
    %get3A_16 = arith.constant 0 : index
    %get3A_17 = arith.constant 0 : index
    %get3A_18 = vector.load %arg4[%get3A_16, %get3A_17] : memref<1x512xf32, #tpu.memory_space<vmem>>, vector<1x512xf32>
    %add3A = vector.broadcast %get3A_18 : vector<1x512xf32> to vector<100x512xf32>
    %add3A_19 = arith.addf %dot_general3A_15, %add3A : vector<100x512xf32>
    %swap3A_20 = arith.constant 0 : index
    %swap3A_21 = arith.constant 0 : index
    %swap3A_22 = vector.load %arg6[%swap3A_20, %swap3A_21] : memref<100x512xf32, #tpu.memory_space<vmem>>, vector<100x512xf32>
    tpu.vector_store %arg6[%swap3A_20, %swap3A_21], %add3A_19 {strides = array<i32>} : memref<100x512xf32, #tpu.memory_space<vmem>>, vector<100x512xf32>,
    return
  }
}

</mosaic_0001>

<sc_bundles>
// kernel: kernel.4.cloned.1.call-start
scs
__scs_entry_jumppad:
0x0: {  	(pc) =	sbr.rel $0x88, $3  }
0x1: {  	(tag) =	ssettag $0x0;
	lr =	simm.s32 $0x1  }
0x2: {  	[smem:$0x3F9B] =	sst lr;
	_ =	strace $0xD0000000  }
0x3: {  	_ = 	snop  }
0x4: {  	_ = 	snop  }
0x5: {  	_ = 	snop  }
0x6: {  	_ = 	snop  }
0x7: {  	_ = 	snop  }
__scs_overlays_trampoline_lowered:
0x8: {  	[smem:$0x3FAA] =	sst s0  }
0x9: {  	[smem:$0x3FAB] =	sst s1  }
0xa: {  	[smem:$0x3FAC] =	sst s2  }
0xb: {  	[smem:$0x3FAD] =	sst s3  }
0xc: {  	[smem:$0x3FAE] =	sst s4  }
0xd: {  	[smem:$0x3FAF] =	sst s5  }
0xe: {  	[smem:$0x3FB0] =	sst s6  }
0xf: {  	[smem:$0x3FB1] =	sst s7  }
0x10: {  	[smem:$0x3FB2] =	sst s8  }
0x11: {  	[smem:$0x3FB3] =	sst s9;
	s0 =	simm.s32 @!p0 $0x0  }
0x12: {  	s1 =	sld [smem:$0x3F99];
	s0 =	simm.s32 @p0 $0x1  }
0x13: {  	[smem:$0x3FB4] =	sst s0;
	s0 =	simm.s32 @!p1 $0x0  }
0x14: {  	s2 =	sld [smem:$0x3F98];
	s0 =	simm.s32 @p1 $0x1  }
0x15: {  	[smem:$0x3FB5] =	sst s0;
	s0 =	simm.s32 @!p2 $0x0  }
0x16: {  	s3 =	sld [smem:$0x3FDB];
	s0 =	simm.s32 @p2 $0x1  }
0x17: {  	s4 =	simm.s32 $0x1BF5;
	[smem:$0x3FB7] =	sst s0  }
0x18: {  	s0 =	sld [smem:$0x3F9A];
	_ =	swait.ge [sflag:s4], $0x0  }
0x19: {  	s7 =	sld [smem:$0x3F9B]  }
0x1a: {  	s8 =	sadd.s32 $0xFFFFE003, lr  }
0x1b: {  	s9 =	sadd.s32 $0xFFFFFEF7, lr;
	s5 =	simm.s32 $0xFFFFFFFF;
	p2 =	slt.u32 s8, $0xFFFFF086  }
0x1c: {  	p1 =	slt.u32 s9, $0xF7A;
	s5 =	simm.s32 @!p2 $0x0  }
0x1d: {  	s5 =	simm.s32 @p1 $0x1;
	p0 =	seq.s32 s7, s2  }
0x1e: {  	s7 =	smul.u32 @!p0 $0xF7A, s2;
	p2 =	seq.s32 @!p0 s5, $0x0  }
0x1f: {  	s9 =	smul.u32 $0xF7A, s1;
	s8 =	simm.s32 @!p0 $0x1BF5;
	p2 =	por !p2, p0  }
0x20: {  	[sflag:s8] =	ssyncset.s32 @!p0 $0xFFFFF086;
	s6 =	sadd.s32 @!p0 s3, s7;
	s7 =	simm.s32 @!p0 $0x108  }
0x21: {  	s3 =	sadd.s32 s3, s9;
	s6 =	sadd.s32 @!p0 $0x88, s6;
	s7 =	simm.s32 @p2 $0x1082  }
0x22: {  	[simem:s7], [sflag:s8] =	dma.local @!p0 [hbm:s6], $0xF7A  }
0x23: {  	s9 =	sor.u32 $0xD0000000, s2;
	s6 =	simm.s32 $0x108;
	_ =	swait.ge @!p0 [sflag:s8], $0x0  }
0x24: {  	s3 =	sadd.s32 $0x88, s3;
	s6 =	simm.s32 @!p1 $0x1082;
	[sflag:s4] =	ssyncset.s32 $0xFFFFF086  }
0x25: {  	[simem:s6], [sflag:s4] =	dma.local [hbm:s3], $0xF7A  }
0x26: {  	[smem:$0x3F9B] =	sst s1;
	(tag) =	ssettag s2;
	_ =	strace s9  }
0x27: {  	s1 =	sld [smem:$0x3FAB]  }
0x28: {  	s2 =	sld [smem:$0x3FAC]  }
0x29: {  	s4 =	sld [smem:$0x3FAE]  }
0x2a: {  	p0 =	seq.s32 s5, $0x0;
	s5 =	sld [smem:$0x3FAF]  }
0x2b: {  	s6 =	sld [smem:$0x3FB0]  }
0x2c: {  	s7 =	sld [smem:$0x3FB1]  }
0x2d: {  	s3 =	simm.s32 $0x108;
	s8 =	sld [smem:$0x3FB2]  }
0x2e: {  	s3 =	simm.s32 @!p0 $0x1082;
	s9 =	sld [smem:$0x3FB3]  }
0x2f: {  	lr =	sadd.s32 s0, s3;
	s0 =	sld [smem:$0x3FAA]  }
0x30: {  	s3 =	sld [smem:$0x3FAD]  }
0x31: {  	[smem:$0x3FB6] =	sst s10  }
0x32: {  	s10 =	sld [smem:$0x3FB4];
	_ =	sdelay $0x3  }
0x33: {  	p0 =	seq.s32 s10, $0x1;
	s10 =	sld [smem:$0x3FB6];
	_ =	sdelay $0x3  }
0x34: {  	[smem:$0x3FB6] =	sst s10  }
0x35: {  	s10 =	sld [smem:$0x3FB5];
	_ =	sdelay $0x3  }
0x36: {  	p1 =	seq.s32 s10, $0x1;
	s10 =	sld [smem:$0x3FB6];
	_ =	sdelay $0x3  }
0x37: {  	[smem:$0x3FB6] =	sst s10  }
0x38: {  	s10 =	sld [smem:$0x3FB7]  }
0x39: {  	_ = 	snop;
	(pc) =	sbr.ind lr, $3  }
0x3a: {  	_ = 	snop  }
0x3b: {  	_ = 	snop  }
0x3c: {  	p2 =	seq.s32 s10, $0x1;
	s10 =	sld [smem:$0x3FB6]  }
0x3d: {  	_ =	shalt  }
0x3e: {  	_ =	shalt  }
0x3f: {  	_ =	shalt  }
0x40: {  	_ =	shalt  }
0x41: {  	_ =	shalt  }
0x42: {  	_ =	shalt  }
0x43: {  	_ =	shalt  }
0x44: {  	_ =	shalt  }
0x45: {  	_ =	shalt  }
0x46: {  	_ =	shalt  }
0x47: {  	_ =	shalt  }
0x48: {  	_ =	shalt  }
0x49: {  	_ =	shalt  }
0x4a: {  	_ =	shalt  }
0x4b: {  	_ =	shalt  }
0x4c: {  	_ =	shalt  }
0x4d: {  	_ =	shalt  }
0x4e: {  	_ =	shalt  }
0x4f: {  	_ =	shalt  }
0x50: {  	_ =	shalt  }
0x51: {  	_ =	shalt  }
0x52: {  	_ =	shalt  }
0x53: {  	_ =	shalt  }
0x54: {  	_ =	shalt  }
0x55: {  	_ =	shalt  }
0x56: {  	_ =	shalt  }
0x57: {  	_ =	shalt  }
0x58: {  	_ =	shalt  }
0x59: {  	_ =	shalt  }
0x5a: {  	_ =	shalt  }
0x5b: {  	_ =	shalt  }
0x5c: {  	_ =	shalt  }
0x5d: {  	_ =	shalt  }
0x5e: {  	_ =	shalt  }
0x5f: {  	_ =	shalt  }
0x60: {  	_ =	shalt  }
0x61: {  	_ =	shalt  }
0x62: {  	_ =	shalt  }
0x63: {  	_ =	shalt  }
0x64: {  	_ =	shalt  }
0x65: {  	_ =	shalt  }
0x66: {  	_ =	shalt  }
0x67: {  	_ =	shalt  }
0x68: {  	_ =	shalt  }
0x69: {  	_ =	shalt  }
0x6a: {  	_ =	shalt  }
0x6b: {  	_ =	shalt  }
0x6c: {  	_ =	shalt  }
0x6d: {  	_ =	shalt  }
0x6e: {  	_ =	shalt  }
0x6f: {  	_ =	shalt  }
0x70: {  	_ =	shalt  }
0x71: {  	_ =	shalt  }
0x72: {  	_ =	shalt  }
0x73: {  	_ =	shalt  }
0x74: {  	_ =	shalt  }
0x75: {  	_ =	shalt  }
0x76: {  	_ =	shalt  }
0x77: {  	_ =	shalt  }
0x78: {  	_ =	shalt  }
0x79: {  	_ =	shalt  }
0x7a: {  	_ =	shalt  }
0x7b: {  	_ =	shalt  }
0x7c: {  	_ =	shalt  }
0x7d: {  	_ =	shalt  }
0x7e: {  	_ =	shalt  }
0x7f: {  	_ =	shalt  }
0x80: {  	_ =	shalt  }
0x81: {  	_ =	shalt  }
0x82: {  	_ =	shalt  }
0x83: {  	_ =	shalt  }
0x84: {  	_ =	shalt  }
0x85: {  	_ =	shalt  }
0x86: {  	_ =	shalt  }
0x87: {  	_ =	shalt  }
.Lfunc_end0:
.L_simem_size_0:
called_computation_lowered:
.L_overlay_start_0:
0x88: {  	s2 =	sld [smem:$0x3FD9]  }
0x89: {  	s3 =	sld [smem:$0x3FFE];
	_ =	sdelay $0x1  }
0x8a: {  	s1 =	srdreg.scid  }
0x8b: {  	s0 =	sand.u32 $0x1, s1  }
0x8c: {  	s17 =	sshll.u32 s0, $0xA;
	s2 =	sadd.s32 s3, s2  }
0x8d: {  	s2 =	sadd.s32 s2, s17  }
0x8e: {  	[smem:$0x3FC2] =	sst s2  }
0x8f: {  	_ = 	snop  }
0x90: {  	s2 =	sld [smem:$0x3FD0];
	(tm) =	ssettm $0x1  }
0x91: {  	s18 =	sld [smem:$0x3FFB];
	_ =	sdelay $0x3  }
0x92: {  	_ =	strace s18  }
0x93: {  	s3 =	sld [smem:$0x3FFC];
	_ =	sdelay $0x3  }
0x94: {  	_ =	strace s3  }
0x95: {  	s3 =	sld [smem:$0x3FFD];
	_ =	sdelay $0x3  }
0x96: {  	_ =	strace s3  }
0x97: {  	_ =	strace $0x8FFFFFFF  }
0x98: {  	s19 =	sld [smem:$0x3FDB];
	_ =	sdelay $0x1  }
0x99: {  	s4 =	simm.s32 $_scs_section_size  }
0x9a: {  	s5 =	simm.s32 $_size__tile_overlayer_lowered;
	s6 =	simm.s32 $_tile_overlayer_lowered  }
0x9b: {  	s22 =	simm.s32 $0x1BFF;
	s21 =	sshll.u32 s6, $0x1;
	s3 =	sadd.s32 s4, s19  }
0x9c: {  	s7 =	simm.s32 $0x0;
	s20 =	sshll.u32 s5, $0x1;
	s5 =	sadd.s32 s21, s3  }
0x9d: {  	[timem:s7], [sflag:s22] =	dma.local [hbm:s5], s20  }
0x9e: {  	_ =	swait.ge [sflag:s22], s20  }
0x9f: {  	s4 =	ssub.s32 $0x0, s20;
	[sflag:s22] =	ssyncset.done $0x0  }
0xa0: {  	[sflag:s22] =	ssyncadd.s32 s4;
	_ =	sdelay $0x1  }
0xa1: {  	s23 =	simm.s32 $0x1B8B  }
0xa2: {  	_ =	swait.ge [sflag:s23], $0x1  }
0xa3: {  	[sflag:s23] =	ssyncset.done $0x0  }
0xa4: {  	s25 =	simm.s32 $0x1B8E;
	s24 =	sld [smem:$0x3FFE];
	[sflag:s23] =	ssyncadd.s32 $0xFFFFFFFF  }
0xa5: {  	s26 =	simm.s32 $execute0_lowered;
	[smem:$0x3FD2] =	sst s25  }
0xa6: {  	s5 =	sshll.u32 s26, $0x1;
	_ =	strace $0x80000046;
	[dreg:$0x1] =	wrdreg $0xFFFFFFFF  }
0xa7: {  	s28 =	simm.s32 $_size_execute0_lowered;
	s3 =	sadd.s32 s3, s5;
	[dreg:$0x0] =	wrdreg $0x0  }
0xa8: {  	s5 =	sshll.u32 s28, $0x1;
	[dreg:$0x2] =	wrdreg s3  }
0xa9: {  	[dreg:$0x3] =	wrdreg s5  }
0xaa: {  	[dreg:$0x4] =	wrdreg $0xC0  }
0xab: {  	_ =	task [dreg:s7], $0x5FFFF  }
0xac: {  	[dreg:$0x1] =	wrdreg $0xFFFFFFFF  }
0xad: {  	[dreg:$0x0] =	wrdreg $0x60  }
0xae: {  	[dreg:$0x2] =	wrdreg s24  }
0xaf: {  	[dreg:$0x3] =	wrdreg s2  }
0xb0: {  	[dreg:$0x4] =	wrdreg $0x9  }
0xb1: {  	_ =	task.clear_ibuf [dreg:s7], $0x5FFFF;
	_ =	strace $0x90000046  }
0xb2: {  	s29 =	simm.s32 $0x9;
	_ =	strace $0x80000048  }
0xb3: {  	_ =	swait.ge [sflag:s29], $0x1  }
0xb4: {  	[sflag:s29] =	ssyncadd.s32 $0xFFFFFFFF  }
0xb5: {  	_ =	strace $0x90000048  }
0xb6: {  	_ =	sfence  }
0xb7: {  	s30 =	sld [smem:$0x0];
	_ =	sdelay $0x2  }
0xb8: {  	s31 =	sshll.u32 s1, $0xD;
	s1 =	sshrl.u32 s1, $0x2  }
0xb9: {  	s3 =	sand.u32 $0x4000, s31;
	s1 =	sadd.s32 s1, s30  }
0xba: {  	s0 =	sor.u32 s3, s0;
	s1 =	sshll.u32 s1, $0x11  }
0xbb: {  	s0 =	sor.u32 s1, s0  }
0xbc: {  	s0 =	sadd.s32 $0x8F2B, s0  }
0xbd: {  	[sflag:s0] =	ssyncadd.remote.s32 $0x1  }
0xbe: {  	_ =	sfence.sel $0xFFFF  }
0xbf: {  	[dreg:$0x0] =	wrdreg $0xFFFFFFFF;
	(pc) =	sbr.abs _section_cstart, $3  }
0xc0: {  	[dreg:$0x1] =	wrdreg $0xFFFFFFFF  }
0xc1: {  	_ =	task.clear_ibuf [dreg:s7], $0x2FFFF;
	_ =	strace $0x9FFFFFFF  }
0xc2: {  	(tm) =	ssettm $0x7FFFFFFF  }
0xc3: {  	_ =	shalt  }
tec
execute0_lowered:
.L_overlay_start_1:
0x0: {  	(tag) =	ssettag $0x1  }
0x1: {  	s0 =	rddreg [dreg:$0x0]  }
0x2: {  	s1 =	srdreg.scid;
	s2 =	stileid.u32  }
0x3: {  	s3 =	simm.s32 $0x0;
	s1 =	sand.u32 $0x1, s1;
	s2 =	sshll.u32 s2, $0x1  }
0x4: {  	[smem:$0x7FF] =	sst s3;
	s5 =	sadd.s32 $0x9400, s0;
	s6 =	sadd.s32 $0x22400, s0  }
0x5: {  	s7 =	sadd.s32 $0x800, s0;
	s2 =	sor.u32 s1, s2;
	s1 =	ssub.s32 $0x2, s1  }
0x6: {  	s8 =	sadd.s32 $0x8600, s0;
	s4 =	smul.u32 $0x6400, s2;
	s25 =	sshrl.u32 s1, $0x1  }
0x7: {  	_ =	strace $0x80000047;
	[dreg:$0x3] =	wrdreg s5;
	s26 =	ssub.s32 s1, s25  }
0x8: {  	[dreg:$0x4] =	wrdreg s6;
	s9 =	sshrl.u32 s4, $0x3;
	s0 =	smax.u32 s26, $0x1  }
0x9: {  	s29 =	sadd.s32 s5, s9;
	[dreg:$0x9] =	wrdreg s0  }
0xa: {  	s28 =	sor.u32 $0x5, s9;
	s30 =	sadd.s32 s6, s9;
	[dreg:$0x5] =	wrdreg s29  }
0xb: {  	v2 =	vlaneseq.u32;
	[dreg:$0x6] =	wrdreg s30;
	s31 =	sadd.s32 s5, s28  }
0xc: {  	s17 =	simm.s32 $0x1;
	vm0 =	vmmov $0xffff;
	v1 =	vshrl.u32 v2, $0x3;
	s1 =	sadd.s32 s6, s28;
	[dreg:$0x7] =	wrdreg s31  }
0xd: {  	s13 =	simm.s32 $0x3;
	v0 =	vand.u32 $0x7, v2;
	v2 =	vor.u32 $0x8, v2;
	v1 =	vmul.u32 $0x8, v1;
	s2 =	simm.s32 $0x0;
	[dreg:$0x8] =	wrdreg s1  }
.LBB2_1:
0xe: {  	[dreg:$0xa] =	wrdreg s2  }
0xf: {  	s0 =	rddreg [dreg:$0x5]  }
0x10: {  	[tilespmem:s3], [sflag:$0x1] =	stream.linear.gather [hbm4b:s0+s3], $0x28, $0x38;
	[tilespmem:$0x14400] =	vst v63  }
0x11: {  	s15 =	rddreg [dreg:$0x6];
	s1 =	simm.s32 $0x200  }
0x12: {  	[tilespmem:s1], [sflag:$0x1] =	stream.linear.gather [hbm4b:s15+s3], $0x28, $0x38;
	[tilespmem:$0x14400] =	vst v63  }
0x13: {  	s16 =	rddreg [dreg:$0x7];
	s18 =	simm.s32 $0x80  }
0x14: {  	[tilespmem:s18], [sflag:$0x1] =	stream.linear.gather [hbm4b:s16+s3], $0x28, $0x38;
	[tilespmem:$0x14400] =	vst v63  }
0x15: {  	s19 =	rddreg [dreg:$0x8];
	s20 =	simm.s32 $0x280  }
0x16: {  	[tilespmem:s20], [sflag:$0x1] =	stream.linear.gather [hbm4b:s19+s3], $0x28, $0x38;
	[tilespmem:$0x14400] =	vst v63  }
0x17: {  	_ =	swait.ge [sflag:s17], $0x28  }
0x18: {  	[sflag:s17] =	ssyncset.done $0x0  }
0x19: {  	[sflag:s17] =	ssyncadd.s32 $0xFFFFFFD8  }
0x1a: {  	_ =	swait.ge [sflag:s17], $0x28  }
0x1b: {  	[sflag:s17] =	ssyncset.done $0x0  }
0x1c: {  	[sflag:s17] =	ssyncadd.s32 $0xFFFFFFD8  }
0x1d: {  	v3 =	vld [tilespmem:$0x0];
	_ =	sdelay $0x4  }
0x1e: {  	v4 =	vshll.u32 v3, $0x1  }
0x1f: {  	v3 =	vand.u32 $0x7, v3;
	v4 =	vand.u32 $0xFFFFFFF0, v4  }
0x20: {  	v3 =	vor.u32 v3, v4  }
0x21: {  	v4 =	vperm.xlane v3, v0;
	_ =	sdelay $0x1  }
0x22: {  	v3 =	vperm.xlane v3, v2;
	v4 =	vadd.s32 v1, v4;
	_ =	sdelay $0x1  }
0x23: {  	v3 =	vadd.s32 v1, v3;
	_ =	sdelay $0x1  }
0x24: {  	s21 =	simm.s32 $0x400  }
0x25: {  	[tilespmem:s21], [sflag:$0x2] =	stream.indirect_vreg.gather [hbm4b:s7+s3], $0x80, v4, vm0, $0xb8;
	[tilespmem:$0x14400] =	vst v63  }
0x26: {  	s22 =	simm.s32 $0xC00  }
0x27: {  	[tilespmem:s22], [sflag:$0x2] =	stream.indirect_vreg.gather [hbm4b:s7+s3], $0x80, v3, vm0, $0xb8;
	[tilespmem:$0x14400] =	vst v63  }
0x28: {  	v3 =	vld [tilespmem:$0x10];
	_ =	sdelay $0x4  }
0x29: {  	v59 =	vshll.u32 v3, $0x1  }
0x2a: {  	v3 =	vand.u32 $0x7, v3;
	v4 =	vand.u32 $0xFFFFFFF0, v59  }
0x2b: {  	v3 =	vor.u32 v3, v4  }
0x2c: {  	v4 =	vperm.xlane v3, v0;
	_ =	sdelay $0x1  }
0x2d: {  	v3 =	vperm.xlane v3, v2;
	v4 =	vadd.s32 v1, v4;
	_ =	sdelay $0x1  }
0x2e: {  	v3 =	vadd.s32 v1, v3;
	_ =	sdelay $0x1  }
0x2f: {  	s23 =	simm.s32 $0x1400  }
0x30: {  	[tilespmem:s23], [sflag:$0x2] =	stream.indirect_vreg.gather [hbm4b:s7+s3], $0x80, v4, vm0, $0xb8;
	[tilespmem:$0x14400] =	vst v63  }
0x31: {  	s24 =	simm.s32 $0x1C00  }
0x32: {  	[tilespmem:s24], [sflag:$0x2] =	stream.indirect_vreg.gather [hbm4b:s7+s3], $0x80, v3, vm0, $0xb8;
	[tilespmem:$0x14400] =	vst v63  }
0x33: {  	v3 =	vld.msk [tilespmem:$0x20], $0xff;
	_ =	sdelay $0x4  }
0x34: {  	v60 =	vshll.u32 v3, $0x1  }
0x35: {  	v3 =	vand.u32 $0x7, v3;
	v4 =	vand.u32 $0xFFFFFFF0, v60  }
0x36: {  	v3 =	vor.u32 v3, v4  }
0x37: {  	v3 =	vperm.xlane v3, v0;
	_ =	sdelay $0x1  }
0x38: {  	v3 =	vadd.s32 v1, v3;
	_ =	sdelay $0x3  }
0x39: {  	s25 =	simm.s32 $0x2400  }
0x3a: {  	[tilespmem:s25], [sflag:$0x2] =	stream.indirect_vreg.gather [hbm4b:s7+s3], $0x80, v3, vm0, $0xb8;
	[tilespmem:$0x14400] =	vst v63  }
0x3b: {  	v3 =	vld [tilespmem:$0x200];
	_ =	sdelay $0x4  }
0x3c: {  	v61 =	vshll.u32 v3, $0x1  }
0x3d: {  	v3 =	vand.u32 $0x7, v3;
	v4 =	vand.u32 $0xFFFFFFF0, v61  }
0x3e: {  	v3 =	vor.u32 v3, v4  }
0x3f: {  	v4 =	vperm.xlane v3, v0;
	_ =	sdelay $0x1  }
0x40: {  	v3 =	vperm.xlane v3, v2;
	v4 =	vadd.s32 v1, v4;
	_ =	sdelay $0x1  }
0x41: {  	v3 =	vadd.s32 v1, v3;
	_ =	sdelay $0x1  }
0x42: {  	s26 =	simm.s32 $0x5400  }
0x43: {  	[tilespmem:s26], [sflag:$0x2] =	stream.indirect_vreg.gather [hbm4b:s8+s3], $0x80, v4, vm0, $0xb8;
	[tilespmem:$0x14400] =	vst v63  }
0x44: {  	s28 =	simm.s32 $0x5C00  }
0x45: {  	[tilespmem:s28], [sflag:$0x2] =	stream.indirect_vreg.gather [hbm4b:s8+s3], $0x80, v3, vm0, $0xb8;
	[tilespmem:$0x14400] =	vst v63  }
0x46: {  	v3 =	vld [tilespmem:$0x210];
	_ =	sdelay $0x4  }
0x47: {  	v62 =	vshll.u32 v3, $0x1  }
0x48: {  	v3 =	vand.u32 $0x7, v3;
	v4 =	vand.u32 $0xFFFFFFF0, v62  }
0x49: {  	v3 =	vor.u32 v3, v4  }
0x4a: {  	v4 =	vperm.xlane v3, v0;
	_ =	sdelay $0x1  }
0x4b: {  	v3 =	vperm.xlane v3, v2;
	v4 =	vadd.s32 v1, v4;
	_ =	sdelay $0x1  }
0x4c: {  	v3 =	vadd.s32 v1, v3;
	_ =	sdelay $0x1  }
0x4d: {  	s29 =	simm.s32 $0x6400  }
0x4e: {  	[tilespmem:s29], [sflag:$0x2] =	stream.indirect_vreg.gather [hbm4b:s8+s3], $0x80, v4, vm0, $0xb8;
	[tilespmem:$0x14400] =	vst v63  }
0x4f: {  	s30 =	simm.s32 $0x6C00  }
0x50: {  	[tilespmem:s30], [sflag:$0x2] =	stream.indirect_vreg.gather [hbm4b:s8+s3], $0x80, v3, vm0, $0xb8;
	[tilespmem:$0x14400] =	vst v63  }
0x51: {  	v3 =	vld.msk [tilespmem:$0x220], $0xff;
	_ =	sdelay $0x4  }
0x52: {  	v63 =	vshll.u32 v3, $0x1  }
0x53: {  	v3 =	vand.u32 $0x7, v3;
	v4 =	vand.u32 $0xFFFFFFF0, v63  }
0x54: {  	v3 =	vor.u32 v3, v4  }
0x55: {  	v3 =	vperm.xlane v3, v0;
	_ =	sdelay $0x1  }
0x56: {  	v3 =	vadd.s32 v1, v3;
	_ =	sdelay $0x3  }
0x57: {  	s31 =	simm.s32 $0x7400;
	s19 =	simm.s32 $0x0  }
0x58: {  	[tilespmem:s31], [sflag:$0x2] =	stream.indirect_vreg.gather [hbm4b:s8+s3], $0x80, v3, vm0, $0xb8;
	[tilespmem:$0x14400] =	vst v63  }
.LBB2_2:
0x59: {  	s20 =	sshllo.u32 s19, $0x1  }
0x5a: {  	s0 =	smul.u32 $0xAAAB, s20;
	_ =	sdelay $0x1  }
0x5b: {  	_ =	swait.ge [sflag:s17], $0x28;
	s0 =	sshrl.u32 s0, $0x11  }
0x5c: {  	[sflag:s17] =	ssyncset.done $0x0;
	s0 =	smul.u32 $0x3, s0  }
0x5d: {  	[sflag:s17] =	ssyncadd.s32 $0xFFFFFFD8  }
0x5e: {  	_ =	swait.ge [sflag:s17], $0x28;
	s0 =	ssub.s32 s20, s0  }
0x5f: {  	[sflag:s17] =	ssyncset.done $0x0;
	s0 =	sshll.u32 s0, $0x7  }
0x60: {  	[sflag:s17] =	ssyncadd.s32 $0xFFFFFFD8;
	s0 =	sand.u32 $0xFF80, s0  }
0x61: {  	v3 =	vld [tilespmem:s0+$0x0];
	_ =	sdelay $0x4  }
0x62: {  	v4 =	vshll.u32 v3, $0x1  }
0x63: {  	v3 =	vand.u32 $0x7, v3;
	v4 =	vand.u32 $0xFFFFFFF0, v4  }
0x64: {  	v3 =	vor.u32 v3, v4  }
0x65: {  	v4 =	vperm.xlane v3, v0;
	_ =	sdelay $0x1  }
0x66: {  	v3 =	vperm.xlane v3, v2;
	v4 =	vadd.s32 v1, v4;
	_ =	sdelay $0x1  }
0x67: {  	v3 =	vadd.s32 v1, v3;
	_ =	sdelay $0x1  }
0x68: {  	s1 =	simm.s32 $0x2C00  }
0x69: {  	[tilespmem:s1], [sflag:$0x3] =	stream.indirect_vreg.gather [hbm4b:s7+s3], $0x80, v4, vm0, $0xb8;
	[tilespmem:$0x14400] =	vst v63  }
0x6a: {  	s24 =	simm.s32 $0x3400  }
0x6b: {  	[tilespmem:s24], [sflag:$0x3] =	stream.indirect_vreg.gather [hbm4b:s7+s3], $0x80, v3, vm0, $0xb8;
	[tilespmem:$0x14400] =	vst v63  }
0x6c: {  	v3 =	vld [tilespmem:s0+$0x10];
	_ =	sdelay $0x4  }
0x6d: {  	v4 =	vshll.u32 v3, $0x1  }
0x6e: {  	v3 =	vand.u32 $0x7, v3;
	v4 =	vand.u32 $0xFFFFFFF0, v4  }
0x6f: {  	v3 =	vor.u32 v3, v4  }
0x70: {  	v4 =	vperm.xlane v3, v0;
	_ =	sdelay $0x1  }
0x71: {  	v3 =	vperm.xlane v3, v2;
	v4 =	vadd.s32 v1, v4;
	_ =	sdelay $0x1  }
0x72: {  	v3 =	vadd.s32 v1, v3;
	_ =	sdelay $0x1  }
0x73: {  	s25 =	simm.s32 $0x3C00  }
0x74: {  	[tilespmem:s25], [sflag:$0x3] =	stream.indirect_vreg.gather [hbm4b:s7+s3], $0x80, v4, vm0, $0xb8;
	[tilespmem:$0x14400] =	vst v63  }
0x75: {  	s26 =	simm.s32 $0x4400;
	s2 =	sor.u32 $0x20, s0  }
0x76: {  	[tilespmem:s26], [sflag:$0x3] =	stream.indirect_vreg.gather [hbm4b:s7+s3], $0x80, v3, vm0, $0xb8;
	[tilespmem:$0x14400] =	vst v63  }
0x77: {  	v3 =	vld.msk [tilespmem:s2+$0x0], $0xff;
	_ =	sdelay $0x4  }
0x78: {  	v4 =	vshll.u32 v3, $0x1  }
0x79: {  	v3 =	vand.u32 $0x7, v3;
	v4 =	vand.u32 $0xFFFFFFF0, v4  }
0x7a: {  	v3 =	vor.u32 v3, v4  }
0x7b: {  	v3 =	vperm.xlane v3, v0;
	_ =	sdelay $0x1  }
0x7c: {  	v3 =	vadd.s32 v1, v3;
	_ =	sdelay $0x3  }
0x7d: {  	s5 =	simm.s32 $0x4C00;
	s6 =	sor.u32 $0x200, s0  }
0x7e: {  	[tilespmem:s5], [sflag:$0x3] =	stream.indirect_vreg.gather [hbm4b:s7+s3], $0x80, v3, vm0, $0xb8;
	[tilespmem:$0x14400] =	vst v63  }
0x7f: {  	v3 =	vld [tilespmem:s6+$0x0];
	_ =	sdelay $0x4  }
0x80: {  	v4 =	vshll.u32 v3, $0x1  }
0x81: {  	v3 =	vand.u32 $0x7, v3;
	v4 =	vand.u32 $0xFFFFFFF0, v4  }
0x82: {  	v3 =	vor.u32 v3, v4  }
0x83: {  	v4 =	vperm.xlane v3, v0;
	_ =	sdelay $0x1  }
0x84: {  	v3 =	vperm.xlane v3, v2;
	v4 =	vadd.s32 v1, v4;
	_ =	sdelay $0x1  }
0x85: {  	v3 =	vadd.s32 v1, v3;
	_ =	sdelay $0x1  }
0x86: {  	s9 =	simm.s32 $0x7C00  }
0x87: {  	[tilespmem:s9], [sflag:$0x3] =	stream.indirect_vreg.gather [hbm4b:s8+s3], $0x80, v4, vm0, $0xb8;
	[tilespmem:$0x14400] =	vst v63  }
0x88: {  	s10 =	simm.s32 $0x8400;
	s11 =	sor.u32 $0x210, s0  }
0x89: {  	[tilespmem:s10], [sflag:$0x3] =	stream.indirect_vreg.gather [hbm4b:s8+s3], $0x80, v3, vm0, $0xb8;
	[tilespmem:$0x14400] =	vst v63  }
0x8a: {  	v3 =	vld [tilespmem:s11+$0x0];
	_ =	sdelay $0x4  }
0x8b: {  	v4 =	vshll.u32 v3, $0x1  }
0x8c: {  	v3 =	vand.u32 $0x7, v3;
	v4 =	vand.u32 $0xFFFFFFF0, v4  }
0x8d: {  	v3 =	vor.u32 v3, v4  }
0x8e: {  	v4 =	vperm.xlane v3, v0;
	_ =	sdelay $0x1  }
0x8f: {  	v3 =	vperm.xlane v3, v2;
	v4 =	vadd.s32 v1, v4;
	_ =	sdelay $0x1  }
0x90: {  	v3 =	vadd.s32 v1, v3;
	_ =	sdelay $0x1  }
0x91: {  	s12 =	simm.s32 $0x8C00  }
0x92: {  	[tilespmem:s12], [sflag:$0x3] =	stream.indirect_vreg.gather [hbm4b:s8+s3], $0x80, v4, vm0, $0xb8;
	[tilespmem:$0x14400] =	vst v63  }
0x93: {  	s14 =	simm.s32 $0x9400;
	s0 =	sor.u32 $0x220, s0  }
0x94: {  	[tilespmem:s14], [sflag:$0x3] =	stream.indirect_vreg.gather [hbm4b:s8+s3], $0x80, v3, vm0, $0xb8;
	[tilespmem:$0x14400] =	vst v63  }
0x95: {  	v3 =	vld.msk [tilespmem:s0+$0x0], $0xff;
	_ =	sdelay $0x4  }
0x96: {  	v4 =	vshll.u32 v3, $0x1  }
0x97: {  	v3 =	vand.u32 $0x7, v3;
	v4 =	vand.u32 $0xFFFFFFF0, v4  }
0x98: {  	s21 =	sshll.u32 s19, $0x1;
	v3 =	vor.u32 v3, v4  }
0x99: {  	p1 =	seq.s32 s19, $0x13F;
	s22 =	sadd.s32 $0x2, s21;
	v3 =	vperm.xlane v3, v0  }
0x9a: {  	s0 =	smul.u32 @!p1 $0xAAAB, s22  }
0x9b: {  	v3 =	vadd.s32 v1, v3  }
0x9c: {  	s1 =	smul.u32 @!p1 $0x28, s22;
	s0 =	sshrl.u32 @!p1 s0, $0x11  }
0x9d: {  	s0 =	smul.u32 @!p1 $0x3, s0;
	_ =	sdelay $0x1  }
0x9e: {  	s1 =	sadd.s32 @!p1 s4, s1;
	s2 =	simm.s32 $0x9C00;
	s0 =	ssub.s32 @!p1 s22, s0  }
0x9f: {  	[tilespmem:s2], [sflag:$0x3] =	stream.indirect_vreg.gather [hbm4b:s8+s3], $0x80, v3, vm0, $0xb8;
	[tilespmem:$0x14400] =	vst v63  }
0xa0: {  	s1 =	sshrl.u32 @!p1 s1, $0x3;
	s0 =	sshll.u32 @!p1 s0, $0x7;
	s2 =	rddreg [dreg:$0x3]  }
0xa1: {  	s9 =	simm.s32 @!p1 $0x0;
	s0 =	sand.u32 @!p1 $0xFF80, s0;
	s2 =	sadd.s32 @!p1 s2, s1  }
0xa2: {  	[tilespmem:s0], [sflag:$0x1] =	stream.linear.gather @!p1 [hbm4b:s2+s9], $0x28, $0x38;
	[tilespmem:$0x14400] =	vst v63  }
0xa3: {  	s2 =	rddreg [dreg:$0x4]  }
0xa4: {  	s15 =	simm.s32 $0x2;
	s0 =	sor.u32 @!p1 $0x200, s0;
	s1 =	sadd.s32 @!p1 s2, s1  }
0xa5: {  	[tilespmem:s0], [sflag:$0x1] =	stream.linear.gather @!p1 [hbm4b:s1+s9], $0x28, $0x38;
	[tilespmem:$0x14400] =	vst v63  }
0xa6: {  	_ =	swait.ge [sflag:s15], $0x2800  }
0xa7: {  	[sflag:s15] =	ssyncset.done $0x0  }
0xa8: {  	[sflag:s15] =	ssyncadd.s32 $0xFFFFD800  }
0xa9: {  	_ =	swait.ge [sflag:s15], $0x2800  }
0xaa: {  	p0 =	seq.s32 s19, $0x0;
	[sflag:s15] =	ssyncset.done $0x0  }
0xab: {  	s16 =	simm.s32 $0x0;
	s0 =	simm.s32 @!p0 $0x4;
	[sflag:s15] =	ssyncadd.s32 $0xFFFFD800  }
0xac: {  	s18 =	simm.s32 $0x0;
	s14 =	sand.u32 $0x200, s16;
	_ =	swait.ge @!p0 [sflag:s0], $0x5000  }
0xad: {  	s23 =	sor.u32 $0x180, s14;
	s2 =	sand.u32 $0xFFFFF800, s18;
	[sflag:s0] =	ssyncset.done @!p0 $0x0  }
0xae: {  	s12 =	sor.u32 s2, s23;
	[sflag:s0] =	ssyncadd.s32 @!p0 $0xFFFFB000  }
0xaf: {  	v3 =	vld [tilespmem:s12+$0x400]  }
0xb0: {  	s10 =	sor.u32 s14, s2;
	v4 =	vld [tilespmem:s12+$0x5400]  }
0xb1: {  	v5 =	vld [tilespmem:s10+$0x400]  }
0xb2: {  	v6 =	vld [tilespmem:s10+$0x5400]  }
0xb3: {  	s24 =	simm.s32 $0x0  }
0xb4: {  	s0 =	sand.u32 $0x3FFFF000, s24  }
0xb5: {  	s25 =	sadd.s32 $0xA400, s0;
	v7 =	vshll.u32 v3, $0x10;
	v8 =	vshll.u32 v4, $0x10;
	v3 =	vadd.f32 v4, v3  }
0xb6: {  	s9 =	sor.u32 s23, s25;
	v4 =	vadd.f32 v8, v7  }
0xb7: {  	v7 =	vshll.u32 v6, $0x10;
	[tilespmem:s9+$0x10] =	vst v3;
	v3 =	vshll.u32 v5, $0x10;
	v5 =	vadd.f32 v6, v5  }
0xb8: {  	s0 =	sor.u32 s14, s25;
	[tilespmem:s9+$0x0] =	vst v4;
	v3 =	vadd.f32 v7, v3  }
0xb9: {  	v4 =	vld [tilespmem:s12+$0x410];
	[tilespmem:s0+$0x10] =	vst v5  }
0xba: {  	v5 =	vld [tilespmem:s12+$0x5410];
	[tilespmem:s0+$0x0] =	vst v3  }
0xbb: {  	v3 =	vld [tilespmem:s10+$0x410]  }
0xbc: {  	v6 =	vld [tilespmem:s10+$0x5410];
	_ =	sdelay $0x2  }
0xbd: {  	v7 =	vshll.u32 v4, $0x10;
	v8 =	vshll.u32 v5, $0x10;
	v4 =	vadd.f32 v5, v4  }
0xbe: {  	v5 =	vadd.f32 v8, v7  }
0xbf: {  	[tilespmem:s9+$0x30] =	vst v4;
	v4 =	vshll.u32 v3, $0x10;
	v7 =	vshll.u32 v6, $0x10;
	v3 =	vadd.f32 v6, v3  }
0xc0: {  	[tilespmem:s9+$0x20] =	vst v5;
	v4 =	vadd.f32 v7, v4  }
0xc1: {  	v5 =	vld [tilespmem:s12+$0x420];
	[tilespmem:s0+$0x30] =	vst v3  }
0xc2: {  	v3 =	vld [tilespmem:s12+$0x5420];
	[tilespmem:s0+$0x20] =	vst v4  }
0xc3: {  	v4 =	vld [tilespmem:s10+$0x420]  }
0xc4: {  	v6 =	vld [tilespmem:s10+$0x5420];
	_ =	sdelay $0x2  }
0xc5: {  	v7 =	vshll.u32 v5, $0x10;
	v8 =	vshll.u32 v3, $0x10;
	v3 =	vadd.f32 v3, v5  }
0xc6: {  	v5 =	vadd.f32 v8, v7  }
0xc7: {  	[tilespmem:s9+$0x50] =	vst v3;
	v3 =	vshll.u32 v4, $0x10;
	v7 =	vshll.u32 v6, $0x10;
	v4 =	vadd.f32 v6, v4  }
0xc8: {  	[tilespmem:s9+$0x40] =	vst v5;
	v3 =	vadd.f32 v7, v3  }
0xc9: {  	v5 =	vld [tilespmem:s12+$0x430];
	[tilespmem:s0+$0x50] =	vst v4  }
0xca: {  	v4 =	vld [tilespmem:s12+$0x5430];
	[tilespmem:s0+$0x40] =	vst v3  }
0xcb: {  	v3 =	vld [tilespmem:s10+$0x430]  }
0xcc: {  	v6 =	vld [tilespmem:s10+$0x5430];
	_ =	sdelay $0x2  }
0xcd: {  	v7 =	vshll.u32 v5, $0x10;
	v8 =	vshll.u32 v4, $0x10;
	v4 =	vadd.f32 v4, v5  }
0xce: {  	v5 =	vadd.f32 v8, v7  }
0xcf: {  	[tilespmem:s9+$0x70] =	vst v4;
	v4 =	vshll.u32 v3, $0x10;
	v7 =	vshll.u32 v6, $0x10;
	v3 =	vadd.f32 v6, v3  }
0xd0: {  	[tilespmem:s9+$0x60] =	vst v5;
	v4 =	vadd.f32 v7, v4  }
0xd1: {  	v5 =	vld [tilespmem:s12+$0x440];
	[tilespmem:s0+$0x70] =	vst v3  }
0xd2: {  	v3 =	vld [tilespmem:s12+$0x5440];
	[tilespmem:s0+$0x60] =	vst v4  }
0xd3: {  	v4 =	vld [tilespmem:s10+$0x440]  }
0xd4: {  	v6 =	vld [tilespmem:s10+$0x5440];
	_ =	sdelay $0x2  }
0xd5: {  	v7 =	vshll.u32 v5, $0x10;
	v8 =	vshll.u32 v3, $0x10;
	v3 =	vadd.f32 v3, v5  }
0xd6: {  	v5 =	vadd.f32 v8, v7  }
0xd7: {  	[tilespmem:s9+$0x410] =	vst v3;
	v3 =	vshll.u32 v4, $0x10;
	v7 =	vshll.u32 v6, $0x10;
	v4 =	vadd.f32 v6, v4  }
0xd8: {  	[tilespmem:s9+$0x400] =	vst v5;
	v3 =	vadd.f32 v7, v3  }
0xd9: {  	v5 =	vld [tilespmem:s12+$0x450];
	[tilespmem:s0+$0x410] =	vst v4  }
0xda: {  	v4 =	vld [tilespmem:s12+$0x5450];
	[tilespmem:s0+$0x400] =	vst v3  }
0xdb: {  	v3 =	vld [tilespmem:s10+$0x450]  }
0xdc: {  	v6 =	vld [tilespmem:s10+$0x5450];
	_ =	sdelay $0x2  }
0xdd: {  	s15 =	sor.u32 $0x80, s14;
	v7 =	vshll.u32 v5, $0x10;
	v8 =	vshll.u32 v4, $0x10;
	v4 =	vadd.f32 v4, v5  }
0xde: {  	s16 =	sor.u32 s2, s15;
	v5 =	vadd.f32 v8, v7  }
0xdf: {  	v7 =	vld [tilespmem:s16+$0x400];
	[tilespmem:s9+$0x430] =	vst v4;
	v4 =	vshll.u32 v3, $0x10;
	v8 =	vshll.u32 v6, $0x10;
	v3 =	vadd.f32 v6, v3  }
0xe0: {  	v6 =	vld [tilespmem:s16+$0x5400];
	[tilespmem:s9+$0x420] =	vst v5;
	v4 =	vadd.f32 v8, v4  }
0xe1: {  	v5 =	vld [tilespmem:s12+$0x460];
	[tilespmem:s0+$0x430] =	vst v3  }
0xe2: {  	v3 =	vld [tilespmem:s12+$0x5460];
	[tilespmem:s0+$0x420] =	vst v4  }
0xe3: {  	v4 =	vld [tilespmem:s10+$0x460]  }
0xe4: {  	v8 =	vld [tilespmem:s10+$0x5460]  }
0xe5: {  	s18 =	sor.u32 $0x100, s14;
	v9 =	vshll.u32 v7, $0x10;
	v10 =	vshll.u32 v6, $0x10;
	v6 =	vadd.f32 v6, v7  }
0xe6: {  	s14 =	sor.u32 s2, s18;
	s15 =	sor.u32 s15, s25;
	v7 =	vadd.f32 v10, v9  }
0xe7: {  	v9 =	vld [tilespmem:s14+$0x400];
	[tilespmem:s15+$0x10] =	vst v6;
	v6 =	vshll.u32 v5, $0x10;
	v10 =	vshll.u32 v3, $0x10;
	v3 =	vadd.f32 v3, v5  }
0xe8: {  	v5 =	vld [tilespmem:s14+$0x5400];
	[tilespmem:s15+$0x0] =	vst v7;
	v6 =	vadd.f32 v10, v6  }
0xe9: {  	v7 =	vld [tilespmem:s16+$0x410];
	[tilespmem:s9+$0x450] =	vst v3;
	v3 =	vshll.u32 v4, $0x10;
	v10 =	vshll.u32 v8, $0x10;
	v4 =	vadd.f32 v8, v4  }
0xea: {  	v8 =	vld [tilespmem:s16+$0x5410];
	[tilespmem:s9+$0x440] =	vst v6;
	v3 =	vadd.f32 v10, v3  }
0xeb: {  	v6 =	vld [tilespmem:s12+$0x470];
	[tilespmem:s0+$0x450] =	vst v4  }
0xec: {  	v4 =	vld [tilespmem:s12+$0x5470];
	[tilespmem:s0+$0x440] =	vst v3  }
0xed: {  	v3 =	vshll.u32 v9, $0x10;
	v10 =	vshll.u32 v5, $0x10;
	v5 =	vadd.f32 v5, v9;
	v9 =	vld [tilespmem:s10+$0x470]  }
0xee: {  	s23 =	sor.u32 s18, s25;
	v3 =	vadd.f32 v10, v3;
	v10 =	vld [tilespmem:s10+$0x5470]  }
0xef: {  	[tilespmem:s23+$0x10] =	vst v5;
	v5 =	vshll.u32 v7, $0x10;
	v11 =	vshll.u32 v8, $0x10;
	v7 =	vadd.f32 v8, v7  }
0xf0: {  	[tilespmem:s23+$0x0] =	vst v3;
	v3 =	vadd.f32 v11, v5  }
0xf1: {  	v5 =	vld [tilespmem:s14+$0x410];
	[tilespmem:s15+$0x30] =	vst v7;
	v7 =	vshll.u32 v6, $0x10;
	v8 =	vshll.u32 v4, $0x10;
	v4 =	vadd.f32 v4, v6  }
0xf2: {  	v6 =	vld [tilespmem:s14+$0x5410];
	[tilespmem:s15+$0x20] =	vst v3;
	v3 =	vadd.f32 v8, v7  }
0xf3: {  	v7 =	vld [tilespmem:s16+$0x420];
	[tilespmem:s9+$0x470] =	vst v4;
	v4 =	vshll.u32 v9, $0x10;
	v8 =	vshll.u32 v10, $0x10;
	v9 =	vadd.f32 v10, v9  }
0xf4: {  	v10 =	vld [tilespmem:s16+$0x5420];
	[tilespmem:s9+$0x460] =	vst v3;
	v3 =	vadd.f32 v8, v4  }
0xf5: {  	v4 =	vld [tilespmem:s12+$0x800];
	[tilespmem:s0+$0x470] =	vst v9  }
0xf6: {  	v8 =	vld [tilespmem:s12+$0x5800];
	[tilespmem:s0+$0x460] =	vst v3  }
0xf7: {  	v3 =	vshll.u32 v5, $0x10;
	v9 =	vshll.u32 v6, $0x10;
	v5 =	vadd.f32 v6, v5;
	v6 =	vld [tilespmem:s10+$0x800]  }
0xf8: {  	v3 =	vadd.f32 v9, v3;
	v9 =	vld [tilespmem:s10+$0x5800]  }
0xf9: {  	[tilespmem:s23+$0x30] =	vst v5;
	v5 =	vshll.u32 v7, $0x10;
	v11 =	vshll.u32 v10, $0x10;
	v7 =	vadd.f32 v10, v7  }
0xfa: {  	[tilespmem:s23+$0x20] =	vst v3;
	v3 =	vadd.f32 v11, v5  }
0xfb: {  	v5 =	vld [tilespmem:s14+$0x420];
	[tilespmem:s15+$0x50] =	vst v7;
	v7 =	vshll.u32 v4, $0x10;
	v10 =	vshll.u32 v8, $0x10;
	v4 =	vadd.f32 v8, v4  }
0xfc: {  	v8 =	vld [tilespmem:s14+$0x5420];
	[tilespmem:s15+$0x40] =	vst v3;
	v3 =	vadd.f32 v10, v7  }
0xfd: {  	v7 =	vld [tilespmem:s16+$0x430];
	[tilespmem:s9+$0x810] =	vst v4;
	v4 =	vshll.u32 v6, $0x10;
	v10 =	vshll.u32 v9, $0x10;
	v6 =	vadd.f32 v9, v6  }
0xfe: {  	v9 =	vld [tilespmem:s16+$0x5430];
	[tilespmem:s9+$0x800] =	vst v3;
	v3 =	vadd.f32 v10, v4  }
0xff: {  	v4 =	vld [tilespmem:s12+$0x810];
	[tilespmem:s0+$0x810] =	vst v6  }
0x100: {  	v6 =	vld [tilespmem:s12+$0x5810];
	[tilespmem:s0+$0x800] =	vst v3  }
0x101: {  	v3 =	vshll.u32 v5, $0x10;
	v10 =	vshll.u32 v8, $0x10;
	v5 =	vadd.f32 v8, v5;
	v8 =	vld [tilespmem:s10+$0x810]  }
0x102: {  	v3 =	vadd.f32 v10, v3;
	v10 =	vld [tilespmem:s10+$0x5810]  }
0x103: {  	[tilespmem:s23+$0x50] =	vst v5;
	v5 =	vshll.u32 v7, $0x10;
	v11 =	vshll.u32 v9, $0x10;
	v7 =	vadd.f32 v9, v7  }
0x104: {  	[tilespmem:s23+$0x40] =	vst v3;
	v3 =	vadd.f32 v11, v5  }
0x105: {  	v5 =	vld [tilespmem:s14+$0x430];
	[tilespmem:s15+$0x70] =	vst v7;
	v7 =	vshll.u32 v4, $0x10;
	v9 =	vshll.u32 v6, $0x10;
	v4 =	vadd.f32 v6, v4  }
0x106: {  	v6 =	vld [tilespmem:s14+$0x5430];
	[tilespmem:s15+$0x60] =	vst v3;
	v3 =	vadd.f32 v9, v7  }
0x107: {  	v7 =	vld [tilespmem:s16+$0x440];
	[tilespmem:s9+$0x830] =	vst v4;
	v4 =	vshll.u32 v8, $0x10;
	v9 =	vshll.u32 v10, $0x10;
	v8 =	vadd.f32 v10, v8  }
0x108: {  	v10 =	vld [tilespmem:s16+$0x5440];
	[tilespmem:s9+$0x820] =	vst v3;
	v3 =	vadd.f32 v9, v4  }
0x109: {  	v4 =	vld [tilespmem:s12+$0x820];
	[tilespmem:s0+$0x830] =	vst v8  }
0x10a: {  	v8 =	vld [tilespmem:s12+$0x5820];
	[tilespmem:s0+$0x820] =	vst v3  }
0x10b: {  	v3 =	vshll.u32 v5, $0x10;
	v9 =	vshll.u32 v6, $0x10;
	v5 =	vadd.f32 v6, v5;
	v6 =	vld [tilespmem:s10+$0x820]  }
0x10c: {  	v3 =	vadd.f32 v9, v3;
	v9 =	vld [tilespmem:s10+$0x5820]  }
0x10d: {  	[tilespmem:s23+$0x70] =	vst v5;
	v5 =	vshll.u32 v7, $0x10;
	v11 =	vshll.u32 v10, $0x10;
	v7 =	vadd.f32 v10, v7  }
0x10e: {  	[tilespmem:s23+$0x60] =	vst v3;
	v3 =	vadd.f32 v11, v5  }
0x10f: {  	v5 =	vld [tilespmem:s14+$0x440];
	[tilespmem:s15+$0x410] =	vst v7;
	v7 =	vshll.u32 v4, $0x10;
	v10 =	vshll.u32 v8, $0x10;
	v4 =	vadd.f32 v8, v4  }
0x110: {  	v8 =	vld [tilespmem:s14+$0x5440];
	[tilespmem:s15+$0x400] =	vst v3;
	v3 =	vadd.f32 v10, v7  }
0x111: {  	v7 =	vld [tilespmem:s16+$0x450];
	[tilespmem:s9+$0x850] =	vst v4;
	v4 =	vshll.u32 v6, $0x10;
	v10 =	vshll.u32 v9, $0x10;
	v6 =	vadd.f32 v9, v6  }
0x112: {  	v9 =	vld [tilespmem:s16+$0x5450];
	[tilespmem:s9+$0x840] =	vst v3;
	v3 =	vadd.f32 v10, v4  }
0x113: {  	v4 =	vld [tilespmem:s12+$0x830];
	[tilespmem:s0+$0x850] =	vst v6  }
0x114: {  	v6 =	vld [tilespmem:s12+$0x5830];
	[tilespmem:s0+$0x840] =	vst v3  }
0x115: {  	v3 =	vshll.u32 v5, $0x10;
	v10 =	vshll.u32 v8, $0x10;
	v5 =	vadd.f32 v8, v5;
	v8 =	vld [tilespmem:s10+$0x830]  }
0x116: {  	v3 =	vadd.f32 v10, v3;
	v10 =	vld [tilespmem:s10+$0x5830]  }
0x117: {  	[tilespmem:s23+$0x410] =	vst v5;
	v5 =	vshll.u32 v7, $0x10;
	v11 =	vshll.u32 v9, $0x10;
	v7 =	vadd.f32 v9, v7  }
0x118: {  	[tilespmem:s23+$0x400] =	vst v3;
	v3 =	vadd.f32 v11, v5  }
0x119: {  	v5 =	vld [tilespmem:s14+$0x450];
	[tilespmem:s15+$0x430] =	vst v7;
	v7 =	vshll.u32 v4, $0x10;
	v9 =	vshll.u32 v6, $0x10;
	v4 =	vadd.f32 v6, v4  }
0x11a: {  	v6 =	vld [tilespmem:s14+$0x5450];
	[tilespmem:s15+$0x420] =	vst v3;
	v3 =	vadd.f32 v9, v7  }
0x11b: {  	v7 =	vld [tilespmem:s16+$0x460];
	[tilespmem:s9+$0x870] =	vst v4;
	v4 =	vshll.u32 v8, $0x10;
	v9 =	vshll.u32 v10, $0x10;
	v8 =	vadd.f32 v10, v8  }
0x11c: {  	v10 =	vld [tilespmem:s16+$0x5460];
	[tilespmem:s9+$0x860] =	vst v3;
	v3 =	vadd.f32 v9, v4  }
0x11d: {  	v4 =	vld [tilespmem:s12+$0x840];
	[tilespmem:s0+$0x870] =	vst v8  }
0x11e: {  	v8 =	vld [tilespmem:s12+$0x5840];
	[tilespmem:s0+$0x860] =	vst v3  }
0x11f: {  	v3 =	vshll.u32 v5, $0x10;
	v9 =	vshll.u32 v6, $0x10;
	v5 =	vadd.f32 v6, v5;
	v6 =	vld [tilespmem:s10+$0x840]  }
0x120: {  	v3 =	vadd.f32 v9, v3;
	v9 =	vld [tilespmem:s10+$0x5840]  }
0x121: {  	[tilespmem:s23+$0x430] =	vst v5;
	v5 =	vshll.u32 v7, $0x10;
	v11 =	vshll.u32 v10, $0x10;
	v7 =	vadd.f32 v10, v7  }
0x122: {  	[tilespmem:s23+$0x420] =	vst v3;
	v3 =	vadd.f32 v11, v5  }
0x123: {  	v5 =	vld [tilespmem:s14+$0x460];
	[tilespmem:s15+$0x450] =	vst v7;
	v7 =	vshll.u32 v4, $0x10;
	v10 =	vshll.u32 v8, $0x10;
	v4 =	vadd.f32 v8, v4  }
0x124: {  	v8 =	vld [tilespmem:s14+$0x5460];
	[tilespmem:s15+$0x440] =	vst v3;
	v3 =	vadd.f32 v10, v7  }
0x125: {  	v7 =	vld [tilespmem:s16+$0x470];
	[tilespmem:s9+$0xC10] =	vst v4;
	v4 =	vshll.u32 v6, $0x10;
	v10 =	vshll.u32 v9, $0x10;
	v6 =	vadd.f32 v9, v6  }
0x126: {  	v9 =	vld [tilespmem:s16+$0x5470];
	[tilespmem:s9+$0xC00] =	vst v3;
	v3 =	vadd.f32 v10, v4  }
0x127: {  	v4 =	vld [tilespmem:s12+$0x850];
	[tilespmem:s0+$0xC10] =	vst v6  }
0x128: {  	v6 =	vld [tilespmem:s12+$0x5850];
	[tilespmem:s0+$0xC00] =	vst v3  }
0x129: {  	v3 =	vshll.u32 v5, $0x10;
	v10 =	vshll.u32 v8, $0x10;
	v5 =	vadd.f32 v8, v5;
	v8 =	vld [tilespmem:s10+$0x850]  }
0x12a: {  	v3 =	vadd.f32 v10, v3;
	v10 =	vld [tilespmem:s10+$0x5850]  }
0x12b: {  	[tilespmem:s23+$0x450] =	vst v5;
	v5 =	vshll.u32 v7, $0x10;
	v11 =	vshll.u32 v9, $0x10;
	v7 =	vadd.f32 v9, v7  }
0x12c: {  	[tilespmem:s23+$0x440] =	vst v3;
	v3 =	vadd.f32 v11, v5  }
0x12d: {  	v5 =	vld [tilespmem:s14+$0x470];
	[tilespmem:s15+$0x470] =	vst v7;
	v7 =	vshll.u32 v4, $0x10;
	v9 =	vshll.u32 v6, $0x10;
	v4 =	vadd.f32 v6, v4  }
0x12e: {  	v6 =	vld [tilespmem:s14+$0x5470];
	[tilespmem:s15+$0x460] =	vst v3;
	v3 =	vadd.f32 v9, v7  }
0x12f: {  	v7 =	vld [tilespmem:s16+$0x800];
	[tilespmem:s9+$0xC30] =	vst v4;
	v4 =	vshll.u32 v8, $0x10;
	v9 =	vshll.u32 v10, $0x10;
	v8 =	vadd.f32 v10, v8  }
0x130: {  	v10 =	vld [tilespmem:s16+$0x5800];
	[tilespmem:s9+$0xC20] =	vst v3;
	v3 =	vadd.f32 v9, v4  }
0x131: {  	v4 =	vld [tilespmem:s12+$0x860];
	[tilespmem:s0+$0xC30] =	vst v8  }
0x132: {  	v8 =	vld [tilespmem:s12+$0x5860];
	[tilespmem:s0+$0xC20] =	vst v3  }
0x133: {  	v3 =	vshll.u32 v5, $0x10;
	v9 =	vshll.u32 v6, $0x10;
	v5 =	vadd.f32 v6, v5;
	v6 =	vld [tilespmem:s10+$0x860]  }
0x134: {  	v3 =	vadd.f32 v9, v3;
	v9 =	vld [tilespmem:s10+$0x5860]  }
0x135: {  	[tilespmem:s23+$0x470] =	vst v5;
	v5 =	vshll.u32 v7, $0x10;
	v11 =	vshll.u32 v10, $0x10;
	v7 =	vadd.f32 v10, v7  }
0x136: {  	[tilespmem:s23+$0x460] =	vst v3;
	v3 =	vadd.f32 v11, v5  }
0x137: {  	v5 =	vld [tilespmem:s14+$0x800];
	[tilespmem:s15+$0x810] =	vst v7;
	v7 =	vshll.u32 v4, $0x10;
	v10 =	vshll.u32 v8, $0x10;
	v4 =	vadd.f32 v8, v4  }
0x138: {  	v8 =	vld [tilespmem:s14+$0x5800];
	[tilespmem:s15+$0x800] =	vst v3;
	v3 =	vadd.f32 v10, v7  }
0x139: {  	v7 =	vld [tilespmem:s16+$0x810];
	[tilespmem:s9+$0xC50] =	vst v4;
	v4 =	vshll.u32 v6, $0x10;
	v10 =	vshll.u32 v9, $0x10;
	v6 =	vadd.f32 v9, v6  }
0x13a: {  	v9 =	vld [tilespmem:s16+$0x5810];
	[tilespmem:s9+$0xC40] =	vst v3;
	v3 =	vadd.f32 v10, v4  }
0x13b: {  	v4 =	vld [tilespmem:s12+$0x870];
	[tilespmem:s0+$0xC50] =	vst v6  }
0x13c: {  	s1 =	simm.s32 $0x200;
	v6 =	vld [tilespmem:s12+$0x5870];
	[tilespmem:s0+$0xC40] =	vst v3  }
0x13d: {  	s26 =	simm.s32 $0x400;
	s2 =	sand.u32 $0x200, s1;
	v3 =	vld [tilespmem:s10+$0x870]  }
0x13e: {  	s18 =	sor.u32 $0x180, s2;
	s12 =	sand.u32 $0xFFFFF800, s26;
	v10 =	vshll.u32 v5, $0x10;
	v11 =	vshll.u32 v8, $0x10;
	v5 =	vadd.f32 v8, v5;
	v8 =	vld [tilespmem:s10+$0x5870]  }
0x13f: {  	s24 =	sor.u32 s12, s18;
	v10 =	vadd.f32 v11, v10  }
0x140: {  	v11 =	vld [tilespmem:s24+$0x400];
	[tilespmem:s23+$0x810] =	vst v5;
	v5 =	vadd.f32 v9, v7  }
0x141: {  	[tilespmem:s23+$0x800] =	vst v10;
	v10 =	vld [tilespmem:s24+$0x5400];
	v12 =	vshll.u32 v4, $0x10;
	v13 =	vshll.u32 v6, $0x10;
	v4 =	vadd.f32 v6, v4  }
0x142: {  	v6 =	vld [tilespmem:s14+$0x810];
	[tilespmem:s15+$0x830] =	vst v5;
	v5 =	vadd.f32 v13, v12  }
0x143: {  	s25 =	sor.u32 s2, s12;
	v38 =	vld [tilespmem:s14+$0x5810];
	[tilespmem:s9+$0xC70] =	vst v4;
	v4 =	vshll.u32 v3, $0x10;
	v39 =	vshll.u32 v8, $0x10;
	v3 =	vadd.f32 v8, v3  }
0x144: {  	s28 =	simm.s32 $0x800;
	s5 =	sor.u32 $0x80, s2;
	v7 =	vshll.u32 v7, $0x10;
	v8 =	vshll.u32 v9, $0x10;
	v9 =	vld [tilespmem:s25+$0x400];
	[tilespmem:s9+$0xC60] =	vst v5;
	v4 =	vadd.f32 v39, v4  }
0x145: {  	s6 =	sand.u32 $0x3FFFF000, s28;
	s26 =	sor.u32 s12, s5;
	v5 =	vadd.f32 v8, v7;
	v7 =	vld [tilespmem:s25+$0x5400];
	[tilespmem:s0+$0xC70] =	vst v3  }
0x146: {  	s11 =	sor.u32 $0x100, s2;
	s9 =	sadd.s32 $0xA400, s6;
	v3 =	vld [tilespmem:s26+$0x400];
	v8 =	vshll.u32 v10, $0x10;
	v10 =	vadd.f32 v10, v11;
	[tilespmem:s0+$0xC60] =	vst v4;
	v4 =	vshll.u32 v11, $0x10  }
0x147: {  	s29 =	sor.u32 s12, s11;
	s28 =	sor.u32 s18, s9;
	[tilespmem:s15+$0x820] =	vst v5;
	v5 =	vld [tilespmem:s26+$0x5400];
	v4 =	vadd.f32 v8, v4  }
0x148: {  	v40 =	vld [tilespmem:s29+$0x400];
	v11 =	vshll.u32 v38, $0x10;
	v8 =	vshll.u32 v6, $0x10;
	v6 =	vadd.f32 v38, v6;
	[tilespmem:s28+$0x10] =	vst v10  }
0x149: {  	v10 =	vld [tilespmem:s29+$0x5400];
	v8 =	vadd.f32 v11, v8;
	[tilespmem:s28+$0x0] =	vst v4  }
0x14a: {  	[tilespmem:s23+$0x830] =	vst v6;
	v4 =	vshll.u32 v9, $0x10;
	v6 =	vshll.u32 v7, $0x10;
	v7 =	vadd.f32 v7, v9;
	v9 =	vld [tilespmem:s24+$0x410]  }
0x14b: {  	s30 =	sor.u32 s2, s9;
	[tilespmem:s23+$0x820] =	vst v8;
	v4 =	vadd.f32 v6, v4;
	v6 =	vld [tilespmem:s24+$0x5410]  }
0x14c: {  	v8 =	vld [tilespmem:s16+$0x820];
	v11 =	vshll.u32 v3, $0x10;
	[tilespmem:s30+$0x10] =	vst v7;
	v7 =	vshll.u32 v5, $0x10;
	v3 =	vadd.f32 v5, v3  }
0x14d: {  	s31 =	sor.u32 s5, s9;
	v5 =	vld [tilespmem:s16+$0x5820];
	[tilespmem:s30+$0x0] =	vst v4;
	v4 =	vadd.f32 v7, v11  }
0x14e: {  	v7 =	vshll.u32 v40, $0x10;
	v11 =	vld [tilespmem:s25+$0x410];
	[tilespmem:s31+$0x10] =	vst v3;
	v3 =	vshll.u32 v10, $0x10;
	v10 =	vadd.f32 v10, v40  }
0x14f: {  	s0 =	sor.u32 s11, s9;
	v41 =	vld [tilespmem:s25+$0x5410];
	[tilespmem:s31+$0x0] =	vst v4;
	v3 =	vadd.f32 v3, v7  }
0x150: {  	v4 =	vld [tilespmem:s26+$0x410];
	[tilespmem:s0+$0x10] =	vst v10;
	v7 =	vshll.u32 v9, $0x10;
	v10 =	vshll.u32 v6, $0x10;
	v6 =	vadd.f32 v6, v9  }
0x151: {  	v9 =	vld [tilespmem:s26+$0x5410];
	[tilespmem:s0+$0x0] =	vst v3;
	v3 =	vadd.f32 v10, v7  }
0x152: {  	v7 =	vshll.u32 v8, $0x10;
	v10 =	vshll.u32 v5, $0x10;
	v5 =	vadd.f32 v5, v8;
	v8 =	vld [tilespmem:s29+$0x410];
	[tilespmem:s28+$0x30] =	vst v6  }
0x153: {  	v6 =	vadd.f32 v10, v7;
	v7 =	vld [tilespmem:s29+$0x5410];
	[tilespmem:s28+$0x20] =	vst v3  }
0x154: {  	[tilespmem:s15+$0x850] =	vst v5;
	v3 =	vshll.u32 v11, $0x10;
	v5 =	vshll.u32 v41, $0x10;
	v10 =	vadd.f32 v41, v11;
	v11 =	vld [tilespmem:s24+$0x420]  }
0x155: {  	[tilespmem:s15+$0x840] =	vst v6;
	v3 =	vadd.f32 v5, v3;
	v5 =	vld [tilespmem:s24+$0x5420]  }
0x156: {  	v6 =	vld [tilespmem:s14+$0x820];
	v42 =	vshll.u32 v4, $0x10;
	[tilespmem:s30+$0x30] =	vst v10;
	v10 =	vshll.u32 v9, $0x10;
	v4 =	vadd.f32 v9, v4  }
0x157: {  	v9 =	vld [tilespmem:s14+$0x5820];
	[tilespmem:s30+$0x20] =	vst v3;
	v3 =	vadd.f32 v10, v42  }
0x158: {  	v10 =	vshll.u32 v8, $0x10;
	v43 =	vld [tilespmem:s25+$0x420];
	[tilespmem:s31+$0x30] =	vst v4;
	v4 =	vshll.u32 v7, $0x10;
	v7 =	vadd.f32 v7, v8  }
0x159: {  	v8 =	vld [tilespmem:s25+$0x5420];
	[tilespmem:s31+$0x20] =	vst v3;
	v3 =	vadd.f32 v4, v10  }
0x15a: {  	v4 =	vld [tilespmem:s26+$0x420];
	[tilespmem:s0+$0x30] =	vst v7;
	v7 =	vshll.u32 v11, $0x10;
	v10 =	vshll.u32 v5, $0x10;
	v5 =	vadd.f32 v5, v11  }
0x15b: {  	v11 =	vld [tilespmem:s26+$0x5420];
	[tilespmem:s0+$0x20] =	vst v3;
	v3 =	vadd.f32 v10, v7  }
0x15c: {  	v7 =	vshll.u32 v6, $0x10;
	v10 =	vshll.u32 v9, $0x10;
	v6 =	vadd.f32 v9, v6;
	v9 =	vld [tilespmem:s29+$0x420];
	[tilespmem:s28+$0x50] =	vst v5  }
0x15d: {  	v5 =	vadd.f32 v10, v7;
	v7 =	vld [tilespmem:s29+$0x5420];
	[tilespmem:s28+$0x40] =	vst v3  }
0x15e: {  	[tilespmem:s23+$0x850] =	vst v6;
	v3 =	vshll.u32 v43, $0x10;
	v6 =	vshll.u32 v8, $0x10;
	v8 =	vadd.f32 v8, v43;
	v10 =	vld [tilespmem:s24+$0x430]  }
0x15f: {  	[tilespmem:s23+$0x840] =	vst v5;
	v3 =	vadd.f32 v6, v3;
	v5 =	vld [tilespmem:s24+$0x5430]  }
0x160: {  	v6 =	vld [tilespmem:s16+$0x830];
	v44 =	vshll.u32 v4, $0x10;
	[tilespmem:s30+$0x50] =	vst v8;
	v8 =	vshll.u32 v11, $0x10;
	v4 =	vadd.f32 v11, v4  }
0x161: {  	v11 =	vld [tilespmem:s16+$0x5830];
	[tilespmem:s30+$0x40] =	vst v3;
	v3 =	vadd.f32 v8, v44  }
0x162: {  	v8 =	vshll.u32 v9, $0x10;
	v45 =	vld [tilespmem:s25+$0x430];
	[tilespmem:s31+$0x50] =	vst v4;
	v4 =	vshll.u32 v7, $0x10;
	v7 =	vadd.f32 v7, v9  }
0x163: {  	v9 =	vld [tilespmem:s25+$0x5430];
	[tilespmem:s31+$0x40] =	vst v3;
	v3 =	vadd.f32 v4, v8  }
0x164: {  	v4 =	vld [tilespmem:s26+$0x430];
	[tilespmem:s0+$0x50] =	vst v7;
	v7 =	vshll.u32 v10, $0x10;
	v8 =	vshll.u32 v5, $0x10;
	v5 =	vadd.f32 v5, v10  }
0x165: {  	v10 =	vld [tilespmem:s26+$0x5430];
	[tilespmem:s0+$0x40] =	vst v3;
	v3 =	vadd.f32 v8, v7  }
0x166: {  	v7 =	vshll.u32 v6, $0x10;
	v8 =	vshll.u32 v11, $0x10;
	v6 =	vadd.f32 v11, v6;
	v11 =	vld [tilespmem:s29+$0x430];
	[tilespmem:s28+$0x70] =	vst v5  }
0x167: {  	v5 =	vadd.f32 v8, v7;
	v7 =	vld [tilespmem:s29+$0x5430];
	[tilespmem:s28+$0x60] =	vst v3  }
0x168: {  	[tilespmem:s15+$0x870] =	vst v6;
	v3 =	vshll.u32 v45, $0x10;
	v6 =	vshll.u32 v9, $0x10;
	v8 =	vadd.f32 v9, v45;
	v9 =	vld [tilespmem:s24+$0x440]  }
0x169: {  	[tilespmem:s15+$0x860] =	vst v5;
	v3 =	vadd.f32 v6, v3;
	v5 =	vld [tilespmem:s24+$0x5440]  }
0x16a: {  	v6 =	vld [tilespmem:s14+$0x830];
	v46 =	vshll.u32 v4, $0x10;
	[tilespmem:s30+$0x70] =	vst v8;
	v8 =	vshll.u32 v10, $0x10;
	v4 =	vadd.f32 v10, v4  }
0x16b: {  	v10 =	vld [tilespmem:s14+$0x5830];
	[tilespmem:s30+$0x60] =	vst v3;
	v3 =	vadd.f32 v8, v46  }
0x16c: {  	v8 =	vshll.u32 v11, $0x10;
	v47 =	vld [tilespmem:s25+$0x440];
	[tilespmem:s31+$0x70] =	vst v4;
	v4 =	vshll.u32 v7, $0x10;
	v7 =	vadd.f32 v7, v11  }
0x16d: {  	v11 =	vld [tilespmem:s25+$0x5440];
	[tilespmem:s31+$0x60] =	vst v3;
	v3 =	vadd.f32 v4, v8  }
0x16e: {  	v4 =	vld [tilespmem:s26+$0x440];
	[tilespmem:s0+$0x70] =	vst v7;
	v7 =	vshll.u32 v9, $0x10;
	v8 =	vshll.u32 v5, $0x10;
	v5 =	vadd.f32 v5, v9  }
0x16f: {  	v9 =	vld [tilespmem:s26+$0x5440];
	[tilespmem:s0+$0x60] =	vst v3;
	v3 =	vadd.f32 v8, v7  }
0x170: {  	v7 =	vshll.u32 v6, $0x10;
	v8 =	vshll.u32 v10, $0x10;
	v6 =	vadd.f32 v10, v6;
	v10 =	vld [tilespmem:s29+$0x440];
	[tilespmem:s28+$0x410] =	vst v5  }
0x171: {  	v5 =	vadd.f32 v8, v7;
	v7 =	vld [tilespmem:s29+$0x5440];
	[tilespmem:s28+$0x400] =	vst v3  }
0x172: {  	[tilespmem:s23+$0x870] =	vst v6;
	v3 =	vshll.u32 v47, $0x10;
	v6 =	vshll.u32 v11, $0x10;
	v8 =	vadd.f32 v11, v47;
	v11 =	vld [tilespmem:s24+$0x450]  }
0x173: {  	[tilespmem:s23+$0x860] =	vst v5;
	v3 =	vadd.f32 v6, v3;
	v5 =	vld [tilespmem:s24+$0x5450]  }
0x174: {  	v6 =	vld [tilespmem:s16+$0x840];
	v48 =	vshll.u32 v4, $0x10;
	[tilespmem:s30+$0x410] =	vst v8;
	v8 =	vshll.u32 v9, $0x10;
	v4 =	vadd.f32 v9, v4  }
0x175: {  	v9 =	vld [tilespmem:s16+$0x5840];
	[tilespmem:s30+$0x400] =	vst v3;
	v3 =	vadd.f32 v8, v48  }
0x176: {  	v8 =	vshll.u32 v10, $0x10;
	v49 =	vld [tilespmem:s25+$0x450];
	[tilespmem:s31+$0x410] =	vst v4;
	v4 =	vshll.u32 v7, $0x10;
	v7 =	vadd.f32 v7, v10  }
0x177: {  	v10 =	vld [tilespmem:s25+$0x5450];
	[tilespmem:s31+$0x400] =	vst v3;
	v3 =	vadd.f32 v4, v8  }
0x178: {  	v4 =	vld [tilespmem:s26+$0x450];
	[tilespmem:s0+$0x410] =	vst v7;
	v7 =	vshll.u32 v11, $0x10;
	v8 =	vshll.u32 v5, $0x10;
	v5 =	vadd.f32 v5, v11  }
0x179: {  	v11 =	vld [tilespmem:s26+$0x5450];
	[tilespmem:s0+$0x400] =	vst v3;
	v3 =	vadd.f32 v8, v7  }
0x17a: {  	v7 =	vshll.u32 v6, $0x10;
	v8 =	vshll.u32 v9, $0x10;
	v6 =	vadd.f32 v9, v6;
	v9 =	vld [tilespmem:s29+$0x450];
	[tilespmem:s28+$0x430] =	vst v5  }
0x17b: {  	v5 =	vadd.f32 v8, v7;
	v7 =	vld [tilespmem:s29+$0x5450];
	[tilespmem:s28+$0x420] =	vst v3  }
0x17c: {  	[tilespmem:s15+$0xC10] =	vst v6;
	v3 =	vshll.u32 v49, $0x10;
	v6 =	vshll.u32 v10, $0x10;
	v8 =	vadd.f32 v10, v49;
	v10 =	vld [tilespmem:s24+$0x460]  }
0x17d: {  	[tilespmem:s15+$0xC00] =	vst v5;
	v3 =	vadd.f32 v6, v3;
	v5 =	vld [tilespmem:s24+$0x5460]  }
0x17e: {  	v6 =	vld [tilespmem:s14+$0x840];
	v50 =	vshll.u32 v4, $0x10;
	[tilespmem:s30+$0x430] =	vst v8;
	v8 =	vshll.u32 v11, $0x10;
	v4 =	vadd.f32 v11, v4  }
0x17f: {  	v11 =	vld [tilespmem:s14+$0x5840];
	[tilespmem:s30+$0x420] =	vst v3;
	v3 =	vadd.f32 v8, v50  }
0x180: {  	v8 =	vshll.u32 v9, $0x10;
	v51 =	vld [tilespmem:s25+$0x460];
	[tilespmem:s31+$0x430] =	vst v4;
	v4 =	vshll.u32 v7, $0x10;
	v7 =	vadd.f32 v7, v9  }
0x181: {  	v9 =	vld [tilespmem:s25+$0x5460];
	[tilespmem:s31+$0x420] =	vst v3;
	v3 =	vadd.f32 v4, v8  }
0x182: {  	v4 =	vld [tilespmem:s26+$0x460];
	[tilespmem:s0+$0x430] =	vst v7;
	v7 =	vshll.u32 v10, $0x10;
	v8 =	vshll.u32 v5, $0x10;
	v5 =	vadd.f32 v5, v10  }
0x183: {  	v10 =	vld [tilespmem:s26+$0x5460];
	[tilespmem:s0+$0x420] =	vst v3;
	v3 =	vadd.f32 v8, v7  }
0x184: {  	v7 =	vshll.u32 v6, $0x10;
	v8 =	vshll.u32 v11, $0x10;
	v6 =	vadd.f32 v11, v6;
	v11 =	vld [tilespmem:s29+$0x460];
	[tilespmem:s28+$0x450] =	vst v5  }
0x185: {  	v5 =	vadd.f32 v8, v7;
	v7 =	vld [tilespmem:s29+$0x5460];
	[tilespmem:s28+$0x440] =	vst v3  }
0x186: {  	[tilespmem:s23+$0xC10] =	vst v6;
	v3 =	vshll.u32 v51, $0x10;
	v6 =	vshll.u32 v9, $0x10;
	v8 =	vadd.f32 v9, v51;
	v9 =	vld [tilespmem:s24+$0x470]  }
0x187: {  	[tilespmem:s23+$0xC00] =	vst v5;
	v3 =	vadd.f32 v6, v3;
	v5 =	vld [tilespmem:s24+$0x5470]  }
0x188: {  	v6 =	vld [tilespmem:s16+$0x850];
	v52 =	vshll.u32 v4, $0x10;
	[tilespmem:s30+$0x450] =	vst v8;
	v8 =	vshll.u32 v10, $0x10;
	v4 =	vadd.f32 v10, v4  }
0x189: {  	v10 =	vld [tilespmem:s16+$0x5850];
	[tilespmem:s30+$0x440] =	vst v3;
	v3 =	vadd.f32 v8, v52  }
0x18a: {  	v8 =	vshll.u32 v11, $0x10;
	v53 =	vld [tilespmem:s25+$0x470];
	[tilespmem:s31+$0x450] =	vst v4;
	v4 =	vshll.u32 v7, $0x10;
	v7 =	vadd.f32 v7, v11  }
0x18b: {  	v11 =	vld [tilespmem:s25+$0x5470];
	[tilespmem:s31+$0x440] =	vst v3;
	v3 =	vadd.f32 v4, v8  }
0x18c: {  	v4 =	vld [tilespmem:s26+$0x470];
	[tilespmem:s0+$0x450] =	vst v7;
	v7 =	vshll.u32 v9, $0x10;
	v8 =	vshll.u32 v5, $0x10;
	v5 =	vadd.f32 v5, v9  }
0x18d: {  	v9 =	vld [tilespmem:s26+$0x5470];
	[tilespmem:s0+$0x440] =	vst v3;
	v3 =	vadd.f32 v8, v7  }
0x18e: {  	v7 =	vshll.u32 v6, $0x10;
	v8 =	vshll.u32 v10, $0x10;
	v6 =	vadd.f32 v10, v6;
	v10 =	vld [tilespmem:s29+$0x470];
	[tilespmem:s28+$0x470] =	vst v5  }
0x18f: {  	v5 =	vadd.f32 v8, v7;
	v7 =	vld [tilespmem:s29+$0x5470];
	[tilespmem:s28+$0x460] =	vst v3  }
0x190: {  	[tilespmem:s15+$0xC30] =	vst v6;
	v3 =	vshll.u32 v53, $0x10;
	v6 =	vshll.u32 v11, $0x10;
	v8 =	vadd.f32 v11, v53;
	v11 =	vld [tilespmem:s24+$0x800]  }
0x191: {  	[tilespmem:s15+$0xC20] =	vst v5;
	v3 =	vadd.f32 v6, v3;
	v5 =	vld [tilespmem:s24+$0x5800]  }
0x192: {  	v6 =	vld [tilespmem:s14+$0x850];
	v54 =	vshll.u32 v4, $0x10;
	[tilespmem:s30+$0x470] =	vst v8;
	v8 =	vshll.u32 v9, $0x10;
	v4 =	vadd.f32 v9, v4  }
0x193: {  	v9 =	vld [tilespmem:s14+$0x5850];
	[tilespmem:s30+$0x460] =	vst v3;
	v3 =	vadd.f32 v8, v54  }
0x194: {  	v8 =	vshll.u32 v10, $0x10;
	v55 =	vld [tilespmem:s25+$0x800];
	[tilespmem:s31+$0x470] =	vst v4;
	v4 =	vshll.u32 v7, $0x10;
	v7 =	vadd.f32 v7, v10  }
0x195: {  	v10 =	vld [tilespmem:s25+$0x5800];
	[tilespmem:s31+$0x460] =	vst v3;
	v3 =	vadd.f32 v4, v8  }
0x196: {  	v4 =	vld [tilespmem:s26+$0x800];
	[tilespmem:s0+$0x470] =	vst v7;
	v7 =	vshll.u32 v11, $0x10;
	v8 =	vshll.u32 v5, $0x10;
	v5 =	vadd.f32 v5, v11  }
0x197: {  	v11 =	vld [tilespmem:s26+$0x5800];
	[tilespmem:s0+$0x460] =	vst v3;
	v3 =	vadd.f32 v8, v7  }
0x198: {  	v7 =	vshll.u32 v6, $0x10;
	v8 =	vshll.u32 v9, $0x10;
	v6 =	vadd.f32 v9, v6;
	v9 =	vld [tilespmem:s29+$0x800];
	[tilespmem:s28+$0x810] =	vst v5  }
0x199: {  	v5 =	vadd.f32 v8, v7;
	v7 =	vld [tilespmem:s29+$0x5800];
	[tilespmem:s28+$0x800] =	vst v3  }
0x19a: {  	[tilespmem:s23+$0xC30] =	vst v6;
	v3 =	vshll.u32 v55, $0x10;
	v6 =	vshll.u32 v10, $0x10;
	v8 =	vadd.f32 v10, v55;
	v10 =	vld [tilespmem:s24+$0x810]  }
0x19b: {  	[tilespmem:s23+$0xC20] =	vst v5;
	v3 =	vadd.f32 v6, v3;
	v5 =	vld [tilespmem:s24+$0x5810]  }
0x19c: {  	v6 =	vld [tilespmem:s16+$0x860];
	v56 =	vshll.u32 v4, $0x10;
	[tilespmem:s30+$0x810] =	vst v8;
	v8 =	vshll.u32 v11, $0x10;
	v4 =	vadd.f32 v11, v4  }
0x19d: {  	v11 =	vld [tilespmem:s16+$0x5860];
	[tilespmem:s30+$0x800] =	vst v3;
	v3 =	vadd.f32 v8, v56  }
0x19e: {  	v8 =	vshll.u32 v9, $0x10;
	v57 =	vld [tilespmem:s25+$0x810];
	[tilespmem:s31+$0x810] =	vst v4;
	v4 =	vshll.u32 v7, $0x10;
	v7 =	vadd.f32 v7, v9  }
0x19f: {  	v9 =	vld [tilespmem:s25+$0x5810];
	[tilespmem:s31+$0x800] =	vst v3;
	v3 =	vadd.f32 v4, v8  }
0x1a0: {  	v4 =	vld [tilespmem:s26+$0x810];
	[tilespmem:s0+$0x810] =	vst v7;
	v7 =	vshll.u32 v10, $0x10;
	v8 =	vshll.u32 v5, $0x10;
	v5 =	vadd.f32 v5, v10  }
0x1a1: {  	v10 =	vld [tilespmem:s26+$0x5810];
	[tilespmem:s0+$0x800] =	vst v3;
	v3 =	vadd.f32 v8, v7  }
0x1a2: {  	v7 =	vshll.u32 v6, $0x10;
	v8 =	vshll.u32 v11, $0x10;
	v6 =	vadd.f32 v11, v6;
	v11 =	vld [tilespmem:s29+$0x810];
	[tilespmem:s28+$0x830] =	vst v5  }
0x1a3: {  	v5 =	vadd.f32 v8, v7;
	v7 =	vld [tilespmem:s29+$0x5810];
	[tilespmem:s28+$0x820] =	vst v3  }
0x1a4: {  	[tilespmem:s15+$0xC50] =	vst v6;
	v3 =	vshll.u32 v57, $0x10;
	v6 =	vshll.u32 v9, $0x10;
	v8 =	vadd.f32 v9, v57;
	v9 =	vld [tilespmem:s24+$0x820]  }
0x1a5: {  	[tilespmem:s15+$0xC40] =	vst v5;
	v3 =	vadd.f32 v6, v3;
	v5 =	vld [tilespmem:s24+$0x5820]  }
0x1a6: {  	v6 =	vld [tilespmem:s14+$0x860];
	v58 =	vshll.u32 v4, $0x10;
	[tilespmem:s30+$0x830] =	vst v8;
	v8 =	vshll.u32 v10, $0x10;
	v4 =	vadd.f32 v10, v4  }
0x1a7: {  	v10 =	vld [tilespmem:s14+$0x5860];
	[tilespmem:s30+$0x820] =	vst v3;
	v3 =	vadd.f32 v8, v58  }
0x1a8: {  	v8 =	vshll.u32 v11, $0x10;
	v59 =	vld [tilespmem:s25+$0x820];
	[tilespmem:s31+$0x830] =	vst v4;
	v4 =	vshll.u32 v7, $0x10;
	v7 =	vadd.f32 v7, v11  }
0x1a9: {  	v11 =	vld [tilespmem:s25+$0x5820];
	[tilespmem:s31+$0x820] =	vst v3;
	v3 =	vadd.f32 v4, v8  }
0x1aa: {  	v60 =	vld [tilespmem:s16+$0x5870];
	[tilespmem:s0+$0x830] =	vst v7;
	v7 =	vshll.u32 v9, $0x10;
	v8 =	vshll.u32 v5, $0x10;
	v5 =	vadd.f32 v5, v9  }
0x1ab: {  	v4 =	vld [tilespmem:s26+$0x820];
	[tilespmem:s0+$0x820] =	vst v3;
	v3 =	vadd.f32 v8, v7  }
0x1ac: {  	v9 =	vld [tilespmem:s26+$0x5820];
	v7 =	vshll.u32 v6, $0x10;
	v8 =	vshll.u32 v10, $0x10;
	v6 =	vadd.f32 v10, v6;
	[tilespmem:s28+$0x850] =	vst v5  }
0x1ad: {  	v10 =	vld [tilespmem:s29+$0x820];
	v5 =	vadd.f32 v8, v7;
	[tilespmem:s28+$0x840] =	vst v3  }
0x1ae: {  	v7 =	vld [tilespmem:s29+$0x5820];
	[tilespmem:s23+$0xC50] =	vst v6;
	v3 =	vshll.u32 v59, $0x10;
	v6 =	vshll.u32 v11, $0x10;
	v8 =	vadd.f32 v11, v59  }
0x1af: {  	v11 =	vld [tilespmem:s24+$0x830];
	[tilespmem:s23+$0xC40] =	vst v5;
	v3 =	vadd.f32 v6, v3  }
0x1b0: {  	v5 =	vld [tilespmem:s24+$0x5830];
	[tilespmem:s30+$0x850] =	vst v8  }
0x1b1: {  	v6 =	vshll.u32 v4, $0x10;
	v8 =	vshll.u32 v9, $0x10;
	v4 =	vadd.f32 v9, v4;
	v9 =	vld [tilespmem:s16+$0x870];
	[tilespmem:s30+$0x840] =	vst v3  }
0x1b2: {  	v3 =	vadd.f32 v8, v6;
	v8 =	vld [tilespmem:s25+$0x830]  }
0x1b3: {  	v6 =	vshll.u32 v10, $0x10;
	[tilespmem:s31+$0x850] =	vst v4;
	v4 =	vshll.u32 v7, $0x10;
	v7 =	vadd.f32 v7, v10;
	v10 =	vld [tilespmem:s25+$0x5830]  }
0x1b4: {  	[tilespmem:s31+$0x840] =	vst v3;
	v3 =	vadd.f32 v4, v6  }
0x1b5: {  	v61 =	vld [tilespmem:s26+$0x830];
	[tilespmem:s0+$0x850] =	vst v7;
	v4 =	vshll.u32 v11, $0x10;
	v6 =	vshll.u32 v5, $0x10;
	v5 =	vadd.f32 v5, v11  }
0x1b6: {  	v11 =	vld [tilespmem:s26+$0x5830];
	[tilespmem:s0+$0x840] =	vst v3;
	v3 =	vadd.f32 v6, v4  }
0x1b7: {  	v4 =	vshll.u32 v9, $0x10;
	v9 =	vadd.f32 v60, v9;
	v6 =	vld [tilespmem:s29+$0x830];
	[tilespmem:s28+$0x870] =	vst v5;
	v5 =	vshll.u32 v60, $0x10  }
0x1b8: {  	v7 =	vld [tilespmem:s29+$0x5830];
	[tilespmem:s28+$0x860] =	vst v3;
	v3 =	vadd.f32 v5, v4;
	v4 =	vshll.u32 v8, $0x10;
	v8 =	vadd.f32 v10, v8  }
0x1b9: {  	v62 =	vshll.u32 v10, $0x10;
	[tilespmem:s15+$0xC70] =	vst v9;
	v5 =	vld [tilespmem:s24+$0x840]  }
0x1ba: {  	v9 =	vadd.f32 v62, v4;
	[tilespmem:s30+$0x870] =	vst v8;
	v8 =	vld [tilespmem:s24+$0x5840]  }
0x1bb: {  	[tilespmem:s15+$0xC60] =	vst v3;
	v3 =	vld [tilespmem:s14+$0x870];
	v10 =	vshll.u32 v61, $0x10;
	v63 =	vshll.u32 v11, $0x10;
	v11 =	vadd.f32 v11, v61  }
0x1bc: {  	v4 =	vld [tilespmem:s14+$0x5870];
	s14 =	simm.s32 $0x4;
	[tilespmem:s30+$0x860] =	vst v9;
	v9 =	vadd.f32 v63, v10;
	v10 =	vshll.u32 v6, $0x10  }
.LBB2_3:
0x1bd: {  	s14 =	sadd.s32 $0x4, s14;
	v12 =	vld [tilespmem:s25+$0x840];
	[tilespmem:s31+$0x870] =	vst v11;
	v11 =	vshll.u32 v7, $0x10;
	v6 =	vadd.f32 v7, v6;
	s1 =	sadd.s32 $0x200, s1  }
0x1be: {  	s9 =	sshll.u32 s14, $0x8;
	s2 =	sand.u32 $0x200, s1;
	p2 =	slt.u32 s14, $0x24;
	v7 =	vld [tilespmem:s25+$0x5840];
	[tilespmem:s31+$0x860] =	vst v9;
	v9 =	vadd.f32 v11, v10  }
0x1bf: {  	s9 =	sand.u32 $0xFFFFF800, s9;
	s5 =	sor.u32 $0x80, s2;
	s6 =	sor.u32 $0x180, s2;
	v10 =	vld [tilespmem:s26+$0x840];
	[tilespmem:s0+$0x870] =	vst v6;
	v6 =	vshll.u32 v5, $0x10;
	v11 =	vshll.u32 v8, $0x10;
	v5 =	vadd.f32 v8, v5  }
0x1c0: {  	s11 =	sor.u32 $0x100, s2;
	s10 =	sor.u32 s2, s9;
	s18 =	sor.u32 s9, s6;
	v8 =	vld [tilespmem:s26+$0x5840];
	[tilespmem:s0+$0x860] =	vst v9;
	v6 =	vadd.f32 v11, v6;
	v9 =	vshll.u32 v3, $0x10  }
0x1c1: {  	s16 =	sor.u32 s9, s5;
	s15 =	sor.u32 s9, s11;
	v11 =	vld [tilespmem:s18+$0x400];
	[tilespmem:s28+$0xC10] =	vst v5;
	v5 =	vshll.u32 v4, $0x10;
	v3 =	vadd.f32 v4, v3  }
0x1c2: {  	v4 =	vld [tilespmem:s18+$0x5400];
	v13 =	vshll.u32 v12, $0x10;
	[tilespmem:s28+$0xC00] =	vst v6;
	v5 =	vadd.f32 v5, v9  }
0x1c3: {  	v6 =	vshll.u32 v7, $0x10;
	v7 =	vadd.f32 v7, v12;
	v9 =	vld [tilespmem:s24+$0x850];
	[tilespmem:s23+$0xC70] =	vst v3  }
0x1c4: {  	v3 =	vadd.f32 v6, v13;
	v6 =	vshll.u32 v10, $0x10;
	v12 =	vld [tilespmem:s24+$0x5850];
	[tilespmem:s23+$0xC60] =	vst v5;
	s23 =	smov.u32 s0  }
0x1c5: {  	s0 =	sshll.u32 s14, $0x9;
	v5 =	vld [tilespmem:s10+$0x400];
	[tilespmem:s30+$0xC10] =	vst v7;
	v7 =	vshll.u32 v8, $0x10;
	v8 =	vadd.f32 v8, v10  }
0x1c6: {  	s0 =	sand.u32 $0x3FFFF000, s0;
	v10 =	vld [tilespmem:s10+$0x5400];
	[tilespmem:s30+$0xC00] =	vst v3;
	v3 =	vadd.f32 v7, v6  }
0x1c7: {  	s0 =	sadd.s32 $0xA400, s0;
	v7 =	vshll.u32 v11, $0x10;
	v6 =	vld [tilespmem:s16+$0x400];
	v13 =	vshll.u32 v4, $0x10;
	v4 =	vadd.f32 v4, v11;
	[tilespmem:s31+$0xC10] =	vst v8  }
0x1c8: {  	s12 =	sor.u32 s2, s0;
	s9 =	sor.u32 s5, s0;
	s2 =	sor.u32 s6, s0;
	v8 =	vld [tilespmem:s16+$0x5400];
	v7 =	vadd.f32 v13, v7;
	[tilespmem:s31+$0xC00] =	vst v3  }
0x1c9: {  	s0 =	sor.u32 s11, s0;
	v3 =	vld [tilespmem:s15+$0x400];
	[tilespmem:s2+$0x10] =	vst v4;
	v4 =	vshll.u32 v9, $0x10;
	v11 =	vshll.u32 v12, $0x10;
	v9 =	vadd.f32 v12, v9  }
0x1ca: {  	v12 =	vshll.u32 v5, $0x10;
	v13 =	vld [tilespmem:s15+$0x5400];
	[tilespmem:s2+$0x0] =	vst v7;
	v4 =	vadd.f32 v11, v4  }
0x1cb: {  	v7 =	vshll.u32 v10, $0x10;
	v5 =	vadd.f32 v10, v5;
	v10 =	vld [tilespmem:s18+$0x410];
	[tilespmem:s28+$0xC30] =	vst v9  }
0x1cc: {  	v7 =	vadd.f32 v7, v12;
	v9 =	vshll.u32 v6, $0x10;
	v11 =	vld [tilespmem:s18+$0x5410];
	[tilespmem:s28+$0xC20] =	vst v4  }
0x1cd: {  	[tilespmem:s12+$0x10] =	vst v5;
	v4 =	vshll.u32 v8, $0x10;
	v5 =	vadd.f32 v8, v6;
	v6 =	vld [tilespmem:s24+$0x860]  }
0x1ce: {  	[tilespmem:s12+$0x0] =	vst v7;
	v4 =	vadd.f32 v4, v9;
	v7 =	vshll.u32 v3, $0x10;
	v8 =	vld [tilespmem:s24+$0x5860]  }
0x1cf: {  	v9 =	vld [tilespmem:s10+$0x410];
	[tilespmem:s9+$0x10] =	vst v5;
	v5 =	vshll.u32 v13, $0x10;
	v3 =	vadd.f32 v13, v3  }
0x1d0: {  	v12 =	vld [tilespmem:s10+$0x5410];
	[tilespmem:s9+$0x0] =	vst v4;
	v4 =	vadd.f32 v5, v7  }
0x1d1: {  	v5 =	vld [tilespmem:s16+$0x410];
	[tilespmem:s0+$0x10] =	vst v3;
	v3 =	vshll.u32 v10, $0x10;
	v7 =	vshll.u32 v11, $0x10;
	v10 =	vadd.f32 v11, v10  }
0x1d2: {  	v11 =	vld [tilespmem:s16+$0x5410];
	[tilespmem:s0+$0x0] =	vst v4;
	v3 =	vadd.f32 v7, v3  }
0x1d3: {  	v7 =	vshll.u32 v6, $0x10;
	v4 =	vld [tilespmem:s15+$0x410];
	[tilespmem:s2+$0x30] =	vst v10;
	v10 =	vshll.u32 v8, $0x10;
	v6 =	vadd.f32 v8, v6  }
0x1d4: {  	v8 =	vshll.u32 v9, $0x10;
	v13 =	vld [tilespmem:s15+$0x5410];
	[tilespmem:s2+$0x20] =	vst v3;
	v3 =	vadd.f32 v10, v7  }
0x1d5: {  	v7 =	vshll.u32 v12, $0x10;
	v9 =	vadd.f32 v12, v9;
	v10 =	vld [tilespmem:s18+$0x420];
	[tilespmem:s28+$0xC50] =	vst v6  }
0x1d6: {  	v6 =	vadd.f32 v7, v8;
	v7 =	vshll.u32 v5, $0x10;
	v8 =	vld [tilespmem:s18+$0x5420];
	[tilespmem:s28+$0xC40] =	vst v3  }
0x1d7: {  	[tilespmem:s12+$0x30] =	vst v9;
	v3 =	vshll.u32 v11, $0x10;
	v5 =	vadd.f32 v11, v5;
	v9 =	vld [tilespmem:s24+$0x870]  }
0x1d8: {  	[tilespmem:s12+$0x20] =	vst v6;
	v3 =	vadd.f32 v3, v7;
	v6 =	vshll.u32 v4, $0x10;
	v7 =	vld [tilespmem:s24+$0x5870];
	s24 =	smov.u32 s18  }
0x1d9: {  	v11 =	vld [tilespmem:s10+$0x420];
	[tilespmem:s9+$0x30] =	vst v5;
	v5 =	vshll.u32 v13, $0x10;
	v4 =	vadd.f32 v13, v4  }
0x1da: {  	v12 =	vld [tilespmem:s10+$0x5420];
	[tilespmem:s9+$0x20] =	vst v3;
	v3 =	vadd.f32 v5, v6  }
0x1db: {  	v5 =	vld [tilespmem:s16+$0x420];
	[tilespmem:s0+$0x30] =	vst v4;
	v4 =	vshll.u32 v10, $0x10;
	v6 =	vshll.u32 v8, $0x10;
	v8 =	vadd.f32 v8, v10  }
0x1dc: {  	v10 =	vld [tilespmem:s16+$0x5420];
	[tilespmem:s0+$0x20] =	vst v3;
	v3 =	vadd.f32 v6, v4  }
0x1dd: {  	v6 =	vshll.u32 v9, $0x10;
	v4 =	vld [tilespmem:s15+$0x420];
	[tilespmem:s2+$0x50] =	vst v8;
	v8 =	vshll.u32 v7, $0x10;
	v7 =	vadd.f32 v7, v9  }
0x1de: {  	v9 =	vshll.u32 v11, $0x10;
	v13 =	vld [tilespmem:s15+$0x5420];
	[tilespmem:s2+$0x40] =	vst v3;
	v3 =	vadd.f32 v8, v6  }
0x1df: {  	v6 =	vshll.u32 v12, $0x10;
	v8 =	vadd.f32 v12, v11;
	v11 =	vld [tilespmem:s24+$0x430];
	[tilespmem:s28+$0xC70] =	vst v7  }
0x1e0: {  	v6 =	vadd.f32 v6, v9;
	v7 =	vshll.u32 v5, $0x10;
	v9 =	vld [tilespmem:s24+$0x5430];
	[tilespmem:s28+$0xC60] =	vst v3;
	s28 =	smov.u32 s2  }
0x1e1: {  	[tilespmem:s12+$0x50] =	vst v8;
	v3 =	vshll.u32 v10, $0x10;
	v5 =	vadd.f32 v10, v5;
	v8 =	vld [tilespmem:s29+$0x840]  }
0x1e2: {  	[tilespmem:s12+$0x40] =	vst v6;
	v3 =	vadd.f32 v3, v7;
	v6 =	vshll.u32 v4, $0x10;
	v7 =	vld [tilespmem:s29+$0x5840]  }
0x1e3: {  	v10 =	vld [tilespmem:s10+$0x430];
	[tilespmem:s9+$0x50] =	vst v5;
	v5 =	vshll.u32 v13, $0x10;
	v4 =	vadd.f32 v13, v4  }
0x1e4: {  	v12 =	vld [tilespmem:s10+$0x5430];
	[tilespmem:s9+$0x40] =	vst v3;
	v3 =	vadd.f32 v5, v6  }
0x1e5: {  	v5 =	vld [tilespmem:s16+$0x430];
	[tilespmem:s0+$0x50] =	vst v4;
	v4 =	vshll.u32 v11, $0x10;
	v6 =	vshll.u32 v9, $0x10;
	v9 =	vadd.f32 v9, v11  }
0x1e6: {  	v11 =	vld [tilespmem:s16+$0x5430];
	[tilespmem:s0+$0x40] =	vst v3;
	v3 =	vadd.f32 v6, v4;
	v4 =	vshll.u32 v8, $0x10  }
0x1e7: {  	v6 =	vld [tilespmem:s15+$0x430];
	[tilespmem:s28+$0x70] =	vst v9;
	v9 =	vshll.u32 v7, $0x10;
	v7 =	vadd.f32 v7, v8  }
0x1e8: {  	v8 =	vshll.u32 v10, $0x10;
	v13 =	vld [tilespmem:s15+$0x5430];
	[tilespmem:s28+$0x60] =	vst v3;
	v3 =	vadd.f32 v9, v4  }
0x1e9: {  	v4 =	vshll.u32 v12, $0x10;
	v9 =	vadd.f32 v12, v10;
	v10 =	vld [tilespmem:s24+$0x440];
	[tilespmem:s23+$0xC10] =	vst v7  }
0x1ea: {  	v4 =	vadd.f32 v4, v8;
	v7 =	vshll.u32 v5, $0x10;
	v8 =	vld [tilespmem:s24+$0x5440];
	[tilespmem:s23+$0xC00] =	vst v3  }
0x1eb: {  	[tilespmem:s12+$0x70] =	vst v9;
	v3 =	vshll.u32 v11, $0x10;
	v5 =	vadd.f32 v11, v5;
	v9 =	vld [tilespmem:s25+$0x850]  }
0x1ec: {  	[tilespmem:s12+$0x60] =	vst v4;
	v3 =	vadd.f32 v3, v7;
	v4 =	vshll.u32 v6, $0x10;
	v7 =	vld [tilespmem:s25+$0x5850]  }
0x1ed: {  	v11 =	vld [tilespmem:s10+$0x440];
	[tilespmem:s9+$0x70] =	vst v5;
	v5 =	vshll.u32 v13, $0x10;
	v6 =	vadd.f32 v13, v6  }
0x1ee: {  	v12 =	vld [tilespmem:s10+$0x5440];
	[tilespmem:s9+$0x60] =	vst v3;
	v3 =	vadd.f32 v5, v4  }
0x1ef: {  	v5 =	vshll.u32 v10, $0x10;
	v4 =	vld [tilespmem:s16+$0x440];
	[tilespmem:s0+$0x70] =	vst v6;
	v6 =	vshll.u32 v8, $0x10;
	v8 =	vadd.f32 v8, v10  }
0x1f0: {  	v10 =	vld [tilespmem:s16+$0x5440];
	[tilespmem:s0+$0x60] =	vst v3;
	v3 =	vadd.f32 v6, v5;
	v5 =	vshll.u32 v9, $0x10  }
0x1f1: {  	v6 =	vld [tilespmem:s15+$0x440];
	[tilespmem:s28+$0x410] =	vst v8;
	v8 =	vshll.u32 v7, $0x10;
	v7 =	vadd.f32 v7, v9  }
0x1f2: {  	v9 =	vshll.u32 v11, $0x10;
	v13 =	vld [tilespmem:s15+$0x5440];
	[tilespmem:s28+$0x400] =	vst v3;
	v3 =	vadd.f32 v8, v5  }
0x1f3: {  	v5 =	vshll.u32 v12, $0x10;
	v8 =	vadd.f32 v12, v11;
	v11 =	vld [tilespmem:s24+$0x450];
	[tilespmem:s30+$0xC30] =	vst v7  }
0x1f4: {  	v5 =	vadd.f32 v5, v9;
	v7 =	vshll.u32 v4, $0x10;
	v9 =	vld [tilespmem:s24+$0x5450];
	[tilespmem:s30+$0xC20] =	vst v3  }
0x1f5: {  	[tilespmem:s12+$0x410] =	vst v8;
	v3 =	vshll.u32 v10, $0x10;
	v4 =	vadd.f32 v10, v4;
	v8 =	vld [tilespmem:s26+$0x850]  }
0x1f6: {  	[tilespmem:s12+$0x400] =	vst v5;
	v3 =	vadd.f32 v3, v7;
	v5 =	vshll.u32 v6, $0x10;
	v7 =	vld [tilespmem:s26+$0x5850]  }
0x1f7: {  	v10 =	vld [tilespmem:s10+$0x450];
	[tilespmem:s9+$0x410] =	vst v4;
	v4 =	vshll.u32 v13, $0x10;
	v6 =	vadd.f32 v13, v6  }
0x1f8: {  	v12 =	vld [tilespmem:s10+$0x5450];
	[tilespmem:s9+$0x400] =	vst v3;
	v3 =	vadd.f32 v4, v5  }
0x1f9: {  	v5 =	vshll.u32 v11, $0x10;
	v4 =	vld [tilespmem:s16+$0x450];
	[tilespmem:s0+$0x410] =	vst v6;
	v6 =	vshll.u32 v9, $0x10;
	v9 =	vadd.f32 v9, v11  }
0x1fa: {  	v11 =	vld [tilespmem:s16+$0x5450];
	[tilespmem:s0+$0x400] =	vst v3;
	v3 =	vadd.f32 v6, v5;
	v5 =	vshll.u32 v8, $0x10  }
0x1fb: {  	v6 =	vld [tilespmem:s15+$0x450];
	[tilespmem:s28+$0x430] =	vst v9;
	v9 =	vshll.u32 v7, $0x10;
	v7 =	vadd.f32 v7, v8  }
0x1fc: {  	v8 =	vshll.u32 v10, $0x10;
	v13 =	vld [tilespmem:s15+$0x5450];
	[tilespmem:s28+$0x420] =	vst v3;
	v3 =	vadd.f32 v9, v5  }
0x1fd: {  	v5 =	vshll.u32 v12, $0x10;
	v9 =	vadd.f32 v12, v10;
	v10 =	vld [tilespmem:s24+$0x460];
	[tilespmem:s31+$0xC30] =	vst v7  }
0x1fe: {  	v5 =	vadd.f32 v5, v8;
	v7 =	vshll.u32 v4, $0x10;
	v8 =	vld [tilespmem:s24+$0x5460];
	[tilespmem:s31+$0xC20] =	vst v3  }
0x1ff: {  	[tilespmem:s12+$0x430] =	vst v9;
	v3 =	vshll.u32 v11, $0x10;
	v4 =	vadd.f32 v11, v4;
	v9 =	vld [tilespmem:s29+$0x850]  }
0x200: {  	[tilespmem:s12+$0x420] =	vst v5;
	v3 =	vadd.f32 v3, v7;
	v5 =	vshll.u32 v6, $0x10;
	v7 =	vld [tilespmem:s29+$0x5850]  }
0x201: {  	v11 =	vld [tilespmem:s10+$0x460];
	[tilespmem:s9+$0x430] =	vst v4;
	v4 =	vshll.u32 v13, $0x10;
	v6 =	vadd.f32 v13, v6  }
0x202: {  	v12 =	vld [tilespmem:s10+$0x5460];
	[tilespmem:s9+$0x420] =	vst v3;
	v3 =	vadd.f32 v4, v5  }
0x203: {  	v5 =	vshll.u32 v10, $0x10;
	v4 =	vld [tilespmem:s16+$0x460];
	[tilespmem:s0+$0x430] =	vst v6;
	v6 =	vshll.u32 v8, $0x10;
	v8 =	vadd.f32 v8, v10  }
0x204: {  	v10 =	vld [tilespmem:s16+$0x5460];
	[tilespmem:s0+$0x420] =	vst v3;
	v3 =	vadd.f32 v6, v5;
	v5 =	vshll.u32 v9, $0x10  }
0x205: {  	v6 =	vld [tilespmem:s15+$0x460];
	[tilespmem:s28+$0x450] =	vst v8;
	v8 =	vshll.u32 v7, $0x10;
	v7 =	vadd.f32 v7, v9  }
0x206: {  	v9 =	vshll.u32 v11, $0x10;
	v13 =	vld [tilespmem:s15+$0x5460];
	[tilespmem:s28+$0x440] =	vst v3;
	v3 =	vadd.f32 v8, v5  }
0x207: {  	v5 =	vshll.u32 v12, $0x10;
	v8 =	vadd.f32 v12, v11;
	v11 =	vld [tilespmem:s24+$0x470];
	[tilespmem:s23+$0xC30] =	vst v7  }
0x208: {  	v5 =	vadd.f32 v5, v9;
	v7 =	vshll.u32 v4, $0x10;
	v9 =	vld [tilespmem:s24+$0x5470];
	[tilespmem:s23+$0xC20] =	vst v3  }
0x209: {  	[tilespmem:s12+$0x450] =	vst v8;
	v3 =	vshll.u32 v10, $0x10;
	v4 =	vadd.f32 v10, v4;
	v8 =	vld [tilespmem:s25+$0x860]  }
0x20a: {  	[tilespmem:s12+$0x440] =	vst v5;
	v3 =	vadd.f32 v3, v7;
	v5 =	vshll.u32 v6, $0x10;
	v7 =	vld [tilespmem:s25+$0x5860]  }
0x20b: {  	v10 =	vld [tilespmem:s10+$0x470];
	[tilespmem:s9+$0x450] =	vst v4;
	v4 =	vshll.u32 v13, $0x10;
	v6 =	vadd.f32 v13, v6  }
0x20c: {  	v12 =	vld [tilespmem:s10+$0x5470];
	[tilespmem:s9+$0x440] =	vst v3;
	v3 =	vadd.f32 v4, v5  }
0x20d: {  	v5 =	vshll.u32 v11, $0x10;
	v4 =	vld [tilespmem:s16+$0x470];
	[tilespmem:s0+$0x450] =	vst v6;
	v6 =	vshll.u32 v9, $0x10;
	v9 =	vadd.f32 v9, v11  }
0x20e: {  	v11 =	vld [tilespmem:s16+$0x5470];
	[tilespmem:s0+$0x440] =	vst v3;
	v3 =	vadd.f32 v6, v5;
	v5 =	vshll.u32 v8, $0x10  }
0x20f: {  	v6 =	vld [tilespmem:s15+$0x470];
	[tilespmem:s28+$0x470] =	vst v9;
	v9 =	vshll.u32 v7, $0x10;
	v7 =	vadd.f32 v7, v8  }
0x210: {  	v8 =	vshll.u32 v10, $0x10;
	v13 =	vld [tilespmem:s15+$0x5470];
	[tilespmem:s28+$0x460] =	vst v3;
	v3 =	vadd.f32 v9, v5  }
0x211: {  	v5 =	vshll.u32 v12, $0x10;
	v9 =	vadd.f32 v12, v10;
	v10 =	vld [tilespmem:s24+$0x800];
	[tilespmem:s30+$0xC50] =	vst v7  }
0x212: {  	v5 =	vadd.f32 v5, v8;
	v7 =	vshll.u32 v4, $0x10;
	v8 =	vld [tilespmem:s24+$0x5800];
	[tilespmem:s30+$0xC40] =	vst v3  }
0x213: {  	[tilespmem:s12+$0x470] =	vst v9;
	v3 =	vshll.u32 v11, $0x10;
	v4 =	vadd.f32 v11, v4;
	v9 =	vld [tilespmem:s26+$0x860]  }
0x214: {  	[tilespmem:s12+$0x460] =	vst v5;
	v3 =	vadd.f32 v3, v7;
	v5 =	vshll.u32 v6, $0x10;
	v7 =	vld [tilespmem:s26+$0x5860]  }
0x215: {  	v11 =	vld [tilespmem:s10+$0x800];
	[tilespmem:s9+$0x470] =	vst v4;
	v4 =	vshll.u32 v13, $0x10;
	v6 =	vadd.f32 v13, v6  }
0x216: {  	v12 =	vld [tilespmem:s10+$0x5800];
	[tilespmem:s9+$0x460] =	vst v3;
	v3 =	vadd.f32 v4, v5  }
0x217: {  	v5 =	vshll.u32 v10, $0x10;
	v4 =	vld [tilespmem:s16+$0x800];
	[tilespmem:s0+$0x470] =	vst v6;
	v6 =	vshll.u32 v8, $0x10;
	v8 =	vadd.f32 v8, v10  }
0x218: {  	v10 =	vld [tilespmem:s16+$0x5800];
	[tilespmem:s0+$0x460] =	vst v3;
	v3 =	vadd.f32 v6, v5;
	v5 =	vshll.u32 v9, $0x10  }
0x219: {  	v6 =	vld [tilespmem:s15+$0x800];
	[tilespmem:s28+$0x810] =	vst v8;
	v8 =	vshll.u32 v7, $0x10;
	v7 =	vadd.f32 v7, v9  }
0x21a: {  	v9 =	vshll.u32 v11, $0x10;
	v13 =	vld [tilespmem:s15+$0x5800];
	[tilespmem:s28+$0x800] =	vst v3;
	v3 =	vadd.f32 v8, v5  }
0x21b: {  	v5 =	vshll.u32 v12, $0x10;
	v8 =	vadd.f32 v12, v11;
	v11 =	vld [tilespmem:s24+$0x810];
	[tilespmem:s31+$0xC50] =	vst v7  }
0x21c: {  	v5 =	vadd.f32 v5, v9;
	v7 =	vshll.u32 v4, $0x10;
	v9 =	vld [tilespmem:s24+$0x5810];
	[tilespmem:s31+$0xC40] =	vst v3  }
0x21d: {  	[tilespmem:s12+$0x810] =	vst v8;
	v3 =	vshll.u32 v10, $0x10;
	v4 =	vadd.f32 v10, v4;
	v8 =	vld [tilespmem:s29+$0x860]  }
0x21e: {  	[tilespmem:s12+$0x800] =	vst v5;
	v3 =	vadd.f32 v3, v7;
	v5 =	vshll.u32 v6, $0x10;
	v7 =	vld [tilespmem:s29+$0x5860]  }
0x21f: {  	v10 =	vld [tilespmem:s10+$0x810];
	[tilespmem:s9+$0x810] =	vst v4;
	v4 =	vshll.u32 v13, $0x10;
	v6 =	vadd.f32 v13, v6  }
0x220: {  	v12 =	vld [tilespmem:s10+$0x5810];
	[tilespmem:s9+$0x800] =	vst v3;
	v3 =	vadd.f32 v4, v5  }
0x221: {  	v5 =	vshll.u32 v11, $0x10;
	v4 =	vld [tilespmem:s16+$0x810];
	[tilespmem:s0+$0x810] =	vst v6;
	v6 =	vshll.u32 v9, $0x10;
	v9 =	vadd.f32 v9, v11  }
0x222: {  	v11 =	vld [tilespmem:s16+$0x5810];
	[tilespmem:s0+$0x800] =	vst v3;
	v3 =	vadd.f32 v6, v5;
	v5 =	vshll.u32 v8, $0x10  }
0x223: {  	v6 =	vld [tilespmem:s15+$0x810];
	[tilespmem:s28+$0x830] =	vst v9;
	v9 =	vshll.u32 v7, $0x10;
	v7 =	vadd.f32 v7, v8  }
0x224: {  	v8 =	vshll.u32 v10, $0x10;
	v13 =	vld [tilespmem:s15+$0x5810];
	[tilespmem:s28+$0x820] =	vst v3;
	v3 =	vadd.f32 v9, v5  }
0x225: {  	v5 =	vshll.u32 v12, $0x10;
	v9 =	vadd.f32 v12, v10;
	v10 =	vld [tilespmem:s24+$0x820];
	[tilespmem:s23+$0xC50] =	vst v7  }
0x226: {  	v5 =	vadd.f32 v5, v8;
	v7 =	vshll.u32 v4, $0x10;
	v8 =	vld [tilespmem:s24+$0x5820];
	[tilespmem:s23+$0xC40] =	vst v3  }
0x227: {  	[tilespmem:s12+$0x830] =	vst v9;
	v3 =	vshll.u32 v11, $0x10;
	v4 =	vadd.f32 v11, v4;
	v9 =	vld [tilespmem:s25+$0x870]  }
0x228: {  	[tilespmem:s12+$0x820] =	vst v5;
	v3 =	vadd.f32 v3, v7;
	v5 =	vshll.u32 v6, $0x10;
	v7 =	vld [tilespmem:s25+$0x5870];
	s25 =	smov.u32 s10  }
0x229: {  	v11 =	vld [tilespmem:s25+$0x820];
	[tilespmem:s9+$0x830] =	vst v4;
	v4 =	vshll.u32 v13, $0x10;
	v6 =	vadd.f32 v13, v6  }
0x22a: {  	v12 =	vld [tilespmem:s25+$0x5820];
	[tilespmem:s9+$0x820] =	vst v3;
	v3 =	vadd.f32 v4, v5  }
0x22b: {  	v5 =	vshll.u32 v10, $0x10;
	v4 =	vld [tilespmem:s16+$0x820];
	[tilespmem:s0+$0x830] =	vst v6;
	v6 =	vshll.u32 v8, $0x10;
	v8 =	vadd.f32 v8, v10  }
0x22c: {  	v10 =	vld [tilespmem:s16+$0x5820];
	[tilespmem:s0+$0x820] =	vst v3;
	v3 =	vadd.f32 v6, v5;
	v5 =	vshll.u32 v9, $0x10  }
0x22d: {  	v6 =	vld [tilespmem:s15+$0x820];
	[tilespmem:s28+$0x850] =	vst v8;
	v8 =	vshll.u32 v7, $0x10;
	v7 =	vadd.f32 v7, v9  }
0x22e: {  	v9 =	vshll.u32 v11, $0x10;
	v13 =	vld [tilespmem:s15+$0x5820];
	[tilespmem:s28+$0x840] =	vst v3;
	v3 =	vadd.f32 v8, v5  }
0x22f: {  	v5 =	vshll.u32 v12, $0x10;
	v8 =	vadd.f32 v12, v11;
	v11 =	vld [tilespmem:s24+$0x830];
	[tilespmem:s30+$0xC70] =	vst v7  }
0x230: {  	v5 =	vadd.f32 v5, v9;
	v7 =	vshll.u32 v4, $0x10;
	v9 =	vld [tilespmem:s24+$0x5830];
	[tilespmem:s30+$0xC60] =	vst v3;
	s30 =	smov.u32 s12  }
0x231: {  	[tilespmem:s30+$0x850] =	vst v8;
	v3 =	vshll.u32 v10, $0x10;
	v4 =	vadd.f32 v10, v4;
	v8 =	vld [tilespmem:s26+$0x870]  }
0x232: {  	[tilespmem:s30+$0x840] =	vst v5;
	v3 =	vadd.f32 v3, v7;
	v5 =	vshll.u32 v6, $0x10;
	v7 =	vld [tilespmem:s26+$0x5870];
	s26 =	smov.u32 s16  }
0x233: {  	v10 =	vld [tilespmem:s25+$0x830];
	[tilespmem:s9+$0x850] =	vst v4;
	v4 =	vshll.u32 v13, $0x10;
	v6 =	vadd.f32 v13, v6  }
0x234: {  	v12 =	vld [tilespmem:s25+$0x5830];
	[tilespmem:s9+$0x840] =	vst v3;
	v3 =	vadd.f32 v4, v5  }
0x235: {  	v5 =	vshll.u32 v11, $0x10;
	v4 =	vld [tilespmem:s26+$0x830];
	[tilespmem:s0+$0x850] =	vst v6;
	v6 =	vshll.u32 v9, $0x10;
	v9 =	vadd.f32 v9, v11  }
0x236: {  	v11 =	vld [tilespmem:s26+$0x5830];
	[tilespmem:s0+$0x840] =	vst v3;
	v3 =	vadd.f32 v6, v5;
	v5 =	vshll.u32 v8, $0x10  }
0x237: {  	v6 =	vld [tilespmem:s15+$0x830];
	[tilespmem:s28+$0x870] =	vst v9;
	v9 =	vshll.u32 v7, $0x10;
	v8 =	vadd.f32 v7, v8  }
.Ltmp0:
0x238: {  	v13 =	vshll.u32 v10, $0x10;
	v7 =	vld [tilespmem:s15+$0x5830];
	[tilespmem:s28+$0x860] =	vst v3;
	v3 =	vadd.f32 v9, v5;
	(pc) =	sbr.rel @p2 .LBB2_3-.Ltmp0, $4  }
0x239: {  	v9 =	vshll.u32 v12, $0x10;
	v10 =	vadd.f32 v12, v10;
	v5 =	vld [tilespmem:s24+$0x840];
	[tilespmem:s31+$0xC70] =	vst v8  }
0x23a: {  	v9 =	vadd.f32 v9, v13;
	v12 =	vshll.u32 v4, $0x10;
	v8 =	vld [tilespmem:s24+$0x5840];
	[tilespmem:s31+$0xC60] =	vst v3;
	s31 =	smov.u32 s9  }
0x23b: {  	[tilespmem:s30+$0x870] =	vst v10;
	v10 =	vshll.u32 v11, $0x10;
	v11 =	vadd.f32 v11, v4;
	v3 =	vld [tilespmem:s29+$0x870]  }
0x23c: {  	[tilespmem:s30+$0x860] =	vst v9;
	v9 =	vadd.f32 v10, v12;
	v10 =	vshll.u32 v6, $0x10;
	v4 =	vld [tilespmem:s29+$0x5870];
	s29 =	smov.u32 s15  }
0x23d: {  	v12 =	vld [tilespmem:s25+$0x840];
	[tilespmem:s31+$0x870] =	vst v11;
	v45 =	vshll.u32 v7, $0x10;
	v6 =	vadd.f32 v7, v6  }
0x23e: {  	v46 =	vld [tilespmem:s25+$0x5840];
	[tilespmem:s31+$0x860] =	vst v9;
	v47 =	vadd.f32 v45, v10  }
0x23f: {  	v48 =	vld [tilespmem:s26+$0x840];
	[tilespmem:s0+$0x870] =	vst v6  }
0x240: {  	v49 =	vld [tilespmem:s26+$0x5840];
	[tilespmem:s0+$0x860] =	vst v47  }
0x241: {  	v50 =	vshll.u32 v5, $0x10;
	v51 =	vshll.u32 v8, $0x10;
	v52 =	vadd.f32 v8, v5;
	v53 =	vld [tilespmem:s29+$0x840]  }
0x242: {  	v9 =	vadd.f32 v51, v50;
	v54 =	vld [tilespmem:s29+$0x5840]  }
0x243: {  	[tilespmem:s28+$0xC10] =	vst v52;
	v55 =	vshll.u32 v12, $0x10;
	v12 =	vadd.f32 v46, v12;
	v7 =	vshll.u32 v46, $0x10  }
0x244: {  	[tilespmem:s28+$0xC00] =	vst v9;
	v5 =	vadd.f32 v7, v55  }
0x245: {  	v56 =	vld [tilespmem:s24+$0x850];
	v57 =	vshll.u32 v48, $0x10;
	[tilespmem:s30+$0xC10] =	vst v12;
	v58 =	vshll.u32 v49, $0x10;
	v6 =	vadd.f32 v49, v48  }
0x246: {  	v59 =	vld [tilespmem:s24+$0x5850];
	[tilespmem:s30+$0xC00] =	vst v5;
	v60 =	vadd.f32 v58, v57  }
0x247: {  	[tilespmem:s31+$0xC10] =	vst v6;
	v61 =	vshll.u32 v53, $0x10;
	v62 =	vshll.u32 v54, $0x10;
	v8 =	vadd.f32 v54, v53;
	v63 =	vld [tilespmem:s25+$0x850]  }
0x248: {  	v16 =	vld [tilespmem:s25+$0x5850];
	[tilespmem:s31+$0xC00] =	vst v60;
	v15 =	vadd.f32 v62, v61  }
0x249: {  	[tilespmem:s0+$0xC10] =	vst v8;
	v17 =	vld [tilespmem:s26+$0x850]  }
0x24a: {  	v18 =	vld [tilespmem:s26+$0x5850];
	[tilespmem:s0+$0xC00] =	vst v15  }
0x24b: {  	v19 =	vshll.u32 v56, $0x10;
	v20 =	vshll.u32 v59, $0x10;
	v7 =	vadd.f32 v59, v56;
	v21 =	vld [tilespmem:s29+$0x850]  }
0x24c: {  	v9 =	vadd.f32 v20, v19;
	v22 =	vld [tilespmem:s29+$0x5850]  }
0x24d: {  	[tilespmem:s28+$0xC30] =	vst v7;
	v23 =	vshll.u32 v63, $0x10;
	v11 =	vadd.f32 v16, v63;
	v6 =	vshll.u32 v16, $0x10  }
0x24e: {  	[tilespmem:s28+$0xC20] =	vst v9;
	v6 =	vadd.f32 v6, v23  }
0x24f: {  	v24 =	vld [tilespmem:s24+$0x860];
	[tilespmem:s30+$0xC30] =	vst v11;
	v25 =	vshll.u32 v17, $0x10;
	v26 =	vshll.u32 v18, $0x10;
	v5 =	vadd.f32 v18, v17  }
0x250: {  	v27 =	vld [tilespmem:s24+$0x5860];
	[tilespmem:s30+$0xC20] =	vst v6;
	v28 =	vadd.f32 v26, v25  }
0x251: {  	[tilespmem:s31+$0xC30] =	vst v5;
	v29 =	vshll.u32 v21, $0x10;
	v30 =	vshll.u32 v22, $0x10;
	v10 =	vadd.f32 v22, v21;
	v31 =	vld [tilespmem:s25+$0x860]  }
0x252: {  	v32 =	vld [tilespmem:s25+$0x5860];
	[tilespmem:s31+$0xC20] =	vst v28;
	v5 =	vadd.f32 v30, v29  }
0x253: {  	[tilespmem:s0+$0xC30] =	vst v10;
	v33 =	vld [tilespmem:s26+$0x860]  }
0x254: {  	v34 =	vld [tilespmem:s26+$0x5860];
	[tilespmem:s0+$0xC20] =	vst v5  }
0x255: {  	v35 =	vshll.u32 v24, $0x10;
	v36 =	vshll.u32 v27, $0x10;
	v7 =	vadd.f32 v27, v24;
	v37 =	vld [tilespmem:s29+$0x860]  }
0x256: {  	v10 =	vadd.f32 v36, v35;
	v38 =	vld [tilespmem:s29+$0x5860]  }
0x257: {  	[tilespmem:s28+$0xC50] =	vst v7;
	v39 =	vshll.u32 v31, $0x10;
	v11 =	vadd.f32 v32, v31;
	v6 =	vshll.u32 v32, $0x10  }
0x258: {  	[tilespmem:s28+$0xC40] =	vst v10;
	v6 =	vadd.f32 v6, v39  }
0x259: {  	v40 =	vld [tilespmem:s24+$0x870];
	[tilespmem:s30+$0xC50] =	vst v11;
	v41 =	vshll.u32 v33, $0x10;
	v42 =	vshll.u32 v34, $0x10;
	v5 =	vadd.f32 v34, v33  }
0x25a: {  	v43 =	vld [tilespmem:s24+$0x5870];
	[tilespmem:s30+$0xC40] =	vst v6;
	v44 =	vadd.f32 v42, v41  }
0x25b: {  	[tilespmem:s31+$0xC50] =	vst v5;
	v45 =	vshll.u32 v37, $0x10;
	v46 =	vshll.u32 v38, $0x10;
	v8 =	vadd.f32 v38, v37;
	v47 =	vld [tilespmem:s25+$0x870]  }
0x25c: {  	v48 =	vld [tilespmem:s25+$0x5870];
	[tilespmem:s31+$0xC40] =	vst v44;
	v5 =	vadd.f32 v46, v45  }
0x25d: {  	v50 =	vshll.u32 v4, $0x10;
	v49 =	vshll.u32 v3, $0x10;
	v3 =	vadd.f32 v4, v3;
	[tilespmem:s0+$0xC50] =	vst v8;
	v51 =	vld [tilespmem:s26+$0x870]  }
0x25e: {  	v52 =	vadd.f32 v50, v49;
	v53 =	vld [tilespmem:s26+$0x5870];
	[tilespmem:s0+$0xC40] =	vst v5  }
0x25f: {  	[tilespmem:s23+$0xC70] =	vst v3;
	v3 =	vshll.u32 v40, $0x10;
	v54 =	vshll.u32 v43, $0x10;
	v7 =	vadd.f32 v43, v40;
	v55 =	vld [tilespmem:s29+$0x870]  }
0x260: {  	[tilespmem:s23+$0xC60] =	vst v52;
	v3 =	vadd.f32 v54, v3;
	v56 =	vld [tilespmem:s29+$0x5870]  }
0x261: {  	[tilespmem:s28+$0xC70] =	vst v7;
	v57 =	vshll.u32 v47, $0x10;
	v58 =	vshll.u32 v48, $0x10;
	v6 =	vadd.f32 v48, v47  }
0x262: {  	[tilespmem:s28+$0xC60] =	vst v3;
	v3 =	vadd.f32 v58, v57  }
0x263: {  	[tilespmem:s30+$0xC70] =	vst v6;
	v59 =	vshll.u32 v51, $0x10;
	v60 =	vshll.u32 v53, $0x10;
	v4 =	vadd.f32 v53, v51  }
0x264: {  	s1 =	smul.u32 $0x50, s19;
	[tilespmem:s30+$0xC60] =	vst v3;
	v3 =	vadd.f32 v60, v59  }
.Ltmp1:
0x265: {  	[tilespmem:s31+$0xC70] =	vst v4;
	v61 =	vshll.u32 v55, $0x10;
	v62 =	vshll.u32 v56, $0x10;
	v63 =	vadd.f32 v56, v55;
	(pc) =	sbr.rel @p1 .LBB2_6-.Ltmp1, $4  }
0x266: {  	s1 =	sadd.s32 s4, s1;
	[tilespmem:s31+$0xC60] =	vst v3;
	v3 =	vadd.f32 v62, v61  }
0x267: {  	s1 =	sshll.u32 s1, $0x6;
	s30 =	rddreg [dreg:$0x1];
	[tilespmem:s0+$0xC70] =	vst v63  }
0x268: {  	s31 =	simm.s32 $0xA400;
	[tilespmem:s0+$0xC60] =	vst v3;
	s0 =	sadd.s32 s30, s1  }
0x269: {  	[hbm4b:s0+s3] =	stream.linear.scatter [tilespmem:s31], [sflag:$0x4], $0x5000, $0x38;
	[tilespmem:$0x14400] =	vst v63  }
0x26a: {  	_ =	swait.ge [sflag:s17], $0x28;
	s0 =	smulhi.u32 $0x55555556, s22  }
0x26b: {  	[sflag:s17] =	ssyncset.done $0x0  }
0x26c: {  	[sflag:s17] =	ssyncadd.s32 $0xFFFFFFD8;
	s0 =	smul.u32 $0x3, s0  }
0x26d: {  	_ =	swait.ge [sflag:s17], $0x28  }
0x26e: {  	[sflag:s17] =	ssyncset.done $0x0;
	s0 =	ssub.s32 s22, s0  }
0x26f: {  	[sflag:s17] =	ssyncadd.s32 $0xFFFFFFD8;
	s0 =	sshll.u32 s0, $0x7  }
0x270: {  	v3 =	vld [tilespmem:s0+$0x0];
	_ =	sdelay $0x4  }
0x271: {  	v4 =	vshll.u32 v3, $0x1  }
0x272: {  	v3 =	vand.u32 $0x7, v3;
	v4 =	vand.u32 $0xFFFFFFF0, v4  }
0x273: {  	v3 =	vor.u32 v3, v4  }
0x274: {  	v4 =	vperm.xlane v3, v0;
	_ =	sdelay $0x1  }
0x275: {  	v3 =	vperm.xlane v3, v2;
	v4 =	vadd.s32 v1, v4;
	_ =	sdelay $0x1  }
0x276: {  	v3 =	vadd.s32 v1, v3;
	_ =	sdelay $0x1  }
0x277: {  	s1 =	simm.s32 $0x400  }
0x278: {  	[tilespmem:s1], [sflag:$0x2] =	stream.indirect_vreg.gather [hbm4b:s7+s3], $0x80, v4, vm0, $0xb8;
	[tilespmem:$0x14400] =	vst v63  }
0x279: {  	s9 =	simm.s32 $0xC00  }
0x27a: {  	[tilespmem:s9], [sflag:$0x2] =	stream.indirect_vreg.gather [hbm4b:s7+s3], $0x80, v3, vm0, $0xb8;
	[tilespmem:$0x14400] =	vst v63  }
0x27b: {  	v3 =	vld [tilespmem:s0+$0x10];
	_ =	sdelay $0x4  }
0x27c: {  	v59 =	vshll.u32 v3, $0x1  }
0x27d: {  	v3 =	vand.u32 $0x7, v3;
	v4 =	vand.u32 $0xFFFFFFF0, v59  }
0x27e: {  	v3 =	vor.u32 v3, v4  }
0x27f: {  	v4 =	vperm.xlane v3, v0;
	_ =	sdelay $0x1  }
0x280: {  	v3 =	vperm.xlane v3, v2;
	v4 =	vadd.s32 v1, v4;
	_ =	sdelay $0x1  }
0x281: {  	v3 =	vadd.s32 v1, v3;
	_ =	sdelay $0x1  }
0x282: {  	s10 =	simm.s32 $0x1400  }
0x283: {  	[tilespmem:s10], [sflag:$0x2] =	stream.indirect_vreg.gather [hbm4b:s7+s3], $0x80, v4, vm0, $0xb8;
	[tilespmem:$0x14400] =	vst v63  }
0x284: {  	s11 =	simm.s32 $0x1C00;
	s12 =	sor.u32 $0x20, s0  }
0x285: {  	[tilespmem:s11], [sflag:$0x2] =	stream.indirect_vreg.gather [hbm4b:s7+s3], $0x80, v3, vm0, $0xb8;
	[tilespmem:$0x14400] =	vst v63  }
0x286: {  	v3 =	vld.msk [tilespmem:s12+$0x0], $0xff;
	_ =	sdelay $0x4  }
0x287: {  	v60 =	vshll.u32 v3, $0x1  }
0x288: {  	v3 =	vand.u32 $0x7, v3;
	v4 =	vand.u32 $0xFFFFFFF0, v60  }
0x289: {  	v3 =	vor.u32 v3, v4  }
0x28a: {  	v3 =	vperm.xlane v3, v0;
	_ =	sdelay $0x1  }
0x28b: {  	v3 =	vadd.s32 v1, v3;
	_ =	sdelay $0x3  }
0x28c: {  	s14 =	simm.s32 $0x2400;
	s15 =	sor.u32 $0x200, s0  }
0x28d: {  	[tilespmem:s14], [sflag:$0x2] =	stream.indirect_vreg.gather [hbm4b:s7+s3], $0x80, v3, vm0, $0xb8;
	[tilespmem:$0x14400] =	vst v63  }
0x28e: {  	v3 =	vld [tilespmem:s15+$0x0];
	_ =	sdelay $0x4  }
0x28f: {  	v61 =	vshll.u32 v3, $0x1  }
0x290: {  	v3 =	vand.u32 $0x7, v3;
	v4 =	vand.u32 $0xFFFFFFF0, v61  }
0x291: {  	v3 =	vor.u32 v3, v4  }
0x292: {  	v4 =	vperm.xlane v3, v0;
	_ =	sdelay $0x1  }
0x293: {  	v3 =	vperm.xlane v3, v2;
	v4 =	vadd.s32 v1, v4;
	_ =	sdelay $0x1  }
0x294: {  	v3 =	vadd.s32 v1, v3;
	_ =	sdelay $0x1  }
0x295: {  	s16 =	simm.s32 $0x5400  }
0x296: {  	[tilespmem:s16], [sflag:$0x2] =	stream.indirect_vreg.gather [hbm4b:s8+s3], $0x80, v4, vm0, $0xb8;
	[tilespmem:$0x14400] =	vst v63  }
0x297: {  	s18 =	simm.s32 $0x5C00;
	s22 =	sor.u32 $0x210, s0  }
0x298: {  	[tilespmem:s18], [sflag:$0x2] =	stream.indirect_vreg.gather [hbm4b:s8+s3], $0x80, v3, vm0, $0xb8;
	[tilespmem:$0x14400] =	vst v63  }
0x299: {  	v3 =	vld [tilespmem:s22+$0x0];
	_ =	sdelay $0x4  }
0x29a: {  	v62 =	vshll.u32 v3, $0x1  }
0x29b: {  	v3 =	vand.u32 $0x7, v3;
	v4 =	vand.u32 $0xFFFFFFF0, v62  }
0x29c: {  	v3 =	vor.u32 v3, v4  }
0x29d: {  	v4 =	vperm.xlane v3, v0;
	_ =	sdelay $0x1  }
0x29e: {  	v3 =	vperm.xlane v3, v2;
	v4 =	vadd.s32 v1, v4;
	_ =	sdelay $0x1  }
0x29f: {  	v3 =	vadd.s32 v1, v3;
	_ =	sdelay $0x1  }
0x2a0: {  	s23 =	simm.s32 $0x6400  }
0x2a1: {  	[tilespmem:s23], [sflag:$0x2] =	stream.indirect_vreg.gather [hbm4b:s8+s3], $0x80, v4, vm0, $0xb8;
	[tilespmem:$0x14400] =	vst v63  }
0x2a2: {  	s24 =	simm.s32 $0x6C00;
	s0 =	sor.u32 $0x220, s0  }
0x2a3: {  	[tilespmem:s24], [sflag:$0x2] =	stream.indirect_vreg.gather [hbm4b:s8+s3], $0x80, v3, vm0, $0xb8;
	[tilespmem:$0x14400] =	vst v63  }
0x2a4: {  	v3 =	vld.msk [tilespmem:s0+$0x0], $0xff;
	_ =	sdelay $0x4  }
0x2a5: {  	v63 =	vshll.u32 v3, $0x1  }
0x2a6: {  	v3 =	vand.u32 $0x7, v3;
	v4 =	vand.u32 $0xFFFFFFF0, v63  }
0x2a7: {  	v3 =	vor.u32 v3, v4  }
0x2a8: {  	v3 =	vperm.xlane v3, v0  }
0x2a9: {  	s26 =	sadd.s32 $0x3, s21  }
0x2aa: {  	s28 =	smulhi.u32 $0x55555556, s26;
	v3 =	vadd.s32 v1, v3  }
0x2ab: {  	s2 =	smul.u32 $0x28, s26  }
0x2ac: {  	s1 =	smul.u32 $0x3, s28  }
0x2ad: {  	s25 =	simm.s32 $0x7400;
	s2 =	sadd.s32 s4, s2  }
0x2ae: {  	s29 =	sshrl.u32 s2, $0x3;
	s30 =	rddreg [dreg:$0x3];
	s0 =	ssub.s32 s26, s1  }
0x2af: {  	[tilespmem:s25], [sflag:$0x2] =	stream.indirect_vreg.gather [hbm4b:s8+s3], $0x80, v3, vm0, $0xb8;
	[tilespmem:$0x14400] =	vst v63  }
0x2b0: {  	s31 =	rddreg [dreg:$0x4];
	s2 =	sadd.s32 s30, s29;
	s0 =	sshll.u32 s0, $0x7  }
0x2b1: {  	[tilespmem:s0], [sflag:$0x1] =	stream.linear.gather [hbm4b:s2+s3], $0x28, $0x38;
	[tilespmem:$0x14400] =	vst v63  }
0x2b2: {  	s1 =	sadd.s32 s31, s29;
	s0 =	sor.u32 $0x200, s0  }
0x2b3: {  	[tilespmem:s0], [sflag:$0x1] =	stream.linear.gather [hbm4b:s1+s3], $0x28, $0x38;
	[tilespmem:$0x14400] =	vst v63  }
.LBB2_6:
0x2b4: {  	_ =	swait.ge [sflag:s13], $0x2800  }
0x2b5: {  	[sflag:s13] =	ssyncset.done $0x0  }
0x2b6: {  	[sflag:s13] =	ssyncadd.s32 $0xFFFFD800  }
0x2b7: {  	_ =	swait.ge [sflag:s13], $0x2800  }
0x2b8: {  	[sflag:s13] =	ssyncset.done $0x0  }
0x2b9: {  	s0 =	simm.s32 @!p0 $0x5;
	s1 =	simm.s32 $0x0;
	[sflag:s13] =	ssyncadd.s32 $0xFFFFD800  }
0x2ba: {  	s2 =	simm.s32 $0x0;
	s1 =	sand.u32 $0x200, s1;
	_ =	swait.ge @!p0 [sflag:s0], $0x5000  }
0x2bb: {  	s2 =	sand.u32 $0xFFFFF800, s2;
	s5 =	sor.u32 $0x180, s1;
	[sflag:s0] =	ssyncset.done @!p0 $0x0  }
0x2bc: {  	s10 =	sor.u32 s2, s5;
	[sflag:s0] =	ssyncadd.s32 @!p0 $0xFFFFB000  }
0x2bd: {  	v3 =	vld [tilespmem:s10+$0x2C00]  }
0x2be: {  	v4 =	vld [tilespmem:s10+$0x7C00];
	_ =	sdelay $0x1  }
0x2bf: {  	s16 =	sor.u32 s1, s2  }
0x2c0: {  	s6 =	simm.s32 $0x0;
	s25 =	sor.u32 $0x80, s1;
	v5 =	vld [tilespmem:s16+$0x2C00]  }
0x2c1: {  	s6 =	sand.u32 $0x3FFFF000, s6;
	s14 =	sor.u32 s2, s25;
	v6 =	vld [tilespmem:s16+$0x7C00]  }
0x2c2: {  	s6 =	sadd.s32 $0xF400, s6;
	v7 =	vld [tilespmem:s14+$0x2C00];
	v8 =	vshll.u32 v3, $0x10;
	v9 =	vshll.u32 v4, $0x10;
	v3 =	vadd.f32 v4, v3  }
0x2c3: {  	s9 =	sor.u32 s5, s6;
	v4 =	vld [tilespmem:s14+$0x7C00];
	v8 =	vadd.f32 v9, v8  }
0x2c4: {  	[tilespmem:s9+$0x10] =	vst v3  }
0x2c5: {  	[tilespmem:s9+$0x0] =	vst v8  }
0x2c6: {  	s26 =	sor.u32 $0x100, s1;
	v3 =	vshll.u32 v5, $0x10;
	v5 =	vadd.f32 v6, v5;
	v8 =	vshll.u32 v6, $0x10;
	v6 =	vld [tilespmem:s10+$0x2C10]  }
0x2c7: {  	s30 =	sor.u32 s2, s26;
	s15 =	sor.u32 s1, s6;
	v3 =	vadd.f32 v8, v3;
	v8 =	vld [tilespmem:s10+$0x7C10]  }
0x2c8: {  	v10 =	vshll.u32 v7, $0x10;
	v9 =	vld [tilespmem:s30+$0x2C00];
	[tilespmem:s15+$0x10] =	vst v5;
	v5 =	vshll.u32 v4, $0x10;
	v4 =	vadd.f32 v4, v7  }
0x2c9: {  	s31 =	sor.u32 s25, s6;
	v7 =	vld [tilespmem:s30+$0x7C00];
	[tilespmem:s15+$0x0] =	vst v3;
	v3 =	vadd.f32 v5, v10  }
0x2ca: {  	v5 =	vld [tilespmem:s16+$0x2C10];
	[tilespmem:s31+$0x10] =	vst v4  }
0x2cb: {  	v4 =	vld [tilespmem:s16+$0x7C10];
	[tilespmem:s31+$0x0] =	vst v3  }
0x2cc: {  	v3 =	vld [tilespmem:s14+$0x2C10];
	v10 =	vshll.u32 v6, $0x10;
	v11 =	vshll.u32 v8, $0x10;
	v6 =	vadd.f32 v8, v6  }
0x2cd: {  	v8 =	vld [tilespmem:s14+$0x7C10];
	v10 =	vadd.f32 v11, v10  }
0x2ce: {  	v11 =	vshll.u32 v9, $0x10;
	v12 =	vshll.u32 v7, $0x10;
	v7 =	vadd.f32 v7, v9;
	[tilespmem:s9+$0x30] =	vst v6  }
0x2cf: {  	s21 =	sor.u32 s26, s6;
	v6 =	vadd.f32 v12, v11;
	[tilespmem:s9+$0x20] =	vst v10  }
0x2d0: {  	[tilespmem:s21+$0x10] =	vst v7;
	v7 =	vshll.u32 v5, $0x10;
	v9 =	vshll.u32 v4, $0x10;
	v4 =	vadd.f32 v4, v5;
	v5 =	vld [tilespmem:s10+$0x2C20]  }
0x2d1: {  	[tilespmem:s21+$0x0] =	vst v6;
	v6 =	vadd.f32 v9, v7;
	v7 =	vld [tilespmem:s10+$0x7C20]  }
0x2d2: {  	v9 =	vld [tilespmem:s30+$0x2C10];
	v10 =	vshll.u32 v3, $0x10;
	[tilespmem:s15+$0x30] =	vst v4;
	v4 =	vshll.u32 v8, $0x10;
	v3 =	vadd.f32 v8, v3  }
0x2d3: {  	v8 =	vld [tilespmem:s30+$0x7C10];
	[tilespmem:s15+$0x20] =	vst v6;
	v4 =	vadd.f32 v4, v10  }
0x2d4: {  	v6 =	vld [tilespmem:s16+$0x2C20];
	[tilespmem:s31+$0x30] =	vst v3  }
0x2d5: {  	v3 =	vld [tilespmem:s16+$0x7C20];
	[tilespmem:s31+$0x20] =	vst v4  }
0x2d6: {  	v4 =	vld [tilespmem:s14+$0x2C20];
	v10 =	vshll.u32 v5, $0x10;
	v11 =	vshll.u32 v7, $0x10;
	v5 =	vadd.f32 v7, v5  }
0x2d7: {  	v7 =	vld [tilespmem:s14+$0x7C20];
	v10 =	vadd.f32 v11, v10  }
0x2d8: {  	v11 =	vshll.u32 v9, $0x10;
	v34 =	vshll.u32 v8, $0x10;
	v8 =	vadd.f32 v8, v9;
	[tilespmem:s9+$0x50] =	vst v5  }
0x2d9: {  	v5 =	vadd.f32 v34, v11;
	[tilespmem:s9+$0x40] =	vst v10  }
0x2da: {  	[tilespmem:s21+$0x30] =	vst v8;
	v8 =	vshll.u32 v6, $0x10;
	v9 =	vshll.u32 v3, $0x10;
	v3 =	vadd.f32 v3, v6;
	v6 =	vld [tilespmem:s10+$0x2C30]  }
0x2db: {  	[tilespmem:s21+$0x20] =	vst v5;
	v5 =	vadd.f32 v9, v8;
	v8 =	vld [tilespmem:s10+$0x7C30]  }
0x2dc: {  	v9 =	vld [tilespmem:s30+$0x2C20];
	v10 =	vshll.u32 v4, $0x10;
	[tilespmem:s15+$0x50] =	vst v3;
	v3 =	vshll.u32 v7, $0x10;
	v4 =	vadd.f32 v7, v4  }
0x2dd: {  	v7 =	vld [tilespmem:s30+$0x7C20];
	[tilespmem:s15+$0x40] =	vst v5;
	v3 =	vadd.f32 v3, v10  }
0x2de: {  	v5 =	vld [tilespmem:s16+$0x2C30];
	[tilespmem:s31+$0x50] =	vst v4  }
0x2df: {  	v4 =	vld [tilespmem:s16+$0x7C30];
	[tilespmem:s31+$0x40] =	vst v3  }
0x2e0: {  	v3 =	vld [tilespmem:s14+$0x2C30];
	v10 =	vshll.u32 v6, $0x10;
	v11 =	vshll.u32 v8, $0x10;
	v6 =	vadd.f32 v8, v6  }
0x2e1: {  	v8 =	vld [tilespmem:s14+$0x7C30];
	v10 =	vadd.f32 v11, v10  }
0x2e2: {  	v11 =	vshll.u32 v9, $0x10;
	v35 =	vshll.u32 v7, $0x10;
	v7 =	vadd.f32 v7, v9;
	[tilespmem:s9+$0x70] =	vst v6  }
0x2e3: {  	v6 =	vadd.f32 v35, v11;
	[tilespmem:s9+$0x60] =	vst v10  }
0x2e4: {  	[tilespmem:s21+$0x50] =	vst v7;
	v7 =	vshll.u32 v5, $0x10;
	v9 =	vshll.u32 v4, $0x10;
	v4 =	vadd.f32 v4, v5;
	v5 =	vld [tilespmem:s10+$0x2C40]  }
0x2e5: {  	[tilespmem:s21+$0x40] =	vst v6;
	v6 =	vadd.f32 v9, v7;
	v7 =	vld [tilespmem:s10+$0x7C40]  }
0x2e6: {  	v9 =	vld [tilespmem:s30+$0x2C30];
	v10 =	vshll.u32 v3, $0x10;
	[tilespmem:s15+$0x70] =	vst v4;
	v4 =	vshll.u32 v8, $0x10;
	v3 =	vadd.f32 v8, v3  }
0x2e7: {  	v8 =	vld [tilespmem:s30+$0x7C30];
	[tilespmem:s15+$0x60] =	vst v6;
	v4 =	vadd.f32 v4, v10  }
0x2e8: {  	v6 =	vld [tilespmem:s16+$0x2C40];
	[tilespmem:s31+$0x70] =	vst v3  }
0x2e9: {  	v3 =	vld [tilespmem:s16+$0x7C40];
	[tilespmem:s31+$0x60] =	vst v4  }
0x2ea: {  	v4 =	vld [tilespmem:s14+$0x2C40];
	v10 =	vshll.u32 v5, $0x10;
	v11 =	vshll.u32 v7, $0x10;
	v5 =	vadd.f32 v7, v5  }
0x2eb: {  	v7 =	vld [tilespmem:s14+$0x7C40];
	v10 =	vadd.f32 v11, v10  }
0x2ec: {  	v11 =	vshll.u32 v9, $0x10;
	v36 =	vshll.u32 v8, $0x10;
	v8 =	vadd.f32 v8, v9;
	[tilespmem:s9+$0x410] =	vst v5  }
0x2ed: {  	v5 =	vadd.f32 v36, v11;
	[tilespmem:s9+$0x400] =	vst v10  }
0x2ee: {  	[tilespmem:s21+$0x70] =	vst v8;
	v8 =	vshll.u32 v6, $0x10;
	v9 =	vshll.u32 v3, $0x10;
	v3 =	vadd.f32 v3, v6;
	v6 =	vld [tilespmem:s10+$0x2C50]  }
0x2ef: {  	[tilespmem:s21+$0x60] =	vst v5;
	v5 =	vadd.f32 v9, v8;
	v8 =	vld [tilespmem:s10+$0x7C50]  }
0x2f0: {  	v9 =	vld [tilespmem:s30+$0x2C40];
	v10 =	vshll.u32 v4, $0x10;
	[tilespmem:s15+$0x410] =	vst v3;
	v3 =	vshll.u32 v7, $0x10;
	v4 =	vadd.f32 v7, v4  }
0x2f1: {  	v7 =	vld [tilespmem:s30+$0x7C40];
	[tilespmem:s15+$0x400] =	vst v5;
	v3 =	vadd.f32 v3, v10  }
0x2f2: {  	v5 =	vld [tilespmem:s16+$0x2C50];
	[tilespmem:s31+$0x410] =	vst v4  }
0x2f3: {  	v4 =	vld [tilespmem:s16+$0x7C50];
	[tilespmem:s31+$0x400] =	vst v3  }
0x2f4: {  	v3 =	vld [tilespmem:s14+$0x2C50];
	v10 =	vshll.u32 v6, $0x10;
	v11 =	vshll.u32 v8, $0x10;
	v6 =	vadd.f32 v8, v6  }
0x2f5: {  	v8 =	vld [tilespmem:s14+$0x7C50];
	v10 =	vadd.f32 v11, v10  }
0x2f6: {  	v11 =	vshll.u32 v9, $0x10;
	v37 =	vshll.u32 v7, $0x10;
	v7 =	vadd.f32 v7, v9;
	[tilespmem:s9+$0x430] =	vst v6  }
0x2f7: {  	v6 =	vadd.f32 v37, v11;
	[tilespmem:s9+$0x420] =	vst v10  }
0x2f8: {  	[tilespmem:s21+$0x410] =	vst v7;
	v7 =	vshll.u32 v5, $0x10;
	v9 =	vshll.u32 v4, $0x10;
	v4 =	vadd.f32 v4, v5;
	v5 =	vld [tilespmem:s10+$0x2C60]  }
0x2f9: {  	[tilespmem:s21+$0x400] =	vst v6;
	v6 =	vadd.f32 v9, v7;
	v7 =	vld [tilespmem:s10+$0x7C60]  }
0x2fa: {  	v9 =	vld [tilespmem:s30+$0x2C50];
	v10 =	vshll.u32 v3, $0x10;
	[tilespmem:s15+$0x430] =	vst v4;
	v4 =	vshll.u32 v8, $0x10;
	v3 =	vadd.f32 v8, v3  }
0x2fb: {  	v8 =	vld [tilespmem:s30+$0x7C50];
	[tilespmem:s15+$0x420] =	vst v6;
	v4 =	vadd.f32 v4, v10  }
0x2fc: {  	v6 =	vld [tilespmem:s16+$0x2C60];
	[tilespmem:s31+$0x430] =	vst v3  }
0x2fd: {  	v3 =	vld [tilespmem:s16+$0x7C60];
	[tilespmem:s31+$0x420] =	vst v4  }
0x2fe: {  	v4 =	vld [tilespmem:s14+$0x2C60];
	v10 =	vshll.u32 v5, $0x10;
	v11 =	vshll.u32 v7, $0x10;
	v5 =	vadd.f32 v7, v5  }
0x2ff: {  	v7 =	vld [tilespmem:s14+$0x7C60];
	v10 =	vadd.f32 v11, v10  }
0x300: {  	v11 =	vshll.u32 v9, $0x10;
	v38 =	vshll.u32 v8, $0x10;
	v8 =	vadd.f32 v8, v9;
	[tilespmem:s9+$0x450] =	vst v5  }
0x301: {  	v5 =	vadd.f32 v38, v11;
	[tilespmem:s9+$0x440] =	vst v10  }
0x302: {  	[tilespmem:s21+$0x430] =	vst v8;
	v8 =	vshll.u32 v6, $0x10;
	v9 =	vshll.u32 v3, $0x10;
	v3 =	vadd.f32 v3, v6;
	v6 =	vld [tilespmem:s10+$0x2C70]  }
0x303: {  	[tilespmem:s21+$0x420] =	vst v5;
	v5 =	vadd.f32 v9, v8;
	v8 =	vld [tilespmem:s10+$0x7C70]  }
0x304: {  	v9 =	vld [tilespmem:s30+$0x2C60];
	v10 =	vshll.u32 v4, $0x10;
	[tilespmem:s15+$0x450] =	vst v3;
	v3 =	vshll.u32 v7, $0x10;
	v4 =	vadd.f32 v7, v4  }
0x305: {  	v7 =	vld [tilespmem:s30+$0x7C60];
	[tilespmem:s15+$0x440] =	vst v5;
	v3 =	vadd.f32 v3, v10  }
0x306: {  	v5 =	vld [tilespmem:s16+$0x2C70];
	[tilespmem:s31+$0x450] =	vst v4  }
0x307: {  	v4 =	vld [tilespmem:s16+$0x7C70];
	[tilespmem:s31+$0x440] =	vst v3  }
0x308: {  	v3 =	vld [tilespmem:s14+$0x2C70];
	v10 =	vshll.u32 v6, $0x10;
	v11 =	vshll.u32 v8, $0x10;
	v6 =	vadd.f32 v8, v6  }
0x309: {  	v8 =	vld [tilespmem:s14+$0x7C70];
	v10 =	vadd.f32 v11, v10  }
0x30a: {  	v11 =	vshll.u32 v9, $0x10;
	v39 =	vshll.u32 v7, $0x10;
	v7 =	vadd.f32 v7, v9;
	[tilespmem:s9+$0x470] =	vst v6  }
0x30b: {  	v6 =	vadd.f32 v39, v11;
	[tilespmem:s9+$0x460] =	vst v10  }
0x30c: {  	[tilespmem:s21+$0x450] =	vst v7;
	v7 =	vshll.u32 v5, $0x10;
	v9 =	vshll.u32 v4, $0x10;
	v4 =	vadd.f32 v4, v5;
	v5 =	vld [tilespmem:s10+$0x3000]  }
0x30d: {  	[tilespmem:s21+$0x440] =	vst v6;
	v6 =	vadd.f32 v9, v7;
	v7 =	vld [tilespmem:s10+$0x8000]  }
0x30e: {  	v9 =	vld [tilespmem:s30+$0x2C70];
	v10 =	vshll.u32 v3, $0x10;
	[tilespmem:s15+$0x470] =	vst v4;
	v4 =	vshll.u32 v8, $0x10;
	v3 =	vadd.f32 v8, v3  }
0x30f: {  	v8 =	vld [tilespmem:s30+$0x7C70];
	[tilespmem:s15+$0x460] =	vst v6;
	v4 =	vadd.f32 v4, v10  }
0x310: {  	v6 =	vld [tilespmem:s16+$0x3000];
	[tilespmem:s31+$0x470] =	vst v3  }
0x311: {  	v3 =	vld [tilespmem:s16+$0x8000];
	[tilespmem:s31+$0x460] =	vst v4  }
0x312: {  	v4 =	vld [tilespmem:s14+$0x3000];
	v10 =	vshll.u32 v5, $0x10;
	v11 =	vshll.u32 v7, $0x10;
	v5 =	vadd.f32 v7, v5  }
0x313: {  	v7 =	vld [tilespmem:s14+$0x8000];
	v10 =	vadd.f32 v11, v10  }
0x314: {  	v11 =	vshll.u32 v9, $0x10;
	v40 =	vshll.u32 v8, $0x10;
	v8 =	vadd.f32 v8, v9;
	[tilespmem:s9+$0x810] =	vst v5  }
0x315: {  	v5 =	vadd.f32 v40, v11;
	[tilespmem:s9+$0x800] =	vst v10  }
0x316: {  	[tilespmem:s21+$0x470] =	vst v8;
	v8 =	vshll.u32 v6, $0x10;
	v9 =	vshll.u32 v3, $0x10;
	v3 =	vadd.f32 v3, v6;
	v6 =	vld [tilespmem:s10+$0x3010]  }
0x317: {  	[tilespmem:s21+$0x460] =	vst v5;
	v5 =	vadd.f32 v9, v8;
	v8 =	vld [tilespmem:s10+$0x8010]  }
0x318: {  	v9 =	vld [tilespmem:s30+$0x3000];
	v10 =	vshll.u32 v4, $0x10;
	[tilespmem:s15+$0x810] =	vst v3;
	v3 =	vshll.u32 v7, $0x10;
	v4 =	vadd.f32 v7, v4  }
0x319: {  	v7 =	vld [tilespmem:s30+$0x8000];
	[tilespmem:s15+$0x800] =	vst v5;
	v3 =	vadd.f32 v3, v10  }
0x31a: {  	v5 =	vld [tilespmem:s16+$0x3010];
	[tilespmem:s31+$0x810] =	vst v4  }
0x31b: {  	v4 =	vld [tilespmem:s16+$0x8010];
	[tilespmem:s31+$0x800] =	vst v3  }
0x31c: {  	v3 =	vld [tilespmem:s14+$0x3010];
	v10 =	vshll.u32 v6, $0x10;
	v11 =	vshll.u32 v8, $0x10;
	v6 =	vadd.f32 v8, v6  }
0x31d: {  	v8 =	vld [tilespmem:s14+$0x8010];
	v10 =	vadd.f32 v11, v10  }
0x31e: {  	v11 =	vshll.u32 v9, $0x10;
	v41 =	vshll.u32 v7, $0x10;
	v7 =	vadd.f32 v7, v9;
	[tilespmem:s9+$0x830] =	vst v6  }
0x31f: {  	v6 =	vadd.f32 v41, v11;
	[tilespmem:s9+$0x820] =	vst v10  }
0x320: {  	[tilespmem:s21+$0x810] =	vst v7;
	v7 =	vshll.u32 v5, $0x10;
	v9 =	vshll.u32 v4, $0x10;
	v4 =	vadd.f32 v4, v5;
	v5 =	vld [tilespmem:s10+$0x3020]  }
0x321: {  	[tilespmem:s21+$0x800] =	vst v6;
	v6 =	vadd.f32 v9, v7;
	v7 =	vld [tilespmem:s10+$0x8020]  }
0x322: {  	v9 =	vld [tilespmem:s30+$0x3010];
	v10 =	vshll.u32 v3, $0x10;
	[tilespmem:s15+$0x830] =	vst v4;
	v4 =	vshll.u32 v8, $0x10;
	v3 =	vadd.f32 v8, v3  }
0x323: {  	v8 =	vld [tilespmem:s30+$0x8010];
	[tilespmem:s15+$0x820] =	vst v6;
	v4 =	vadd.f32 v4, v10  }
0x324: {  	v6 =	vld [tilespmem:s16+$0x3020];
	[tilespmem:s31+$0x830] =	vst v3  }
0x325: {  	v3 =	vld [tilespmem:s16+$0x8020];
	[tilespmem:s31+$0x820] =	vst v4  }
0x326: {  	v4 =	vld [tilespmem:s14+$0x3020];
	v10 =	vshll.u32 v5, $0x10;
	v11 =	vshll.u32 v7, $0x10;
	v5 =	vadd.f32 v7, v5  }
0x327: {  	v7 =	vld [tilespmem:s14+$0x8020];
	v10 =	vadd.f32 v11, v10  }
0x328: {  	v11 =	vshll.u32 v9, $0x10;
	v42 =	vshll.u32 v8, $0x10;
	v8 =	vadd.f32 v8, v9;
	[tilespmem:s9+$0x850] =	vst v5  }
0x329: {  	v5 =	vadd.f32 v42, v11;
	[tilespmem:s9+$0x840] =	vst v10  }
0x32a: {  	[tilespmem:s21+$0x830] =	vst v8;
	v8 =	vshll.u32 v6, $0x10;
	v9 =	vshll.u32 v3, $0x10;
	v3 =	vadd.f32 v3, v6;
	v6 =	vld [tilespmem:s10+$0x3030]  }
0x32b: {  	[tilespmem:s21+$0x820] =	vst v5;
	v5 =	vadd.f32 v9, v8;
	v8 =	vld [tilespmem:s10+$0x8030]  }
0x32c: {  	v9 =	vld [tilespmem:s30+$0x3020];
	v10 =	vshll.u32 v4, $0x10;
	[tilespmem:s15+$0x850] =	vst v3;
	v3 =	vshll.u32 v7, $0x10;
	v4 =	vadd.f32 v7, v4  }
0x32d: {  	v7 =	vld [tilespmem:s30+$0x8020];
	[tilespmem:s15+$0x840] =	vst v5;
	v3 =	vadd.f32 v3, v10  }
0x32e: {  	v5 =	vld [tilespmem:s16+$0x3030];
	[tilespmem:s31+$0x850] =	vst v4  }
0x32f: {  	v4 =	vld [tilespmem:s16+$0x8030];
	[tilespmem:s31+$0x840] =	vst v3  }
0x330: {  	v3 =	vld [tilespmem:s14+$0x3030];
	v10 =	vshll.u32 v6, $0x10;
	v11 =	vshll.u32 v8, $0x10;
	v6 =	vadd.f32 v8, v6  }
0x331: {  	v8 =	vld [tilespmem:s14+$0x8030];
	v10 =	vadd.f32 v11, v10  }
0x332: {  	v11 =	vshll.u32 v9, $0x10;
	v43 =	vshll.u32 v7, $0x10;
	v7 =	vadd.f32 v7, v9;
	[tilespmem:s9+$0x870] =	vst v6  }
0x333: {  	v6 =	vadd.f32 v43, v11;
	[tilespmem:s9+$0x860] =	vst v10  }
0x334: {  	[tilespmem:s21+$0x850] =	vst v7;
	v7 =	vshll.u32 v5, $0x10;
	v9 =	vshll.u32 v4, $0x10;
	v4 =	vadd.f32 v4, v5;
	v5 =	vld [tilespmem:s10+$0x3040]  }
0x335: {  	[tilespmem:s21+$0x840] =	vst v6;
	v6 =	vadd.f32 v9, v7;
	v7 =	vld [tilespmem:s10+$0x8040]  }
0x336: {  	v9 =	vld [tilespmem:s30+$0x3030];
	v10 =	vshll.u32 v3, $0x10;
	[tilespmem:s15+$0x870] =	vst v4;
	v4 =	vshll.u32 v8, $0x10;
	v3 =	vadd.f32 v8, v3  }
0x337: {  	v8 =	vld [tilespmem:s30+$0x8030];
	[tilespmem:s15+$0x860] =	vst v6;
	v4 =	vadd.f32 v4, v10  }
0x338: {  	s1 =	simm.s32 $0x200;
	v6 =	vld [tilespmem:s16+$0x3040];
	[tilespmem:s31+$0x870] =	vst v3  }
0x339: {  	s5 =	simm.s32 $0x400;
	s0 =	sand.u32 $0x200, s1;
	v3 =	vld [tilespmem:s16+$0x8040];
	[tilespmem:s31+$0x860] =	vst v4  }
0x33a: {  	s2 =	sand.u32 $0xFFFFF800, s5;
	s6 =	sor.u32 $0x180, s0;
	v4 =	vld [tilespmem:s14+$0x3040];
	v10 =	vshll.u32 v5, $0x10;
	v11 =	vshll.u32 v7, $0x10;
	v5 =	vadd.f32 v7, v5  }
0x33b: {  	s22 =	sor.u32 s2, s6;
	v7 =	vld [tilespmem:s14+$0x8040];
	v10 =	vadd.f32 v11, v10  }
0x33c: {  	v11 =	vshll.u32 v9, $0x10;
	v44 =	vshll.u32 v8, $0x10;
	v8 =	vadd.f32 v8, v9;
	v9 =	vld [tilespmem:s22+$0x2C00];
	[tilespmem:s9+$0xC10] =	vst v5  }
0x33d: {  	v5 =	vadd.f32 v44, v11;
	v11 =	vld [tilespmem:s22+$0x7C00];
	[tilespmem:s9+$0xC00] =	vst v10  }
0x33e: {  	[tilespmem:s21+$0x870] =	vst v8;
	v8 =	vshll.u32 v6, $0x10;
	v10 =	vshll.u32 v3, $0x10;
	v3 =	vadd.f32 v3, v6;
	v6 =	vld [tilespmem:s10+$0x3050]  }
0x33f: {  	s23 =	sor.u32 s0, s2;
	[tilespmem:s21+$0x860] =	vst v5;
	v5 =	vadd.f32 v10, v8;
	v8 =	vld [tilespmem:s10+$0x8050]  }
0x340: {  	s11 =	simm.s32 $0x800;
	s18 =	sor.u32 $0x80, s0;
	v45 =	vld [tilespmem:s23+$0x2C00];
	v10 =	vshll.u32 v4, $0x10;
	[tilespmem:s15+$0xC10] =	vst v3;
	v3 =	vshll.u32 v7, $0x10;
	v4 =	vadd.f32 v7, v4  }
0x341: {  	s11 =	sand.u32 $0x3FFFF000, s11;
	s24 =	sor.u32 s2, s18;
	v7 =	vld [tilespmem:s23+$0x7C00];
	[tilespmem:s15+$0xC00] =	vst v5;
	v3 =	vadd.f32 v3, v10  }
0x342: {  	s11 =	sadd.s32 $0xF400, s11;
	s12 =	sor.u32 $0x100, s0;
	v5 =	vld [tilespmem:s24+$0x2C00];
	v10 =	vshll.u32 v9, $0x10;
	v13 =	vshll.u32 v11, $0x10;
	v9 =	vadd.f32 v11, v9;
	[tilespmem:s31+$0xC10] =	vst v4  }
0x343: {  	s26 =	sor.u32 s2, s12;
	s25 =	sor.u32 s6, s11;
	v4 =	vld [tilespmem:s24+$0x7C00];
	v10 =	vadd.f32 v13, v10;
	[tilespmem:s31+$0xC00] =	vst v3  }
0x344: {  	v3 =	vld [tilespmem:s26+$0x2C00];
	[tilespmem:s25+$0x10] =	vst v9;
	v9 =	vshll.u32 v6, $0x10;
	v11 =	vshll.u32 v8, $0x10;
	v6 =	vadd.f32 v8, v6  }
0x345: {  	v8 =	vld [tilespmem:s26+$0x7C00];
	[tilespmem:s25+$0x0] =	vst v10;
	v9 =	vadd.f32 v11, v9  }
0x346: {  	v10 =	vshll.u32 v45, $0x10;
	v11 =	vshll.u32 v7, $0x10;
	v7 =	vadd.f32 v7, v45;
	v46 =	vld [tilespmem:s22+$0x2C10];
	[tilespmem:s9+$0xC30] =	vst v6  }
0x347: {  	s28 =	sor.u32 s0, s11;
	v6 =	vadd.f32 v11, v10;
	v10 =	vld [tilespmem:s22+$0x7C10];
	[tilespmem:s9+$0xC20] =	vst v9  }
0x348: {  	v9 =	vshll.u32 v5, $0x10;
	[tilespmem:s28+$0x10] =	vst v7;
	v7 =	vshll.u32 v4, $0x10;
	v4 =	vadd.f32 v4, v5;
	v5 =	vld [tilespmem:s10+$0x3060]  }
0x349: {  	s29 =	sor.u32 s18, s11;
	[tilespmem:s28+$0x0] =	vst v6;
	v6 =	vadd.f32 v7, v9;
	v7 =	vld [tilespmem:s10+$0x8060]  }
0x34a: {  	v9 =	vshll.u32 v3, $0x10;
	v11 =	vld [tilespmem:s23+$0x2C10];
	[tilespmem:s29+$0x10] =	vst v4;
	v4 =	vshll.u32 v8, $0x10;
	v3 =	vadd.f32 v8, v3  }
0x34b: {  	s0 =	sor.u32 s12, s11;
	v8 =	vld [tilespmem:s23+$0x7C10];
	[tilespmem:s29+$0x0] =	vst v6;
	v4 =	vadd.f32 v4, v9  }
0x34c: {  	v6 =	vld [tilespmem:s24+$0x2C10];
	[tilespmem:s0+$0x10] =	vst v3;
	v3 =	vshll.u32 v46, $0x10;
	v9 =	vshll.u32 v10, $0x10;
	v10 =	vadd.f32 v10, v46  }
0x34d: {  	v47 =	vld [tilespmem:s24+$0x7C10];
	[tilespmem:s0+$0x0] =	vst v4;
	v3 =	vadd.f32 v9, v3  }
0x34e: {  	v4 =	vld [tilespmem:s26+$0x2C10];
	[tilespmem:s25+$0x30] =	vst v10;
	v9 =	vshll.u32 v5, $0x10;
	v10 =	vshll.u32 v7, $0x10;
	v5 =	vadd.f32 v7, v5  }
0x34f: {  	v7 =	vld [tilespmem:s26+$0x7C10];
	[tilespmem:s25+$0x20] =	vst v3;
	v3 =	vadd.f32 v10, v9  }
0x350: {  	v9 =	vshll.u32 v11, $0x10;
	v10 =	vshll.u32 v8, $0x10;
	v8 =	vadd.f32 v8, v11;
	v11 =	vld [tilespmem:s22+$0x2C20];
	[tilespmem:s9+$0xC50] =	vst v5  }
0x351: {  	v5 =	vadd.f32 v10, v9;
	v9 =	vld [tilespmem:s22+$0x7C20];
	[tilespmem:s9+$0xC40] =	vst v3  }
0x352: {  	v3 =	vshll.u32 v6, $0x10;
	[tilespmem:s28+$0x30] =	vst v8;
	v8 =	vshll.u32 v47, $0x10;
	v6 =	vadd.f32 v47, v6;
	v10 =	vld [tilespmem:s10+$0x3070]  }
0x353: {  	[tilespmem:s28+$0x20] =	vst v5;
	v3 =	vadd.f32 v8, v3;
	v5 =	vld [tilespmem:s10+$0x8070]  }
0x354: {  	v8 =	vshll.u32 v4, $0x10;
	v48 =	vld [tilespmem:s23+$0x2C20];
	[tilespmem:s29+$0x30] =	vst v6;
	v6 =	vshll.u32 v7, $0x10;
	v4 =	vadd.f32 v7, v4  }
0x355: {  	v7 =	vld [tilespmem:s23+$0x7C20];
	[tilespmem:s29+$0x20] =	vst v3;
	v3 =	vadd.f32 v6, v8  }
0x356: {  	v6 =	vld [tilespmem:s24+$0x2C20];
	[tilespmem:s0+$0x30] =	vst v4;
	v4 =	vshll.u32 v11, $0x10;
	v8 =	vshll.u32 v9, $0x10;
	v9 =	vadd.f32 v9, v11  }
0x357: {  	v11 =	vld [tilespmem:s24+$0x7C20];
	[tilespmem:s0+$0x20] =	vst v3;
	v3 =	vadd.f32 v8, v4  }
0x358: {  	v4 =	vld [tilespmem:s26+$0x2C20];
	[tilespmem:s25+$0x50] =	vst v9;
	v8 =	vshll.u32 v10, $0x10;
	v9 =	vshll.u32 v5, $0x10;
	v5 =	vadd.f32 v5, v10  }
0x359: {  	v10 =	vld [tilespmem:s26+$0x7C20];
	[tilespmem:s25+$0x40] =	vst v3;
	v3 =	vadd.f32 v9, v8  }
0x35a: {  	v8 =	vshll.u32 v48, $0x10;
	v9 =	vshll.u32 v7, $0x10;
	v7 =	vadd.f32 v7, v48;
	v49 =	vld [tilespmem:s22+$0x2C30];
	[tilespmem:s9+$0xC70] =	vst v5  }
0x35b: {  	v5 =	vadd.f32 v9, v8;
	v8 =	vld [tilespmem:s22+$0x7C30];
	[tilespmem:s9+$0xC60] =	vst v3  }
0x35c: {  	v9 =	vld [tilespmem:s30+$0x3040];
	v3 =	vshll.u32 v6, $0x10;
	[tilespmem:s28+$0x50] =	vst v7;
	v7 =	vshll.u32 v11, $0x10;
	v6 =	vadd.f32 v11, v6  }
0x35d: {  	[tilespmem:s28+$0x40] =	vst v5;
	v3 =	vadd.f32 v7, v3;
	v5 =	vld [tilespmem:s30+$0x8040]  }
0x35e: {  	v7 =	vshll.u32 v4, $0x10;
	v11 =	vld [tilespmem:s23+$0x2C30];
	[tilespmem:s29+$0x50] =	vst v6;
	v6 =	vshll.u32 v10, $0x10;
	v4 =	vadd.f32 v10, v4  }
0x35f: {  	v10 =	vld [tilespmem:s23+$0x7C30];
	[tilespmem:s29+$0x40] =	vst v3;
	v3 =	vadd.f32 v6, v7  }
0x360: {  	v6 =	vld [tilespmem:s24+$0x2C30];
	[tilespmem:s0+$0x50] =	vst v4;
	v4 =	vshll.u32 v49, $0x10;
	v7 =	vshll.u32 v8, $0x10;
	v8 =	vadd.f32 v8, v49  }
0x361: {  	v50 =	vld [tilespmem:s24+$0x7C30];
	[tilespmem:s0+$0x40] =	vst v3;
	v3 =	vadd.f32 v7, v4  }
0x362: {  	v4 =	vshll.u32 v9, $0x10;
	v7 =	vld [tilespmem:s26+$0x2C30];
	[tilespmem:s25+$0x70] =	vst v8;
	v8 =	vshll.u32 v5, $0x10;
	v5 =	vadd.f32 v5, v9  }
0x363: {  	v9 =	vld [tilespmem:s26+$0x7C30];
	[tilespmem:s25+$0x60] =	vst v3;
	v3 =	vadd.f32 v8, v4  }
0x364: {  	v4 =	vshll.u32 v11, $0x10;
	v8 =	vshll.u32 v10, $0x10;
	v10 =	vadd.f32 v10, v11;
	v11 =	vld [tilespmem:s22+$0x2C40];
	[tilespmem:s21+$0xC10] =	vst v5  }
0x365: {  	v4 =	vadd.f32 v8, v4;
	v5 =	vld [tilespmem:s22+$0x7C40];
	[tilespmem:s21+$0xC00] =	vst v3  }
0x366: {  	v3 =	vshll.u32 v6, $0x10;
	[tilespmem:s28+$0x70] =	vst v10;
	v8 =	vshll.u32 v50, $0x10;
	v6 =	vadd.f32 v50, v6;
	v10 =	vld [tilespmem:s16+$0x3050]  }
0x367: {  	[tilespmem:s28+$0x60] =	vst v4;
	v3 =	vadd.f32 v8, v3;
	v4 =	vld [tilespmem:s16+$0x8050]  }
0x368: {  	v8 =	vshll.u32 v7, $0x10;
	v51 =	vld [tilespmem:s23+$0x2C40];
	[tilespmem:s29+$0x70] =	vst v6;
	v6 =	vshll.u32 v9, $0x10;
	v7 =	vadd.f32 v9, v7  }
0x369: {  	v9 =	vld [tilespmem:s23+$0x7C40];
	[tilespmem:s29+$0x60] =	vst v3;
	v3 =	vadd.f32 v6, v8  }
0x36a: {  	v6 =	vld [tilespmem:s24+$0x2C40];
	[tilespmem:s0+$0x70] =	vst v7;
	v7 =	vshll.u32 v11, $0x10;
	v8 =	vshll.u32 v5, $0x10;
	v5 =	vadd.f32 v5, v11  }
0x36b: {  	v11 =	vld [tilespmem:s24+$0x7C40];
	[tilespmem:s0+$0x60] =	vst v3;
	v3 =	vadd.f32 v8, v7  }
0x36c: {  	v7 =	vshll.u32 v10, $0x10;
	v8 =	vld [tilespmem:s26+$0x2C40];
	[tilespmem:s25+$0x410] =	vst v5;
	v5 =	vshll.u32 v4, $0x10;
	v4 =	vadd.f32 v4, v10  }
0x36d: {  	v10 =	vld [tilespmem:s26+$0x7C40];
	[tilespmem:s25+$0x400] =	vst v3;
	v3 =	vadd.f32 v5, v7  }
0x36e: {  	v5 =	vshll.u32 v51, $0x10;
	v7 =	vshll.u32 v9, $0x10;
	v9 =	vadd.f32 v9, v51;
	v52 =	vld [tilespmem:s22+$0x2C50];
	[tilespmem:s15+$0xC30] =	vst v4  }
0x36f: {  	v4 =	vadd.f32 v7, v5;
	v5 =	vld [tilespmem:s22+$0x7C50];
	[tilespmem:s15+$0xC20] =	vst v3  }
0x370: {  	v3 =	vshll.u32 v6, $0x10;
	[tilespmem:s28+$0x410] =	vst v9;
	v7 =	vshll.u32 v11, $0x10;
	v6 =	vadd.f32 v11, v6;
	v9 =	vld [tilespmem:s14+$0x3050]  }
0x371: {  	[tilespmem:s28+$0x400] =	vst v4;
	v3 =	vadd.f32 v7, v3;
	v4 =	vld [tilespmem:s14+$0x8050]  }
0x372: {  	v7 =	vshll.u32 v8, $0x10;
	v11 =	vld [tilespmem:s23+$0x2C50];
	[tilespmem:s29+$0x410] =	vst v6;
	v6 =	vshll.u32 v10, $0x10;
	v8 =	vadd.f32 v10, v8  }
0x373: {  	v10 =	vld [tilespmem:s23+$0x7C50];
	[tilespmem:s29+$0x400] =	vst v3;
	v3 =	vadd.f32 v6, v7  }
0x374: {  	v6 =	vld [tilespmem:s24+$0x2C50];
	[tilespmem:s0+$0x410] =	vst v8;
	v7 =	vshll.u32 v52, $0x10;
	v8 =	vshll.u32 v5, $0x10;
	v5 =	vadd.f32 v5, v52  }
0x375: {  	v53 =	vld [tilespmem:s24+$0x7C50];
	[tilespmem:s0+$0x400] =	vst v3;
	v3 =	vadd.f32 v8, v7  }
0x376: {  	v7 =	vshll.u32 v9, $0x10;
	v8 =	vld [tilespmem:s26+$0x2C50];
	[tilespmem:s25+$0x430] =	vst v5;
	v5 =	vshll.u32 v4, $0x10;
	v4 =	vadd.f32 v4, v9  }
0x377: {  	v9 =	vld [tilespmem:s26+$0x7C50];
	[tilespmem:s25+$0x420] =	vst v3;
	v3 =	vadd.f32 v5, v7  }
0x378: {  	v5 =	vshll.u32 v11, $0x10;
	v7 =	vshll.u32 v10, $0x10;
	v10 =	vadd.f32 v10, v11;
	v11 =	vld [tilespmem:s22+$0x2C60];
	[tilespmem:s31+$0xC30] =	vst v4  }
0x379: {  	v4 =	vadd.f32 v7, v5;
	v5 =	vld [tilespmem:s22+$0x7C60];
	[tilespmem:s31+$0xC20] =	vst v3  }
0x37a: {  	v3 =	vshll.u32 v6, $0x10;
	[tilespmem:s28+$0x430] =	vst v10;
	v7 =	vshll.u32 v53, $0x10;
	v6 =	vadd.f32 v53, v6;
	v10 =	vld [tilespmem:s30+$0x3050]  }
0x37b: {  	[tilespmem:s28+$0x420] =	vst v4;
	v3 =	vadd.f32 v7, v3;
	v4 =	vld [tilespmem:s30+$0x8050]  }
0x37c: {  	v7 =	vshll.u32 v8, $0x10;
	v54 =	vld [tilespmem:s23+$0x2C60];
	[tilespmem:s29+$0x430] =	vst v6;
	v6 =	vshll.u32 v9, $0x10;
	v8 =	vadd.f32 v9, v8  }
0x37d: {  	v9 =	vld [tilespmem:s23+$0x7C60];
	[tilespmem:s29+$0x420] =	vst v3;
	v3 =	vadd.f32 v6, v7  }
0x37e: {  	v6 =	vld [tilespmem:s24+$0x2C60];
	[tilespmem:s0+$0x430] =	vst v8;
	v7 =	vshll.u32 v11, $0x10;
	v8 =	vshll.u32 v5, $0x10;
	v5 =	vadd.f32 v5, v11  }
0x37f: {  	v11 =	vld [tilespmem:s24+$0x7C60];
	[tilespmem:s0+$0x420] =	vst v3;
	v3 =	vadd.f32 v8, v7  }
0x380: {  	v7 =	vshll.u32 v10, $0x10;
	v8 =	vld [tilespmem:s26+$0x2C60];
	[tilespmem:s25+$0x450] =	vst v5;
	v5 =	vshll.u32 v4, $0x10;
	v4 =	vadd.f32 v4, v10  }
0x381: {  	v10 =	vld [tilespmem:s26+$0x7C60];
	[tilespmem:s25+$0x440] =	vst v3;
	v3 =	vadd.f32 v5, v7  }
0x382: {  	v5 =	vshll.u32 v54, $0x10;
	v7 =	vshll.u32 v9, $0x10;
	v9 =	vadd.f32 v9, v54;
	v55 =	vld [tilespmem:s22+$0x2C70];
	[tilespmem:s21+$0xC30] =	vst v4  }
0x383: {  	v4 =	vadd.f32 v7, v5;
	v5 =	vld [tilespmem:s22+$0x7C70];
	[tilespmem:s21+$0xC20] =	vst v3  }
0x384: {  	v3 =	vshll.u32 v6, $0x10;
	[tilespmem:s28+$0x450] =	vst v9;
	v7 =	vshll.u32 v11, $0x10;
	v6 =	vadd.f32 v11, v6;
	v9 =	vld [tilespmem:s16+$0x3060]  }
0x385: {  	[tilespmem:s28+$0x440] =	vst v4;
	v3 =	vadd.f32 v7, v3;
	v4 =	vld [tilespmem:s16+$0x8060]  }
0x386: {  	v7 =	vshll.u32 v8, $0x10;
	v11 =	vld [tilespmem:s23+$0x2C70];
	[tilespmem:s29+$0x450] =	vst v6;
	v6 =	vshll.u32 v10, $0x10;
	v8 =	vadd.f32 v10, v8  }
0x387: {  	v10 =	vld [tilespmem:s23+$0x7C70];
	[tilespmem:s29+$0x440] =	vst v3;
	v3 =	vadd.f32 v6, v7  }
0x388: {  	v6 =	vld [tilespmem:s24+$0x2C70];
	[tilespmem:s0+$0x450] =	vst v8;
	v7 =	vshll.u32 v55, $0x10;
	v8 =	vshll.u32 v5, $0x10;
	v5 =	vadd.f32 v5, v55  }
0x389: {  	v56 =	vld [tilespmem:s24+$0x7C70];
	[tilespmem:s0+$0x440] =	vst v3;
	v3 =	vadd.f32 v8, v7  }
0x38a: {  	v7 =	vshll.u32 v9, $0x10;
	v8 =	vld [tilespmem:s26+$0x2C70];
	[tilespmem:s25+$0x470] =	vst v5;
	v5 =	vshll.u32 v4, $0x10;
	v4 =	vadd.f32 v4, v9  }
0x38b: {  	v9 =	vld [tilespmem:s26+$0x7C70];
	[tilespmem:s25+$0x460] =	vst v3;
	v3 =	vadd.f32 v5, v7  }
0x38c: {  	v5 =	vshll.u32 v11, $0x10;
	v7 =	vshll.u32 v10, $0x10;
	v10 =	vadd.f32 v10, v11;
	v11 =	vld [tilespmem:s22+$0x3000];
	[tilespmem:s15+$0xC50] =	vst v4  }
0x38d: {  	v4 =	vadd.f32 v7, v5;
	v5 =	vld [tilespmem:s22+$0x8000];
	[tilespmem:s15+$0xC40] =	vst v3  }
0x38e: {  	v3 =	vshll.u32 v6, $0x10;
	[tilespmem:s28+$0x470] =	vst v10;
	v7 =	vshll.u32 v56, $0x10;
	v6 =	vadd.f32 v56, v6;
	v10 =	vld [tilespmem:s14+$0x3060]  }
0x38f: {  	[tilespmem:s28+$0x460] =	vst v4;
	v3 =	vadd.f32 v7, v3;
	v4 =	vld [tilespmem:s14+$0x8060]  }
0x390: {  	v7 =	vshll.u32 v8, $0x10;
	v57 =	vld [tilespmem:s23+$0x3000];
	[tilespmem:s29+$0x470] =	vst v6;
	v6 =	vshll.u32 v9, $0x10;
	v8 =	vadd.f32 v9, v8  }
0x391: {  	v9 =	vld [tilespmem:s23+$0x8000];
	[tilespmem:s29+$0x460] =	vst v3;
	v3 =	vadd.f32 v6, v7  }
0x392: {  	v6 =	vld [tilespmem:s24+$0x3000];
	[tilespmem:s0+$0x470] =	vst v8;
	v7 =	vshll.u32 v11, $0x10;
	v8 =	vshll.u32 v5, $0x10;
	v5 =	vadd.f32 v5, v11  }
0x393: {  	v11 =	vld [tilespmem:s24+$0x8000];
	[tilespmem:s0+$0x460] =	vst v3;
	v3 =	vadd.f32 v8, v7  }
0x394: {  	v7 =	vshll.u32 v10, $0x10;
	v8 =	vld [tilespmem:s26+$0x3000];
	[tilespmem:s25+$0x810] =	vst v5;
	v5 =	vshll.u32 v4, $0x10;
	v4 =	vadd.f32 v4, v10  }
0x395: {  	v10 =	vld [tilespmem:s26+$0x8000];
	[tilespmem:s25+$0x800] =	vst v3;
	v3 =	vadd.f32 v5, v7  }
0x396: {  	v5 =	vshll.u32 v57, $0x10;
	v7 =	vshll.u32 v9, $0x10;
	v9 =	vadd.f32 v9, v57;
	v58 =	vld [tilespmem:s22+$0x3010];
	[tilespmem:s31+$0xC50] =	vst v4  }
0x397: {  	v4 =	vadd.f32 v7, v5;
	v5 =	vld [tilespmem:s22+$0x8010];
	[tilespmem:s31+$0xC40] =	vst v3  }
0x398: {  	v3 =	vshll.u32 v6, $0x10;
	[tilespmem:s28+$0x810] =	vst v9;
	v7 =	vshll.u32 v11, $0x10;
	v6 =	vadd.f32 v11, v6;
	v9 =	vld [tilespmem:s30+$0x3060]  }
0x399: {  	[tilespmem:s28+$0x800] =	vst v4;
	v3 =	vadd.f32 v7, v3;
	v4 =	vld [tilespmem:s30+$0x8060]  }
0x39a: {  	v7 =	vshll.u32 v8, $0x10;
	v11 =	vld [tilespmem:s23+$0x3010];
	[tilespmem:s29+$0x810] =	vst v6;
	v6 =	vshll.u32 v10, $0x10;
	v8 =	vadd.f32 v10, v8  }
0x39b: {  	v10 =	vld [tilespmem:s23+$0x8010];
	[tilespmem:s29+$0x800] =	vst v3;
	v3 =	vadd.f32 v6, v7  }
0x39c: {  	v6 =	vld [tilespmem:s24+$0x3010];
	[tilespmem:s0+$0x810] =	vst v8;
	v7 =	vshll.u32 v58, $0x10;
	v8 =	vshll.u32 v5, $0x10;
	v5 =	vadd.f32 v5, v58  }
0x39d: {  	v59 =	vld [tilespmem:s24+$0x8010];
	[tilespmem:s0+$0x800] =	vst v3;
	v3 =	vadd.f32 v8, v7  }
0x39e: {  	v7 =	vshll.u32 v9, $0x10;
	v8 =	vld [tilespmem:s26+$0x3010];
	[tilespmem:s25+$0x830] =	vst v5;
	v5 =	vshll.u32 v4, $0x10;
	v4 =	vadd.f32 v4, v9  }
0x39f: {  	v9 =	vld [tilespmem:s26+$0x8010];
	[tilespmem:s25+$0x820] =	vst v3;
	v3 =	vadd.f32 v5, v7  }
0x3a0: {  	v5 =	vshll.u32 v11, $0x10;
	v7 =	vshll.u32 v10, $0x10;
	v10 =	vadd.f32 v10, v11;
	v11 =	vld [tilespmem:s22+$0x3020];
	[tilespmem:s21+$0xC50] =	vst v4  }
0x3a1: {  	v4 =	vadd.f32 v7, v5;
	v5 =	vld [tilespmem:s22+$0x8020];
	[tilespmem:s21+$0xC40] =	vst v3  }
0x3a2: {  	v3 =	vshll.u32 v6, $0x10;
	[tilespmem:s28+$0x830] =	vst v10;
	v7 =	vshll.u32 v59, $0x10;
	v6 =	vadd.f32 v59, v6;
	v10 =	vld [tilespmem:s16+$0x3070]  }
0x3a3: {  	[tilespmem:s28+$0x820] =	vst v4;
	v3 =	vadd.f32 v7, v3;
	v4 =	vld [tilespmem:s16+$0x8070]  }
0x3a4: {  	v7 =	vshll.u32 v8, $0x10;
	v60 =	vld [tilespmem:s23+$0x3020];
	[tilespmem:s29+$0x830] =	vst v6;
	v6 =	vshll.u32 v9, $0x10;
	v8 =	vadd.f32 v9, v8  }
0x3a5: {  	v9 =	vld [tilespmem:s23+$0x8020];
	[tilespmem:s29+$0x820] =	vst v3;
	v3 =	vadd.f32 v6, v7  }
0x3a6: {  	v6 =	vld [tilespmem:s24+$0x3020];
	[tilespmem:s0+$0x830] =	vst v8;
	v7 =	vshll.u32 v11, $0x10;
	v8 =	vshll.u32 v5, $0x10;
	v5 =	vadd.f32 v5, v11  }
0x3a7: {  	v11 =	vld [tilespmem:s24+$0x8020];
	[tilespmem:s0+$0x820] =	vst v3;
	v3 =	vadd.f32 v8, v7  }
0x3a8: {  	v7 =	vshll.u32 v10, $0x10;
	v8 =	vld [tilespmem:s26+$0x3020];
	[tilespmem:s25+$0x850] =	vst v5;
	v5 =	vshll.u32 v4, $0x10;
	v4 =	vadd.f32 v4, v10  }
0x3a9: {  	v10 =	vld [tilespmem:s26+$0x8020];
	[tilespmem:s25+$0x840] =	vst v3;
	v3 =	vadd.f32 v5, v7  }
0x3aa: {  	v5 =	vshll.u32 v60, $0x10;
	v7 =	vshll.u32 v9, $0x10;
	v9 =	vadd.f32 v9, v60;
	v61 =	vld [tilespmem:s22+$0x3030];
	[tilespmem:s15+$0xC70] =	vst v4  }
0x3ab: {  	v4 =	vadd.f32 v7, v5;
	v5 =	vld [tilespmem:s22+$0x8030];
	[tilespmem:s15+$0xC60] =	vst v3  }
0x3ac: {  	v3 =	vshll.u32 v6, $0x10;
	[tilespmem:s28+$0x850] =	vst v9;
	v7 =	vshll.u32 v11, $0x10;
	v6 =	vadd.f32 v11, v6;
	v9 =	vld [tilespmem:s14+$0x3070]  }
0x3ad: {  	[tilespmem:s28+$0x840] =	vst v4;
	v3 =	vadd.f32 v7, v3;
	v4 =	vld [tilespmem:s14+$0x8070]  }
0x3ae: {  	v7 =	vshll.u32 v8, $0x10;
	v11 =	vld [tilespmem:s23+$0x3030];
	[tilespmem:s29+$0x850] =	vst v6;
	v6 =	vshll.u32 v10, $0x10;
	v8 =	vadd.f32 v10, v8  }
0x3af: {  	v10 =	vld [tilespmem:s23+$0x8030];
	[tilespmem:s29+$0x840] =	vst v3;
	v3 =	vadd.f32 v6, v7  }
0x3b0: {  	v62 =	vld [tilespmem:s24+$0x3030];
	[tilespmem:s0+$0x850] =	vst v8;
	v6 =	vshll.u32 v61, $0x10;
	v7 =	vshll.u32 v5, $0x10;
	v5 =	vadd.f32 v5, v61  }
0x3b1: {  	v63 =	vld [tilespmem:s24+$0x8030];
	[tilespmem:s0+$0x840] =	vst v3;
	v3 =	vadd.f32 v7, v6  }
0x3b2: {  	v7 =	vshll.u32 v9, $0x10;
	v6 =	vld [tilespmem:s26+$0x3030];
	[tilespmem:s25+$0x870] =	vst v5;
	v5 =	vshll.u32 v4, $0x10;
	v4 =	vadd.f32 v4, v9  }
0x3b3: {  	v8 =	vld [tilespmem:s26+$0x8030];
	[tilespmem:s25+$0x860] =	vst v3;
	v3 =	vadd.f32 v5, v7  }
0x3b4: {  	v7 =	vshll.u32 v11, $0x10;
	v9 =	vshll.u32 v10, $0x10;
	v10 =	vadd.f32 v10, v11;
	v5 =	vld [tilespmem:s22+$0x3040];
	[tilespmem:s31+$0xC70] =	vst v4  }
0x3b5: {  	v4 =	vadd.f32 v9, v7;
	v7 =	vld [tilespmem:s22+$0x8040];
	[tilespmem:s31+$0xC60] =	vst v3  }
0x3b6: {  	v9 =	vshll.u32 v62, $0x10;
	[tilespmem:s28+$0x870] =	vst v10;
	v10 =	vshll.u32 v63, $0x10;
	v3 =	vld [tilespmem:s30+$0x3070];
	v11 =	vadd.f32 v63, v62  }
0x3b7: {  	s14 =	simm.s32 $0x4;
	[tilespmem:s28+$0x860] =	vst v4;
	v9 =	vadd.f32 v10, v9;
	v4 =	vld [tilespmem:s30+$0x8070];
	v10 =	vshll.u32 v6, $0x10  }
.LBB2_7:
0x3b8: {  	s14 =	sadd.s32 $0x4, s14;
	v12 =	vld [tilespmem:s23+$0x3040];
	[tilespmem:s29+$0x870] =	vst v11;
	v11 =	vshll.u32 v8, $0x10;
	v6 =	vadd.f32 v8, v6;
	s1 =	sadd.s32 $0x200, s1  }
0x3b9: {  	s5 =	sshll.u32 s14, $0x8;
	s2 =	sand.u32 $0x200, s1;
	p0 =	slt.u32 s14, $0x24;
	v8 =	vld [tilespmem:s23+$0x8040];
	[tilespmem:s29+$0x860] =	vst v9;
	v9 =	vadd.f32 v11, v10  }
0x3ba: {  	s5 =	sand.u32 $0xFFFFF800, s5;
	s6 =	sor.u32 $0x80, s2;
	s11 =	sor.u32 $0x180, s2;
	v10 =	vld [tilespmem:s24+$0x3040];
	[tilespmem:s0+$0x870] =	vst v6;
	v6 =	vshll.u32 v5, $0x10;
	v11 =	vshll.u32 v7, $0x10;
	v5 =	vadd.f32 v7, v5  }
0x3bb: {  	s30 =	sor.u32 $0x100, s2;
	s10 =	sor.u32 s2, s5;
	s18 =	sor.u32 s5, s11;
	v7 =	vld [tilespmem:s24+$0x8040];
	[tilespmem:s0+$0x860] =	vst v9;
	v6 =	vadd.f32 v11, v6;
	v9 =	vshll.u32 v3, $0x10  }
0x3bc: {  	s16 =	sor.u32 s5, s6;
	s15 =	sor.u32 s5, s30;
	v11 =	vld [tilespmem:s18+$0x2C00];
	[tilespmem:s25+$0xC10] =	vst v5;
	v5 =	vshll.u32 v4, $0x10;
	v3 =	vadd.f32 v4, v3  }
0x3bd: {  	v4 =	vld [tilespmem:s18+$0x7C00];
	v13 =	vshll.u32 v12, $0x10;
	[tilespmem:s25+$0xC00] =	vst v6;
	v5 =	vadd.f32 v5, v9  }
0x3be: {  	v6 =	vshll.u32 v8, $0x10;
	v8 =	vadd.f32 v8, v12;
	v9 =	vld [tilespmem:s22+$0x3050];
	[tilespmem:s21+$0xC70] =	vst v3  }
0x3bf: {  	v3 =	vadd.f32 v6, v13;
	v6 =	vshll.u32 v10, $0x10;
	v12 =	vld [tilespmem:s22+$0x8050];
	[tilespmem:s21+$0xC60] =	vst v5;
	s21 =	smov.u32 s0  }
0x3c0: {  	s0 =	sshll.u32 s14, $0x9;
	v5 =	vld [tilespmem:s10+$0x2C00];
	[tilespmem:s28+$0xC10] =	vst v8;
	v8 =	vshll.u32 v7, $0x10;
	v7 =	vadd.f32 v7, v10  }
0x3c1: {  	s0 =	sand.u32 $0x3FFFF000, s0;
	v10 =	vld [tilespmem:s10+$0x7C00];
	[tilespmem:s28+$0xC00] =	vst v3;
	v3 =	vadd.f32 v8, v6  }
0x3c2: {  	s0 =	sadd.s32 $0xF400, s0;
	v8 =	vshll.u32 v11, $0x10;
	v6 =	vld [tilespmem:s16+$0x2C00];
	v13 =	vshll.u32 v4, $0x10;
	v4 =	vadd.f32 v4, v11;
	[tilespmem:s29+$0xC10] =	vst v7  }
0x3c3: {  	s12 =	sor.u32 s2, s0;
	s9 =	sor.u32 s6, s0;
	s2 =	sor.u32 s11, s0;
	v7 =	vld [tilespmem:s16+$0x7C00];
	v8 =	vadd.f32 v13, v8;
	[tilespmem:s29+$0xC00] =	vst v3  }
0x3c4: {  	s0 =	sor.u32 s30, s0;
	v3 =	vld [tilespmem:s15+$0x2C00];
	[tilespmem:s2+$0x10] =	vst v4;
	v4 =	vshll.u32 v9, $0x10;
	v11 =	vshll.u32 v12, $0x10;
	v9 =	vadd.f32 v12, v9  }
0x3c5: {  	v12 =	vshll.u32 v5, $0x10;
	v13 =	vld [tilespmem:s15+$0x7C00];
	[tilespmem:s2+$0x0] =	vst v8;
	v4 =	vadd.f32 v11, v4  }
0x3c6: {  	v8 =	vshll.u32 v10, $0x10;
	v5 =	vadd.f32 v10, v5;
	v10 =	vld [tilespmem:s18+$0x2C10];
	[tilespmem:s25+$0xC30] =	vst v9  }
0x3c7: {  	v8 =	vadd.f32 v8, v12;
	v9 =	vshll.u32 v6, $0x10;
	v11 =	vld [tilespmem:s18+$0x7C10];
	[tilespmem:s25+$0xC20] =	vst v4  }
0x3c8: {  	[tilespmem:s12+$0x10] =	vst v5;
	v4 =	vshll.u32 v7, $0x10;
	v5 =	vadd.f32 v7, v6;
	v6 =	vld [tilespmem:s22+$0x3060]  }
0x3c9: {  	[tilespmem:s12+$0x0] =	vst v8;
	v4 =	vadd.f32 v4, v9;
	v7 =	vshll.u32 v3, $0x10;
	v8 =	vld [tilespmem:s22+$0x8060]  }
0x3ca: {  	v9 =	vld [tilespmem:s10+$0x2C10];
	[tilespmem:s9+$0x10] =	vst v5;
	v5 =	vshll.u32 v13, $0x10;
	v3 =	vadd.f32 v13, v3  }
0x3cb: {  	v12 =	vld [tilespmem:s10+$0x7C10];
	[tilespmem:s9+$0x0] =	vst v4;
	v4 =	vadd.f32 v5, v7  }
0x3cc: {  	v5 =	vld [tilespmem:s16+$0x2C10];
	[tilespmem:s0+$0x10] =	vst v3;
	v3 =	vshll.u32 v10, $0x10;
	v7 =	vshll.u32 v11, $0x10;
	v10 =	vadd.f32 v11, v10  }
0x3cd: {  	v11 =	vld [tilespmem:s16+$0x7C10];
	[tilespmem:s0+$0x0] =	vst v4;
	v3 =	vadd.f32 v7, v3  }
0x3ce: {  	v7 =	vshll.u32 v6, $0x10;
	v4 =	vld [tilespmem:s15+$0x2C10];
	[tilespmem:s2+$0x30] =	vst v10;
	v10 =	vshll.u32 v8, $0x10;
	v6 =	vadd.f32 v8, v6  }
0x3cf: {  	v8 =	vshll.u32 v9, $0x10;
	v13 =	vld [tilespmem:s15+$0x7C10];
	[tilespmem:s2+$0x20] =	vst v3;
	v3 =	vadd.f32 v10, v7  }
0x3d0: {  	v7 =	vshll.u32 v12, $0x10;
	v9 =	vadd.f32 v12, v9;
	v10 =	vld [tilespmem:s18+$0x2C20];
	[tilespmem:s25+$0xC50] =	vst v6  }
0x3d1: {  	v6 =	vadd.f32 v7, v8;
	v7 =	vshll.u32 v5, $0x10;
	v8 =	vld [tilespmem:s18+$0x7C20];
	[tilespmem:s25+$0xC40] =	vst v3  }
0x3d2: {  	[tilespmem:s12+$0x30] =	vst v9;
	v3 =	vshll.u32 v11, $0x10;
	v5 =	vadd.f32 v11, v5;
	v9 =	vld [tilespmem:s22+$0x3070]  }
0x3d3: {  	[tilespmem:s12+$0x20] =	vst v6;
	v3 =	vadd.f32 v3, v7;
	v6 =	vshll.u32 v4, $0x10;
	v7 =	vld [tilespmem:s22+$0x8070];
	s22 =	smov.u32 s18  }
0x3d4: {  	v11 =	vld [tilespmem:s10+$0x2C20];
	[tilespmem:s9+$0x30] =	vst v5;
	v5 =	vshll.u32 v13, $0x10;
	v4 =	vadd.f32 v13, v4  }
0x3d5: {  	v12 =	vld [tilespmem:s10+$0x7C20];
	[tilespmem:s9+$0x20] =	vst v3;
	v3 =	vadd.f32 v5, v6  }
0x3d6: {  	v5 =	vld [tilespmem:s16+$0x2C20];
	[tilespmem:s0+$0x30] =	vst v4;
	v4 =	vshll.u32 v10, $0x10;
	v6 =	vshll.u32 v8, $0x10;
	v8 =	vadd.f32 v8, v10  }
0x3d7: {  	v10 =	vld [tilespmem:s16+$0x7C20];
	[tilespmem:s0+$0x20] =	vst v3;
	v3 =	vadd.f32 v6, v4  }
0x3d8: {  	v6 =	vshll.u32 v9, $0x10;
	v4 =	vld [tilespmem:s15+$0x2C20];
	[tilespmem:s2+$0x50] =	vst v8;
	v8 =	vshll.u32 v7, $0x10;
	v7 =	vadd.f32 v7, v9  }
0x3d9: {  	v9 =	vshll.u32 v11, $0x10;
	v13 =	vld [tilespmem:s15+$0x7C20];
	[tilespmem:s2+$0x40] =	vst v3;
	v3 =	vadd.f32 v8, v6  }
0x3da: {  	v6 =	vshll.u32 v12, $0x10;
	v8 =	vadd.f32 v12, v11;
	v11 =	vld [tilespmem:s22+$0x2C30];
	[tilespmem:s25+$0xC70] =	vst v7  }
0x3db: {  	v6 =	vadd.f32 v6, v9;
	v7 =	vshll.u32 v5, $0x10;
	v9 =	vld [tilespmem:s22+$0x7C30];
	[tilespmem:s25+$0xC60] =	vst v3;
	s25 =	smov.u32 s2  }
0x3dc: {  	[tilespmem:s12+$0x50] =	vst v8;
	v3 =	vshll.u32 v10, $0x10;
	v5 =	vadd.f32 v10, v5;
	v8 =	vld [tilespmem:s26+$0x3040]  }
0x3dd: {  	[tilespmem:s12+$0x40] =	vst v6;
	v3 =	vadd.f32 v3, v7;
	v6 =	vshll.u32 v4, $0x10;
	v7 =	vld [tilespmem:s26+$0x8040]  }
0x3de: {  	v10 =	vld [tilespmem:s10+$0x2C30];
	[tilespmem:s9+$0x50] =	vst v5;
	v5 =	vshll.u32 v13, $0x10;
	v4 =	vadd.f32 v13, v4  }
0x3df: {  	v12 =	vld [tilespmem:s10+$0x7C30];
	[tilespmem:s9+$0x40] =	vst v3;
	v3 =	vadd.f32 v5, v6  }
0x3e0: {  	v5 =	vld [tilespmem:s16+$0x2C30];
	[tilespmem:s0+$0x50] =	vst v4;
	v4 =	vshll.u32 v11, $0x10;
	v6 =	vshll.u32 v9, $0x10;
	v9 =	vadd.f32 v9, v11  }
0x3e1: {  	v11 =	vld [tilespmem:s16+$0x7C30];
	[tilespmem:s0+$0x40] =	vst v3;
	v3 =	vadd.f32 v6, v4;
	v4 =	vshll.u32 v8, $0x10  }
0x3e2: {  	v6 =	vld [tilespmem:s15+$0x2C30];
	[tilespmem:s25+$0x70] =	vst v9;
	v9 =	vshll.u32 v7, $0x10;
	v7 =	vadd.f32 v7, v8  }
0x3e3: {  	v8 =	vshll.u32 v10, $0x10;
	v13 =	vld [tilespmem:s15+$0x7C30];
	[tilespmem:s25+$0x60] =	vst v3;
	v3 =	vadd.f32 v9, v4  }
0x3e4: {  	v4 =	vshll.u32 v12, $0x10;
	v9 =	vadd.f32 v12, v10;
	v10 =	vld [tilespmem:s22+$0x2C40];
	[tilespmem:s21+$0xC10] =	vst v7  }
0x3e5: {  	v4 =	vadd.f32 v4, v8;
	v7 =	vshll.u32 v5, $0x10;
	v8 =	vld [tilespmem:s22+$0x7C40];
	[tilespmem:s21+$0xC00] =	vst v3  }
0x3e6: {  	[tilespmem:s12+$0x70] =	vst v9;
	v3 =	vshll.u32 v11, $0x10;
	v5 =	vadd.f32 v11, v5;
	v9 =	vld [tilespmem:s23+$0x3050]  }
0x3e7: {  	[tilespmem:s12+$0x60] =	vst v4;
	v3 =	vadd.f32 v3, v7;
	v4 =	vshll.u32 v6, $0x10;
	v7 =	vld [tilespmem:s23+$0x8050]  }
0x3e8: {  	v11 =	vld [tilespmem:s10+$0x2C40];
	[tilespmem:s9+$0x70] =	vst v5;
	v5 =	vshll.u32 v13, $0x10;
	v6 =	vadd.f32 v13, v6  }
0x3e9: {  	v12 =	vld [tilespmem:s10+$0x7C40];
	[tilespmem:s9+$0x60] =	vst v3;
	v3 =	vadd.f32 v5, v4  }
0x3ea: {  	v5 =	vshll.u32 v10, $0x10;
	v4 =	vld [tilespmem:s16+$0x2C40];
	[tilespmem:s0+$0x70] =	vst v6;
	v6 =	vshll.u32 v8, $0x10;
	v8 =	vadd.f32 v8, v10  }
0x3eb: {  	v10 =	vld [tilespmem:s16+$0x7C40];
	[tilespmem:s0+$0x60] =	vst v3;
	v3 =	vadd.f32 v6, v5;
	v5 =	vshll.u32 v9, $0x10  }
0x3ec: {  	v6 =	vld [tilespmem:s15+$0x2C40];
	[tilespmem:s25+$0x410] =	vst v8;
	v8 =	vshll.u32 v7, $0x10;
	v7 =	vadd.f32 v7, v9  }
0x3ed: {  	v9 =	vshll.u32 v11, $0x10;
	v13 =	vld [tilespmem:s15+$0x7C40];
	[tilespmem:s25+$0x400] =	vst v3;
	v3 =	vadd.f32 v8, v5  }
0x3ee: {  	v5 =	vshll.u32 v12, $0x10;
	v8 =	vadd.f32 v12, v11;
	v11 =	vld [tilespmem:s22+$0x2C50];
	[tilespmem:s28+$0xC30] =	vst v7  }
0x3ef: {  	v5 =	vadd.f32 v5, v9;
	v7 =	vshll.u32 v4, $0x10;
	v9 =	vld [tilespmem:s22+$0x7C50];
	[tilespmem:s28+$0xC20] =	vst v3  }
0x3f0: {  	[tilespmem:s12+$0x410] =	vst v8;
	v3 =	vshll.u32 v10, $0x10;
	v4 =	vadd.f32 v10, v4;
	v8 =	vld [tilespmem:s24+$0x3050]  }
0x3f1: {  	[tilespmem:s12+$0x400] =	vst v5;
	v3 =	vadd.f32 v3, v7;
	v5 =	vshll.u32 v6, $0x10;
	v7 =	vld [tilespmem:s24+$0x8050]  }
0x3f2: {  	v10 =	vld [tilespmem:s10+$0x2C50];
	[tilespmem:s9+$0x410] =	vst v4;
	v4 =	vshll.u32 v13, $0x10;
	v6 =	vadd.f32 v13, v6  }
0x3f3: {  	v12 =	vld [tilespmem:s10+$0x7C50];
	[tilespmem:s9+$0x400] =	vst v3;
	v3 =	vadd.f32 v4, v5  }
0x3f4: {  	v5 =	vshll.u32 v11, $0x10;
	v4 =	vld [tilespmem:s16+$0x2C50];
	[tilespmem:s0+$0x410] =	vst v6;
	v6 =	vshll.u32 v9, $0x10;
	v9 =	vadd.f32 v9, v11  }
0x3f5: {  	v11 =	vld [tilespmem:s16+$0x7C50];
	[tilespmem:s0+$0x400] =	vst v3;
	v3 =	vadd.f32 v6, v5;
	v5 =	vshll.u32 v8, $0x10  }
0x3f6: {  	v6 =	vld [tilespmem:s15+$0x2C50];
	[tilespmem:s25+$0x430] =	vst v9;
	v9 =	vshll.u32 v7, $0x10;
	v7 =	vadd.f32 v7, v8  }
0x3f7: {  	v8 =	vshll.u32 v10, $0x10;
	v13 =	vld [tilespmem:s15+$0x7C50];
	[tilespmem:s25+$0x420] =	vst v3;
	v3 =	vadd.f32 v9, v5  }
0x3f8: {  	v5 =	vshll.u32 v12, $0x10;
	v9 =	vadd.f32 v12, v10;
	v10 =	vld [tilespmem:s22+$0x2C60];
	[tilespmem:s29+$0xC30] =	vst v7  }
0x3f9: {  	v5 =	vadd.f32 v5, v8;
	v7 =	vshll.u32 v4, $0x10;
	v8 =	vld [tilespmem:s22+$0x7C60];
	[tilespmem:s29+$0xC20] =	vst v3  }
0x3fa: {  	[tilespmem:s12+$0x430] =	vst v9;
	v3 =	vshll.u32 v11, $0x10;
	v4 =	vadd.f32 v11, v4;
	v9 =	vld [tilespmem:s26+$0x3050]  }
0x3fb: {  	[tilespmem:s12+$0x420] =	vst v5;
	v3 =	vadd.f32 v3, v7;
	v5 =	vshll.u32 v6, $0x10;
	v7 =	vld [tilespmem:s26+$0x8050]  }
0x3fc: {  	v11 =	vld [tilespmem:s10+$0x2C60];
	[tilespmem:s9+$0x430] =	vst v4;
	v4 =	vshll.u32 v13, $0x10;
	v6 =	vadd.f32 v13, v6  }
0x3fd: {  	v12 =	vld [tilespmem:s10+$0x7C60];
	[tilespmem:s9+$0x420] =	vst v3;
	v3 =	vadd.f32 v4, v5  }
0x3fe: {  	v5 =	vshll.u32 v10, $0x10;
	v4 =	vld [tilespmem:s16+$0x2C60];
	[tilespmem:s0+$0x430] =	vst v6;
	v6 =	vshll.u32 v8, $0x10;
	v8 =	vadd.f32 v8, v10  }
0x3ff: {  	v10 =	vld [tilespmem:s16+$0x7C60];
	[tilespmem:s0+$0x420] =	vst v3;
	v3 =	vadd.f32 v6, v5;
	v5 =	vshll.u32 v9, $0x10  }
0x400: {  	v6 =	vld [tilespmem:s15+$0x2C60];
	[tilespmem:s25+$0x450] =	vst v8;
	v8 =	vshll.u32 v7, $0x10;
	v7 =	vadd.f32 v7, v9  }
0x401: {  	v9 =	vshll.u32 v11, $0x10;
	v13 =	vld [tilespmem:s15+$0x7C60];
	[tilespmem:s25+$0x440] =	vst v3;
	v3 =	vadd.f32 v8, v5  }
0x402: {  	v5 =	vshll.u32 v12, $0x10;
	v8 =	vadd.f32 v12, v11;
	v11 =	vld [tilespmem:s22+$0x2C70];
	[tilespmem:s21+$0xC30] =	vst v7  }
0x403: {  	v5 =	vadd.f32 v5, v9;
	v7 =	vshll.u32 v4, $0x10;
	v9 =	vld [tilespmem:s22+$0x7C70];
	[tilespmem:s21+$0xC20] =	vst v3  }
0x404: {  	[tilespmem:s12+$0x450] =	vst v8;
	v3 =	vshll.u32 v10, $0x10;
	v4 =	vadd.f32 v10, v4;
	v8 =	vld [tilespmem:s23+$0x3060]  }
0x405: {  	[tilespmem:s12+$0x440] =	vst v5;
	v3 =	vadd.f32 v3, v7;
	v5 =	vshll.u32 v6, $0x10;
	v7 =	vld [tilespmem:s23+$0x8060]  }
0x406: {  	v10 =	vld [tilespmem:s10+$0x2C70];
	[tilespmem:s9+$0x450] =	vst v4;
	v4 =	vshll.u32 v13, $0x10;
	v6 =	vadd.f32 v13, v6  }
0x407: {  	v12 =	vld [tilespmem:s10+$0x7C70];
	[tilespmem:s9+$0x440] =	vst v3;
	v3 =	vadd.f32 v4, v5  }
0x408: {  	v5 =	vshll.u32 v11, $0x10;
	v4 =	vld [tilespmem:s16+$0x2C70];
	[tilespmem:s0+$0x450] =	vst v6;
	v6 =	vshll.u32 v9, $0x10;
	v9 =	vadd.f32 v9, v11  }
0x409: {  	v11 =	vld [tilespmem:s16+$0x7C70];
	[tilespmem:s0+$0x440] =	vst v3;
	v3 =	vadd.f32 v6, v5;
	v5 =	vshll.u32 v8, $0x10  }
0x40a: {  	v6 =	vld [tilespmem:s15+$0x2C70];
	[tilespmem:s25+$0x470] =	vst v9;
	v9 =	vshll.u32 v7, $0x10;
	v7 =	vadd.f32 v7, v8  }
0x40b: {  	v8 =	vshll.u32 v10, $0x10;
	v13 =	vld [tilespmem:s15+$0x7C70];
	[tilespmem:s25+$0x460] =	vst v3;
	v3 =	vadd.f32 v9, v5  }
0x40c: {  	v5 =	vshll.u32 v12, $0x10;
	v9 =	vadd.f32 v12, v10;
	v10 =	vld [tilespmem:s22+$0x3000];
	[tilespmem:s28+$0xC50] =	vst v7  }
0x40d: {  	v5 =	vadd.f32 v5, v8;
	v7 =	vshll.u32 v4, $0x10;
	v8 =	vld [tilespmem:s22+$0x8000];
	[tilespmem:s28+$0xC40] =	vst v3  }
0x40e: {  	[tilespmem:s12+$0x470] =	vst v9;
	v3 =	vshll.u32 v11, $0x10;
	v4 =	vadd.f32 v11, v4;
	v9 =	vld [tilespmem:s24+$0x3060]  }
0x40f: {  	[tilespmem:s12+$0x460] =	vst v5;
	v3 =	vadd.f32 v3, v7;
	v5 =	vshll.u32 v6, $0x10;
	v7 =	vld [tilespmem:s24+$0x8060]  }
0x410: {  	v11 =	vld [tilespmem:s10+$0x3000];
	[tilespmem:s9+$0x470] =	vst v4;
	v4 =	vshll.u32 v13, $0x10;
	v6 =	vadd.f32 v13, v6  }
0x411: {  	v12 =	vld [tilespmem:s10+$0x8000];
	[tilespmem:s9+$0x460] =	vst v3;
	v3 =	vadd.f32 v4, v5  }
0x412: {  	v5 =	vshll.u32 v10, $0x10;
	v4 =	vld [tilespmem:s16+$0x3000];
	[tilespmem:s0+$0x470] =	vst v6;
	v6 =	vshll.u32 v8, $0x10;
	v8 =	vadd.f32 v8, v10  }
0x413: {  	v10 =	vld [tilespmem:s16+$0x8000];
	[tilespmem:s0+$0x460] =	vst v3;
	v3 =	vadd.f32 v6, v5;
	v5 =	vshll.u32 v9, $0x10  }
0x414: {  	v6 =	vld [tilespmem:s15+$0x3000];
	[tilespmem:s25+$0x810] =	vst v8;
	v8 =	vshll.u32 v7, $0x10;
	v7 =	vadd.f32 v7, v9  }
0x415: {  	v9 =	vshll.u32 v11, $0x10;
	v13 =	vld [tilespmem:s15+$0x8000];
	[tilespmem:s25+$0x800] =	vst v3;
	v3 =	vadd.f32 v8, v5  }
0x416: {  	v5 =	vshll.u32 v12, $0x10;
	v8 =	vadd.f32 v12, v11;
	v11 =	vld [tilespmem:s22+$0x3010];
	[tilespmem:s29+$0xC50] =	vst v7  }
0x417: {  	v5 =	vadd.f32 v5, v9;
	v7 =	vshll.u32 v4, $0x10;
	v9 =	vld [tilespmem:s22+$0x8010];
	[tilespmem:s29+$0xC40] =	vst v3  }
0x418: {  	[tilespmem:s12+$0x810] =	vst v8;
	v3 =	vshll.u32 v10, $0x10;
	v4 =	vadd.f32 v10, v4;
	v8 =	vld [tilespmem:s26+$0x3060]  }
0x419: {  	[tilespmem:s12+$0x800] =	vst v5;
	v3 =	vadd.f32 v3, v7;
	v5 =	vshll.u32 v6, $0x10;
	v7 =	vld [tilespmem:s26+$0x8060]  }
0x41a: {  	v10 =	vld [tilespmem:s10+$0x3010];
	[tilespmem:s9+$0x810] =	vst v4;
	v4 =	vshll.u32 v13, $0x10;
	v6 =	vadd.f32 v13, v6  }
0x41b: {  	v12 =	vld [tilespmem:s10+$0x8010];
	[tilespmem:s9+$0x800] =	vst v3;
	v3 =	vadd.f32 v4, v5  }
0x41c: {  	v5 =	vshll.u32 v11, $0x10;
	v4 =	vld [tilespmem:s16+$0x3010];
	[tilespmem:s0+$0x810] =	vst v6;
	v6 =	vshll.u32 v9, $0x10;
	v9 =	vadd.f32 v9, v11  }
0x41d: {  	v11 =	vld [tilespmem:s16+$0x8010];
	[tilespmem:s0+$0x800] =	vst v3;
	v3 =	vadd.f32 v6, v5;
	v5 =	vshll.u32 v8, $0x10  }
0x41e: {  	v6 =	vld [tilespmem:s15+$0x3010];
	[tilespmem:s25+$0x830] =	vst v9;
	v9 =	vshll.u32 v7, $0x10;
	v7 =	vadd.f32 v7, v8  }
0x41f: {  	v8 =	vshll.u32 v10, $0x10;
	v13 =	vld [tilespmem:s15+$0x8010];
	[tilespmem:s25+$0x820] =	vst v3;
	v3 =	vadd.f32 v9, v5  }
0x420: {  	v5 =	vshll.u32 v12, $0x10;
	v9 =	vadd.f32 v12, v10;
	v10 =	vld [tilespmem:s22+$0x3020];
	[tilespmem:s21+$0xC50] =	vst v7  }
0x421: {  	v5 =	vadd.f32 v5, v8;
	v7 =	vshll.u32 v4, $0x10;
	v8 =	vld [tilespmem:s22+$0x8020];
	[tilespmem:s21+$0xC40] =	vst v3  }
0x422: {  	[tilespmem:s12+$0x830] =	vst v9;
	v3 =	vshll.u32 v11, $0x10;
	v4 =	vadd.f32 v11, v4;
	v9 =	vld [tilespmem:s23+$0x3070]  }
0x423: {  	[tilespmem:s12+$0x820] =	vst v5;
	v3 =	vadd.f32 v3, v7;
	v5 =	vshll.u32 v6, $0x10;
	v7 =	vld [tilespmem:s23+$0x8070];
	s23 =	smov.u32 s10  }
0x424: {  	v11 =	vld [tilespmem:s23+$0x3020];
	[tilespmem:s9+$0x830] =	vst v4;
	v4 =	vshll.u32 v13, $0x10;
	v6 =	vadd.f32 v13, v6  }
0x425: {  	v12 =	vld [tilespmem:s23+$0x8020];
	[tilespmem:s9+$0x820] =	vst v3;
	v3 =	vadd.f32 v4, v5  }
0x426: {  	v5 =	vshll.u32 v10, $0x10;
	v4 =	vld [tilespmem:s16+$0x3020];
	[tilespmem:s0+$0x830] =	vst v6;
	v6 =	vshll.u32 v8, $0x10;
	v8 =	vadd.f32 v8, v10  }
0x427: {  	v10 =	vld [tilespmem:s16+$0x8020];
	[tilespmem:s0+$0x820] =	vst v3;
	v3 =	vadd.f32 v6, v5;
	v5 =	vshll.u32 v9, $0x10  }
0x428: {  	v6 =	vld [tilespmem:s15+$0x3020];
	[tilespmem:s25+$0x850] =	vst v8;
	v8 =	vshll.u32 v7, $0x10;
	v7 =	vadd.f32 v7, v9  }
0x429: {  	v9 =	vshll.u32 v11, $0x10;
	v13 =	vld [tilespmem:s15+$0x8020];
	[tilespmem:s25+$0x840] =	vst v3;
	v3 =	vadd.f32 v8, v5  }
0x42a: {  	v5 =	vshll.u32 v12, $0x10;
	v8 =	vadd.f32 v12, v11;
	v11 =	vld [tilespmem:s22+$0x3030];
	[tilespmem:s28+$0xC70] =	vst v7  }
0x42b: {  	v5 =	vadd.f32 v5, v9;
	v7 =	vshll.u32 v4, $0x10;
	v9 =	vld [tilespmem:s22+$0x8030];
	[tilespmem:s28+$0xC60] =	vst v3;
	s28 =	smov.u32 s12  }
0x42c: {  	[tilespmem:s28+$0x850] =	vst v8;
	v3 =	vshll.u32 v10, $0x10;
	v4 =	vadd.f32 v10, v4;
	v8 =	vld [tilespmem:s24+$0x3070]  }
0x42d: {  	[tilespmem:s28+$0x840] =	vst v5;
	v3 =	vadd.f32 v3, v7;
	v5 =	vshll.u32 v6, $0x10;
	v7 =	vld [tilespmem:s24+$0x8070];
	s24 =	smov.u32 s16  }
0x42e: {  	v10 =	vld [tilespmem:s23+$0x3030];
	[tilespmem:s9+$0x850] =	vst v4;
	v4 =	vshll.u32 v13, $0x10;
	v6 =	vadd.f32 v13, v6  }
0x42f: {  	v12 =	vld [tilespmem:s23+$0x8030];
	[tilespmem:s9+$0x840] =	vst v3;
	v3 =	vadd.f32 v4, v5  }
0x430: {  	v5 =	vshll.u32 v11, $0x10;
	v4 =	vld [tilespmem:s24+$0x3030];
	[tilespmem:s0+$0x850] =	vst v6;
	v6 =	vshll.u32 v9, $0x10;
	v9 =	vadd.f32 v9, v11  }
0x431: {  	v11 =	vld [tilespmem:s24+$0x8030];
	[tilespmem:s0+$0x840] =	vst v3;
	v3 =	vadd.f32 v6, v5;
	v5 =	vshll.u32 v8, $0x10  }
0x432: {  	v6 =	vld [tilespmem:s15+$0x3030];
	[tilespmem:s25+$0x870] =	vst v9;
	v9 =	vshll.u32 v7, $0x10;
	v7 =	vadd.f32 v7, v8  }
.Ltmp2:
0x433: {  	v13 =	vshll.u32 v10, $0x10;
	v8 =	vld [tilespmem:s15+$0x8030];
	[tilespmem:s25+$0x860] =	vst v3;
	v3 =	vadd.f32 v9, v5;
	(pc) =	sbr.rel @p0 .LBB2_7-.Ltmp2, $4  }
0x434: {  	v9 =	vshll.u32 v12, $0x10;
	v10 =	vadd.f32 v12, v10;
	v5 =	vld [tilespmem:s22+$0x3040];
	[tilespmem:s29+$0xC70] =	vst v7  }
0x435: {  	v9 =	vadd.f32 v9, v13;
	v12 =	vshll.u32 v4, $0x10;
	v7 =	vld [tilespmem:s22+$0x8040];
	[tilespmem:s29+$0xC60] =	vst v3;
	s29 =	smov.u32 s9  }
0x436: {  	[tilespmem:s28+$0x870] =	vst v10;
	v10 =	vshll.u32 v11, $0x10;
	v11 =	vadd.f32 v11, v4;
	v3 =	vld [tilespmem:s26+$0x3070]  }
0x437: {  	[tilespmem:s28+$0x860] =	vst v9;
	v9 =	vadd.f32 v10, v12;
	v10 =	vshll.u32 v6, $0x10;
	v4 =	vld [tilespmem:s26+$0x8070];
	s26 =	smov.u32 s15  }
0x438: {  	v12 =	vld [tilespmem:s23+$0x3040];
	[tilespmem:s29+$0x870] =	vst v11;
	v45 =	vshll.u32 v8, $0x10;
	v6 =	vadd.f32 v8, v6  }
0x439: {  	v46 =	vld [tilespmem:s23+$0x8040];
	[tilespmem:s29+$0x860] =	vst v9;
	v47 =	vadd.f32 v45, v10  }
0x43a: {  	v48 =	vld [tilespmem:s24+$0x3040];
	[tilespmem:s0+$0x870] =	vst v6  }
0x43b: {  	v49 =	vld [tilespmem:s24+$0x8040];
	[tilespmem:s0+$0x860] =	vst v47  }
0x43c: {  	v50 =	vshll.u32 v5, $0x10;
	v51 =	vshll.u32 v7, $0x10;
	v52 =	vadd.f32 v7, v5;
	v53 =	vld [tilespmem:s26+$0x3040]  }
0x43d: {  	v9 =	vadd.f32 v51, v50;
	v54 =	vld [tilespmem:s26+$0x8040]  }
0x43e: {  	[tilespmem:s25+$0xC10] =	vst v52;
	v55 =	vshll.u32 v12, $0x10;
	v12 =	vadd.f32 v46, v12;
	v8 =	vshll.u32 v46, $0x10  }
0x43f: {  	[tilespmem:s25+$0xC00] =	vst v9;
	v5 =	vadd.f32 v8, v55  }
0x440: {  	v56 =	vld [tilespmem:s22+$0x3050];
	v57 =	vshll.u32 v48, $0x10;
	[tilespmem:s28+$0xC10] =	vst v12;
	v58 =	vshll.u32 v49, $0x10;
	v6 =	vadd.f32 v49, v48  }
0x441: {  	v59 =	vld [tilespmem:s22+$0x8050];
	[tilespmem:s28+$0xC00] =	vst v5;
	v60 =	vadd.f32 v58, v57  }
0x442: {  	[tilespmem:s29+$0xC10] =	vst v6;
	v61 =	vshll.u32 v53, $0x10;
	v62 =	vshll.u32 v54, $0x10;
	v7 =	vadd.f32 v54, v53;
	v63 =	vld [tilespmem:s23+$0x3050]  }
0x443: {  	v16 =	vld [tilespmem:s23+$0x8050];
	[tilespmem:s29+$0xC00] =	vst v60;
	v15 =	vadd.f32 v62, v61  }
0x444: {  	[tilespmem:s0+$0xC10] =	vst v7;
	v17 =	vld [tilespmem:s24+$0x3050]  }
0x445: {  	v18 =	vld [tilespmem:s24+$0x8050];
	[tilespmem:s0+$0xC00] =	vst v15  }
0x446: {  	v19 =	vshll.u32 v56, $0x10;
	v20 =	vshll.u32 v59, $0x10;
	v8 =	vadd.f32 v59, v56;
	v21 =	vld [tilespmem:s26+$0x3050]  }
0x447: {  	v9 =	vadd.f32 v20, v19;
	v22 =	vld [tilespmem:s26+$0x8050]  }
0x448: {  	[tilespmem:s25+$0xC30] =	vst v8;
	v23 =	vshll.u32 v63, $0x10;
	v11 =	vadd.f32 v16, v63;
	v6 =	vshll.u32 v16, $0x10  }
0x449: {  	[tilespmem:s25+$0xC20] =	vst v9;
	v6 =	vadd.f32 v6, v23  }
0x44a: {  	v24 =	vld [tilespmem:s22+$0x3060];
	[tilespmem:s28+$0xC30] =	vst v11;
	v25 =	vshll.u32 v17, $0x10;
	v26 =	vshll.u32 v18, $0x10;
	v5 =	vadd.f32 v18, v17  }
0x44b: {  	v27 =	vld [tilespmem:s22+$0x8060];
	[tilespmem:s28+$0xC20] =	vst v6;
	v28 =	vadd.f32 v26, v25  }
0x44c: {  	[tilespmem:s29+$0xC30] =	vst v5;
	v29 =	vshll.u32 v21, $0x10;
	v30 =	vshll.u32 v22, $0x10;
	v10 =	vadd.f32 v22, v21;
	v31 =	vld [tilespmem:s23+$0x3060]  }
0x44d: {  	v32 =	vld [tilespmem:s23+$0x8060];
	[tilespmem:s29+$0xC20] =	vst v28;
	v5 =	vadd.f32 v30, v29  }
0x44e: {  	[tilespmem:s0+$0xC30] =	vst v10;
	v33 =	vld [tilespmem:s24+$0x3060]  }
0x44f: {  	v34 =	vld [tilespmem:s24+$0x8060];
	[tilespmem:s0+$0xC20] =	vst v5  }
0x450: {  	v35 =	vshll.u32 v24, $0x10;
	v36 =	vshll.u32 v27, $0x10;
	v7 =	vadd.f32 v27, v24;
	v37 =	vld [tilespmem:s26+$0x3060]  }
0x451: {  	v10 =	vadd.f32 v36, v35;
	v38 =	vld [tilespmem:s26+$0x8060]  }
0x452: {  	[tilespmem:s25+$0xC50] =	vst v7;
	v39 =	vshll.u32 v31, $0x10;
	v11 =	vadd.f32 v32, v31;
	v6 =	vshll.u32 v32, $0x10  }
0x453: {  	[tilespmem:s25+$0xC40] =	vst v10;
	v6 =	vadd.f32 v6, v39  }
0x454: {  	v40 =	vld [tilespmem:s22+$0x3070];
	[tilespmem:s28+$0xC50] =	vst v11;
	v41 =	vshll.u32 v33, $0x10;
	v42 =	vshll.u32 v34, $0x10;
	v5 =	vadd.f32 v34, v33  }
0x455: {  	v43 =	vld [tilespmem:s22+$0x8070];
	[tilespmem:s28+$0xC40] =	vst v6;
	v44 =	vadd.f32 v42, v41  }
0x456: {  	[tilespmem:s29+$0xC50] =	vst v5;
	v45 =	vshll.u32 v37, $0x10;
	v46 =	vshll.u32 v38, $0x10;
	v8 =	vadd.f32 v38, v37;
	v47 =	vld [tilespmem:s23+$0x3070]  }
0x457: {  	v48 =	vld [tilespmem:s23+$0x8070];
	[tilespmem:s29+$0xC40] =	vst v44;
	v5 =	vadd.f32 v46, v45  }
0x458: {  	v50 =	vshll.u32 v4, $0x10;
	v49 =	vshll.u32 v3, $0x10;
	v3 =	vadd.f32 v4, v3;
	[tilespmem:s0+$0xC50] =	vst v8;
	v51 =	vld [tilespmem:s24+$0x3070]  }
0x459: {  	v52 =	vadd.f32 v50, v49;
	v53 =	vld [tilespmem:s24+$0x8070];
	[tilespmem:s0+$0xC40] =	vst v5  }
0x45a: {  	[tilespmem:s21+$0xC70] =	vst v3;
	v3 =	vshll.u32 v40, $0x10;
	v54 =	vshll.u32 v43, $0x10;
	v7 =	vadd.f32 v43, v40;
	v55 =	vld [tilespmem:s26+$0x3070]  }
0x45b: {  	[tilespmem:s21+$0xC60] =	vst v52;
	v3 =	vadd.f32 v54, v3;
	v56 =	vld [tilespmem:s26+$0x8070]  }
0x45c: {  	[tilespmem:s25+$0xC70] =	vst v7;
	v57 =	vshll.u32 v47, $0x10;
	v58 =	vshll.u32 v48, $0x10;
	v6 =	vadd.f32 v48, v47  }
0x45d: {  	[tilespmem:s25+$0xC60] =	vst v3;
	v3 =	vadd.f32 v58, v57  }
0x45e: {  	s19 =	sadd.s32 $0x1, s19;
	[tilespmem:s28+$0xC70] =	vst v6;
	v59 =	vshll.u32 v51, $0x10;
	v60 =	vshll.u32 v53, $0x10;
	v4 =	vadd.f32 v53, v51  }
0x45f: {  	s1 =	smul.u32 $0x28, s20;
	p0 =	sne.s32 s19, $0x140;
	[tilespmem:s28+$0xC60] =	vst v3;
	v3 =	vadd.f32 v60, v59  }
.Ltmp3:
0x460: {  	[tilespmem:s29+$0xC70] =	vst v4;
	v61 =	vshll.u32 v55, $0x10;
	v62 =	vshll.u32 v56, $0x10;
	v63 =	vadd.f32 v56, v55;
	(pc) =	sbr.rel @p0 .LBB2_2-.Ltmp3, $4  }
0x461: {  	s1 =	sadd.s32 s4, s1;
	[tilespmem:s29+$0xC60] =	vst v3;
	v3 =	vadd.f32 v62, v61  }
0x462: {  	s30 =	rddreg [dreg:$0x1];
	s1 =	sshll.u32 s1, $0x6;
	[tilespmem:s0+$0xC70] =	vst v63  }
0x463: {  	s31 =	simm.s32 $0xF400;
	[tilespmem:s0+$0xC60] =	vst v3;
	s0 =	sadd.s32 s30, s1  }
0x464: {  	[hbm4b:s0+s3] =	stream.linear.scatter [tilespmem:s31], [sflag:$0x5], $0x5000, $0x38;
	[tilespmem:$0x14400] =	vst v63  }
0x465: {  	s0 =	simm.s32 $0x4  }
0x466: {  	_ =	swait.ge [sflag:s0], $0x5000  }
0x467: {  	[sflag:s0] =	ssyncset.done $0x0  }
0x468: {  	s1 =	simm.s32 $0x5;
	[sflag:s0] =	ssyncadd.s32 $0xFFFFB000  }
0x469: {  	_ =	swait.ge [sflag:s1], $0x5000  }
0x46a: {  	s2 =	rddreg [dreg:$0xa]  }
0x46b: {  	s31 =	rddreg [dreg:$0x9];
	s2 =	sadd.s32 $0x1, s2  }
0x46c: {  	p0 =	sne.s32 s2, s31  }
.Ltmp4:
0x46d: {  	_ = 	snop;
	(pc) =	sbr.rel @p0 .LBB2_1-.Ltmp4, $3  }
0x46e: {  	_ =	sdelay $0x1  }
0x46f: {  	[sflag:s1] =	ssyncset.done $0x0  }
0x470: {  	[sflag:s1] =	ssyncadd.s32 $0xFFFFB000  }
0x471: {  	_ =	sfence.sel $0x180000  }
0x472: {  	[bflag:$0x0] =	sbarrier.arrive $0xFFFF  }
0x473: {  	_ =	strace $0x90000047  }
0x474: {  	s0 =	stileid.u32;
	[bflag:$0x2] =	sbarrier.arrive $0xFFFF  }
0x475: {  	p0 =	sne.s32 s0, $0x0;
	s0 =	rddreg [dreg:$0x2]  }
0x476: {  	s0 =	sadd.s32 @!p0 $0x100000, s0  }
0x477: {  	[sflag:s0] =	ssyncadd.tile.s32 @!p0 $0x1;
	_ =	shalt  }
.Lfunc_end2:
_tile_overlayer_lowered:
.L_overlay_start_2:
0x478: {  	(tag) =	ssettag $0x2  }
0x479: {  	s0 =	rddreg [dreg:$0x0];
	s2 =	stileid.u32  }
0x47a: {  	s1 =	rddreg [dreg:$0x1];
	p0 =	sne.s32 s2, $0x0  }
0x47b: {  	s3 =	rddreg [dreg:$0x2];
	[bflag:$0x3] =	sbarrier.arrive $0xFFFF;
	s2 =	simm.s32 @!p0 $0x1C06  }
0x47c: {  	[timem:s3], [sflag:s2] =	dma.local @!p0 [hbm:s0], s1  }
0x47d: {  	s0 =	simm.s32 @!p0 $0x6  }
0x47e: {  	_ =	swait.ge @!p0 [sflag:s0], s1  }
0x47f: {  	s1 =	ssub.s32 @!p0 $0x0, s1;
	[sflag:s0] =	ssyncset.done @!p0 $0x0  }
0x480: {  	[sflag:s0] =	ssyncadd.s32 @!p0 s1  }
0x481: {  	[bflag:$0x3] =	sbarrier.arrive $0xFFFF  }
0x482: {  	_ =	shalt  }

</sc_bundles>
